<compile_context>
chip_gen: v7x
topology: tpu7x:2x2x1
jax: 0.10.2.dev20260603
libtpu: 0.0.44.dev20260713+nightly
codegen_flags: <defaults>
</compile_context>

<pallas_src>
import functools

import jax
import jax.numpy as jnp
from jax import lax
from jax.experimental import pallas as pl
from jax.experimental.pallas import tpu as pltpu
from jax.experimental.pallas import tpu_sc as plsc

KNN = 8
C = 64
F32 = jnp.float32
I32 = jnp.int32

_SC_CORES = 2
_SC_SUBCORES = 16
_SC_WORKERS = _SC_CORES * _SC_SUBCORES



def _sc_gather128(table, fidx):
    G = fidx.shape[0]
    per_w = G // _SC_WORKERS
    assert per_w * _SC_WORKERS == G
    CH = min(128, per_w)
    assert per_w % CH == 0 and CH % 8 == 0
    nch = per_w // CH
    mesh = plsc.VectorSubcoreMesh(core_axis_name="c", subcore_axis_name="s")

    @functools.partial(
        pl.kernel, mesh=mesh,
        out_type=jax.ShapeDtypeStruct((G, 128), F32),
        scratch_types=[
            pltpu.VMEM((CH,), I32),
            pltpu.VMEM((CH, 128), F32),
            pltpu.SemaphoreType.DMA,
        ],
    )
    def k(table_h, idx_h, out_h, idx_v, rows_v, sem):
        wid = lax.axis_index("s") * _SC_CORES + lax.axis_index("c")
        base = wid * per_w

        def body(c, carry):
            off = base + c * CH
            pltpu.sync_copy(idx_h.at[pl.ds(off, CH)], idx_v)
            pltpu.async_copy(table_h.at[idx_v], rows_v, sem).wait()
            pltpu.sync_copy(rows_v, out_h.at[pl.ds(off, CH)])
            return carry

        lax.fori_loop(0, nch, body, 0)

    return k(table, fidx)



def _pc_conv_kernel(g_ref, W0_ref, b0_ref, W1_ref, b1_ref, o_ref):
    acc = None
    for k in range(KNN):
        g = _bf(g_ref[0, k])
        W0b = _bf(W0_ref[...])
        h = (g[:, 0:1] * W0b[0:1, :]
             + g[:, 1:2] * W0b[1:2, :]
             + g[:, 2:3] * W0b[2:3, :]) + b0_ref[0:1, :]
        h = jnp.maximum(h, 0.0)
        h = jnp.dot(_bf(h), _bf(W1_ref[...]), preferred_element_type=F32,
                    precision=lax.Precision.HIGHEST) + b1_ref[0:1, :]
        acc = h if acc is None else jnp.maximum(acc, h)
    o_ref[0] = acc



def _bf(x):
    return x.astype(jnp.bfloat16).astype(F32)

def _group_point(points, idx):
    return jax.vmap(lambda p, i: p[i])(points, idx)


def _pointcnn_fused(xyz, W0, b0, W1, b1):
    B, N, _ = xyz.shape
    idx = _knn_pallas(xyz, xyz, KNN + 1, mask_self=False)[:, :, 1:]
    gxyz = _group_point(xyz, idx) - xyz[:, :, None, :]
    gxyz = jnp.transpose(gxyz, (0, 2, 1, 3))
    TILE = 512
    return pl.pallas_call(
        _pc_conv_kernel,
        grid=(B, N // TILE),
        in_specs=[
            pl.BlockSpec((1, KNN, TILE, 3), lambda b, t: (b, 0, t, 0)),
            pl.BlockSpec((3, C), lambda b, t: (0, 0)),
            pl.BlockSpec((1, C), lambda b, t: (0, 0)),
            pl.BlockSpec((C, C), lambda b, t: (0, 0)),
            pl.BlockSpec((1, C), lambda b, t: (0, 0)),
        ],
        out_specs=pl.BlockSpec((1, TILE, C), lambda b, t: (b, t, 0)),
        out_shape=jax.ShapeDtypeStruct((B, N, C), F32),
    )(gxyz, W0, b0.reshape(1, C), W1, b1.reshape(1, C))



def _knn_body(q_ref, dbt_ref, dbn_ref, o_ref, *, k, N, T, mask_self):
    q = q_ref[0]
    qn = jnp.sum(q * q, axis=1, keepdims=True)
    mm = jnp.dot(q, dbt_ref[0], preferred_element_type=F32)
    d = (qn + dbn_ref[0]) - 2.0 * mm
    iota = lax.broadcasted_iota(I32, (T, N), 1)
    if mask_self:
        base = pl.program_id(1) * T
        row_iota = lax.broadcasted_iota(I32, (T, N), 0) + base
        d = jnp.where(iota == row_iota, jnp.float32(jnp.inf), d)
    for j in range(k):
        sel = jnp.argmin(d, axis=1).astype(I32)[:, None]
        o_ref[0, :, j:j + 1] = sel
        d = jnp.where(iota == sel, jnp.float32(jnp.inf), d)


def _knn_pallas(q, db, k, mask_self):
    B, M, _ = q.shape
    N = db.shape[1]
    dbt = jnp.transpose(db, (0, 2, 1))
    dbn = jnp.sum(db * db, axis=-1)[:, None, :]
    T = min(M, 256)
    return pl.pallas_call(
        functools.partial(_knn_body, k=k, N=N, T=T, mask_self=mask_self),
        grid=(B, M // T),
        in_specs=[
            pl.BlockSpec((1, T, 3), lambda b, t: (b, t, 0)),
            pl.BlockSpec((1, 3, N), lambda b, t: (b, 0, 0)),
            pl.BlockSpec((1, 1, N), lambda b, t: (b, 0, 0)),
        ],
        out_specs=pl.BlockSpec((1, T, k), lambda b, t: (b, t, 0)),
        out_shape=jax.ShapeDtypeStruct((B, M, k), I32),
    )(q, dbt, dbn)



def _fps_body(x_ref, y_ref, z_ref, ox_ref, oy_ref, oz_ref, *, N, npoint):
    x = x_ref[...]
    y = y_ref[...]
    z = z_ref[...]
    B = x.shape[0]
    iota = lax.broadcasted_iota(I32, (B, N), 1)

    def step(j, carry):
        dist, far = carry
        fsel = iota == far[:, None]
        fx = jnp.sum(jnp.where(fsel, x, 0.0), axis=1, keepdims=True)
        fy = jnp.sum(jnp.where(fsel, y, 0.0), axis=1, keepdims=True)
        fz = jnp.sum(jnp.where(fsel, z, 0.0), axis=1, keepdims=True)
        ox_ref[pl.ds(j, 1), :] = fx[:, 0][None, :]
        oy_ref[pl.ds(j, 1), :] = fy[:, 0][None, :]
        oz_ref[pl.ds(j, 1), :] = fz[:, 0][None, :]
        dx = x - fx
        dy = y - fy
        dz = z - fz
        d = (dx * dx + dy * dy) + dz * dz
        dist = jnp.minimum(dist, d)
        far = jnp.argmax(dist, axis=1).astype(I32)
        return dist, far

    dist0 = jnp.full((B, N), 1e10, F32)
    far0 = jnp.zeros((B,), I32)
    lax.fori_loop(0, npoint, step, (dist0, far0))


def _fps_pallas(xyz, npoint):
    B, N, _ = xyz.shape
    x = xyz[..., 0]
    y = xyz[..., 1]
    z = xyz[..., 2]
    shp = jax.ShapeDtypeStruct((npoint, B), F32)
    ox, oy, oz = pl.pallas_call(
        functools.partial(_fps_body, N=N, npoint=npoint),
        out_shape=(shp, shp, shp),
    )(x, y, z)
    return jnp.stack([ox.T, oy.T, oz.T], axis=-1)



def _res_body(g_ref, odd_ref, idx_ref, Wc_ref, bc_ref, Wn_ref, bn_ref, o_ref,
              *, M, nblocks):
    P = None
    for k in range(KNN):
        row = g_ref[0, :, k, :]
        ok = odd_ref[0, :, k:k + 1]
        half = jnp.where(ok > 0, row[:, C:], row[:, :C])
        P = half if P is None else jnp.maximum(P, half)
    lane = lax.broadcasted_iota(I32, (M, M), 1)
    A = jnp.zeros((M, M), F32)
    for k in range(KNN):
        A = A + (lane == idx_ref[0, :, k:k + 1]).astype(F32)
    for i in range(nblocks):
        sc = P
        Pa = jnp.where(P >= 0, P, 0.2 * P)
        Pab = _bf(Pa)
        C1 = jnp.dot(Pab, _bf(Wc_ref[i]), preferred_element_type=F32,
                     precision=lax.Precision.HIGHEST)
        S = jnp.dot(A, Pab, preferred_element_type=F32,
                    precision=lax.Precision.HIGHEST)
        NB = jnp.dot(S, _bf(Wn_ref[i]), preferred_element_type=F32,
                     precision=lax.Precision.HIGHEST)
        P = sc + (C1 + bc_ref[i:i + 1, :] + NB + 8.0 * bn_ref[i:i + 1, :]) / 9.0
    o_ref[0] = P


def _res_stage_pallas(g128, odd, idx, Wc, bc, Wn, bn):
    B, M = g128.shape[:2]
    nb = Wc.shape[0]
    return pl.pallas_call(
        functools.partial(_res_body, M=M, nblocks=nb),
        grid=(B,),
        in_specs=[
            pl.BlockSpec((1, M, KNN, 128), lambda b: (b, 0, 0, 0)),
            pl.BlockSpec((1, M, KNN), lambda b: (b, 0, 0)),
            pl.BlockSpec((1, M, KNN), lambda b: (b, 0, 0)),
            pl.BlockSpec((nb, C, C), lambda b: (0, 0, 0)),
            pl.BlockSpec((nb, C), lambda b: (0, 0)),
            pl.BlockSpec((nb, C, C), lambda b: (0, 0, 0)),
            pl.BlockSpec((nb, C), lambda b: (0, 0)),
        ],
        out_specs=pl.BlockSpec((1, M, C), lambda b: (b, 0, 0)),
        out_shape=jax.ShapeDtypeStruct((B, M, C), F32),
    )(g128, odd, idx, Wc, bc, Wn, bn)



def _head_body(p_ref, wl_ref, bl_ref, o_ref):
    P = p_ref[...]
    Pa = jnp.where(P >= 0, P, 0.2 * P)
    o_ref[...] = jnp.dot(_bf(Pa), _bf(wl_ref[...]), preferred_element_type=F32,
                         precision=lax.Precision.HIGHEST) + bl_ref[...]


def _head_pallas(points, Wl, bl):
    B, M, _ = points.shape
    out = pl.pallas_call(
        _head_body,
        out_shape=jax.ShapeDtypeStruct((B * M, 1), F32),
    )(points.reshape(B * M, C), Wl, bl.reshape(1, 1))
    return out.reshape(B, M)



def kernel(xyz, pcW0, pcb0, pcW1, pcb1, Wc, bc, Wn, bn, Wl, bl):
    B, N, _ = xyz.shape
    points = _pointcnn_fused(xyz, pcW0, pcb0, pcW1, pcb1)

    cur_xyz = xyz
    for i in range(Wc.shape[0]):
        Ncur = points.shape[1]
        npoint = Ncur // 4
        new_xyz = _fps_pallas(cur_xyz, npoint)
        pidx = _knn_pallas(new_xyz, cur_xyz, KNN, mask_self=False)
        goff = pidx + (jnp.arange(B, dtype=I32) * Ncur)[:, None, None]
        table = points.reshape(B * Ncur // 2, 2 * C)
        g128 = _sc_gather128(table, (goff >> 1).reshape(-1))
        g128 = g128.reshape(B, npoint, KNN, 2 * C)
        sidx = _knn_pallas(new_xyz, new_xyz, KNN, mask_self=True)
        points = _res_stage_pallas(g128, pidx & 1, sidx, Wc[i], bc[i], Wn[i], bn[i])
        cur_xyz = new_xyz

    return _head_pallas(points, Wl, bl)

# --- scband reference (transcript-rebuilt; emitter-appended) ---
"""Pipeline reference for scband-discriminator-83288005804145 (READ-ONLY COPY).

The authoritative reference and input builder live on the scoring server;
editing this copy changes nothing except your own understanding.
"""

import jax, jax.numpy as jnp
import numpy as np

K = 8

def pairwise_sqdist(q, db):
    return (jnp.sum(q * q, axis=-1, keepdims=True)
            + jnp.sum(db * db, axis=-1)[:, None, :]
            - 2.0 * jnp.einsum('bmd,bnd->bmn', q, db))

def knn_idx(q, db, k):
    d = pairwise_sqdist(jax.lax.stop_gradient(q), jax.lax.stop_gradient(db))
    _, idx = jax.lax.top_k(-d, k)
    return idx

def group_point(points, idx):
    # points [B,N,C], idx [B,M,k] -> [B,M,k,C]
    return jax.vmap(lambda p, i: p[i])(points, idx)

def group(xyz, points, k):
    idx = knn_idx(xyz, xyz, k + 1)[:, :, 1:]  # drop self
    grouped_xyz = group_point(xyz, idx) - xyz[:, :, None, :]
    if points is None:
        grouped_points = grouped_xyz
    else:
        grouped_points = group_point(points, idx)
    return grouped_xyz, grouped_points, idx

def farthest_point_sample(xyz, npoint):
    xyz = jax.lax.stop_gradient(xyz)
    def one(pts):
        N = pts.shape[0]
        def step(carry, _):
            dist, far = carry
            d = jnp.sum((pts - pts[far]) ** 2, axis=1)
            dist = jnp.minimum(dist, d)
            return (dist, jnp.argmax(dist).astype(jnp.int32)), far
        init = (jnp.full((N,), 1e10, jnp.float32), jnp.array(0, jnp.int32))
        (_, _), idxs = jax.lax.scan(step, init, None, length=npoint)
        return idxs
    return jax.vmap(one)(xyz)

def conv1x1(x, W, b):
    return jnp.einsum('...i,io->...o', x, W) + b

def pointcnn_fwd(xyz, W0, b0, W1, b1):
    _, gp, _ = group(xyz, None, K)
    gp = jax.nn.relu(conv1x1(gp, W0, b0))
    gp = conv1x1(gp, W1, b1)
    return jnp.max(gp, axis=2)

def res_gcn_d_fwd(xyz, points, Wc, bc, Wn, bn):
    indices = None
    for idx in range(Wc.shape[0]):
        shortcut = points
        points = jax.nn.leaky_relu(points, 0.2)
        if idx == 0:
            _, grouped_points, indices = group(xyz, points, K)
        else:
            grouped_points = group_point(points, indices)
        center = conv1x1(points[:, :, None, :], Wc[idx], bc[idx])
        neigh = conv1x1(grouped_points, Wn[idx], bn[idx])
        points = jnp.mean(jnp.concatenate([center, neigh], axis=2), axis=2) + shortcut
    return points

def pool(xyz, points, k, npoint):
    fps_idx = farthest_point_sample(xyz, npoint)
    new_xyz = jax.vmap(lambda p, i: p[i])(xyz, fps_idx)
    idx = knn_idx(new_xyz, xyz, k)
    new_points = jnp.max(group_point(points, idx), axis=2)
    return new_xyz, new_points

def setup_inputs(seed: int = 0):
    key = jax.random.key(seed)
    ks = jax.random.split(key, 6)
    B, N, C = 8, 4096, 64
    block_num, n_blocks = 3, 4
    inp = {}
    inp['xyz'] = jax.random.normal(ks[0], (B, N, 3), jnp.float32)
    inp['pcW0'] = jax.random.normal(ks[1], (3, C), jnp.float32) * 0.1
    inp['pcb0'] = jnp.zeros((C,), jnp.float32)
    inp['pcW1'] = jax.random.normal(ks[2], (C, C), jnp.float32) * 0.1
    inp['pcb1'] = jnp.zeros((C,), jnp.float32)
    inp['Wc'] = jax.random.normal(ks[3], (block_num, n_blocks, C, C), jnp.float32) * 0.1
    inp['bc'] = jnp.zeros((block_num, n_blocks, C), jnp.float32)
    inp['Wn'] = jax.random.normal(ks[4], (block_num, n_blocks, C, C), jnp.float32) * 0.1
    inp['bn'] = jnp.zeros((block_num, n_blocks, C), jnp.float32)
    inp['Wl'] = jax.random.normal(ks[5], (C, 1), jnp.float32) * 0.1
    inp['bl'] = jnp.zeros((1,), jnp.float32)
    return inp

def reference(xyz, pcW0, pcb0, pcW1, pcb1, Wc, bc, Wn, bn, Wl, bl):
    points = pointcnn_fwd(xyz, pcW0, pcb0, pcW1, pcb1)
    cur_xyz = xyz
    for i in range(Wc.shape[0]):
        cur_xyz, points = pool(cur_xyz, points, K, points.shape[1] // 4)
        points = res_gcn_d_fwd(cur_xyz, points, Wc[i], bc[i], Wn[i], bn[i])
    points = jax.nn.leaky_relu(points, 0.2)
    out = conv1x1(points[:, :, None, :], Wl, bl)
    return jnp.squeeze(out, axis=(2, 3))

if __name__ == "__main__":
    import jax
    _d = setup_inputs()
    print(jax.jit(kernel)(*tuple(_d.values())))

</pallas_src>

<mosaic_0001>
#map = affine_map<(d0, d1) -> (0, 0)>
#map1 = affine_map<(d0, d1) -> (0)>
module attributes {stable_mosaic.version = 14 : i64} {
  func.func @k(%arg0: i32, %arg1: i32, %arg2: memref<16384x128xf32, #tpu.memory_space<hbm>>, %arg3: memref<65536xi32, #tpu.memory_space<hbm>>, %arg4: memref<65536x128xf32, #tpu.memory_space<hbm>>, %arg5: memref<128xi32, #tpu.memory_space<vmem>>, %arg6: memref<128x128xf32, #tpu.memory_space<vmem>>, %arg7: memref<!tpu.dma_semaphore, #tpu.memory_space<semaphore_mem>>) attributes {dimension_semantics = [#tpu.dimension_semantics<core_parallel>, #tpu.dimension_semantics<subcore_parallel>], iteration_bounds = array<i64: 2, 16>, scalar_prefetch = 0 : i64, scratch_operands = 3 : i64, tpu.core_type = #tpu.core_type<sc_vector_subcore>, window_params = [{transform_indices = #map}, {transform_indices = #map1}, {transform_indices = #map}]} {
    %mul3A = arith.constant 2 : i32
    %mul3A_0 = arith.muli %arg1, %mul3A : i32
    %add3A = arith.addi %mul3A_0, %arg0 : i32
    %mul3A_1 = arith.constant 2048 : i32
    %mul3A_2 = arith.muli %add3A, %mul3A_1 : i32
    %scan3A = arith.constant 0 : i32
    %scan3A_3 = arith.constant 0 : i32
    %scan3A_4 = arith.constant 16 : i32
    %scan3A_5 = arith.addi %scan3A_3, %scan3A_4 : i32
    %scan3A_6 = arith.constant 1 : i32
    scf.for %scan3A_8 = %scan3A_3 to %scan3A_5 step %scan3A_6  : i32 {
      %mul3A_9 = arith.constant 128 : i32
      %mul3A_10 = arith.muli %scan3A_8, %mul3A_9 : i32
      %add3A_11 = arith.addi %mul3A_2, %mul3A_10 : i32
      "tpu.region"() ({
        %run_scoped3A = tpu.sem_alloc : memref<!tpu.dma_semaphore, #tpu.memory_space<semaphore_mem>>
        %dma_start3A_16 = tpu.memref_slice %arg3[%add3A_11] : memref<65536xi32, #tpu.memory_space<hbm>> -> memref<128xi32, #tpu.memory_space<hbm>>
        %dma_start3A_17 = tpu.memref_slice %arg3[%add3A_11] : memref<65536xi32, #tpu.memory_space<hbm>> -> memref<128xi32, #tpu.memory_space<hbm>>
        tpu.enqueue_dma source(%dma_start3A_17 : memref<128xi32, #tpu.memory_space<hbm>>) target(%arg5 : memref<128xi32, #tpu.memory_space<vmem>>) target_semaphore(%run_scoped3A : memref<!tpu.dma_semaphore, #tpu.memory_space<semaphore_mem>>)
        %dma_wait3A_18 = tpu.memref_slice %arg3[%add3A_11] : memref<65536xi32, #tpu.memory_space<hbm>> -> memref<128xi32, #tpu.memory_space<hbm>>
        %dma_wait3A_19 = tpu.memref_slice %arg3[%add3A_11] : memref<65536xi32, #tpu.memory_space<hbm>> -> memref<128xi32, #tpu.memory_space<hbm>>
        tpu.wait_dma2 semaphore(%run_scoped3A : memref<!tpu.dma_semaphore, #tpu.memory_space<semaphore_mem>>) src(%dma_wait3A_19 : memref<128xi32, #tpu.memory_space<hbm>>) dst(%arg5 : memref<128xi32, #tpu.memory_space<vmem>>)
        tpu.yield
      }) : () -> ()
      %dma_start3A = arith.constant 0 : i32
      %dma_start3A_12 = arith.constant 0 : i32
      %dma_start3A_13 = tpu.memref_slice %arg2[%dma_start3A, %dma_start3A_12] : memref<16384x128xf32, #tpu.memory_space<hbm>> -> memref<16384x128xf32, #tpu.memory_space<hbm>>
      tpu.enqueue_indirect_dma source(%dma_start3A_13 : memref<16384x128xf32, #tpu.memory_space<hbm>>) target(%arg6 : memref<128x128xf32, #tpu.memory_space<vmem>>) offsets(%arg5 : memref<128xi32, #tpu.memory_space<vmem>>) semaphore(%arg7 : memref<!tpu.dma_semaphore, #tpu.memory_space<semaphore_mem>>)
      %dma_wait3A = arith.constant 0 : i32
      %dma_wait3A_14 = arith.constant 0 : i32
      %dma_wait3A_15 = tpu.memref_slice %arg2[%dma_wait3A, %dma_wait3A_14] : memref<16384x128xf32, #tpu.memory_space<hbm>> -> memref<16384x128xf32, #tpu.memory_space<hbm>>
      tpu.wait_indirect_dma semaphore(%arg7 : memref<!tpu.dma_semaphore, #tpu.memory_space<semaphore_mem>>) src(%dma_wait3A_15 : memref<16384x128xf32, #tpu.memory_space<hbm>>) dst(%arg6 : memref<128x128xf32, #tpu.memory_space<vmem>>)
      "tpu.region"() ({
        %run_scoped3A = tpu.sem_alloc : memref<!tpu.dma_semaphore, #tpu.memory_space<semaphore_mem>>
        %dma_start3A_16 = arith.constant 0 : i32
        %dma_start3A_17 = tpu.memref_slice %arg4[%add3A_11, %dma_start3A_16] : memref<65536x128xf32, #tpu.memory_space<hbm>> -> memref<128x128xf32, #tpu.memory_space<hbm>>
        %dma_start3A_18 = arith.constant 0 : i32
        %dma_start3A_19 = tpu.memref_slice %arg4[%add3A_11, %dma_start3A_18] : memref<65536x128xf32, #tpu.memory_space<hbm>> -> memref<128x128xf32, #tpu.memory_space<hbm>>
        tpu.enqueue_dma source(%arg6 : memref<128x128xf32, #tpu.memory_space<vmem>>) target(%dma_start3A_19 : memref<128x128xf32, #tpu.memory_space<hbm>>) target_semaphore(%run_scoped3A : memref<!tpu.dma_semaphore, #tpu.memory_space<semaphore_mem>>)
        %dma_wait3A_20 = arith.constant 0 : i32
        %dma_wait3A_21 = tpu.memref_slice %arg4[%add3A_11, %dma_wait3A_20] : memref<65536x128xf32, #tpu.memory_space<hbm>> -> memref<128x128xf32, #tpu.memory_space<hbm>>
        %dma_wait3A_22 = arith.constant 0 : i32
        %dma_wait3A_23 = tpu.memref_slice %arg4[%add3A_11, %dma_wait3A_22] : memref<65536x128xf32, #tpu.memory_space<hbm>> -> memref<128x128xf32, #tpu.memory_space<hbm>>
        tpu.wait_dma2 semaphore(%run_scoped3A : memref<!tpu.dma_semaphore, #tpu.memory_space<semaphore_mem>>) src(%arg6 : memref<128x128xf32, #tpu.memory_space<vmem>>) dst(%dma_wait3A_23 : memref<128x128xf32, #tpu.memory_space<hbm>>)
        tpu.yield
      }) : () -> ()
    }
    %scan3A_7 = arith.constant 16 : i32
    return
  }
}

#map = affine_map<(d0, d1) -> (0, 0)>
#map1 = affine_map<(d0, d1) -> (0)>
module attributes {stable_mosaic.version = 14 : i64} {
  func.func @k(%arg0: i32, %arg1: i32, %arg2: memref<1024x128xf32, #tpu.memory_space<hbm>>, %arg3: memref<4096xi32, #tpu.memory_space<hbm>>, %arg4: memref<4096x128xf32, #tpu.memory_space<hbm>>, %arg5: memref<128xi32, #tpu.memory_space<vmem>>, %arg6: memref<128x128xf32, #tpu.memory_space<vmem>>, %arg7: memref<!tpu.dma_semaphore, #tpu.memory_space<semaphore_mem>>) attributes {dimension_semantics = [#tpu.dimension_semantics<core_parallel>, #tpu.dimension_semantics<subcore_parallel>], iteration_bounds = array<i64: 2, 16>, scalar_prefetch = 0 : i64, scratch_operands = 3 : i64, tpu.core_type = #tpu.core_type<sc_vector_subcore>, window_params = [{transform_indices = #map}, {transform_indices = #map1}, {transform_indices = #map}]} {
    %mul3A = arith.constant 2 : i32
    %mul3A_0 = arith.muli %arg1, %mul3A : i32
    %add3A = arith.addi %mul3A_0, %arg0 : i32
    %mul3A_1 = arith.constant 128 : i32
    %mul3A_2 = arith.muli %add3A, %mul3A_1 : i32
    %scan3A = arith.constant 0 : i32
    %scan3A_3 = arith.constant 0 : i32
    %mul3A_4 = arith.constant 128 : i32
    %mul3A_5 = arith.muli %scan3A_3, %mul3A_4 : i32
    %add3A_6 = arith.addi %mul3A_2, %mul3A_5 : i32
    "tpu.region"() ({
      %run_scoped3A = tpu.sem_alloc : memref<!tpu.dma_semaphore, #tpu.memory_space<semaphore_mem>>
      %dma_start3A_12 = tpu.memref_slice %arg3[%add3A_6] : memref<4096xi32, #tpu.memory_space<hbm>> -> memref<128xi32, #tpu.memory_space<hbm>>
      %dma_start3A_13 = tpu.memref_slice %arg3[%add3A_6] : memref<4096xi32, #tpu.memory_space<hbm>> -> memref<128xi32, #tpu.memory_space<hbm>>
      tpu.enqueue_dma source(%dma_start3A_13 : memref<128xi32, #tpu.memory_space<hbm>>) target(%arg5 : memref<128xi32, #tpu.memory_space<vmem>>) target_semaphore(%run_scoped3A : memref<!tpu.dma_semaphore, #tpu.memory_space<semaphore_mem>>)
      %dma_wait3A_14 = tpu.memref_slice %arg3[%add3A_6] : memref<4096xi32, #tpu.memory_space<hbm>> -> memref<128xi32, #tpu.memory_space<hbm>>
      %dma_wait3A_15 = tpu.memref_slice %arg3[%add3A_6] : memref<4096xi32, #tpu.memory_space<hbm>> -> memref<128xi32, #tpu.memory_space<hbm>>
      tpu.wait_dma2 semaphore(%run_scoped3A : memref<!tpu.dma_semaphore, #tpu.memory_space<semaphore_mem>>) src(%dma_wait3A_15 : memref<128xi32, #tpu.memory_space<hbm>>) dst(%arg5 : memref<128xi32, #tpu.memory_space<vmem>>)
      tpu.yield
    }) : () -> ()
    %dma_start3A = arith.constant 0 : i32
    %dma_start3A_7 = arith.constant 0 : i32
    %dma_start3A_8 = tpu.memref_slice %arg2[%dma_start3A, %dma_start3A_7] : memref<1024x128xf32, #tpu.memory_space<hbm>> -> memref<1024x128xf32, #tpu.memory_space<hbm>>
    tpu.enqueue_indirect_dma source(%dma_start3A_8 : memref<1024x128xf32, #tpu.memory_space<hbm>>) target(%arg6 : memref<128x128xf32, #tpu.memory_space<vmem>>) offsets(%arg5 : memref<128xi32, #tpu.memory_space<vmem>>) semaphore(%arg7 : memref<!tpu.dma_semaphore, #tpu.memory_space<semaphore_mem>>)
    %dma_wait3A = arith.constant 0 : i32
    %dma_wait3A_9 = arith.constant 0 : i32
    %dma_wait3A_10 = tpu.memref_slice %arg2[%dma_wait3A, %dma_wait3A_9] : memref<1024x128xf32, #tpu.memory_space<hbm>> -> memref<1024x128xf32, #tpu.memory_space<hbm>>
    tpu.wait_indirect_dma semaphore(%arg7 : memref<!tpu.dma_semaphore, #tpu.memory_space<semaphore_mem>>) src(%dma_wait3A_10 : memref<1024x128xf32, #tpu.memory_space<hbm>>) dst(%arg6 : memref<128x128xf32, #tpu.memory_space<vmem>>)
    "tpu.region"() ({
      %run_scoped3A = tpu.sem_alloc : memref<!tpu.dma_semaphore, #tpu.memory_space<semaphore_mem>>
      %dma_start3A_12 = arith.constant 0 : i32
      %dma_start3A_13 = tpu.memref_slice %arg4[%add3A_6, %dma_start3A_12] : memref<4096x128xf32, #tpu.memory_space<hbm>> -> memref<128x128xf32, #tpu.memory_space<hbm>>
      %dma_start3A_14 = arith.constant 0 : i32
      %dma_start3A_15 = tpu.memref_slice %arg4[%add3A_6, %dma_start3A_14] : memref<4096x128xf32, #tpu.memory_space<hbm>> -> memref<128x128xf32, #tpu.memory_space<hbm>>
      tpu.enqueue_dma source(%arg6 : memref<128x128xf32, #tpu.memory_space<vmem>>) target(%dma_start3A_15 : memref<128x128xf32, #tpu.memory_space<hbm>>) target_semaphore(%run_scoped3A : memref<!tpu.dma_semaphore, #tpu.memory_space<semaphore_mem>>)
      %dma_wait3A_16 = arith.constant 0 : i32
      %dma_wait3A_17 = tpu.memref_slice %arg4[%add3A_6, %dma_wait3A_16] : memref<4096x128xf32, #tpu.memory_space<hbm>> -> memref<128x128xf32, #tpu.memory_space<hbm>>
      %dma_wait3A_18 = arith.constant 0 : i32
      %dma_wait3A_19 = tpu.memref_slice %arg4[%add3A_6, %dma_wait3A_18] : memref<4096x128xf32, #tpu.memory_space<hbm>> -> memref<128x128xf32, #tpu.memory_space<hbm>>
      tpu.wait_dma2 semaphore(%run_scoped3A : memref<!tpu.dma_semaphore, #tpu.memory_space<semaphore_mem>>) src(%arg6 : memref<128x128xf32, #tpu.memory_space<vmem>>) dst(%dma_wait3A_19 : memref<128x128xf32, #tpu.memory_space<hbm>>)
      tpu.yield
    }) : () -> ()
    %scan3A_11 = arith.constant 1 : i32
    return
  }
}

#map = affine_map<(d0, d1) -> (0, 0)>
#map1 = affine_map<(d0, d1) -> (0)>
module attributes {stable_mosaic.version = 14 : i64} {
  func.func @k(%arg0: i32, %arg1: i32, %arg2: memref<4096x128xf32, #tpu.memory_space<hbm>>, %arg3: memref<16384xi32, #tpu.memory_space<hbm>>, %arg4: memref<16384x128xf32, #tpu.memory_space<hbm>>, %arg5: memref<128xi32, #tpu.memory_space<vmem>>, %arg6: memref<128x128xf32, #tpu.memory_space<vmem>>, %arg7: memref<!tpu.dma_semaphore, #tpu.memory_space<semaphore_mem>>) attributes {dimension_semantics = [#tpu.dimension_semantics<core_parallel>, #tpu.dimension_semantics<subcore_parallel>], iteration_bounds = array<i64: 2, 16>, scalar_prefetch = 0 : i64, scratch_operands = 3 : i64, tpu.core_type = #tpu.core_type<sc_vector_subcore>, window_params = [{transform_indices = #map}, {transform_indices = #map1}, {transform_indices = #map}]} {
    %mul3A = arith.constant 2 : i32
    %mul3A_0 = arith.muli %arg1, %mul3A : i32
    %add3A = arith.addi %mul3A_0, %arg0 : i32
    %mul3A_1 = arith.constant 512 : i32
    %mul3A_2 = arith.muli %add3A, %mul3A_1 : i32
    %scan3A = arith.constant 0 : i32
    %scan3A_3 = arith.constant 0 : i32
    %scan3A_4 = arith.constant 4 : i32
    %scan3A_5 = arith.addi %scan3A_3, %scan3A_4 : i32
    %scan3A_6 = arith.constant 1 : i32
    scf.for %scan3A_8 = %scan3A_3 to %scan3A_5 step %scan3A_6  : i32 {
      %mul3A_9 = arith.constant 128 : i32
      %mul3A_10 = arith.muli %scan3A_8, %mul3A_9 : i32
      %add3A_11 = arith.addi %mul3A_2, %mul3A_10 : i32
      "tpu.region"() ({
        %run_scoped3A = tpu.sem_alloc : memref<!tpu.dma_semaphore, #tpu.memory_space<semaphore_mem>>
        %dma_start3A_16 = tpu.memref_slice %arg3[%add3A_11] : memref<16384xi32, #tpu.memory_space<hbm>> -> memref<128xi32, #tpu.memory_space<hbm>>
        %dma_start3A_17 = tpu.memref_slice %arg3[%add3A_11] : memref<16384xi32, #tpu.memory_space<hbm>> -> memref<128xi32, #tpu.memory_space<hbm>>
        tpu.enqueue_dma source(%dma_start3A_17 : memref<128xi32, #tpu.memory_space<hbm>>) target(%arg5 : memref<128xi32, #tpu.memory_space<vmem>>) target_semaphore(%run_scoped3A : memref<!tpu.dma_semaphore, #tpu.memory_space<semaphore_mem>>)
        %dma_wait3A_18 = tpu.memref_slice %arg3[%add3A_11] : memref<16384xi32, #tpu.memory_space<hbm>> -> memref<128xi32, #tpu.memory_space<hbm>>
        %dma_wait3A_19 = tpu.memref_slice %arg3[%add3A_11] : memref<16384xi32, #tpu.memory_space<hbm>> -> memref<128xi32, #tpu.memory_space<hbm>>
        tpu.wait_dma2 semaphore(%run_scoped3A : memref<!tpu.dma_semaphore, #tpu.memory_space<semaphore_mem>>) src(%dma_wait3A_19 : memref<128xi32, #tpu.memory_space<hbm>>) dst(%arg5 : memref<128xi32, #tpu.memory_space<vmem>>)
        tpu.yield
      }) : () -> ()
      %dma_start3A = arith.constant 0 : i32
      %dma_start3A_12 = arith.constant 0 : i32
      %dma_start3A_13 = tpu.memref_slice %arg2[%dma_start3A, %dma_start3A_12] : memref<4096x128xf32, #tpu.memory_space<hbm>> -> memref<4096x128xf32, #tpu.memory_space<hbm>>
      tpu.enqueue_indirect_dma source(%dma_start3A_13 : memref<4096x128xf32, #tpu.memory_space<hbm>>) target(%arg6 : memref<128x128xf32, #tpu.memory_space<vmem>>) offsets(%arg5 : memref<128xi32, #tpu.memory_space<vmem>>) semaphore(%arg7 : memref<!tpu.dma_semaphore, #tpu.memory_space<semaphore_mem>>)
      %dma_wait3A = arith.constant 0 : i32
      %dma_wait3A_14 = arith.constant 0 : i32
      %dma_wait3A_15 = tpu.memref_slice %arg2[%dma_wait3A, %dma_wait3A_14] : memref<4096x128xf32, #tpu.memory_space<hbm>> -> memref<4096x128xf32, #tpu.memory_space<hbm>>
      tpu.wait_indirect_dma semaphore(%arg7 : memref<!tpu.dma_semaphore, #tpu.memory_space<semaphore_mem>>) src(%dma_wait3A_15 : memref<4096x128xf32, #tpu.memory_space<hbm>>) dst(%arg6 : memref<128x128xf32, #tpu.memory_space<vmem>>)
      "tpu.region"() ({
        %run_scoped3A = tpu.sem_alloc : memref<!tpu.dma_semaphore, #tpu.memory_space<semaphore_mem>>
        %dma_start3A_16 = arith.constant 0 : i32
        %dma_start3A_17 = tpu.memref_slice %arg4[%add3A_11, %dma_start3A_16] : memref<16384x128xf32, #tpu.memory_space<hbm>> -> memref<128x128xf32, #tpu.memory_space<hbm>>
        %dma_start3A_18 = arith.constant 0 : i32
        %dma_start3A_19 = tpu.memref_slice %arg4[%add3A_11, %dma_start3A_18] : memref<16384x128xf32, #tpu.memory_space<hbm>> -> memref<128x128xf32, #tpu.memory_space<hbm>>
        tpu.enqueue_dma source(%arg6 : memref<128x128xf32, #tpu.memory_space<vmem>>) target(%dma_start3A_19 : memref<128x128xf32, #tpu.memory_space<hbm>>) target_semaphore(%run_scoped3A : memref<!tpu.dma_semaphore, #tpu.memory_space<semaphore_mem>>)
        %dma_wait3A_20 = arith.constant 0 : i32
        %dma_wait3A_21 = tpu.memref_slice %arg4[%add3A_11, %dma_wait3A_20] : memref<16384x128xf32, #tpu.memory_space<hbm>> -> memref<128x128xf32, #tpu.memory_space<hbm>>
        %dma_wait3A_22 = arith.constant 0 : i32
        %dma_wait3A_23 = tpu.memref_slice %arg4[%add3A_11, %dma_wait3A_22] : memref<16384x128xf32, #tpu.memory_space<hbm>> -> memref<128x128xf32, #tpu.memory_space<hbm>>
        tpu.wait_dma2 semaphore(%run_scoped3A : memref<!tpu.dma_semaphore, #tpu.memory_space<semaphore_mem>>) src(%arg6 : memref<128x128xf32, #tpu.memory_space<vmem>>) dst(%dma_wait3A_23 : memref<128x128xf32, #tpu.memory_space<hbm>>)
        tpu.yield
      }) : () -> ()
    }
    %scan3A_7 = arith.constant 4 : i32
    return
  }
}

module attributes {stable_mosaic.version = 14 : i64} {
  func.func @_knn_body(%arg0: i32, %arg1: i32, %arg2: memref<1x256x3xf32, #tpu.memory_space<vmem>>, %arg3: memref<1x3x4096xf32, #tpu.memory_space<vmem>>, %arg4: memref<1x1x4096xf32, #tpu.memory_space<vmem>>, %arg5: memref<1x256x9xi32, #tpu.memory_space<vmem>>) attributes {dimension_semantics = [#tpu.dimension_semantics<arbitrary>, #tpu.dimension_semantics<arbitrary>], iteration_bounds = array<i64: 8, 16>, scalar_prefetch = 0 : i64, scratch_operands = 0 : i64, tpu.core_type = #tpu.core_type<tc>, window_params = [{transform_indices = @transform_0, window_bounds = array<i64: 1, 256, 3>}, {transform_indices = @transform_1, window_bounds = array<i64: 1, 3, 4096>}, {transform_indices = @transform_2, window_bounds = array<i64: 1, 1, 4096>}, {transform_indices = @transform_3, window_bounds = array<i64: 1, 256, 9>}]} {
    %get3A = arith.constant 0 : index
    %get3A_0 = arith.constant 0 : index
    %get3A_1 = arith.constant 0 : index
    %get3A_2 = vector.load %arg2[%get3A, %get3A_0, %get3A_1] : memref<1x256x3xf32, #tpu.memory_space<vmem>>, vector<1x256x3xf32>
    %get3A_3 = vector.shape_cast %get3A_2 : vector<1x256x3xf32> to vector<256x3xf32>
    %mul3A = arith.mulf %get3A_3, %get3A_3 : vector<256x3xf32>
    %reduce_sum3A = arith.constant dense<0.000000e+00> : vector<256xf32>
    %reduce_sum3A_4 = vector.multi_reduction <add>, %mul3A, %reduce_sum3A [1] : vector<256x3xf32> to vector<256xf32>
    %broadcast_in_dim3A = vector.shape_cast %reduce_sum3A_4 : vector<256xf32> to vector<256x1xf32>
    %get3A_5 = arith.constant 0 : index
    %get3A_6 = arith.constant 0 : index
    %get3A_7 = arith.constant 0 : index
    %get3A_8 = vector.load %arg3[%get3A_5, %get3A_6, %get3A_7] : memref<1x3x4096xf32, #tpu.memory_space<vmem>>, vector<1x3x4096xf32>
    %get3A_9 = vector.shape_cast %get3A_8 : vector<1x3x4096xf32> to vector<3x4096xf32>
    %dot_general3A = arith.constant dense<0.000000e+00> : vector<256x4096xf32>
    %dot_general3A_10 = tpu.matmul %get3A_3, %get3A_9, %dot_general3A {dimension_numbers = #tpu.dot_dimension_numbers<[1], [0], [0], [1], [0, 0, 1, 1], [], []>, transpose_lhs_hint = false} : vector<256x3xf32>, vector<3x4096xf32>, vector<256x4096xf32> -> vector<256x4096xf32>
    %get3A_11 = arith.constant 0 : index
    %get3A_12 = arith.constant 0 : index
    %get3A_13 = arith.constant 0 : index
    %get3A_14 = vector.load %arg4[%get3A_11, %get3A_12, %get3A_13] : memref<1x1x4096xf32, #tpu.memory_space<vmem>>, vector<1x1x4096xf32>
    %get3A_15 = vector.shape_cast %get3A_14 : vector<1x1x4096xf32> to vector<1x4096xf32>
    %add3A = vector.broadcast %broadcast_in_dim3A : vector<256x1xf32> to vector<256x4096xf32>
    %add3A_16 = vector.broadcast %get3A_15 : vector<1x4096xf32> to vector<256x4096xf32>
    %add3A_17 = arith.addf %add3A, %add3A_16 : vector<256x4096xf32>
    %mul3A_18 = arith.constant 2.000000e+00 : f32
    %mul3A_19 = vector.broadcast %mul3A_18 : f32 to vector<256x4096xf32>
    %mul3A_20 = arith.mulf %mul3A_19, %dot_general3A_10 : vector<256x4096xf32>
    %sub3A = arith.subf %add3A_17, %mul3A_20 : vector<256x4096xf32>
    %iota3A = tpu.iota {dimensions = array<i32: 1>} : vector<256x4096xi32>
    %argmin3A = tpu.reduce_index %sub3A {axis = 1 : i32, kind = #tpu.reduction_kind<arg_min>} : vector<256x4096xf32> -> vector<256xi32>
    %broadcast_in_dim3A_21 = vector.shape_cast %argmin3A : vector<256xi32> to vector<256x1xi32>
    %swap3A = arith.constant 0 : index
    %swap3A_22 = arith.constant 0 : index
    %swap3A_23 = arith.constant 0 : index
    %swap3A_24 = vector.load %arg5[%swap3A, %swap3A_22, %swap3A_23] : memref<1x256x9xi32, #tpu.memory_space<vmem>>, vector<1x256x1xi32>
    %swap3A_25 = vector.shape_cast %swap3A_24 : vector<1x256x1xi32> to vector<256x1xi32>
    %swap3A_26 = vector.shape_cast %broadcast_in_dim3A_21 : vector<256x1xi32> to vector<1x256x1xi32>
    tpu.vector_store %arg5[%swap3A, %swap3A_22, %swap3A_23], %swap3A_26 {strides = array<i32>} : memref<1x256x9xi32, #tpu.memory_space<vmem>>, vector<1x256x1xi32>,
    %eq3A = vector.broadcast %broadcast_in_dim3A_21 : vector<256x1xi32> to vector<256x4096xi32>
    %eq3A_27 = arith.cmpi eq, %iota3A, %eq3A : vector<256x4096xi32>
    %jit3A = arith.constant 0x7F800000 : f32
    %broadcast_in_dim3A_28 = vector.broadcast %jit3A : f32 to vector<256x4096xf32>
    %select_n3A = arith.select %eq3A_27, %broadcast_in_dim3A_28, %sub3A : vector<256x4096xi1>, vector<256x4096xf32>
    %argmin3A_29 = tpu.reduce_index %select_n3A {axis = 1 : i32, kind = #tpu.reduction_kind<arg_min>} : vector<256x4096xf32> -> vector<256xi32>
    %broadcast_in_dim3A_30 = vector.shape_cast %argmin3A_29 : vector<256xi32> to vector<256x1xi32>
    %swap3A_31 = arith.constant 0 : index
    %swap3A_32 = arith.constant 0 : index
    %swap3A_33 = arith.constant 1 : index
    %swap3A_34 = vector.load %arg5[%swap3A_31, %swap3A_32, %swap3A_33] : memref<1x256x9xi32, #tpu.memory_space<vmem>>, vector<1x256x1xi32>
    %swap3A_35 = vector.shape_cast %swap3A_34 : vector<1x256x1xi32> to vector<256x1xi32>
    %swap3A_36 = vector.shape_cast %broadcast_in_dim3A_30 : vector<256x1xi32> to vector<1x256x1xi32>
    tpu.vector_store %arg5[%swap3A_31, %swap3A_32, %swap3A_33], %swap3A_36 {strides = array<i32>} : memref<1x256x9xi32, #tpu.memory_space<vmem>>, vector<1x256x1xi32>,
    %eq3A_37 = vector.broadcast %broadcast_in_dim3A_30 : vector<256x1xi32> to vector<256x4096xi32>
    %eq3A_38 = arith.cmpi eq, %iota3A, %eq3A_37 : vector<256x4096xi32>
    %jit3A_39 = arith.constant 0x7F800000 : f32
    %broadcast_in_dim3A_40 = vector.broadcast %jit3A_39 : f32 to vector<256x4096xf32>
    %select_n3A_41 = arith.select %eq3A_38, %broadcast_in_dim3A_40, %select_n3A : vector<256x4096xi1>, vector<256x4096xf32>
    %argmin3A_42 = tpu.reduce_index %select_n3A_41 {axis = 1 : i32, kind = #tpu.reduction_kind<arg_min>} : vector<256x4096xf32> -> vector<256xi32>
    %broadcast_in_dim3A_43 = vector.shape_cast %argmin3A_42 : vector<256xi32> to vector<256x1xi32>
    %swap3A_44 = arith.constant 0 : index
    %swap3A_45 = arith.constant 0 : index
    %swap3A_46 = arith.constant 2 : index
    %swap3A_47 = vector.load %arg5[%swap3A_44, %swap3A_45, %swap3A_46] : memref<1x256x9xi32, #tpu.memory_space<vmem>>, vector<1x256x1xi32>
    %swap3A_48 = vector.shape_cast %swap3A_47 : vector<1x256x1xi32> to vector<256x1xi32>
    %swap3A_49 = vector.shape_cast %broadcast_in_dim3A_43 : vector<256x1xi32> to vector<1x256x1xi32>
    tpu.vector_store %arg5[%swap3A_44, %swap3A_45, %swap3A_46], %swap3A_49 {strides = array<i32>} : memref<1x256x9xi32, #tpu.memory_space<vmem>>, vector<1x256x1xi32>,
    %eq3A_50 = vector.broadcast %broadcast_in_dim3A_43 : vector<256x1xi32> to vector<256x4096xi32>
    %eq3A_51 = arith.cmpi eq, %iota3A, %eq3A_50 : vector<256x4096xi32>
    %jit3A_52 = arith.constant 0x7F800000 : f32
    %broadcast_in_dim3A_53 = vector.broadcast %jit3A_52 : f32 to vector<256x4096xf32>
    %select_n3A_54 = arith.select %eq3A_51, %broadcast_in_dim3A_53, %select_n3A_41 : vector<256x4096xi1>, vector<256x4096xf32>
    %argmin3A_55 = tpu.reduce_index %select_n3A_54 {axis = 1 : i32, kind = #tpu.reduction_kind<arg_min>} : vector<256x4096xf32> -> vector<256xi32>
    %broadcast_in_dim3A_56 = vector.shape_cast %argmin3A_55 : vector<256xi32> to vector<256x1xi32>
    %swap3A_57 = arith.constant 0 : index
    %swap3A_58 = arith.constant 0 : index
    %swap3A_59 = arith.constant 3 : index
    %swap3A_60 = vector.load %arg5[%swap3A_57, %swap3A_58, %swap3A_59] : memref<1x256x9xi32, #tpu.memory_space<vmem>>, vector<1x256x1xi32>
    %swap3A_61 = vector.shape_cast %swap3A_60 : vector<1x256x1xi32> to vector<256x1xi32>
    %swap3A_62 = vector.shape_cast %broadcast_in_dim3A_56 : vector<256x1xi32> to vector<1x256x1xi32>
    tpu.vector_store %arg5[%swap3A_57, %swap3A_58, %swap3A_59], %swap3A_62 {strides = array<i32>} : memref<1x256x9xi32, #tpu.memory_space<vmem>>, vector<1x256x1xi32>,
    %eq3A_63 = vector.broadcast %broadcast_in_dim3A_56 : vector<256x1xi32> to vector<256x4096xi32>
    %eq3A_64 = arith.cmpi eq, %iota3A, %eq3A_63 : vector<256x4096xi32>
    %jit3A_65 = arith.constant 0x7F800000 : f32
    %broadcast_in_dim3A_66 = vector.broadcast %jit3A_65 : f32 to vector<256x4096xf32>
    %select_n3A_67 = arith.select %eq3A_64, %broadcast_in_dim3A_66, %select_n3A_54 : vector<256x4096xi1>, vector<256x4096xf32>
    %argmin3A_68 = tpu.reduce_index %select_n3A_67 {axis = 1 : i32, kind = #tpu.reduction_kind<arg_min>} : vector<256x4096xf32> -> vector<256xi32>
    %broadcast_in_dim3A_69 = vector.shape_cast %argmin3A_68 : vector<256xi32> to vector<256x1xi32>
    %swap3A_70 = arith.constant 0 : index
    %swap3A_71 = arith.constant 0 : index
    %swap3A_72 = arith.constant 4 : index
    %swap3A_73 = vector.load %arg5[%swap3A_70, %swap3A_71, %swap3A_72] : memref<1x256x9xi32, #tpu.memory_space<vmem>>, vector<1x256x1xi32>
    %swap3A_74 = vector.shape_cast %swap3A_73 : vector<1x256x1xi32> to vector<256x1xi32>
    %swap3A_75 = vector.shape_cast %broadcast_in_dim3A_69 : vector<256x1xi32> to vector<1x256x1xi32>
    tpu.vector_store %arg5[%swap3A_70, %swap3A_71, %swap3A_72], %swap3A_75 {strides = array<i32>} : memref<1x256x9xi32, #tpu.memory_space<vmem>>, vector<1x256x1xi32>,
    %eq3A_76 = vector.broadcast %broadcast_in_dim3A_69 : vector<256x1xi32> to vector<256x4096xi32>
    %eq3A_77 = arith.cmpi eq, %iota3A, %eq3A_76 : vector<256x4096xi32>
    %jit3A_78 = arith.constant 0x7F800000 : f32
    %broadcast_in_dim3A_79 = vector.broadcast %jit3A_78 : f32 to vector<256x4096xf32>
    %select_n3A_80 = arith.select %eq3A_77, %broadcast_in_dim3A_79, %select_n3A_67 : vector<256x4096xi1>, vector<256x4096xf32>
    %argmin3A_81 = tpu.reduce_index %select_n3A_80 {axis = 1 : i32, kind = #tpu.reduction_kind<arg_min>} : vector<256x4096xf32> -> vector<256xi32>
    %broadcast_in_dim3A_82 = vector.shape_cast %argmin3A_81 : vector<256xi32> to vector<256x1xi32>
    %swap3A_83 = arith.constant 0 : index
    %swap3A_84 = arith.constant 0 : index
    %swap3A_85 = arith.constant 5 : index
    %swap3A_86 = vector.load %arg5[%swap3A_83, %swap3A_84, %swap3A_85] : memref<1x256x9xi32, #tpu.memory_space<vmem>>, vector<1x256x1xi32>
    %swap3A_87 = vector.shape_cast %swap3A_86 : vector<1x256x1xi32> to vector<256x1xi32>
    %swap3A_88 = vector.shape_cast %broadcast_in_dim3A_82 : vector<256x1xi32> to vector<1x256x1xi32>
    tpu.vector_store %arg5[%swap3A_83, %swap3A_84, %swap3A_85], %swap3A_88 {strides = array<i32>} : memref<1x256x9xi32, #tpu.memory_space<vmem>>, vector<1x256x1xi32>,
    %eq3A_89 = vector.broadcast %broadcast_in_dim3A_82 : vector<256x1xi32> to vector<256x4096xi32>
    %eq3A_90 = arith.cmpi eq, %iota3A, %eq3A_89 : vector<256x4096xi32>
    %jit3A_91 = arith.constant 0x7F800000 : f32
    %broadcast_in_dim3A_92 = vector.broadcast %jit3A_91 : f32 to vector<256x4096xf32>
    %select_n3A_93 = arith.select %eq3A_90, %broadcast_in_dim3A_92, %select_n3A_80 : vector<256x4096xi1>, vector<256x4096xf32>
    %argmin3A_94 = tpu.reduce_index %select_n3A_93 {axis = 1 : i32, kind = #tpu.reduction_kind<arg_min>} : vector<256x4096xf32> -> vector<256xi32>
    %broadcast_in_dim3A_95 = vector.shape_cast %argmin3A_94 : vector<256xi32> to vector<256x1xi32>
    %swap3A_96 = arith.constant 0 : index
    %swap3A_97 = arith.constant 0 : index
    %swap3A_98 = arith.constant 6 : index
    %swap3A_99 = vector.load %arg5[%swap3A_96, %swap3A_97, %swap3A_98] : memref<1x256x9xi32, #tpu.memory_space<vmem>>, vector<1x256x1xi32>
    %swap3A_100 = vector.shape_cast %swap3A_99 : vector<1x256x1xi32> to vector<256x1xi32>
    %swap3A_101 = vector.shape_cast %broadcast_in_dim3A_95 : vector<256x1xi32> to vector<1x256x1xi32>
    tpu.vector_store %arg5[%swap3A_96, %swap3A_97, %swap3A_98], %swap3A_101 {strides = array<i32>} : memref<1x256x9xi32, #tpu.memory_space<vmem>>, vector<1x256x1xi32>,
    %eq3A_102 = vector.broadcast %broadcast_in_dim3A_95 : vector<256x1xi32> to vector<256x4096xi32>
    %eq3A_103 = arith.cmpi eq, %iota3A, %eq3A_102 : vector<256x4096xi32>
    %jit3A_104 = arith.constant 0x7F800000 : f32
    %broadcast_in_dim3A_105 = vector.broadcast %jit3A_104 : f32 to vector<256x4096xf32>
    %select_n3A_106 = arith.select %eq3A_103, %broadcast_in_dim3A_105, %select_n3A_93 : vector<256x4096xi1>, vector<256x4096xf32>
    %argmin3A_107 = tpu.reduce_index %select_n3A_106 {axis = 1 : i32, kind = #tpu.reduction_kind<arg_min>} : vector<256x4096xf32> -> vector<256xi32>
    %broadcast_in_dim3A_108 = vector.shape_cast %argmin3A_107 : vector<256xi32> to vector<256x1xi32>
    %swap3A_109 = arith.constant 0 : index
    %swap3A_110 = arith.constant 0 : index
    %swap3A_111 = arith.constant 7 : index
    %swap3A_112 = vector.load %arg5[%swap3A_109, %swap3A_110, %swap3A_111] : memref<1x256x9xi32, #tpu.memory_space<vmem>>, vector<1x256x1xi32>
    %swap3A_113 = vector.shape_cast %swap3A_112 : vector<1x256x1xi32> to vector<256x1xi32>
    %swap3A_114 = vector.shape_cast %broadcast_in_dim3A_108 : vector<256x1xi32> to vector<1x256x1xi32>
    tpu.vector_store %arg5[%swap3A_109, %swap3A_110, %swap3A_111], %swap3A_114 {strides = array<i32>} : memref<1x256x9xi32, #tpu.memory_space<vmem>>, vector<1x256x1xi32>,
    %eq3A_115 = vector.broadcast %broadcast_in_dim3A_108 : vector<256x1xi32> to vector<256x4096xi32>
    %eq3A_116 = arith.cmpi eq, %iota3A, %eq3A_115 : vector<256x4096xi32>
    %jit3A_117 = arith.constant 0x7F800000 : f32
    %broadcast_in_dim3A_118 = vector.broadcast %jit3A_117 : f32 to vector<256x4096xf32>
    %select_n3A_119 = arith.select %eq3A_116, %broadcast_in_dim3A_118, %select_n3A_106 : vector<256x4096xi1>, vector<256x4096xf32>
    %argmin3A_120 = tpu.reduce_index %select_n3A_119 {axis = 1 : i32, kind = #tpu.reduction_kind<arg_min>} : vector<256x4096xf32> -> vector<256xi32>
    %broadcast_in_dim3A_121 = vector.shape_cast %argmin3A_120 : vector<256xi32> to vector<256x1xi32>
    %swap3A_122 = arith.constant 0 : index
    %swap3A_123 = arith.constant 0 : index
    %swap3A_124 = arith.constant 8 : index
    %swap3A_125 = vector.load %arg5[%swap3A_122, %swap3A_123, %swap3A_124] : memref<1x256x9xi32, #tpu.memory_space<vmem>>, vector<1x256x1xi32>
    %swap3A_126 = vector.shape_cast %swap3A_125 : vector<1x256x1xi32> to vector<256x1xi32>
    %swap3A_127 = vector.shape_cast %broadcast_in_dim3A_121 : vector<256x1xi32> to vector<1x256x1xi32>
    tpu.vector_store %arg5[%swap3A_122, %swap3A_123, %swap3A_124], %swap3A_127 {strides = array<i32>} : memref<1x256x9xi32, #tpu.memory_space<vmem>>, vector<1x256x1xi32>,
    return
  }
  func.func @transform_0(%arg0: i32, %arg1: i32) -> (i32, i32, i32) {
    %c0_i32 = arith.constant 0 : i32
    %c0_i32_0 = arith.constant 0 : i32
    return %arg0, %arg1, %c0_i32 : i32, i32, i32
  }
  func.func @transform_1(%arg0: i32, %arg1: i32) -> (i32, i32, i32) {
    %c0_i32 = arith.constant 0 : i32
    %c0_i32_0 = arith.constant 0 : i32
    %c0_i32_1 = arith.constant 0 : i32
    return %arg0, %c0_i32, %c0_i32_0 : i32, i32, i32
  }
  func.func @transform_2(%arg0: i32, %arg1: i32) -> (i32, i32, i32) {
    %c0_i32 = arith.constant 0 : i32
    %c0_i32_0 = arith.constant 0 : i32
    %c0_i32_1 = arith.constant 0 : i32
    return %arg0, %c0_i32, %c0_i32_0 : i32, i32, i32
  }
  func.func @transform_3(%arg0: i32, %arg1: i32) -> (i32, i32, i32) {
    %c0_i32 = arith.constant 0 : i32
    %c0_i32_0 = arith.constant 0 : i32
    return %arg0, %arg1, %c0_i32 : i32, i32, i32
  }
}

module attributes {stable_mosaic.version = 14 : i64} {
  func.func @_pc_conv_kernel(%arg0: i32, %arg1: i32, %arg2: memref<1x8x512x3xf32, #tpu.memory_space<vmem>>, %arg3: memref<3x64xf32, #tpu.memory_space<vmem>>, %arg4: memref<1x64xf32, #tpu.memory_space<vmem>>, %arg5: memref<64x64xf32, #tpu.memory_space<vmem>>, %arg6: memref<1x64xf32, #tpu.memory_space<vmem>>, %arg7: memref<1x512x64xf32, #tpu.memory_space<vmem>>) attributes {dimension_semantics = [#tpu.dimension_semantics<arbitrary>, #tpu.dimension_semantics<arbitrary>], iteration_bounds = array<i64: 8, 8>, scalar_prefetch = 0 : i64, scratch_operands = 0 : i64, tpu.core_type = #tpu.core_type<tc>, window_params = [{transform_indices = @transform_0, window_bounds = array<i64: 1, 8, 512, 3>}, {pipeline_mode = #tpu.pipeline_mode<synchronous>, transform_indices = @transform_1, window_bounds = array<i64: 3, 64>}, {pipeline_mode = #tpu.pipeline_mode<synchronous>, transform_indices = @transform_2, window_bounds = array<i64: 1, 64>}, {pipeline_mode = #tpu.pipeline_mode<synchronous>, transform_indices = @transform_3, window_bounds = array<i64: 64, 64>}, {pipeline_mode = #tpu.pipeline_mode<synchronous>, transform_indices = @transform_4, window_bounds = array<i64: 1, 64>}, {transform_indices = @transform_5, window_bounds = array<i64: 1, 512, 64>}]} {
    %get3A = arith.constant 0 : index
    %get3A_0 = arith.constant 0 : index
    %get3A_1 = arith.constant 0 : index
    %get3A_2 = arith.constant 0 : index
    %get3A_3 = vector.load %arg2[%get3A, %get3A_0, %get3A_1, %get3A_2] : memref<1x8x512x3xf32, #tpu.memory_space<vmem>>, vector<1x1x512x3xf32>
    %get3A_4 = vector.shape_cast %get3A_3 : vector<1x1x512x3xf32> to vector<512x3xf32>
    %convert_element_type3A = arith.truncf %get3A_4 : vector<512x3xf32> to vector<512x3xbf16>
    %convert_element_type3A_5 = arith.extf %convert_element_type3A : vector<512x3xbf16> to vector<512x3xf32>
    %get3A_6 = arith.constant 0 : index
    %get3A_7 = arith.constant 0 : index
    %get3A_8 = vector.load %arg3[%get3A_6, %get3A_7] : memref<3x64xf32, #tpu.memory_space<vmem>>, vector<3x64xf32>
    %convert_element_type3A_9 = arith.truncf %get3A_8 : vector<3x64xf32> to vector<3x64xbf16>
    %convert_element_type3A_10 = arith.extf %convert_element_type3A_9 : vector<3x64xbf16> to vector<3x64xf32>
    %slice3A = vector.extract_strided_slice %convert_element_type3A_5 {offsets = [0, 0], sizes = [512, 1], strides = [1, 1]} : vector<512x3xf32> to vector<512x1xf32>
    %slice3A_11 = vector.extract_strided_slice %convert_element_type3A_10 {offsets = [0, 0], sizes = [1, 64], strides = [1, 1]} : vector<3x64xf32> to vector<1x64xf32>
    %mul3A = vector.broadcast %slice3A : vector<512x1xf32> to vector<512x64xf32>
    %mul3A_12 = vector.broadcast %slice3A_11 : vector<1x64xf32> to vector<512x64xf32>
    %mul3A_13 = arith.mulf %mul3A, %mul3A_12 : vector<512x64xf32>
    %slice3A_14 = vector.extract_strided_slice %convert_element_type3A_5 {offsets = [0, 1], sizes = [512, 1], strides = [1, 1]} : vector<512x3xf32> to vector<512x1xf32>
    %slice3A_15 = vector.extract_strided_slice %convert_element_type3A_10 {offsets = [1, 0], sizes = [1, 64], strides = [1, 1]} : vector<3x64xf32> to vector<1x64xf32>
    %mul3A_16 = vector.broadcast %slice3A_14 : vector<512x1xf32> to vector<512x64xf32>
    %mul3A_17 = vector.broadcast %slice3A_15 : vector<1x64xf32> to vector<512x64xf32>
    %mul3A_18 = arith.mulf %mul3A_16, %mul3A_17 : vector<512x64xf32>
    %add3A = arith.addf %mul3A_13, %mul3A_18 : vector<512x64xf32>
    %slice3A_19 = vector.extract_strided_slice %convert_element_type3A_5 {offsets = [0, 2], sizes = [512, 1], strides = [1, 1]} : vector<512x3xf32> to vector<512x1xf32>
    %slice3A_20 = vector.extract_strided_slice %convert_element_type3A_10 {offsets = [2, 0], sizes = [1, 64], strides = [1, 1]} : vector<3x64xf32> to vector<1x64xf32>
    %mul3A_21 = vector.broadcast %slice3A_19 : vector<512x1xf32> to vector<512x64xf32>
    %mul3A_22 = vector.broadcast %slice3A_20 : vector<1x64xf32> to vector<512x64xf32>
    %mul3A_23 = arith.mulf %mul3A_21, %mul3A_22 : vector<512x64xf32>
    %add3A_24 = arith.addf %add3A, %mul3A_23 : vector<512x64xf32>
    %get3A_25 = arith.constant 0 : index
    %get3A_26 = arith.constant 0 : index
    %get3A_27 = vector.load %arg4[%get3A_25, %get3A_26] : memref<1x64xf32, #tpu.memory_space<vmem>>, vector<1x64xf32>
    %add3A_28 = vector.broadcast %get3A_27 : vector<1x64xf32> to vector<512x64xf32>
    %add3A_29 = arith.addf %add3A_24, %add3A_28 : vector<512x64xf32>
    %max3A = arith.constant 0.000000e+00 : f32
    %max3A_30 = vector.broadcast %max3A : f32 to vector<512x64xf32>
    %max3A_31 = arith.maximumf %add3A_29, %max3A_30 : vector<512x64xf32>
    %convert_element_type3A_32 = arith.truncf %max3A_31 : vector<512x64xf32> to vector<512x64xbf16>
    %convert_element_type3A_33 = arith.extf %convert_element_type3A_32 : vector<512x64xbf16> to vector<512x64xf32>
    %get3A_34 = arith.constant 0 : index
    %get3A_35 = arith.constant 0 : index
    %get3A_36 = vector.load %arg5[%get3A_34, %get3A_35] : memref<64x64xf32, #tpu.memory_space<vmem>>, vector<64x64xf32>
    %convert_element_type3A_37 = arith.truncf %get3A_36 : vector<64x64xf32> to vector<64x64xbf16>
    %convert_element_type3A_38 = arith.extf %convert_element_type3A_37 : vector<64x64xbf16> to vector<64x64xf32>
    %dot_general3A = arith.constant dense<0.000000e+00> : vector<512x64xf32>
    %dot_general3A_39 = tpu.matmul %convert_element_type3A_33, %convert_element_type3A_38, %dot_general3A {dimension_numbers = #tpu.dot_dimension_numbers<[1], [0], [0], [1], [0, 0, 1, 1], [], []>, precision = #tpu.contract_precision<fp32>, transpose_lhs_hint = false} : vector<512x64xf32>, vector<64x64xf32>, vector<512x64xf32> -> vector<512x64xf32>
    %get3A_40 = arith.constant 0 : index
    %get3A_41 = arith.constant 0 : index
    %get3A_42 = vector.load %arg6[%get3A_40, %get3A_41] : memref<1x64xf32, #tpu.memory_space<vmem>>, vector<1x64xf32>
    %add3A_43 = vector.broadcast %get3A_42 : vector<1x64xf32> to vector<512x64xf32>
    %add3A_44 = arith.addf %dot_general3A_39, %add3A_43 : vector<512x64xf32>
    %get3A_45 = arith.constant 0 : index
    %get3A_46 = arith.constant 1 : index
    %get3A_47 = arith.constant 0 : index
    %get3A_48 = arith.constant 0 : index
    %get3A_49 = vector.load %arg2[%get3A_45, %get3A_46, %get3A_47, %get3A_48] : memref<1x8x512x3xf32, #tpu.memory_space<vmem>>, vector<1x1x512x3xf32>
    %get3A_50 = vector.shape_cast %get3A_49 : vector<1x1x512x3xf32> to vector<512x3xf32>
    %convert_element_type3A_51 = arith.truncf %get3A_50 : vector<512x3xf32> to vector<512x3xbf16>
    %convert_element_type3A_52 = arith.extf %convert_element_type3A_51 : vector<512x3xbf16> to vector<512x3xf32>
    %get3A_53 = arith.constant 0 : index
    %get3A_54 = arith.constant 0 : index
    %get3A_55 = vector.load %arg3[%get3A_53, %get3A_54] : memref<3x64xf32, #tpu.memory_space<vmem>>, vector<3x64xf32>
    %convert_element_type3A_56 = arith.truncf %get3A_55 : vector<3x64xf32> to vector<3x64xbf16>
    %convert_element_type3A_57 = arith.extf %convert_element_type3A_56 : vector<3x64xbf16> to vector<3x64xf32>
    %slice3A_58 = vector.extract_strided_slice %convert_element_type3A_52 {offsets = [0, 0], sizes = [512, 1], strides = [1, 1]} : vector<512x3xf32> to vector<512x1xf32>
    %slice3A_59 = vector.extract_strided_slice %convert_element_type3A_57 {offsets = [0, 0], sizes = [1, 64], strides = [1, 1]} : vector<3x64xf32> to vector<1x64xf32>
    %mul3A_60 = vector.broadcast %slice3A_58 : vector<512x1xf32> to vector<512x64xf32>
    %mul3A_61 = vector.broadcast %slice3A_59 : vector<1x64xf32> to vector<512x64xf32>
    %mul3A_62 = arith.mulf %mul3A_60, %mul3A_61 : vector<512x64xf32>
    %slice3A_63 = vector.extract_strided_slice %convert_element_type3A_52 {offsets = [0, 1], sizes = [512, 1], strides = [1, 1]} : vector<512x3xf32> to vector<512x1xf32>
    %slice3A_64 = vector.extract_strided_slice %convert_element_type3A_57 {offsets = [1, 0], sizes = [1, 64], strides = [1, 1]} : vector<3x64xf32> to vector<1x64xf32>
    %mul3A_65 = vector.broadcast %slice3A_63 : vector<512x1xf32> to vector<512x64xf32>
    %mul3A_66 = vector.broadcast %slice3A_64 : vector<1x64xf32> to vector<512x64xf32>
    %mul3A_67 = arith.mulf %mul3A_65, %mul3A_66 : vector<512x64xf32>
    %add3A_68 = arith.addf %mul3A_62, %mul3A_67 : vector<512x64xf32>
    %slice3A_69 = vector.extract_strided_slice %convert_element_type3A_52 {offsets = [0, 2], sizes = [512, 1], strides = [1, 1]} : vector<512x3xf32> to vector<512x1xf32>
    %slice3A_70 = vector.extract_strided_slice %convert_element_type3A_57 {offsets = [2, 0], sizes = [1, 64], strides = [1, 1]} : vector<3x64xf32> to vector<1x64xf32>
    %mul3A_71 = vector.broadcast %slice3A_69 : vector<512x1xf32> to vector<512x64xf32>
    %mul3A_72 = vector.broadcast %slice3A_70 : vector<1x64xf32> to vector<512x64xf32>
    %mul3A_73 = arith.mulf %mul3A_71, %mul3A_72 : vector<512x64xf32>
    %add3A_74 = arith.addf %add3A_68, %mul3A_73 : vector<512x64xf32>
    %get3A_75 = arith.constant 0 : index
    %get3A_76 = arith.constant 0 : index
    %get3A_77 = vector.load %arg4[%get3A_75, %get3A_76] : memref<1x64xf32, #tpu.memory_space<vmem>>, vector<1x64xf32>
    %add3A_78 = vector.broadcast %get3A_77 : vector<1x64xf32> to vector<512x64xf32>
    %add3A_79 = arith.addf %add3A_74, %add3A_78 : vector<512x64xf32>
    %max3A_80 = arith.constant 0.000000e+00 : f32
    %max3A_81 = vector.broadcast %max3A_80 : f32 to vector<512x64xf32>
    %max3A_82 = arith.maximumf %add3A_79, %max3A_81 : vector<512x64xf32>
    %convert_element_type3A_83 = arith.truncf %max3A_82 : vector<512x64xf32> to vector<512x64xbf16>
    %convert_element_type3A_84 = arith.extf %convert_element_type3A_83 : vector<512x64xbf16> to vector<512x64xf32>
    %get3A_85 = arith.constant 0 : index
    %get3A_86 = arith.constant 0 : index
    %get3A_87 = vector.load %arg5[%get3A_85, %get3A_86] : memref<64x64xf32, #tpu.memory_space<vmem>>, vector<64x64xf32>
    %convert_element_type3A_88 = arith.truncf %get3A_87 : vector<64x64xf32> to vector<64x64xbf16>
    %convert_element_type3A_89 = arith.extf %convert_element_type3A_88 : vector<64x64xbf16> to vector<64x64xf32>
    %dot_general3A_90 = arith.constant dense<0.000000e+00> : vector<512x64xf32>
    %dot_general3A_91 = tpu.matmul %convert_element_type3A_84, %convert_element_type3A_89, %dot_general3A_90 {dimension_numbers = #tpu.dot_dimension_numbers<[1], [0], [0], [1], [0, 0, 1, 1], [], []>, precision = #tpu.contract_precision<fp32>, transpose_lhs_hint = false} : vector<512x64xf32>, vector<64x64xf32>, vector<512x64xf32> -> vector<512x64xf32>
    %get3A_92 = arith.constant 0 : index
    %get3A_93 = arith.constant 0 : index
    %get3A_94 = vector.load %arg6[%get3A_92, %get3A_93] : memref<1x64xf32, #tpu.memory_space<vmem>>, vector<1x64xf32>
    %add3A_95 = vector.broadcast %get3A_94 : vector<1x64xf32> to vector<512x64xf32>
    %add3A_96 = arith.addf %dot_general3A_91, %add3A_95 : vector<512x64xf32>
    %max3A_97 = arith.maximumf %add3A_44, %add3A_96 : vector<512x64xf32>
    %get3A_98 = arith.constant 0 : index
    %get3A_99 = arith.constant 2 : index
    %get3A_100 = arith.constant 0 : index
    %get3A_101 = arith.constant 0 : index
    %get3A_102 = vector.load %arg2[%get3A_98, %get3A_99, %get3A_100, %get3A_101] : memref<1x8x512x3xf32, #tpu.memory_space<vmem>>, vector<1x1x512x3xf32>
    %get3A_103 = vector.shape_cast %get3A_102 : vector<1x1x512x3xf32> to vector<512x3xf32>
    %convert_element_type3A_104 = arith.truncf %get3A_103 : vector<512x3xf32> to vector<512x3xbf16>
    %convert_element_type3A_105 = arith.extf %convert_element_type3A_104 : vector<512x3xbf16> to vector<512x3xf32>
    %get3A_106 = arith.constant 0 : index
    %get3A_107 = arith.constant 0 : index
    %get3A_108 = vector.load %arg3[%get3A_106, %get3A_107] : memref<3x64xf32, #tpu.memory_space<vmem>>, vector<3x64xf32>
    %convert_element_type3A_109 = arith.truncf %get3A_108 : vector<3x64xf32> to vector<3x64xbf16>
    %convert_element_type3A_110 = arith.extf %convert_element_type3A_109 : vector<3x64xbf16> to vector<3x64xf32>
    %slice3A_111 = vector.extract_strided_slice %convert_element_type3A_105 {offsets = [0, 0], sizes = [512, 1], strides = [1, 1]} : vector<512x3xf32> to vector<512x1xf32>
    %slice3A_112 = vector.extract_strided_slice %convert_element_type3A_110 {offsets = [0, 0], sizes = [1, 64], strides = [1, 1]} : vector<3x64xf32> to vector<1x64xf32>
    %mul3A_113 = vector.broadcast %slice3A_111 : vector<512x1xf32> to vector<512x64xf32>
    %mul3A_114 = vector.broadcast %slice3A_112 : vector<1x64xf32> to vector<512x64xf32>
    %mul3A_115 = arith.mulf %mul3A_113, %mul3A_114 : vector<512x64xf32>
    %slice3A_116 = vector.extract_strided_slice %convert_element_type3A_105 {offsets = [0, 1], sizes = [512, 1], strides = [1, 1]} : vector<512x3xf32> to vector<512x1xf32>
    %slice3A_117 = vector.extract_strided_slice %convert_element_type3A_110 {offsets = [1, 0], sizes = [1, 64], strides = [1, 1]} : vector<3x64xf32> to vector<1x64xf32>
    %mul3A_118 = vector.broadcast %slice3A_116 : vector<512x1xf32> to vector<512x64xf32>
    %mul3A_119 = vector.broadcast %slice3A_117 : vector<1x64xf32> to vector<512x64xf32>
    %mul3A_120 = arith.mulf %mul3A_118, %mul3A_119 : vector<512x64xf32>
    %add3A_121 = arith.addf %mul3A_115, %mul3A_120 : vector<512x64xf32>
    %slice3A_122 = vector.extract_strided_slice %convert_element_type3A_105 {offsets = [0, 2], sizes = [512, 1], strides = [1, 1]} : vector<512x3xf32> to vector<512x1xf32>
    %slice3A_123 = vector.extract_strided_slice %convert_element_type3A_110 {offsets = [2, 0], sizes = [1, 64], strides = [1, 1]} : vector<3x64xf32> to vector<1x64xf32>
    %mul3A_124 = vector.broadcast %slice3A_122 : vector<512x1xf32> to vector<512x64xf32>
    %mul3A_125 = vector.broadcast %slice3A_123 : vector<1x64xf32> to vector<512x64xf32>
    %mul3A_126 = arith.mulf %mul3A_124, %mul3A_125 : vector<512x64xf32>
    %add3A_127 = arith.addf %add3A_121, %mul3A_126 : vector<512x64xf32>
    %get3A_128 = arith.constant 0 : index
    %get3A_129 = arith.constant 0 : index
    %get3A_130 = vector.load %arg4[%get3A_128, %get3A_129] : memref<1x64xf32, #tpu.memory_space<vmem>>, vector<1x64xf32>
    %add3A_131 = vector.broadcast %get3A_130 : vector<1x64xf32> to vector<512x64xf32>
    %add3A_132 = arith.addf %add3A_127, %add3A_131 : vector<512x64xf32>
    %max3A_133 = arith.constant 0.000000e+00 : f32
    %max3A_134 = vector.broadcast %max3A_133 : f32 to vector<512x64xf32>
    %max3A_135 = arith.maximumf %add3A_132, %max3A_134 : vector<512x64xf32>
    %convert_element_type3A_136 = arith.truncf %max3A_135 : vector<512x64xf32> to vector<512x64xbf16>
    %convert_element_type3A_137 = arith.extf %convert_element_type3A_136 : vector<512x64xbf16> to vector<512x64xf32>
    %get3A_138 = arith.constant 0 : index
    %get3A_139 = arith.constant 0 : index
    %get3A_140 = vector.load %arg5[%get3A_138, %get3A_139] : memref<64x64xf32, #tpu.memory_space<vmem>>, vector<64x64xf32>
    %convert_element_type3A_141 = arith.truncf %get3A_140 : vector<64x64xf32> to vector<64x64xbf16>
    %convert_element_type3A_142 = arith.extf %convert_element_type3A_141 : vector<64x64xbf16> to vector<64x64xf32>
    %dot_general3A_143 = arith.constant dense<0.000000e+00> : vector<512x64xf32>
    %dot_general3A_144 = tpu.matmul %convert_element_type3A_137, %convert_element_type3A_142, %dot_general3A_143 {dimension_numbers = #tpu.dot_dimension_numbers<[1], [0], [0], [1], [0, 0, 1, 1], [], []>, precision = #tpu.contract_precision<fp32>, transpose_lhs_hint = false} : vector<512x64xf32>, vector<64x64xf32>, vector<512x64xf32> -> vector<512x64xf32>
    %get3A_145 = arith.constant 0 : index
    %get3A_146 = arith.constant 0 : index
    %get3A_147 = vector.load %arg6[%get3A_145, %get3A_146] : memref<1x64xf32, #tpu.memory_space<vmem>>, vector<1x64xf32>
    %add3A_148 = vector.broadcast %get3A_147 : vector<1x64xf32> to vector<512x64xf32>
    %add3A_149 = arith.addf %dot_general3A_144, %add3A_148 : vector<512x64xf32>
    %max3A_150 = arith.maximumf %max3A_97, %add3A_149 : vector<512x64xf32>
    %get3A_151 = arith.constant 0 : index
    %get3A_152 = arith.constant 3 : index
    %get3A_153 = arith.constant 0 : index
    %get3A_154 = arith.constant 0 : index
    %get3A_155 = vector.load %arg2[%get3A_151, %get3A_152, %get3A_153, %get3A_154] : memref<1x8x512x3xf32, #tpu.memory_space<vmem>>, vector<1x1x512x3xf32>
    %get3A_156 = vector.shape_cast %get3A_155 : vector<1x1x512x3xf32> to vector<512x3xf32>
    %convert_element_type3A_157 = arith.truncf %get3A_156 : vector<512x3xf32> to vector<512x3xbf16>
    %convert_element_type3A_158 = arith.extf %convert_element_type3A_157 : vector<512x3xbf16> to vector<512x3xf32>
    %get3A_159 = arith.constant 0 : index
    %get3A_160 = arith.constant 0 : index
    %get3A_161 = vector.load %arg3[%get3A_159, %get3A_160] : memref<3x64xf32, #tpu.memory_space<vmem>>, vector<3x64xf32>
    %convert_element_type3A_162 = arith.truncf %get3A_161 : vector<3x64xf32> to vector<3x64xbf16>
    %convert_element_type3A_163 = arith.extf %convert_element_type3A_162 : vector<3x64xbf16> to vector<3x64xf32>
    %slice3A_164 = vector.extract_strided_slice %convert_element_type3A_158 {offsets = [0, 0], sizes = [512, 1], strides = [1, 1]} : vector<512x3xf32> to vector<512x1xf32>
    %slice3A_165 = vector.extract_strided_slice %convert_element_type3A_163 {offsets = [0, 0], sizes = [1, 64], strides = [1, 1]} : vector<3x64xf32> to vector<1x64xf32>
    %mul3A_166 = vector.broadcast %slice3A_164 : vector<512x1xf32> to vector<512x64xf32>
    %mul3A_167 = vector.broadcast %slice3A_165 : vector<1x64xf32> to vector<512x64xf32>
    %mul3A_168 = arith.mulf %mul3A_166, %mul3A_167 : vector<512x64xf32>
    %slice3A_169 = vector.extract_strided_slice %convert_element_type3A_158 {offsets = [0, 1], sizes = [512, 1], strides = [1, 1]} : vector<512x3xf32> to vector<512x1xf32>
    %slice3A_170 = vector.extract_strided_slice %convert_element_type3A_163 {offsets = [1, 0], sizes = [1, 64], strides = [1, 1]} : vector<3x64xf32> to vector<1x64xf32>
    %mul3A_171 = vector.broadcast %slice3A_169 : vector<512x1xf32> to vector<512x64xf32>
    %mul3A_172 = vector.broadcast %slice3A_170 : vector<1x64xf32> to vector<512x64xf32>
    %mul3A_173 = arith.mulf %mul3A_171, %mul3A_172 : vector<512x64xf32>
    %add3A_174 = arith.addf %mul3A_168, %mul3A_173 : vector<512x64xf32>
    %slice3A_175 = vector.extract_strided_slice %convert_element_type3A_158 {offsets = [0, 2], sizes = [512, 1], strides = [1, 1]} : vector<512x3xf32> to vector<512x1xf32>
    %slice3A_176 = vector.extract_strided_slice %convert_element_type3A_163 {offsets = [2, 0], sizes = [1, 64], strides = [1, 1]} : vector<3x64xf32> to vector<1x64xf32>
    %mul3A_177 = vector.broadcast %slice3A_175 : vector<512x1xf32> to vector<512x64xf32>
    %mul3A_178 = vector.broadcast %slice3A_176 : vector<1x64xf32> to vector<512x64xf32>
    %mul3A_179 = arith.mulf %mul3A_177, %mul3A_178 : vector<512x64xf32>
    %add3A_180 = arith.addf %add3A_174, %mul3A_179 : vector<512x64xf32>
    %get3A_181 = arith.constant 0 : index
    %get3A_182 = arith.constant 0 : index
    %get3A_183 = vector.load %arg4[%get3A_181, %get3A_182] : memref<1x64xf32, #tpu.memory_space<vmem>>, vector<1x64xf32>
    %add3A_184 = vector.broadcast %get3A_183 : vector<1x64xf32> to vector<512x64xf32>
    %add3A_185 = arith.addf %add3A_180, %add3A_184 : vector<512x64xf32>
    %max3A_186 = arith.constant 0.000000e+00 : f32
    %max3A_187 = vector.broadcast %max3A_186 : f32 to vector<512x64xf32>
    %max3A_188 = arith.maximumf %add3A_185, %max3A_187 : vector<512x64xf32>
    %convert_element_type3A_189 = arith.truncf %max3A_188 : vector<512x64xf32> to vector<512x64xbf16>
    %convert_element_type3A_190 = arith.extf %convert_element_type3A_189 : vector<512x64xbf16> to vector<512x64xf32>
    %get3A_191 = arith.constant 0 : index
    %get3A_192 = arith.constant 0 : index
    %get3A_193 = vector.load %arg5[%get3A_191, %get3A_192] : memref<64x64xf32, #tpu.memory_space<vmem>>, vector<64x64xf32>
    %convert_element_type3A_194 = arith.truncf %get3A_193 : vector<64x64xf32> to vector<64x64xbf16>
    %convert_element_type3A_195 = arith.extf %convert_element_type3A_194 : vector<64x64xbf16> to vector<64x64xf32>
    %dot_general3A_196 = arith.constant dense<0.000000e+00> : vector<512x64xf32>
    %dot_general3A_197 = tpu.matmul %convert_element_type3A_190, %convert_element_type3A_195, %dot_general3A_196 {dimension_numbers = #tpu.dot_dimension_numbers<[1], [0], [0], [1], [0, 0, 1, 1], [], []>, precision = #tpu.contract_precision<fp32>, transpose_lhs_hint = false} : vector<512x64xf32>, vector<64x64xf32>, vector<512x64xf32> -> vector<512x64xf32>
    %get3A_198 = arith.constant 0 : index
    %get3A_199 = arith.constant 0 : index
    %get3A_200 = vector.load %arg6[%get3A_198, %get3A_199] : memref<1x64xf32, #tpu.memory_space<vmem>>, vector<1x64xf32>
    %add3A_201 = vector.broadcast %get3A_200 : vector<1x64xf32> to vector<512x64xf32>
    %add3A_202 = arith.addf %dot_general3A_197, %add3A_201 : vector<512x64xf32>
    %max3A_203 = arith.maximumf %max3A_150, %add3A_202 : vector<512x64xf32>
    %get3A_204 = arith.constant 0 : index
    %get3A_205 = arith.constant 4 : index
    %get3A_206 = arith.constant 0 : index
    %get3A_207 = arith.constant 0 : index
    %get3A_208 = vector.load %arg2[%get3A_204, %get3A_205, %get3A_206, %get3A_207] : memref<1x8x512x3xf32, #tpu.memory_space<vmem>>, vector<1x1x512x3xf32>
    %get3A_209 = vector.shape_cast %get3A_208 : vector<1x1x512x3xf32> to vector<512x3xf32>
    %convert_element_type3A_210 = arith.truncf %get3A_209 : vector<512x3xf32> to vector<512x3xbf16>
    %convert_element_type3A_211 = arith.extf %convert_element_type3A_210 : vector<512x3xbf16> to vector<512x3xf32>
    %get3A_212 = arith.constant 0 : index
    %get3A_213 = arith.constant 0 : index
    %get3A_214 = vector.load %arg3[%get3A_212, %get3A_213] : memref<3x64xf32, #tpu.memory_space<vmem>>, vector<3x64xf32>
    %convert_element_type3A_215 = arith.truncf %get3A_214 : vector<3x64xf32> to vector<3x64xbf16>
    %convert_element_type3A_216 = arith.extf %convert_element_type3A_215 : vector<3x64xbf16> to vector<3x64xf32>
    %slice3A_217 = vector.extract_strided_slice %convert_element_type3A_211 {offsets = [0, 0], sizes = [512, 1], strides = [1, 1]} : vector<512x3xf32> to vector<512x1xf32>
    %slice3A_218 = vector.extract_strided_slice %convert_element_type3A_216 {offsets = [0, 0], sizes = [1, 64], strides = [1, 1]} : vector<3x64xf32> to vector<1x64xf32>
    %mul3A_219 = vector.broadcast %slice3A_217 : vector<512x1xf32> to vector<512x64xf32>
    %mul3A_220 = vector.broadcast %slice3A_218 : vector<1x64xf32> to vector<512x64xf32>
    %mul3A_221 = arith.mulf %mul3A_219, %mul3A_220 : vector<512x64xf32>
    %slice3A_222 = vector.extract_strided_slice %convert_element_type3A_211 {offsets = [0, 1], sizes = [512, 1], strides = [1, 1]} : vector<512x3xf32> to vector<512x1xf32>
    %slice3A_223 = vector.extract_strided_slice %convert_element_type3A_216 {offsets = [1, 0], sizes = [1, 64], strides = [1, 1]} : vector<3x64xf32> to vector<1x64xf32>
    %mul3A_224 = vector.broadcast %slice3A_222 : vector<512x1xf32> to vector<512x64xf32>
    %mul3A_225 = vector.broadcast %slice3A_223 : vector<1x64xf32> to vector<512x64xf32>
    %mul3A_226 = arith.mulf %mul3A_224, %mul3A_225 : vector<512x64xf32>
    %add3A_227 = arith.addf %mul3A_221, %mul3A_226 : vector<512x64xf32>
    %slice3A_228 = vector.extract_strided_slice %convert_element_type3A_211 {offsets = [0, 2], sizes = [512, 1], strides = [1, 1]} : vector<512x3xf32> to vector<512x1xf32>
    %slice3A_229 = vector.extract_strided_slice %convert_element_type3A_216 {offsets = [2, 0], sizes = [1, 64], strides = [1, 1]} : vector<3x64xf32> to vector<1x64xf32>
    %mul3A_230 = vector.broadcast %slice3A_228 : vector<512x1xf32> to vector<512x64xf32>
    %mul3A_231 = vector.broadcast %slice3A_229 : vector<1x64xf32> to vector<512x64xf32>
    %mul3A_232 = arith.mulf %mul3A_230, %mul3A_231 : vector<512x64xf32>
    %add3A_233 = arith.addf %add3A_227, %mul3A_232 : vector<512x64xf32>
    %get3A_234 = arith.constant 0 : index
    %get3A_235 = arith.constant 0 : index
    %get3A_236 = vector.load %arg4[%get3A_234, %get3A_235] : memref<1x64xf32, #tpu.memory_space<vmem>>, vector<1x64xf32>
    %add3A_237 = vector.broadcast %get3A_236 : vector<1x64xf32> to vector<512x64xf32>
    %add3A_238 = arith.addf %add3A_233, %add3A_237 : vector<512x64xf32>
    %max3A_239 = arith.constant 0.000000e+00 : f32
    %max3A_240 = vector.broadcast %max3A_239 : f32 to vector<512x64xf32>
    %max3A_241 = arith.maximumf %add3A_238, %max3A_240 : vector<512x64xf32>
    %convert_element_type3A_242 = arith.truncf %max3A_241 : vector<512x64xf32> to vector<512x64xbf16>
    %convert_element_type3A_243 = arith.extf %convert_element_type3A_242 : vector<512x64xbf16> to vector<512x64xf32>
    %get3A_244 = arith.constant 0 : index
    %get3A_245 = arith.constant 0 : index
    %get3A_246 = vector.load %arg5[%get3A_244, %get3A_245] : memref<64x64xf32, #tpu.memory_space<vmem>>, vector<64x64xf32>
    %convert_element_type3A_247 = arith.truncf %get3A_246 : vector<64x64xf32> to vector<64x64xbf16>
    %convert_element_type3A_248 = arith.extf %convert_element_type3A_247 : vector<64x64xbf16> to vector<64x64xf32>
    %dot_general3A_249 = arith.constant dense<0.000000e+00> : vector<512x64xf32>
    %dot_general3A_250 = tpu.matmul %convert_element_type3A_243, %convert_element_type3A_248, %dot_general3A_249 {dimension_numbers = #tpu.dot_dimension_numbers<[1], [0], [0], [1], [0, 0, 1, 1], [], []>, precision = #tpu.contract_precision<fp32>, transpose_lhs_hint = false} : vector<512x64xf32>, vector<64x64xf32>, vector<512x64xf32> -> vector<512x64xf32>
    %get3A_251 = arith.constant 0 : index
    %get3A_252 = arith.constant 0 : index
    %get3A_253 = vector.load %arg6[%get3A_251, %get3A_252] : memref<1x64xf32, #tpu.memory_space<vmem>>, vector<1x64xf32>
    %add3A_254 = vector.broadcast %get3A_253 : vector<1x64xf32> to vector<512x64xf32>
    %add3A_255 = arith.addf %dot_general3A_250, %add3A_254 : vector<512x64xf32>
    %max3A_256 = arith.maximumf %max3A_203, %add3A_255 : vector<512x64xf32>
    %get3A_257 = arith.constant 0 : index
    %get3A_258 = arith.constant 5 : index
    %get3A_259 = arith.constant 0 : index
    %get3A_260 = arith.constant 0 : index
    %get3A_261 = vector.load %arg2[%get3A_257, %get3A_258, %get3A_259, %get3A_260] : memref<1x8x512x3xf32, #tpu.memory_space<vmem>>, vector<1x1x512x3xf32>
    %get3A_262 = vector.shape_cast %get3A_261 : vector<1x1x512x3xf32> to vector<512x3xf32>
    %convert_element_type3A_263 = arith.truncf %get3A_262 : vector<512x3xf32> to vector<512x3xbf16>
    %convert_element_type3A_264 = arith.extf %convert_element_type3A_263 : vector<512x3xbf16> to vector<512x3xf32>
    %get3A_265 = arith.constant 0 : index
    %get3A_266 = arith.constant 0 : index
    %get3A_267 = vector.load %arg3[%get3A_265, %get3A_266] : memref<3x64xf32, #tpu.memory_space<vmem>>, vector<3x64xf32>
    %convert_element_type3A_268 = arith.truncf %get3A_267 : vector<3x64xf32> to vector<3x64xbf16>
    %convert_element_type3A_269 = arith.extf %convert_element_type3A_268 : vector<3x64xbf16> to vector<3x64xf32>
    %slice3A_270 = vector.extract_strided_slice %convert_element_type3A_264 {offsets = [0, 0], sizes = [512, 1], strides = [1, 1]} : vector<512x3xf32> to vector<512x1xf32>
    %slice3A_271 = vector.extract_strided_slice %convert_element_type3A_269 {offsets = [0, 0], sizes = [1, 64], strides = [1, 1]} : vector<3x64xf32> to vector<1x64xf32>
    %mul3A_272 = vector.broadcast %slice3A_270 : vector<512x1xf32> to vector<512x64xf32>
    %mul3A_273 = vector.broadcast %slice3A_271 : vector<1x64xf32> to vector<512x64xf32>
    %mul3A_274 = arith.mulf %mul3A_272, %mul3A_273 : vector<512x64xf32>
    %slice3A_275 = vector.extract_strided_slice %convert_element_type3A_264 {offsets = [0, 1], sizes = [512, 1], strides = [1, 1]} : vector<512x3xf32> to vector<512x1xf32>
    %slice3A_276 = vector.extract_strided_slice %convert_element_type3A_269 {offsets = [1, 0], sizes = [1, 64], strides = [1, 1]} : vector<3x64xf32> to vector<1x64xf32>
    %mul3A_277 = vector.broadcast %slice3A_275 : vector<512x1xf32> to vector<512x64xf32>
    %mul3A_278 = vector.broadcast %slice3A_276 : vector<1x64xf32> to vector<512x64xf32>
    %mul3A_279 = arith.mulf %mul3A_277, %mul3A_278 : vector<512x64xf32>
    %add3A_280 = arith.addf %mul3A_274, %mul3A_279 : vector<512x64xf32>
    %slice3A_281 = vector.extract_strided_slice %convert_element_type3A_264 {offsets = [0, 2], sizes = [512, 1], strides = [1, 1]} : vector<512x3xf32> to vector<512x1xf32>
    %slice3A_282 = vector.extract_strided_slice %convert_element_type3A_269 {offsets = [2, 0], sizes = [1, 64], strides = [1, 1]} : vector<3x64xf32> to vector<1x64xf32>
    %mul3A_283 = vector.broadcast %slice3A_281 : vector<512x1xf32> to vector<512x64xf32>
    %mul3A_284 = vector.broadcast %slice3A_282 : vector<1x64xf32> to vector<512x64xf32>
    %mul3A_285 = arith.mulf %mul3A_283, %mul3A_284 : vector<512x64xf32>
    %add3A_286 = arith.addf %add3A_280, %mul3A_285 : vector<512x64xf32>
    %get3A_287 = arith.constant 0 : index
    %get3A_288 = arith.constant 0 : index
    %get3A_289 = vector.load %arg4[%get3A_287, %get3A_288] : memref<1x64xf32, #tpu.memory_space<vmem>>, vector<1x64xf32>
    %add3A_290 = vector.broadcast %get3A_289 : vector<1x64xf32> to vector<512x64xf32>
    %add3A_291 = arith.addf %add3A_286, %add3A_290 : vector<512x64xf32>
    %max3A_292 = arith.constant 0.000000e+00 : f32
    %max3A_293 = vector.broadcast %max3A_292 : f32 to vector<512x64xf32>
    %max3A_294 = arith.maximumf %add3A_291, %max3A_293 : vector<512x64xf32>
    %convert_element_type3A_295 = arith.truncf %max3A_294 : vector<512x64xf32> to vector<512x64xbf16>
    %convert_element_type3A_296 = arith.extf %convert_element_type3A_295 : vector<512x64xbf16> to vector<512x64xf32>
    %get3A_297 = arith.constant 0 : index
    %get3A_298 = arith.constant 0 : index
    %get3A_299 = vector.load %arg5[%get3A_297, %get3A_298] : memref<64x64xf32, #tpu.memory_space<vmem>>, vector<64x64xf32>
    %convert_element_type3A_300 = arith.truncf %get3A_299 : vector<64x64xf32> to vector<64x64xbf16>
    %convert_element_type3A_301 = arith.extf %convert_element_type3A_300 : vector<64x64xbf16> to vector<64x64xf32>
    %dot_general3A_302 = arith.constant dense<0.000000e+00> : vector<512x64xf32>
    %dot_general3A_303 = tpu.matmul %convert_element_type3A_296, %convert_element_type3A_301, %dot_general3A_302 {dimension_numbers = #tpu.dot_dimension_numbers<[1], [0], [0], [1], [0, 0, 1, 1], [], []>, precision = #tpu.contract_precision<fp32>, transpose_lhs_hint = false} : vector<512x64xf32>, vector<64x64xf32>, vector<512x64xf32> -> vector<512x64xf32>
    %get3A_304 = arith.constant 0 : index
    %get3A_305 = arith.constant 0 : index
    %get3A_306 = vector.load %arg6[%get3A_304, %get3A_305] : memref<1x64xf32, #tpu.memory_space<vmem>>, vector<1x64xf32>
    %add3A_307 = vector.broadcast %get3A_306 : vector<1x64xf32> to vector<512x64xf32>
    %add3A_308 = arith.addf %dot_general3A_303, %add3A_307 : vector<512x64xf32>
    %max3A_309 = arith.maximumf %max3A_256, %add3A_308 : vector<512x64xf32>
    %get3A_310 = arith.constant 0 : index
    %get3A_311 = arith.constant 6 : index
    %get3A_312 = arith.constant 0 : index
    %get3A_313 = arith.constant 0 : index
    %get3A_314 = vector.load %arg2[%get3A_310, %get3A_311, %get3A_312, %get3A_313] : memref<1x8x512x3xf32, #tpu.memory_space<vmem>>, vector<1x1x512x3xf32>
    %get3A_315 = vector.shape_cast %get3A_314 : vector<1x1x512x3xf32> to vector<512x3xf32>
    %convert_element_type3A_316 = arith.truncf %get3A_315 : vector<512x3xf32> to vector<512x3xbf16>
    %convert_element_type3A_317 = arith.extf %convert_element_type3A_316 : vector<512x3xbf16> to vector<512x3xf32>
    %get3A_318 = arith.constant 0 : index
    %get3A_319 = arith.constant 0 : index
    %get3A_320 = vector.load %arg3[%get3A_318, %get3A_319] : memref<3x64xf32, #tpu.memory_space<vmem>>, vector<3x64xf32>
    %convert_element_type3A_321 = arith.truncf %get3A_320 : vector<3x64xf32> to vector<3x64xbf16>
    %convert_element_type3A_322 = arith.extf %convert_element_type3A_321 : vector<3x64xbf16> to vector<3x64xf32>
    %slice3A_323 = vector.extract_strided_slice %convert_element_type3A_317 {offsets = [0, 0], sizes = [512, 1], strides = [1, 1]} : vector<512x3xf32> to vector<512x1xf32>
    %slice3A_324 = vector.extract_strided_slice %convert_element_type3A_322 {offsets = [0, 0], sizes = [1, 64], strides = [1, 1]} : vector<3x64xf32> to vector<1x64xf32>
    %mul3A_325 = vector.broadcast %slice3A_323 : vector<512x1xf32> to vector<512x64xf32>
    %mul3A_326 = vector.broadcast %slice3A_324 : vector<1x64xf32> to vector<512x64xf32>
    %mul3A_327 = arith.mulf %mul3A_325, %mul3A_326 : vector<512x64xf32>
    %slice3A_328 = vector.extract_strided_slice %convert_element_type3A_317 {offsets = [0, 1], sizes = [512, 1], strides = [1, 1]} : vector<512x3xf32> to vector<512x1xf32>
    %slice3A_329 = vector.extract_strided_slice %convert_element_type3A_322 {offsets = [1, 0], sizes = [1, 64], strides = [1, 1]} : vector<3x64xf32> to vector<1x64xf32>
    %mul3A_330 = vector.broadcast %slice3A_328 : vector<512x1xf32> to vector<512x64xf32>
    %mul3A_331 = vector.broadcast %slice3A_329 : vector<1x64xf32> to vector<512x64xf32>
    %mul3A_332 = arith.mulf %mul3A_330, %mul3A_331 : vector<512x64xf32>
    %add3A_333 = arith.addf %mul3A_327, %mul3A_332 : vector<512x64xf32>
    %slice3A_334 = vector.extract_strided_slice %convert_element_type3A_317 {offsets = [0, 2], sizes = [512, 1], strides = [1, 1]} : vector<512x3xf32> to vector<512x1xf32>
    %slice3A_335 = vector.extract_strided_slice %convert_element_type3A_322 {offsets = [2, 0], sizes = [1, 64], strides = [1, 1]} : vector<3x64xf32> to vector<1x64xf32>
    %mul3A_336 = vector.broadcast %slice3A_334 : vector<512x1xf32> to vector<512x64xf32>
    %mul3A_337 = vector.broadcast %slice3A_335 : vector<1x64xf32> to vector<512x64xf32>
    %mul3A_338 = arith.mulf %mul3A_336, %mul3A_337 : vector<512x64xf32>
    %add3A_339 = arith.addf %add3A_333, %mul3A_338 : vector<512x64xf32>
    %get3A_340 = arith.constant 0 : index
    %get3A_341 = arith.constant 0 : index
    %get3A_342 = vector.load %arg4[%get3A_340, %get3A_341] : memref<1x64xf32, #tpu.memory_space<vmem>>, vector<1x64xf32>
    %add3A_343 = vector.broadcast %get3A_342 : vector<1x64xf32> to vector<512x64xf32>
    %add3A_344 = arith.addf %add3A_339, %add3A_343 : vector<512x64xf32>
    %max3A_345 = arith.constant 0.000000e+00 : f32
    %max3A_346 = vector.broadcast %max3A_345 : f32 to vector<512x64xf32>
    %max3A_347 = arith.maximumf %add3A_344, %max3A_346 : vector<512x64xf32>
    %convert_element_type3A_348 = arith.truncf %max3A_347 : vector<512x64xf32> to vector<512x64xbf16>
    %convert_element_type3A_349 = arith.extf %convert_element_type3A_348 : vector<512x64xbf16> to vector<512x64xf32>
    %get3A_350 = arith.constant 0 : index
    %get3A_351 = arith.constant 0 : index
    %get3A_352 = vector.load %arg5[%get3A_350, %get3A_351] : memref<64x64xf32, #tpu.memory_space<vmem>>, vector<64x64xf32>
    %convert_element_type3A_353 = arith.truncf %get3A_352 : vector<64x64xf32> to vector<64x64xbf16>
    %convert_element_type3A_354 = arith.extf %convert_element_type3A_353 : vector<64x64xbf16> to vector<64x64xf32>
    %dot_general3A_355 = arith.constant dense<0.000000e+00> : vector<512x64xf32>
    %dot_general3A_356 = tpu.matmul %convert_element_type3A_349, %convert_element_type3A_354, %dot_general3A_355 {dimension_numbers = #tpu.dot_dimension_numbers<[1], [0], [0], [1], [0, 0, 1, 1], [], []>, precision = #tpu.contract_precision<fp32>, transpose_lhs_hint = false} : vector<512x64xf32>, vector<64x64xf32>, vector<512x64xf32> -> vector<512x64xf32>
    %get3A_357 = arith.constant 0 : index
    %get3A_358 = arith.constant 0 : index
    %get3A_359 = vector.load %arg6[%get3A_357, %get3A_358] : memref<1x64xf32, #tpu.memory_space<vmem>>, vector<1x64xf32>
    %add3A_360 = vector.broadcast %get3A_359 : vector<1x64xf32> to vector<512x64xf32>
    %add3A_361 = arith.addf %dot_general3A_356, %add3A_360 : vector<512x64xf32>
    %max3A_362 = arith.maximumf %max3A_309, %add3A_361 : vector<512x64xf32>
    %get3A_363 = arith.constant 0 : index
    %get3A_364 = arith.constant 7 : index
    %get3A_365 = arith.constant 0 : index
    %get3A_366 = arith.constant 0 : index
    %get3A_367 = vector.load %arg2[%get3A_363, %get3A_364, %get3A_365, %get3A_366] : memref<1x8x512x3xf32, #tpu.memory_space<vmem>>, vector<1x1x512x3xf32>
    %get3A_368 = vector.shape_cast %get3A_367 : vector<1x1x512x3xf32> to vector<512x3xf32>
    %convert_element_type3A_369 = arith.truncf %get3A_368 : vector<512x3xf32> to vector<512x3xbf16>
    %convert_element_type3A_370 = arith.extf %convert_element_type3A_369 : vector<512x3xbf16> to vector<512x3xf32>
    %get3A_371 = arith.constant 0 : index
    %get3A_372 = arith.constant 0 : index
    %get3A_373 = vector.load %arg3[%get3A_371, %get3A_372] : memref<3x64xf32, #tpu.memory_space<vmem>>, vector<3x64xf32>
    %convert_element_type3A_374 = arith.truncf %get3A_373 : vector<3x64xf32> to vector<3x64xbf16>
    %convert_element_type3A_375 = arith.extf %convert_element_type3A_374 : vector<3x64xbf16> to vector<3x64xf32>
    %slice3A_376 = vector.extract_strided_slice %convert_element_type3A_370 {offsets = [0, 0], sizes = [512, 1], strides = [1, 1]} : vector<512x3xf32> to vector<512x1xf32>
    %slice3A_377 = vector.extract_strided_slice %convert_element_type3A_375 {offsets = [0, 0], sizes = [1, 64], strides = [1, 1]} : vector<3x64xf32> to vector<1x64xf32>
    %mul3A_378 = vector.broadcast %slice3A_376 : vector<512x1xf32> to vector<512x64xf32>
    %mul3A_379 = vector.broadcast %slice3A_377 : vector<1x64xf32> to vector<512x64xf32>
    %mul3A_380 = arith.mulf %mul3A_378, %mul3A_379 : vector<512x64xf32>
    %slice3A_381 = vector.extract_strided_slice %convert_element_type3A_370 {offsets = [0, 1], sizes = [512, 1], strides = [1, 1]} : vector<512x3xf32> to vector<512x1xf32>
    %slice3A_382 = vector.extract_strided_slice %convert_element_type3A_375 {offsets = [1, 0], sizes = [1, 64], strides = [1, 1]} : vector<3x64xf32> to vector<1x64xf32>
    %mul3A_383 = vector.broadcast %slice3A_381 : vector<512x1xf32> to vector<512x64xf32>
    %mul3A_384 = vector.broadcast %slice3A_382 : vector<1x64xf32> to vector<512x64xf32>
    %mul3A_385 = arith.mulf %mul3A_383, %mul3A_384 : vector<512x64xf32>
    %add3A_386 = arith.addf %mul3A_380, %mul3A_385 : vector<512x64xf32>
    %slice3A_387 = vector.extract_strided_slice %convert_element_type3A_370 {offsets = [0, 2], sizes = [512, 1], strides = [1, 1]} : vector<512x3xf32> to vector<512x1xf32>
    %slice3A_388 = vector.extract_strided_slice %convert_element_type3A_375 {offsets = [2, 0], sizes = [1, 64], strides = [1, 1]} : vector<3x64xf32> to vector<1x64xf32>
    %mul3A_389 = vector.broadcast %slice3A_387 : vector<512x1xf32> to vector<512x64xf32>
    %mul3A_390 = vector.broadcast %slice3A_388 : vector<1x64xf32> to vector<512x64xf32>
    %mul3A_391 = arith.mulf %mul3A_389, %mul3A_390 : vector<512x64xf32>
    %add3A_392 = arith.addf %add3A_386, %mul3A_391 : vector<512x64xf32>
    %get3A_393 = arith.constant 0 : index
    %get3A_394 = arith.constant 0 : index
    %get3A_395 = vector.load %arg4[%get3A_393, %get3A_394] : memref<1x64xf32, #tpu.memory_space<vmem>>, vector<1x64xf32>
    %add3A_396 = vector.broadcast %get3A_395 : vector<1x64xf32> to vector<512x64xf32>
    %add3A_397 = arith.addf %add3A_392, %add3A_396 : vector<512x64xf32>
    %max3A_398 = arith.constant 0.000000e+00 : f32
    %max3A_399 = vector.broadcast %max3A_398 : f32 to vector<512x64xf32>
    %max3A_400 = arith.maximumf %add3A_397, %max3A_399 : vector<512x64xf32>
    %convert_element_type3A_401 = arith.truncf %max3A_400 : vector<512x64xf32> to vector<512x64xbf16>
    %convert_element_type3A_402 = arith.extf %convert_element_type3A_401 : vector<512x64xbf16> to vector<512x64xf32>
    %get3A_403 = arith.constant 0 : index
    %get3A_404 = arith.constant 0 : index
    %get3A_405 = vector.load %arg5[%get3A_403, %get3A_404] : memref<64x64xf32, #tpu.memory_space<vmem>>, vector<64x64xf32>
    %convert_element_type3A_406 = arith.truncf %get3A_405 : vector<64x64xf32> to vector<64x64xbf16>
    %convert_element_type3A_407 = arith.extf %convert_element_type3A_406 : vector<64x64xbf16> to vector<64x64xf32>
    %dot_general3A_408 = arith.constant dense<0.000000e+00> : vector<512x64xf32>
    %dot_general3A_409 = tpu.matmul %convert_element_type3A_402, %convert_element_type3A_407, %dot_general3A_408 {dimension_numbers = #tpu.dot_dimension_numbers<[1], [0], [0], [1], [0, 0, 1, 1], [], []>, precision = #tpu.contract_precision<fp32>, transpose_lhs_hint = false} : vector<512x64xf32>, vector<64x64xf32>, vector<512x64xf32> -> vector<512x64xf32>
    %get3A_410 = arith.constant 0 : index
    %get3A_411 = arith.constant 0 : index
    %get3A_412 = vector.load %arg6[%get3A_410, %get3A_411] : memref<1x64xf32, #tpu.memory_space<vmem>>, vector<1x64xf32>
    %add3A_413 = vector.broadcast %get3A_412 : vector<1x64xf32> to vector<512x64xf32>
    %add3A_414 = arith.addf %dot_general3A_409, %add3A_413 : vector<512x64xf32>
    %max3A_415 = arith.maximumf %max3A_362, %add3A_414 : vector<512x64xf32>
    %swap3A = arith.constant 0 : index
    %swap3A_416 = arith.constant 0 : index
    %swap3A_417 = arith.constant 0 : index
    %swap3A_418 = vector.load %arg7[%swap3A, %swap3A_416, %swap3A_417] : memref<1x512x64xf32, #tpu.memory_space<vmem>>, vector<1x512x64xf32>
    %swap3A_419 = vector.shape_cast %swap3A_418 : vector<1x512x64xf32> to vector<512x64xf32>
    %swap3A_420 = vector.shape_cast %max3A_415 : vector<512x64xf32> to vector<1x512x64xf32>
    tpu.vector_store %arg7[%swap3A, %swap3A_416, %swap3A_417], %swap3A_420 {strides = array<i32>} : memref<1x512x64xf32, #tpu.memory_space<vmem>>, vector<1x512x64xf32>,
    return
  }
  func.func @transform_0(%arg0: i32, %arg1: i32) -> (i32, i32, i32, i32) {
    %c0_i32 = arith.constant 0 : i32
    %c0_i32_0 = arith.constant 0 : i32
    %c0_i32_1 = arith.constant 0 : i32
    return %arg0, %c0_i32, %arg1, %c0_i32_0 : i32, i32, i32, i32
  }
  func.func @transform_1(%arg0: i32, %arg1: i32) -> (i32, i32) {
    %c0_i32 = arith.constant 0 : i32
    %c0_i32_0 = arith.constant 0 : i32
    %c0_i32_1 = arith.constant 0 : i32
    return %c0_i32, %c0_i32_0 : i32, i32
  }
  func.func @transform_2(%arg0: i32, %arg1: i32) -> (i32, i32) {
    %c0_i32 = arith.constant 0 : i32
    %c0_i32_0 = arith.constant 0 : i32
    %c0_i32_1 = arith.constant 0 : i32
    return %c0_i32, %c0_i32_0 : i32, i32
  }
  func.func @transform_3(%arg0: i32, %arg1: i32) -> (i32, i32) {
    %c0_i32 = arith.constant 0 : i32
    %c0_i32_0 = arith.constant 0 : i32
    %c0_i32_1 = arith.constant 0 : i32
    return %c0_i32, %c0_i32_0 : i32, i32
  }
  func.func @transform_4(%arg0: i32, %arg1: i32) -> (i32, i32) {
    %c0_i32 = arith.constant 0 : i32
    %c0_i32_0 = arith.constant 0 : i32
    %c0_i32_1 = arith.constant 0 : i32
    return %c0_i32, %c0_i32_0 : i32, i32
  }
  func.func @transform_5(%arg0: i32, %arg1: i32) -> (i32, i32, i32) {
    %c0_i32 = arith.constant 0 : i32
    %c0_i32_0 = arith.constant 0 : i32
    return %arg0, %arg1, %c0_i32 : i32, i32, i32
  }
}

module attributes {stable_mosaic.version = 14 : i64} {
  func.func @_fps_body(%arg0: memref<8x4096xf32, #tpu.memory_space<vmem>>, %arg1: memref<8x4096xf32, #tpu.memory_space<vmem>>, %arg2: memref<8x4096xf32, #tpu.memory_space<vmem>>, %arg3: memref<1024x8xf32, #tpu.memory_space<vmem>>, %arg4: memref<1024x8xf32, #tpu.memory_space<vmem>>, %arg5: memref<1024x8xf32, #tpu.memory_space<vmem>>) attributes {dimension_semantics = [], scalar_prefetch = 0 : i64, scratch_operands = 0 : i64, tpu.core_type = #tpu.core_type<tc>} {
    %get3A = arith.constant 0 : index
    %get3A_0 = arith.constant 0 : index
    %get3A_1 = vector.load %arg0[%get3A, %get3A_0] : memref<8x4096xf32, #tpu.memory_space<vmem>>, vector<8x4096xf32>
    %get3A_2 = arith.constant 0 : index
    %get3A_3 = arith.constant 0 : index
    %get3A_4 = vector.load %arg1[%get3A_2, %get3A_3] : memref<8x4096xf32, #tpu.memory_space<vmem>>, vector<8x4096xf32>
    %get3A_5 = arith.constant 0 : index
    %get3A_6 = arith.constant 0 : index
    %get3A_7 = vector.load %arg2[%get3A_5, %get3A_6] : memref<8x4096xf32, #tpu.memory_space<vmem>>, vector<8x4096xf32>
    %iota3A = tpu.iota {dimensions = array<i32: 1>} : vector<8x4096xi32>
    %broadcast_in_dim3A = arith.constant 1.000000e+10 : f32
    %broadcast_in_dim3A_8 = vector.broadcast %broadcast_in_dim3A : f32 to vector<8x4096xf32>
    %broadcast_in_dim3A_9 = arith.constant 0 : i32
    %broadcast_in_dim3A_10 = vector.broadcast %broadcast_in_dim3A_9 : i32 to vector<8xi32>
    %scan3A = arith.constant 0 : i32
    %scan3A_11 = arith.constant 1024 : i32
    %scan3A_12 = arith.addi %scan3A, %scan3A_11 : i32
    %scan3A_13 = arith.constant 1 : i32
    %scan3A_14:2 = scf.for %scan3A_16 = %scan3A to %scan3A_12 step %scan3A_13 iter_args(%scan3A_17 = %broadcast_in_dim3A_8, %scan3A_18 = %broadcast_in_dim3A_10) -> (vector<8x4096xf32>, vector<8xi32>)  : i32 {
      %broadcast_in_dim3A_19 = vector.shape_cast %scan3A_18 : vector<8xi32> to vector<8x1xi32>
      %eq3A = vector.broadcast %broadcast_in_dim3A_19 : vector<8x1xi32> to vector<8x4096xi32>
      %eq3A_20 = arith.cmpi eq, %iota3A, %eq3A : vector<8x4096xi32>
      %jit3A = arith.constant 0.000000e+00 : f32
      %broadcast_in_dim3A_21 = vector.broadcast %jit3A : f32 to vector<8x4096xf32>
      %select_n3A = arith.select %eq3A_20, %get3A_1, %broadcast_in_dim3A_21 : vector<8x4096xi1>, vector<8x4096xf32>
      %reduce_sum3A = arith.constant dense<0.000000e+00> : vector<8xf32>
      %reduce_sum3A_22 = vector.multi_reduction <add>, %select_n3A, %reduce_sum3A [1] : vector<8x4096xf32> to vector<8xf32>
      %broadcast_in_dim3A_23 = vector.shape_cast %reduce_sum3A_22 : vector<8xf32> to vector<8x1xf32>
      %jit3A_24 = arith.constant 0.000000e+00 : f32
      %broadcast_in_dim3A_25 = vector.broadcast %jit3A_24 : f32 to vector<8x4096xf32>
      %select_n3A_26 = arith.select %eq3A_20, %get3A_4, %broadcast_in_dim3A_25 : vector<8x4096xi1>, vector<8x4096xf32>
      %reduce_sum3A_27 = arith.constant dense<0.000000e+00> : vector<8xf32>
      %reduce_sum3A_28 = vector.multi_reduction <add>, %select_n3A_26, %reduce_sum3A_27 [1] : vector<8x4096xf32> to vector<8xf32>
      %broadcast_in_dim3A_29 = vector.shape_cast %reduce_sum3A_28 : vector<8xf32> to vector<8x1xf32>
      %jit3A_30 = arith.constant 0.000000e+00 : f32
      %broadcast_in_dim3A_31 = vector.broadcast %jit3A_30 : f32 to vector<8x4096xf32>
      %select_n3A_32 = arith.select %eq3A_20, %get3A_7, %broadcast_in_dim3A_31 : vector<8x4096xi1>, vector<8x4096xf32>
      %reduce_sum3A_33 = arith.constant dense<0.000000e+00> : vector<8xf32>
      %reduce_sum3A_34 = vector.multi_reduction <add>, %select_n3A_32, %reduce_sum3A_33 [1] : vector<8x4096xf32> to vector<8xf32>
      %broadcast_in_dim3A_35 = vector.shape_cast %reduce_sum3A_34 : vector<8xf32> to vector<8x1xf32>
      %squeeze3A = vector.shape_cast %broadcast_in_dim3A_23 : vector<8x1xf32> to vector<8xf32>
      %broadcast_in_dim3A_36 = vector.shape_cast %squeeze3A : vector<8xf32> to vector<1x8xf32>
      %swap3A = arith.index_cast %scan3A_16 : i32 to index
      %swap3A_37 = arith.constant 0 : index
      %swap3A_38 = vector.load %arg3[%swap3A, %swap3A_37] : memref<1024x8xf32, #tpu.memory_space<vmem>>, vector<1x8xf32>
      tpu.vector_store %arg3[%swap3A, %swap3A_37], %broadcast_in_dim3A_36 {strides = array<i32>} : memref<1024x8xf32, #tpu.memory_space<vmem>>, vector<1x8xf32>,
      %squeeze3A_39 = vector.shape_cast %broadcast_in_dim3A_29 : vector<8x1xf32> to vector<8xf32>
      %broadcast_in_dim3A_40 = vector.shape_cast %squeeze3A_39 : vector<8xf32> to vector<1x8xf32>
      %swap3A_41 = arith.index_cast %scan3A_16 : i32 to index
      %swap3A_42 = arith.constant 0 : index
      %swap3A_43 = vector.load %arg4[%swap3A_41, %swap3A_42] : memref<1024x8xf32, #tpu.memory_space<vmem>>, vector<1x8xf32>
      tpu.vector_store %arg4[%swap3A_41, %swap3A_42], %broadcast_in_dim3A_40 {strides = array<i32>} : memref<1024x8xf32, #tpu.memory_space<vmem>>, vector<1x8xf32>,
      %squeeze3A_44 = vector.shape_cast %broadcast_in_dim3A_35 : vector<8x1xf32> to vector<8xf32>
      %broadcast_in_dim3A_45 = vector.shape_cast %squeeze3A_44 : vector<8xf32> to vector<1x8xf32>
      %swap3A_46 = arith.index_cast %scan3A_16 : i32 to index
      %swap3A_47 = arith.constant 0 : index
      %swap3A_48 = vector.load %arg5[%swap3A_46, %swap3A_47] : memref<1024x8xf32, #tpu.memory_space<vmem>>, vector<1x8xf32>
      tpu.vector_store %arg5[%swap3A_46, %swap3A_47], %broadcast_in_dim3A_45 {strides = array<i32>} : memref<1024x8xf32, #tpu.memory_space<vmem>>, vector<1x8xf32>,
      %sub3A = vector.broadcast %broadcast_in_dim3A_23 : vector<8x1xf32> to vector<8x4096xf32>
      %sub3A_49 = arith.subf %get3A_1, %sub3A : vector<8x4096xf32>
      %sub3A_50 = vector.broadcast %broadcast_in_dim3A_29 : vector<8x1xf32> to vector<8x4096xf32>
      %sub3A_51 = arith.subf %get3A_4, %sub3A_50 : vector<8x4096xf32>
      %sub3A_52 = vector.broadcast %broadcast_in_dim3A_35 : vector<8x1xf32> to vector<8x4096xf32>
      %sub3A_53 = arith.subf %get3A_7, %sub3A_52 : vector<8x4096xf32>
      %mul3A = arith.mulf %sub3A_49, %sub3A_49 : vector<8x4096xf32>
      %mul3A_54 = arith.mulf %sub3A_51, %sub3A_51 : vector<8x4096xf32>
      %add3A = arith.addf %mul3A, %mul3A_54 : vector<8x4096xf32>
      %mul3A_55 = arith.mulf %sub3A_53, %sub3A_53 : vector<8x4096xf32>
      %add3A_56 = arith.addf %add3A, %mul3A_55 : vector<8x4096xf32>
      %min3A = arith.minimumf %scan3A_17, %add3A_56 : vector<8x4096xf32>
      %argmax3A = tpu.reduce_index %min3A {axis = 1 : i32, kind = #tpu.reduction_kind<arg_max>} : vector<8x4096xf32> -> vector<8xi32>
      scf.yield %min3A, %argmax3A : vector<8x4096xf32>, vector<8xi32>
    }
    %scan3A_15 = arith.constant 1024 : i32
    return
  }
}

module attributes {stable_mosaic.version = 14 : i64} {
  func.func @_knn_body(%arg0: i32, %arg1: i32, %arg2: memref<1x256x3xf32, #tpu.memory_space<vmem>>, %arg3: memref<1x3x4096xf32, #tpu.memory_space<vmem>>, %arg4: memref<1x1x4096xf32, #tpu.memory_space<vmem>>, %arg5: memref<1x256x8xi32, #tpu.memory_space<vmem>>) attributes {dimension_semantics = [#tpu.dimension_semantics<arbitrary>, #tpu.dimension_semantics<arbitrary>], iteration_bounds = array<i64: 8, 4>, scalar_prefetch = 0 : i64, scratch_operands = 0 : i64, tpu.core_type = #tpu.core_type<tc>, window_params = [{transform_indices = @transform_0, window_bounds = array<i64: 1, 256, 3>}, {transform_indices = @transform_1, window_bounds = array<i64: 1, 3, 4096>}, {transform_indices = @transform_2, window_bounds = array<i64: 1, 1, 4096>}, {transform_indices = @transform_3, window_bounds = array<i64: 1, 256, 8>}]} {
    %get3A = arith.constant 0 : index
    %get3A_0 = arith.constant 0 : index
    %get3A_1 = arith.constant 0 : index
    %get3A_2 = vector.load %arg2[%get3A, %get3A_0, %get3A_1] : memref<1x256x3xf32, #tpu.memory_space<vmem>>, vector<1x256x3xf32>
    %get3A_3 = vector.shape_cast %get3A_2 : vector<1x256x3xf32> to vector<256x3xf32>
    %mul3A = arith.mulf %get3A_3, %get3A_3 : vector<256x3xf32>
    %reduce_sum3A = arith.constant dense<0.000000e+00> : vector<256xf32>
    %reduce_sum3A_4 = vector.multi_reduction <add>, %mul3A, %reduce_sum3A [1] : vector<256x3xf32> to vector<256xf32>
    %broadcast_in_dim3A = vector.shape_cast %reduce_sum3A_4 : vector<256xf32> to vector<256x1xf32>
    %get3A_5 = arith.constant 0 : index
    %get3A_6 = arith.constant 0 : index
    %get3A_7 = arith.constant 0 : index
    %get3A_8 = vector.load %arg3[%get3A_5, %get3A_6, %get3A_7] : memref<1x3x4096xf32, #tpu.memory_space<vmem>>, vector<1x3x4096xf32>
    %get3A_9 = vector.shape_cast %get3A_8 : vector<1x3x4096xf32> to vector<3x4096xf32>
    %dot_general3A = arith.constant dense<0.000000e+00> : vector<256x4096xf32>
    %dot_general3A_10 = tpu.matmul %get3A_3, %get3A_9, %dot_general3A {dimension_numbers = #tpu.dot_dimension_numbers<[1], [0], [0], [1], [0, 0, 1, 1], [], []>, transpose_lhs_hint = false} : vector<256x3xf32>, vector<3x4096xf32>, vector<256x4096xf32> -> vector<256x4096xf32>
    %get3A_11 = arith.constant 0 : index
    %get3A_12 = arith.constant 0 : index
    %get3A_13 = arith.constant 0 : index
    %get3A_14 = vector.load %arg4[%get3A_11, %get3A_12, %get3A_13] : memref<1x1x4096xf32, #tpu.memory_space<vmem>>, vector<1x1x4096xf32>
    %get3A_15 = vector.shape_cast %get3A_14 : vector<1x1x4096xf32> to vector<1x4096xf32>
    %add3A = vector.broadcast %broadcast_in_dim3A : vector<256x1xf32> to vector<256x4096xf32>
    %add3A_16 = vector.broadcast %get3A_15 : vector<1x4096xf32> to vector<256x4096xf32>
    %add3A_17 = arith.addf %add3A, %add3A_16 : vector<256x4096xf32>
    %mul3A_18 = arith.constant 2.000000e+00 : f32
    %mul3A_19 = vector.broadcast %mul3A_18 : f32 to vector<256x4096xf32>
    %mul3A_20 = arith.mulf %mul3A_19, %dot_general3A_10 : vector<256x4096xf32>
    %sub3A = arith.subf %add3A_17, %mul3A_20 : vector<256x4096xf32>
    %iota3A = tpu.iota {dimensions = array<i32: 1>} : vector<256x4096xi32>
    %argmin3A = tpu.reduce_index %sub3A {axis = 1 : i32, kind = #tpu.reduction_kind<arg_min>} : vector<256x4096xf32> -> vector<256xi32>
    %broadcast_in_dim3A_21 = vector.shape_cast %argmin3A : vector<256xi32> to vector<256x1xi32>
    %swap3A = arith.constant 0 : index
    %swap3A_22 = arith.constant 0 : index
    %swap3A_23 = arith.constant 0 : index
    %swap3A_24 = vector.load %arg5[%swap3A, %swap3A_22, %swap3A_23] : memref<1x256x8xi32, #tpu.memory_space<vmem>>, vector<1x256x1xi32>
    %swap3A_25 = vector.shape_cast %swap3A_24 : vector<1x256x1xi32> to vector<256x1xi32>
    %swap3A_26 = vector.shape_cast %broadcast_in_dim3A_21 : vector<256x1xi32> to vector<1x256x1xi32>
    tpu.vector_store %arg5[%swap3A, %swap3A_22, %swap3A_23], %swap3A_26 {strides = array<i32>} : memref<1x256x8xi32, #tpu.memory_space<vmem>>, vector<1x256x1xi32>,
    %eq3A = vector.broadcast %broadcast_in_dim3A_21 : vector<256x1xi32> to vector<256x4096xi32>
    %eq3A_27 = arith.cmpi eq, %iota3A, %eq3A : vector<256x4096xi32>
    %jit3A = arith.constant 0x7F800000 : f32
    %broadcast_in_dim3A_28 = vector.broadcast %jit3A : f32 to vector<256x4096xf32>
    %select_n3A = arith.select %eq3A_27, %broadcast_in_dim3A_28, %sub3A : vector<256x4096xi1>, vector<256x4096xf32>
    %argmin3A_29 = tpu.reduce_index %select_n3A {axis = 1 : i32, kind = #tpu.reduction_kind<arg_min>} : vector<256x4096xf32> -> vector<256xi32>
    %broadcast_in_dim3A_30 = vector.shape_cast %argmin3A_29 : vector<256xi32> to vector<256x1xi32>
    %swap3A_31 = arith.constant 0 : index
    %swap3A_32 = arith.constant 0 : index
    %swap3A_33 = arith.constant 1 : index
    %swap3A_34 = vector.load %arg5[%swap3A_31, %swap3A_32, %swap3A_33] : memref<1x256x8xi32, #tpu.memory_space<vmem>>, vector<1x256x1xi32>
    %swap3A_35 = vector.shape_cast %swap3A_34 : vector<1x256x1xi32> to vector<256x1xi32>
    %swap3A_36 = vector.shape_cast %broadcast_in_dim3A_30 : vector<256x1xi32> to vector<1x256x1xi32>
    tpu.vector_store %arg5[%swap3A_31, %swap3A_32, %swap3A_33], %swap3A_36 {strides = array<i32>} : memref<1x256x8xi32, #tpu.memory_space<vmem>>, vector<1x256x1xi32>,
    %eq3A_37 = vector.broadcast %broadcast_in_dim3A_30 : vector<256x1xi32> to vector<256x4096xi32>
    %eq3A_38 = arith.cmpi eq, %iota3A, %eq3A_37 : vector<256x4096xi32>
    %jit3A_39 = arith.constant 0x7F800000 : f32
    %broadcast_in_dim3A_40 = vector.broadcast %jit3A_39 : f32 to vector<256x4096xf32>
    %select_n3A_41 = arith.select %eq3A_38, %broadcast_in_dim3A_40, %select_n3A : vector<256x4096xi1>, vector<256x4096xf32>
    %argmin3A_42 = tpu.reduce_index %select_n3A_41 {axis = 1 : i32, kind = #tpu.reduction_kind<arg_min>} : vector<256x4096xf32> -> vector<256xi32>
    %broadcast_in_dim3A_43 = vector.shape_cast %argmin3A_42 : vector<256xi32> to vector<256x1xi32>
    %swap3A_44 = arith.constant 0 : index
    %swap3A_45 = arith.constant 0 : index
    %swap3A_46 = arith.constant 2 : index
    %swap3A_47 = vector.load %arg5[%swap3A_44, %swap3A_45, %swap3A_46] : memref<1x256x8xi32, #tpu.memory_space<vmem>>, vector<1x256x1xi32>
    %swap3A_48 = vector.shape_cast %swap3A_47 : vector<1x256x1xi32> to vector<256x1xi32>
    %swap3A_49 = vector.shape_cast %broadcast_in_dim3A_43 : vector<256x1xi32> to vector<1x256x1xi32>
    tpu.vector_store %arg5[%swap3A_44, %swap3A_45, %swap3A_46], %swap3A_49 {strides = array<i32>} : memref<1x256x8xi32, #tpu.memory_space<vmem>>, vector<1x256x1xi32>,
    %eq3A_50 = vector.broadcast %broadcast_in_dim3A_43 : vector<256x1xi32> to vector<256x4096xi32>
    %eq3A_51 = arith.cmpi eq, %iota3A, %eq3A_50 : vector<256x4096xi32>
    %jit3A_52 = arith.constant 0x7F800000 : f32
    %broadcast_in_dim3A_53 = vector.broadcast %jit3A_52 : f32 to vector<256x4096xf32>
    %select_n3A_54 = arith.select %eq3A_51, %broadcast_in_dim3A_53, %select_n3A_41 : vector<256x4096xi1>, vector<256x4096xf32>
    %argmin3A_55 = tpu.reduce_index %select_n3A_54 {axis = 1 : i32, kind = #tpu.reduction_kind<arg_min>} : vector<256x4096xf32> -> vector<256xi32>
    %broadcast_in_dim3A_56 = vector.shape_cast %argmin3A_55 : vector<256xi32> to vector<256x1xi32>
    %swap3A_57 = arith.constant 0 : index
    %swap3A_58 = arith.constant 0 : index
    %swap3A_59 = arith.constant 3 : index
    %swap3A_60 = vector.load %arg5[%swap3A_57, %swap3A_58, %swap3A_59] : memref<1x256x8xi32, #tpu.memory_space<vmem>>, vector<1x256x1xi32>
    %swap3A_61 = vector.shape_cast %swap3A_60 : vector<1x256x1xi32> to vector<256x1xi32>
    %swap3A_62 = vector.shape_cast %broadcast_in_dim3A_56 : vector<256x1xi32> to vector<1x256x1xi32>
    tpu.vector_store %arg5[%swap3A_57, %swap3A_58, %swap3A_59], %swap3A_62 {strides = array<i32>} : memref<1x256x8xi32, #tpu.memory_space<vmem>>, vector<1x256x1xi32>,
    %eq3A_63 = vector.broadcast %broadcast_in_dim3A_56 : vector<256x1xi32> to vector<256x4096xi32>
    %eq3A_64 = arith.cmpi eq, %iota3A, %eq3A_63 : vector<256x4096xi32>
    %jit3A_65 = arith.constant 0x7F800000 : f32
    %broadcast_in_dim3A_66 = vector.broadcast %jit3A_65 : f32 to vector<256x4096xf32>
    %select_n3A_67 = arith.select %eq3A_64, %broadcast_in_dim3A_66, %select_n3A_54 : vector<256x4096xi1>, vector<256x4096xf32>
    %argmin3A_68 = tpu.reduce_index %select_n3A_67 {axis = 1 : i32, kind = #tpu.reduction_kind<arg_min>} : vector<256x4096xf32> -> vector<256xi32>
    %broadcast_in_dim3A_69 = vector.shape_cast %argmin3A_68 : vector<256xi32> to vector<256x1xi32>
    %swap3A_70 = arith.constant 0 : index
    %swap3A_71 = arith.constant 0 : index
    %swap3A_72 = arith.constant 4 : index
    %swap3A_73 = vector.load %arg5[%swap3A_70, %swap3A_71, %swap3A_72] : memref<1x256x8xi32, #tpu.memory_space<vmem>>, vector<1x256x1xi32>
    %swap3A_74 = vector.shape_cast %swap3A_73 : vector<1x256x1xi32> to vector<256x1xi32>
    %swap3A_75 = vector.shape_cast %broadcast_in_dim3A_69 : vector<256x1xi32> to vector<1x256x1xi32>
    tpu.vector_store %arg5[%swap3A_70, %swap3A_71, %swap3A_72], %swap3A_75 {strides = array<i32>} : memref<1x256x8xi32, #tpu.memory_space<vmem>>, vector<1x256x1xi32>,
    %eq3A_76 = vector.broadcast %broadcast_in_dim3A_69 : vector<256x1xi32> to vector<256x4096xi32>
    %eq3A_77 = arith.cmpi eq, %iota3A, %eq3A_76 : vector<256x4096xi32>
    %jit3A_78 = arith.constant 0x7F800000 : f32
    %broadcast_in_dim3A_79 = vector.broadcast %jit3A_78 : f32 to vector<256x4096xf32>
    %select_n3A_80 = arith.select %eq3A_77, %broadcast_in_dim3A_79, %select_n3A_67 : vector<256x4096xi1>, vector<256x4096xf32>
    %argmin3A_81 = tpu.reduce_index %select_n3A_80 {axis = 1 : i32, kind = #tpu.reduction_kind<arg_min>} : vector<256x4096xf32> -> vector<256xi32>
    %broadcast_in_dim3A_82 = vector.shape_cast %argmin3A_81 : vector<256xi32> to vector<256x1xi32>
    %swap3A_83 = arith.constant 0 : index
    %swap3A_84 = arith.constant 0 : index
    %swap3A_85 = arith.constant 5 : index
    %swap3A_86 = vector.load %arg5[%swap3A_83, %swap3A_84, %swap3A_85] : memref<1x256x8xi32, #tpu.memory_space<vmem>>, vector<1x256x1xi32>
    %swap3A_87 = vector.shape_cast %swap3A_86 : vector<1x256x1xi32> to vector<256x1xi32>
    %swap3A_88 = vector.shape_cast %broadcast_in_dim3A_82 : vector<256x1xi32> to vector<1x256x1xi32>
    tpu.vector_store %arg5[%swap3A_83, %swap3A_84, %swap3A_85], %swap3A_88 {strides = array<i32>} : memref<1x256x8xi32, #tpu.memory_space<vmem>>, vector<1x256x1xi32>,
    %eq3A_89 = vector.broadcast %broadcast_in_dim3A_82 : vector<256x1xi32> to vector<256x4096xi32>
    %eq3A_90 = arith.cmpi eq, %iota3A, %eq3A_89 : vector<256x4096xi32>
    %jit3A_91 = arith.constant 0x7F800000 : f32
    %broadcast_in_dim3A_92 = vector.broadcast %jit3A_91 : f32 to vector<256x4096xf32>
    %select_n3A_93 = arith.select %eq3A_90, %broadcast_in_dim3A_92, %select_n3A_80 : vector<256x4096xi1>, vector<256x4096xf32>
    %argmin3A_94 = tpu.reduce_index %select_n3A_93 {axis = 1 : i32, kind = #tpu.reduction_kind<arg_min>} : vector<256x4096xf32> -> vector<256xi32>
    %broadcast_in_dim3A_95 = vector.shape_cast %argmin3A_94 : vector<256xi32> to vector<256x1xi32>
    %swap3A_96 = arith.constant 0 : index
    %swap3A_97 = arith.constant 0 : index
    %swap3A_98 = arith.constant 6 : index
    %swap3A_99 = vector.load %arg5[%swap3A_96, %swap3A_97, %swap3A_98] : memref<1x256x8xi32, #tpu.memory_space<vmem>>, vector<1x256x1xi32>
    %swap3A_100 = vector.shape_cast %swap3A_99 : vector<1x256x1xi32> to vector<256x1xi32>
    %swap3A_101 = vector.shape_cast %broadcast_in_dim3A_95 : vector<256x1xi32> to vector<1x256x1xi32>
    tpu.vector_store %arg5[%swap3A_96, %swap3A_97, %swap3A_98], %swap3A_101 {strides = array<i32>} : memref<1x256x8xi32, #tpu.memory_space<vmem>>, vector<1x256x1xi32>,
    %eq3A_102 = vector.broadcast %broadcast_in_dim3A_95 : vector<256x1xi32> to vector<256x4096xi32>
    %eq3A_103 = arith.cmpi eq, %iota3A, %eq3A_102 : vector<256x4096xi32>
    %jit3A_104 = arith.constant 0x7F800000 : f32
    %broadcast_in_dim3A_105 = vector.broadcast %jit3A_104 : f32 to vector<256x4096xf32>
    %select_n3A_106 = arith.select %eq3A_103, %broadcast_in_dim3A_105, %select_n3A_93 : vector<256x4096xi1>, vector<256x4096xf32>
    %argmin3A_107 = tpu.reduce_index %select_n3A_106 {axis = 1 : i32, kind = #tpu.reduction_kind<arg_min>} : vector<256x4096xf32> -> vector<256xi32>
    %broadcast_in_dim3A_108 = vector.shape_cast %argmin3A_107 : vector<256xi32> to vector<256x1xi32>
    %swap3A_109 = arith.constant 0 : index
    %swap3A_110 = arith.constant 0 : index
    %swap3A_111 = arith.constant 7 : index
    %swap3A_112 = vector.load %arg5[%swap3A_109, %swap3A_110, %swap3A_111] : memref<1x256x8xi32, #tpu.memory_space<vmem>>, vector<1x256x1xi32>
    %swap3A_113 = vector.shape_cast %swap3A_112 : vector<1x256x1xi32> to vector<256x1xi32>
    %swap3A_114 = vector.shape_cast %broadcast_in_dim3A_108 : vector<256x1xi32> to vector<1x256x1xi32>
    tpu.vector_store %arg5[%swap3A_109, %swap3A_110, %swap3A_111], %swap3A_114 {strides = array<i32>} : memref<1x256x8xi32, #tpu.memory_space<vmem>>, vector<1x256x1xi32>,
    return
  }
  func.func @transform_0(%arg0: i32, %arg1: i32) -> (i32, i32, i32) {
    %c0_i32 = arith.constant 0 : i32
    %c0_i32_0 = arith.constant 0 : i32
    return %arg0, %arg1, %c0_i32 : i32, i32, i32
  }
  func.func @transform_1(%arg0: i32, %arg1: i32) -> (i32, i32, i32) {
    %c0_i32 = arith.constant 0 : i32
    %c0_i32_0 = arith.constant 0 : i32
    %c0_i32_1 = arith.constant 0 : i32
    return %arg0, %c0_i32, %c0_i32_0 : i32, i32, i32
  }
  func.func @transform_2(%arg0: i32, %arg1: i32) -> (i32, i32, i32) {
    %c0_i32 = arith.constant 0 : i32
    %c0_i32_0 = arith.constant 0 : i32
    %c0_i32_1 = arith.constant 0 : i32
    return %arg0, %c0_i32, %c0_i32_0 : i32, i32, i32
  }
  func.func @transform_3(%arg0: i32, %arg1: i32) -> (i32, i32, i32) {
    %c0_i32 = arith.constant 0 : i32
    %c0_i32_0 = arith.constant 0 : i32
    return %arg0, %arg1, %c0_i32 : i32, i32, i32
  }
}

module attributes {stable_mosaic.version = 14 : i64} {
  func.func @_fps_body(%arg0: memref<8x1024xf32, #tpu.memory_space<vmem>>, %arg1: memref<8x1024xf32, #tpu.memory_space<vmem>>, %arg2: memref<8x1024xf32, #tpu.memory_space<vmem>>, %arg3: memref<256x8xf32, #tpu.memory_space<vmem>>, %arg4: memref<256x8xf32, #tpu.memory_space<vmem>>, %arg5: memref<256x8xf32, #tpu.memory_space<vmem>>) attributes {dimension_semantics = [], scalar_prefetch = 0 : i64, scratch_operands = 0 : i64, tpu.core_type = #tpu.core_type<tc>} {
    %get3A = arith.constant 0 : index
    %get3A_0 = arith.constant 0 : index
    %get3A_1 = vector.load %arg0[%get3A, %get3A_0] : memref<8x1024xf32, #tpu.memory_space<vmem>>, vector<8x1024xf32>
    %get3A_2 = arith.constant 0 : index
    %get3A_3 = arith.constant 0 : index
    %get3A_4 = vector.load %arg1[%get3A_2, %get3A_3] : memref<8x1024xf32, #tpu.memory_space<vmem>>, vector<8x1024xf32>
    %get3A_5 = arith.constant 0 : index
    %get3A_6 = arith.constant 0 : index
    %get3A_7 = vector.load %arg2[%get3A_5, %get3A_6] : memref<8x1024xf32, #tpu.memory_space<vmem>>, vector<8x1024xf32>
    %iota3A = tpu.iota {dimensions = array<i32: 1>} : vector<8x1024xi32>
    %broadcast_in_dim3A = arith.constant 1.000000e+10 : f32
    %broadcast_in_dim3A_8 = vector.broadcast %broadcast_in_dim3A : f32 to vector<8x1024xf32>
    %broadcast_in_dim3A_9 = arith.constant 0 : i32
    %broadcast_in_dim3A_10 = vector.broadcast %broadcast_in_dim3A_9 : i32 to vector<8xi32>
    %scan3A = arith.constant 0 : i32
    %scan3A_11 = arith.constant 256 : i32
    %scan3A_12 = arith.addi %scan3A, %scan3A_11 : i32
    %scan3A_13 = arith.constant 1 : i32
    %scan3A_14:2 = scf.for %scan3A_16 = %scan3A to %scan3A_12 step %scan3A_13 iter_args(%scan3A_17 = %broadcast_in_dim3A_8, %scan3A_18 = %broadcast_in_dim3A_10) -> (vector<8x1024xf32>, vector<8xi32>)  : i32 {
      %broadcast_in_dim3A_19 = vector.shape_cast %scan3A_18 : vector<8xi32> to vector<8x1xi32>
      %eq3A = vector.broadcast %broadcast_in_dim3A_19 : vector<8x1xi32> to vector<8x1024xi32>
      %eq3A_20 = arith.cmpi eq, %iota3A, %eq3A : vector<8x1024xi32>
      %jit3A = arith.constant 0.000000e+00 : f32
      %broadcast_in_dim3A_21 = vector.broadcast %jit3A : f32 to vector<8x1024xf32>
      %select_n3A = arith.select %eq3A_20, %get3A_1, %broadcast_in_dim3A_21 : vector<8x1024xi1>, vector<8x1024xf32>
      %reduce_sum3A = arith.constant dense<0.000000e+00> : vector<8xf32>
      %reduce_sum3A_22 = vector.multi_reduction <add>, %select_n3A, %reduce_sum3A [1] : vector<8x1024xf32> to vector<8xf32>
      %broadcast_in_dim3A_23 = vector.shape_cast %reduce_sum3A_22 : vector<8xf32> to vector<8x1xf32>
      %jit3A_24 = arith.constant 0.000000e+00 : f32
      %broadcast_in_dim3A_25 = vector.broadcast %jit3A_24 : f32 to vector<8x1024xf32>
      %select_n3A_26 = arith.select %eq3A_20, %get3A_4, %broadcast_in_dim3A_25 : vector<8x1024xi1>, vector<8x1024xf32>
      %reduce_sum3A_27 = arith.constant dense<0.000000e+00> : vector<8xf32>
      %reduce_sum3A_28 = vector.multi_reduction <add>, %select_n3A_26, %reduce_sum3A_27 [1] : vector<8x1024xf32> to vector<8xf32>
      %broadcast_in_dim3A_29 = vector.shape_cast %reduce_sum3A_28 : vector<8xf32> to vector<8x1xf32>
      %jit3A_30 = arith.constant 0.000000e+00 : f32
      %broadcast_in_dim3A_31 = vector.broadcast %jit3A_30 : f32 to vector<8x1024xf32>
      %select_n3A_32 = arith.select %eq3A_20, %get3A_7, %broadcast_in_dim3A_31 : vector<8x1024xi1>, vector<8x1024xf32>
      %reduce_sum3A_33 = arith.constant dense<0.000000e+00> : vector<8xf32>
      %reduce_sum3A_34 = vector.multi_reduction <add>, %select_n3A_32, %reduce_sum3A_33 [1] : vector<8x1024xf32> to vector<8xf32>
      %broadcast_in_dim3A_35 = vector.shape_cast %reduce_sum3A_34 : vector<8xf32> to vector<8x1xf32>
      %squeeze3A = vector.shape_cast %broadcast_in_dim3A_23 : vector<8x1xf32> to vector<8xf32>
      %broadcast_in_dim3A_36 = vector.shape_cast %squeeze3A : vector<8xf32> to vector<1x8xf32>
      %swap3A = arith.index_cast %scan3A_16 : i32 to index
      %swap3A_37 = arith.constant 0 : index
      %swap3A_38 = vector.load %arg3[%swap3A, %swap3A_37] : memref<256x8xf32, #tpu.memory_space<vmem>>, vector<1x8xf32>
      tpu.vector_store %arg3[%swap3A, %swap3A_37], %broadcast_in_dim3A_36 {strides = array<i32>} : memref<256x8xf32, #tpu.memory_space<vmem>>, vector<1x8xf32>,
      %squeeze3A_39 = vector.shape_cast %broadcast_in_dim3A_29 : vector<8x1xf32> to vector<8xf32>
      %broadcast_in_dim3A_40 = vector.shape_cast %squeeze3A_39 : vector<8xf32> to vector<1x8xf32>
      %swap3A_41 = arith.index_cast %scan3A_16 : i32 to index
      %swap3A_42 = arith.constant 0 : index
      %swap3A_43 = vector.load %arg4[%swap3A_41, %swap3A_42] : memref<256x8xf32, #tpu.memory_space<vmem>>, vector<1x8xf32>
      tpu.vector_store %arg4[%swap3A_41, %swap3A_42], %broadcast_in_dim3A_40 {strides = array<i32>} : memref<256x8xf32, #tpu.memory_space<vmem>>, vector<1x8xf32>,
      %squeeze3A_44 = vector.shape_cast %broadcast_in_dim3A_35 : vector<8x1xf32> to vector<8xf32>
      %broadcast_in_dim3A_45 = vector.shape_cast %squeeze3A_44 : vector<8xf32> to vector<1x8xf32>
      %swap3A_46 = arith.index_cast %scan3A_16 : i32 to index
      %swap3A_47 = arith.constant 0 : index
      %swap3A_48 = vector.load %arg5[%swap3A_46, %swap3A_47] : memref<256x8xf32, #tpu.memory_space<vmem>>, vector<1x8xf32>
      tpu.vector_store %arg5[%swap3A_46, %swap3A_47], %broadcast_in_dim3A_45 {strides = array<i32>} : memref<256x8xf32, #tpu.memory_space<vmem>>, vector<1x8xf32>,
      %sub3A = vector.broadcast %broadcast_in_dim3A_23 : vector<8x1xf32> to vector<8x1024xf32>
      %sub3A_49 = arith.subf %get3A_1, %sub3A : vector<8x1024xf32>
      %sub3A_50 = vector.broadcast %broadcast_in_dim3A_29 : vector<8x1xf32> to vector<8x1024xf32>
      %sub3A_51 = arith.subf %get3A_4, %sub3A_50 : vector<8x1024xf32>
      %sub3A_52 = vector.broadcast %broadcast_in_dim3A_35 : vector<8x1xf32> to vector<8x1024xf32>
      %sub3A_53 = arith.subf %get3A_7, %sub3A_52 : vector<8x1024xf32>
      %mul3A = arith.mulf %sub3A_49, %sub3A_49 : vector<8x1024xf32>
      %mul3A_54 = arith.mulf %sub3A_51, %sub3A_51 : vector<8x1024xf32>
      %add3A = arith.addf %mul3A, %mul3A_54 : vector<8x1024xf32>
      %mul3A_55 = arith.mulf %sub3A_53, %sub3A_53 : vector<8x1024xf32>
      %add3A_56 = arith.addf %add3A, %mul3A_55 : vector<8x1024xf32>
      %min3A = arith.minimumf %scan3A_17, %add3A_56 : vector<8x1024xf32>
      %argmax3A = tpu.reduce_index %min3A {axis = 1 : i32, kind = #tpu.reduction_kind<arg_max>} : vector<8x1024xf32> -> vector<8xi32>
      scf.yield %min3A, %argmax3A : vector<8x1024xf32>, vector<8xi32>
    }
    %scan3A_15 = arith.constant 256 : i32
    return
  }
}

module attributes {stable_mosaic.version = 14 : i64} {
  func.func @_knn_body(%arg0: i32, %arg1: i32, %arg2: memref<1x256x3xf32, #tpu.memory_space<vmem>>, %arg3: memref<1x3x1024xf32, #tpu.memory_space<vmem>>, %arg4: memref<1x1x1024xf32, #tpu.memory_space<vmem>>, %arg5: memref<1x256x8xi32, #tpu.memory_space<vmem>>) attributes {dimension_semantics = [#tpu.dimension_semantics<arbitrary>, #tpu.dimension_semantics<arbitrary>], iteration_bounds = array<i64: 8, 4>, scalar_prefetch = 0 : i64, scratch_operands = 0 : i64, tpu.core_type = #tpu.core_type<tc>, window_params = [{transform_indices = @transform_0, window_bounds = array<i64: 1, 256, 3>}, {transform_indices = @transform_1, window_bounds = array<i64: 1, 3, 1024>}, {transform_indices = @transform_2, window_bounds = array<i64: 1, 1, 1024>}, {transform_indices = @transform_3, window_bounds = array<i64: 1, 256, 8>}]} {
    %get3A = arith.constant 0 : index
    %get3A_0 = arith.constant 0 : index
    %get3A_1 = arith.constant 0 : index
    %get3A_2 = vector.load %arg2[%get3A, %get3A_0, %get3A_1] : memref<1x256x3xf32, #tpu.memory_space<vmem>>, vector<1x256x3xf32>
    %get3A_3 = vector.shape_cast %get3A_2 : vector<1x256x3xf32> to vector<256x3xf32>
    %mul3A = arith.mulf %get3A_3, %get3A_3 : vector<256x3xf32>
    %reduce_sum3A = arith.constant dense<0.000000e+00> : vector<256xf32>
    %reduce_sum3A_4 = vector.multi_reduction <add>, %mul3A, %reduce_sum3A [1] : vector<256x3xf32> to vector<256xf32>
    %broadcast_in_dim3A = vector.shape_cast %reduce_sum3A_4 : vector<256xf32> to vector<256x1xf32>
    %get3A_5 = arith.constant 0 : index
    %get3A_6 = arith.constant 0 : index
    %get3A_7 = arith.constant 0 : index
    %get3A_8 = vector.load %arg3[%get3A_5, %get3A_6, %get3A_7] : memref<1x3x1024xf32, #tpu.memory_space<vmem>>, vector<1x3x1024xf32>
    %get3A_9 = vector.shape_cast %get3A_8 : vector<1x3x1024xf32> to vector<3x1024xf32>
    %dot_general3A = arith.constant dense<0.000000e+00> : vector<256x1024xf32>
    %dot_general3A_10 = tpu.matmul %get3A_3, %get3A_9, %dot_general3A {dimension_numbers = #tpu.dot_dimension_numbers<[1], [0], [0], [1], [0, 0, 1, 1], [], []>, transpose_lhs_hint = false} : vector<256x3xf32>, vector<3x1024xf32>, vector<256x1024xf32> -> vector<256x1024xf32>
    %get3A_11 = arith.constant 0 : index
    %get3A_12 = arith.constant 0 : index
    %get3A_13 = arith.constant 0 : index
    %get3A_14 = vector.load %arg4[%get3A_11, %get3A_12, %get3A_13] : memref<1x1x1024xf32, #tpu.memory_space<vmem>>, vector<1x1x1024xf32>
    %get3A_15 = vector.shape_cast %get3A_14 : vector<1x1x1024xf32> to vector<1x1024xf32>
    %add3A = vector.broadcast %broadcast_in_dim3A : vector<256x1xf32> to vector<256x1024xf32>
    %add3A_16 = vector.broadcast %get3A_15 : vector<1x1024xf32> to vector<256x1024xf32>
    %add3A_17 = arith.addf %add3A, %add3A_16 : vector<256x1024xf32>
    %mul3A_18 = arith.constant 2.000000e+00 : f32
    %mul3A_19 = vector.broadcast %mul3A_18 : f32 to vector<256x1024xf32>
    %mul3A_20 = arith.mulf %mul3A_19, %dot_general3A_10 : vector<256x1024xf32>
    %sub3A = arith.subf %add3A_17, %mul3A_20 : vector<256x1024xf32>
    %iota3A = tpu.iota {dimensions = array<i32: 1>} : vector<256x1024xi32>
    %mul3A_21 = arith.constant 256 : i32
    %mul3A_22 = arith.muli %arg1, %mul3A_21 : i32
    %iota3A_23 = tpu.iota {dimensions = array<i32: 0>} : vector<256x1024xi32>
    %add3A_24 = vector.broadcast %mul3A_22 : i32 to vector<256x1024xi32>
    %add3A_25 = arith.addi %iota3A_23, %add3A_24 : vector<256x1024xi32>
    %eq3A = arith.cmpi eq, %iota3A, %add3A_25 : vector<256x1024xi32>
    %jit3A = arith.constant 0x7F800000 : f32
    %broadcast_in_dim3A_26 = vector.broadcast %jit3A : f32 to vector<256x1024xf32>
    %select_n3A = arith.select %eq3A, %broadcast_in_dim3A_26, %sub3A : vector<256x1024xi1>, vector<256x1024xf32>
    %argmin3A = tpu.reduce_index %select_n3A {axis = 1 : i32, kind = #tpu.reduction_kind<arg_min>} : vector<256x1024xf32> -> vector<256xi32>
    %broadcast_in_dim3A_27 = vector.shape_cast %argmin3A : vector<256xi32> to vector<256x1xi32>
    %swap3A = arith.constant 0 : index
    %swap3A_28 = arith.constant 0 : index
    %swap3A_29 = arith.constant 0 : index
    %swap3A_30 = vector.load %arg5[%swap3A, %swap3A_28, %swap3A_29] : memref<1x256x8xi32, #tpu.memory_space<vmem>>, vector<1x256x1xi32>
    %swap3A_31 = vector.shape_cast %swap3A_30 : vector<1x256x1xi32> to vector<256x1xi32>
    %swap3A_32 = vector.shape_cast %broadcast_in_dim3A_27 : vector<256x1xi32> to vector<1x256x1xi32>
    tpu.vector_store %arg5[%swap3A, %swap3A_28, %swap3A_29], %swap3A_32 {strides = array<i32>} : memref<1x256x8xi32, #tpu.memory_space<vmem>>, vector<1x256x1xi32>,
    %eq3A_33 = vector.broadcast %broadcast_in_dim3A_27 : vector<256x1xi32> to vector<256x1024xi32>
    %eq3A_34 = arith.cmpi eq, %iota3A, %eq3A_33 : vector<256x1024xi32>
    %jit3A_35 = arith.constant 0x7F800000 : f32
    %broadcast_in_dim3A_36 = vector.broadcast %jit3A_35 : f32 to vector<256x1024xf32>
    %select_n3A_37 = arith.select %eq3A_34, %broadcast_in_dim3A_36, %select_n3A : vector<256x1024xi1>, vector<256x1024xf32>
    %argmin3A_38 = tpu.reduce_index %select_n3A_37 {axis = 1 : i32, kind = #tpu.reduction_kind<arg_min>} : vector<256x1024xf32> -> vector<256xi32>
    %broadcast_in_dim3A_39 = vector.shape_cast %argmin3A_38 : vector<256xi32> to vector<256x1xi32>
    %swap3A_40 = arith.constant 0 : index
    %swap3A_41 = arith.constant 0 : index
    %swap3A_42 = arith.constant 1 : index
    %swap3A_43 = vector.load %arg5[%swap3A_40, %swap3A_41, %swap3A_42] : memref<1x256x8xi32, #tpu.memory_space<vmem>>, vector<1x256x1xi32>
    %swap3A_44 = vector.shape_cast %swap3A_43 : vector<1x256x1xi32> to vector<256x1xi32>
    %swap3A_45 = vector.shape_cast %broadcast_in_dim3A_39 : vector<256x1xi32> to vector<1x256x1xi32>
    tpu.vector_store %arg5[%swap3A_40, %swap3A_41, %swap3A_42], %swap3A_45 {strides = array<i32>} : memref<1x256x8xi32, #tpu.memory_space<vmem>>, vector<1x256x1xi32>,
    %eq3A_46 = vector.broadcast %broadcast_in_dim3A_39 : vector<256x1xi32> to vector<256x1024xi32>
    %eq3A_47 = arith.cmpi eq, %iota3A, %eq3A_46 : vector<256x1024xi32>
    %jit3A_48 = arith.constant 0x7F800000 : f32
    %broadcast_in_dim3A_49 = vector.broadcast %jit3A_48 : f32 to vector<256x1024xf32>
    %select_n3A_50 = arith.select %eq3A_47, %broadcast_in_dim3A_49, %select_n3A_37 : vector<256x1024xi1>, vector<256x1024xf32>
    %argmin3A_51 = tpu.reduce_index %select_n3A_50 {axis = 1 : i32, kind = #tpu.reduction_kind<arg_min>} : vector<256x1024xf32> -> vector<256xi32>
    %broadcast_in_dim3A_52 = vector.shape_cast %argmin3A_51 : vector<256xi32> to vector<256x1xi32>
    %swap3A_53 = arith.constant 0 : index
    %swap3A_54 = arith.constant 0 : index
    %swap3A_55 = arith.constant 2 : index
    %swap3A_56 = vector.load %arg5[%swap3A_53, %swap3A_54, %swap3A_55] : memref<1x256x8xi32, #tpu.memory_space<vmem>>, vector<1x256x1xi32>
    %swap3A_57 = vector.shape_cast %swap3A_56 : vector<1x256x1xi32> to vector<256x1xi32>
    %swap3A_58 = vector.shape_cast %broadcast_in_dim3A_52 : vector<256x1xi32> to vector<1x256x1xi32>
    tpu.vector_store %arg5[%swap3A_53, %swap3A_54, %swap3A_55], %swap3A_58 {strides = array<i32>} : memref<1x256x8xi32, #tpu.memory_space<vmem>>, vector<1x256x1xi32>,
    %eq3A_59 = vector.broadcast %broadcast_in_dim3A_52 : vector<256x1xi32> to vector<256x1024xi32>
    %eq3A_60 = arith.cmpi eq, %iota3A, %eq3A_59 : vector<256x1024xi32>
    %jit3A_61 = arith.constant 0x7F800000 : f32
    %broadcast_in_dim3A_62 = vector.broadcast %jit3A_61 : f32 to vector<256x1024xf32>
    %select_n3A_63 = arith.select %eq3A_60, %broadcast_in_dim3A_62, %select_n3A_50 : vector<256x1024xi1>, vector<256x1024xf32>
    %argmin3A_64 = tpu.reduce_index %select_n3A_63 {axis = 1 : i32, kind = #tpu.reduction_kind<arg_min>} : vector<256x1024xf32> -> vector<256xi32>
    %broadcast_in_dim3A_65 = vector.shape_cast %argmin3A_64 : vector<256xi32> to vector<256x1xi32>
    %swap3A_66 = arith.constant 0 : index
    %swap3A_67 = arith.constant 0 : index
    %swap3A_68 = arith.constant 3 : index
    %swap3A_69 = vector.load %arg5[%swap3A_66, %swap3A_67, %swap3A_68] : memref<1x256x8xi32, #tpu.memory_space<vmem>>, vector<1x256x1xi32>
    %swap3A_70 = vector.shape_cast %swap3A_69 : vector<1x256x1xi32> to vector<256x1xi32>
    %swap3A_71 = vector.shape_cast %broadcast_in_dim3A_65 : vector<256x1xi32> to vector<1x256x1xi32>
    tpu.vector_store %arg5[%swap3A_66, %swap3A_67, %swap3A_68], %swap3A_71 {strides = array<i32>} : memref<1x256x8xi32, #tpu.memory_space<vmem>>, vector<1x256x1xi32>,
    %eq3A_72 = vector.broadcast %broadcast_in_dim3A_65 : vector<256x1xi32> to vector<256x1024xi32>
    %eq3A_73 = arith.cmpi eq, %iota3A, %eq3A_72 : vector<256x1024xi32>
    %jit3A_74 = arith.constant 0x7F800000 : f32
    %broadcast_in_dim3A_75 = vector.broadcast %jit3A_74 : f32 to vector<256x1024xf32>
    %select_n3A_76 = arith.select %eq3A_73, %broadcast_in_dim3A_75, %select_n3A_63 : vector<256x1024xi1>, vector<256x1024xf32>
    %argmin3A_77 = tpu.reduce_index %select_n3A_76 {axis = 1 : i32, kind = #tpu.reduction_kind<arg_min>} : vector<256x1024xf32> -> vector<256xi32>
    %broadcast_in_dim3A_78 = vector.shape_cast %argmin3A_77 : vector<256xi32> to vector<256x1xi32>
    %swap3A_79 = arith.constant 0 : index
    %swap3A_80 = arith.constant 0 : index
    %swap3A_81 = arith.constant 4 : index
    %swap3A_82 = vector.load %arg5[%swap3A_79, %swap3A_80, %swap3A_81] : memref<1x256x8xi32, #tpu.memory_space<vmem>>, vector<1x256x1xi32>
    %swap3A_83 = vector.shape_cast %swap3A_82 : vector<1x256x1xi32> to vector<256x1xi32>
    %swap3A_84 = vector.shape_cast %broadcast_in_dim3A_78 : vector<256x1xi32> to vector<1x256x1xi32>
    tpu.vector_store %arg5[%swap3A_79, %swap3A_80, %swap3A_81], %swap3A_84 {strides = array<i32>} : memref<1x256x8xi32, #tpu.memory_space<vmem>>, vector<1x256x1xi32>,
    %eq3A_85 = vector.broadcast %broadcast_in_dim3A_78 : vector<256x1xi32> to vector<256x1024xi32>
    %eq3A_86 = arith.cmpi eq, %iota3A, %eq3A_85 : vector<256x1024xi32>
    %jit3A_87 = arith.constant 0x7F800000 : f32
    %broadcast_in_dim3A_88 = vector.broadcast %jit3A_87 : f32 to vector<256x1024xf32>
    %select_n3A_89 = arith.select %eq3A_86, %broadcast_in_dim3A_88, %select_n3A_76 : vector<256x1024xi1>, vector<256x1024xf32>
    %argmin3A_90 = tpu.reduce_index %select_n3A_89 {axis = 1 : i32, kind = #tpu.reduction_kind<arg_min>} : vector<256x1024xf32> -> vector<256xi32>
    %broadcast_in_dim3A_91 = vector.shape_cast %argmin3A_90 : vector<256xi32> to vector<256x1xi32>
    %swap3A_92 = arith.constant 0 : index
    %swap3A_93 = arith.constant 0 : index
    %swap3A_94 = arith.constant 5 : index
    %swap3A_95 = vector.load %arg5[%swap3A_92, %swap3A_93, %swap3A_94] : memref<1x256x8xi32, #tpu.memory_space<vmem>>, vector<1x256x1xi32>
    %swap3A_96 = vector.shape_cast %swap3A_95 : vector<1x256x1xi32> to vector<256x1xi32>
    %swap3A_97 = vector.shape_cast %broadcast_in_dim3A_91 : vector<256x1xi32> to vector<1x256x1xi32>
    tpu.vector_store %arg5[%swap3A_92, %swap3A_93, %swap3A_94], %swap3A_97 {strides = array<i32>} : memref<1x256x8xi32, #tpu.memory_space<vmem>>, vector<1x256x1xi32>,
    %eq3A_98 = vector.broadcast %broadcast_in_dim3A_91 : vector<256x1xi32> to vector<256x1024xi32>
    %eq3A_99 = arith.cmpi eq, %iota3A, %eq3A_98 : vector<256x1024xi32>
    %jit3A_100 = arith.constant 0x7F800000 : f32
    %broadcast_in_dim3A_101 = vector.broadcast %jit3A_100 : f32 to vector<256x1024xf32>
    %select_n3A_102 = arith.select %eq3A_99, %broadcast_in_dim3A_101, %select_n3A_89 : vector<256x1024xi1>, vector<256x1024xf32>
    %argmin3A_103 = tpu.reduce_index %select_n3A_102 {axis = 1 : i32, kind = #tpu.reduction_kind<arg_min>} : vector<256x1024xf32> -> vector<256xi32>
    %broadcast_in_dim3A_104 = vector.shape_cast %argmin3A_103 : vector<256xi32> to vector<256x1xi32>
    %swap3A_105 = arith.constant 0 : index
    %swap3A_106 = arith.constant 0 : index
    %swap3A_107 = arith.constant 6 : index
    %swap3A_108 = vector.load %arg5[%swap3A_105, %swap3A_106, %swap3A_107] : memref<1x256x8xi32, #tpu.memory_space<vmem>>, vector<1x256x1xi32>
    %swap3A_109 = vector.shape_cast %swap3A_108 : vector<1x256x1xi32> to vector<256x1xi32>
    %swap3A_110 = vector.shape_cast %broadcast_in_dim3A_104 : vector<256x1xi32> to vector<1x256x1xi32>
    tpu.vector_store %arg5[%swap3A_105, %swap3A_106, %swap3A_107], %swap3A_110 {strides = array<i32>} : memref<1x256x8xi32, #tpu.memory_space<vmem>>, vector<1x256x1xi32>,
    %eq3A_111 = vector.broadcast %broadcast_in_dim3A_104 : vector<256x1xi32> to vector<256x1024xi32>
    %eq3A_112 = arith.cmpi eq, %iota3A, %eq3A_111 : vector<256x1024xi32>
    %jit3A_113 = arith.constant 0x7F800000 : f32
    %broadcast_in_dim3A_114 = vector.broadcast %jit3A_113 : f32 to vector<256x1024xf32>
    %select_n3A_115 = arith.select %eq3A_112, %broadcast_in_dim3A_114, %select_n3A_102 : vector<256x1024xi1>, vector<256x1024xf32>
    %argmin3A_116 = tpu.reduce_index %select_n3A_115 {axis = 1 : i32, kind = #tpu.reduction_kind<arg_min>} : vector<256x1024xf32> -> vector<256xi32>
    %broadcast_in_dim3A_117 = vector.shape_cast %argmin3A_116 : vector<256xi32> to vector<256x1xi32>
    %swap3A_118 = arith.constant 0 : index
    %swap3A_119 = arith.constant 0 : index
    %swap3A_120 = arith.constant 7 : index
    %swap3A_121 = vector.load %arg5[%swap3A_118, %swap3A_119, %swap3A_120] : memref<1x256x8xi32, #tpu.memory_space<vmem>>, vector<1x256x1xi32>
    %swap3A_122 = vector.shape_cast %swap3A_121 : vector<1x256x1xi32> to vector<256x1xi32>
    %swap3A_123 = vector.shape_cast %broadcast_in_dim3A_117 : vector<256x1xi32> to vector<1x256x1xi32>
    tpu.vector_store %arg5[%swap3A_118, %swap3A_119, %swap3A_120], %swap3A_123 {strides = array<i32>} : memref<1x256x8xi32, #tpu.memory_space<vmem>>, vector<1x256x1xi32>,
    return
  }
  func.func @transform_0(%arg0: i32, %arg1: i32) -> (i32, i32, i32) {
    %c0_i32 = arith.constant 0 : i32
    %c0_i32_0 = arith.constant 0 : i32
    return %arg0, %arg1, %c0_i32 : i32, i32, i32
  }
  func.func @transform_1(%arg0: i32, %arg1: i32) -> (i32, i32, i32) {
    %c0_i32 = arith.constant 0 : i32
    %c0_i32_0 = arith.constant 0 : i32
    %c0_i32_1 = arith.constant 0 : i32
    return %arg0, %c0_i32, %c0_i32_0 : i32, i32, i32
  }
  func.func @transform_2(%arg0: i32, %arg1: i32) -> (i32, i32, i32) {
    %c0_i32 = arith.constant 0 : i32
    %c0_i32_0 = arith.constant 0 : i32
    %c0_i32_1 = arith.constant 0 : i32
    return %arg0, %c0_i32, %c0_i32_0 : i32, i32, i32
  }
  func.func @transform_3(%arg0: i32, %arg1: i32) -> (i32, i32, i32) {
    %c0_i32 = arith.constant 0 : i32
    %c0_i32_0 = arith.constant 0 : i32
    return %arg0, %arg1, %c0_i32 : i32, i32, i32
  }
}

module attributes {stable_mosaic.version = 14 : i64} {
  func.func @_knn_body(%arg0: i32, %arg1: i32, %arg2: memref<1x256x3xf32, #tpu.memory_space<vmem>>, %arg3: memref<1x3x1024xf32, #tpu.memory_space<vmem>>, %arg4: memref<1x1x1024xf32, #tpu.memory_space<vmem>>, %arg5: memref<1x256x8xi32, #tpu.memory_space<vmem>>) attributes {dimension_semantics = [#tpu.dimension_semantics<arbitrary>, #tpu.dimension_semantics<arbitrary>], iteration_bounds = array<i64: 8, 1>, scalar_prefetch = 0 : i64, scratch_operands = 0 : i64, tpu.core_type = #tpu.core_type<tc>, window_params = [{transform_indices = @transform_0, window_bounds = array<i64: 1, 256, 3>}, {transform_indices = @transform_1, window_bounds = array<i64: 1, 3, 1024>}, {transform_indices = @transform_2, window_bounds = array<i64: 1, 1, 1024>}, {transform_indices = @transform_3, window_bounds = array<i64: 1, 256, 8>}]} {
    %get3A = arith.constant 0 : index
    %get3A_0 = arith.constant 0 : index
    %get3A_1 = arith.constant 0 : index
    %get3A_2 = vector.load %arg2[%get3A, %get3A_0, %get3A_1] : memref<1x256x3xf32, #tpu.memory_space<vmem>>, vector<1x256x3xf32>
    %get3A_3 = vector.shape_cast %get3A_2 : vector<1x256x3xf32> to vector<256x3xf32>
    %mul3A = arith.mulf %get3A_3, %get3A_3 : vector<256x3xf32>
    %reduce_sum3A = arith.constant dense<0.000000e+00> : vector<256xf32>
    %reduce_sum3A_4 = vector.multi_reduction <add>, %mul3A, %reduce_sum3A [1] : vector<256x3xf32> to vector<256xf32>
    %broadcast_in_dim3A = vector.shape_cast %reduce_sum3A_4 : vector<256xf32> to vector<256x1xf32>
    %get3A_5 = arith.constant 0 : index
    %get3A_6 = arith.constant 0 : index
    %get3A_7 = arith.constant 0 : index
    %get3A_8 = vector.load %arg3[%get3A_5, %get3A_6, %get3A_7] : memref<1x3x1024xf32, #tpu.memory_space<vmem>>, vector<1x3x1024xf32>
    %get3A_9 = vector.shape_cast %get3A_8 : vector<1x3x1024xf32> to vector<3x1024xf32>
    %dot_general3A = arith.constant dense<0.000000e+00> : vector<256x1024xf32>
    %dot_general3A_10 = tpu.matmul %get3A_3, %get3A_9, %dot_general3A {dimension_numbers = #tpu.dot_dimension_numbers<[1], [0], [0], [1], [0, 0, 1, 1], [], []>, transpose_lhs_hint = false} : vector<256x3xf32>, vector<3x1024xf32>, vector<256x1024xf32> -> vector<256x1024xf32>
    %get3A_11 = arith.constant 0 : index
    %get3A_12 = arith.constant 0 : index
    %get3A_13 = arith.constant 0 : index
    %get3A_14 = vector.load %arg4[%get3A_11, %get3A_12, %get3A_13] : memref<1x1x1024xf32, #tpu.memory_space<vmem>>, vector<1x1x1024xf32>
    %get3A_15 = vector.shape_cast %get3A_14 : vector<1x1x1024xf32> to vector<1x1024xf32>
    %add3A = vector.broadcast %broadcast_in_dim3A : vector<256x1xf32> to vector<256x1024xf32>
    %add3A_16 = vector.broadcast %get3A_15 : vector<1x1024xf32> to vector<256x1024xf32>
    %add3A_17 = arith.addf %add3A, %add3A_16 : vector<256x1024xf32>
    %mul3A_18 = arith.constant 2.000000e+00 : f32
    %mul3A_19 = vector.broadcast %mul3A_18 : f32 to vector<256x1024xf32>
    %mul3A_20 = arith.mulf %mul3A_19, %dot_general3A_10 : vector<256x1024xf32>
    %sub3A = arith.subf %add3A_17, %mul3A_20 : vector<256x1024xf32>
    %iota3A = tpu.iota {dimensions = array<i32: 1>} : vector<256x1024xi32>
    %argmin3A = tpu.reduce_index %sub3A {axis = 1 : i32, kind = #tpu.reduction_kind<arg_min>} : vector<256x1024xf32> -> vector<256xi32>
    %broadcast_in_dim3A_21 = vector.shape_cast %argmin3A : vector<256xi32> to vector<256x1xi32>
    %swap3A = arith.constant 0 : index
    %swap3A_22 = arith.constant 0 : index
    %swap3A_23 = arith.constant 0 : index
    %swap3A_24 = vector.load %arg5[%swap3A, %swap3A_22, %swap3A_23] : memref<1x256x8xi32, #tpu.memory_space<vmem>>, vector<1x256x1xi32>
    %swap3A_25 = vector.shape_cast %swap3A_24 : vector<1x256x1xi32> to vector<256x1xi32>
    %swap3A_26 = vector.shape_cast %broadcast_in_dim3A_21 : vector<256x1xi32> to vector<1x256x1xi32>
    tpu.vector_store %arg5[%swap3A, %swap3A_22, %swap3A_23], %swap3A_26 {strides = array<i32>} : memref<1x256x8xi32, #tpu.memory_space<vmem>>, vector<1x256x1xi32>,
    %eq3A = vector.broadcast %broadcast_in_dim3A_21 : vector<256x1xi32> to vector<256x1024xi32>
    %eq3A_27 = arith.cmpi eq, %iota3A, %eq3A : vector<256x1024xi32>
    %jit3A = arith.constant 0x7F800000 : f32
    %broadcast_in_dim3A_28 = vector.broadcast %jit3A : f32 to vector<256x1024xf32>
    %select_n3A = arith.select %eq3A_27, %broadcast_in_dim3A_28, %sub3A : vector<256x1024xi1>, vector<256x1024xf32>
    %argmin3A_29 = tpu.reduce_index %select_n3A {axis = 1 : i32, kind = #tpu.reduction_kind<arg_min>} : vector<256x1024xf32> -> vector<256xi32>
    %broadcast_in_dim3A_30 = vector.shape_cast %argmin3A_29 : vector<256xi32> to vector<256x1xi32>
    %swap3A_31 = arith.constant 0 : index
    %swap3A_32 = arith.constant 0 : index
    %swap3A_33 = arith.constant 1 : index
    %swap3A_34 = vector.load %arg5[%swap3A_31, %swap3A_32, %swap3A_33] : memref<1x256x8xi32, #tpu.memory_space<vmem>>, vector<1x256x1xi32>
    %swap3A_35 = vector.shape_cast %swap3A_34 : vector<1x256x1xi32> to vector<256x1xi32>
    %swap3A_36 = vector.shape_cast %broadcast_in_dim3A_30 : vector<256x1xi32> to vector<1x256x1xi32>
    tpu.vector_store %arg5[%swap3A_31, %swap3A_32, %swap3A_33], %swap3A_36 {strides = array<i32>} : memref<1x256x8xi32, #tpu.memory_space<vmem>>, vector<1x256x1xi32>,
    %eq3A_37 = vector.broadcast %broadcast_in_dim3A_30 : vector<256x1xi32> to vector<256x1024xi32>
    %eq3A_38 = arith.cmpi eq, %iota3A, %eq3A_37 : vector<256x1024xi32>
    %jit3A_39 = arith.constant 0x7F800000 : f32
    %broadcast_in_dim3A_40 = vector.broadcast %jit3A_39 : f32 to vector<256x1024xf32>
    %select_n3A_41 = arith.select %eq3A_38, %broadcast_in_dim3A_40, %select_n3A : vector<256x1024xi1>, vector<256x1024xf32>
    %argmin3A_42 = tpu.reduce_index %select_n3A_41 {axis = 1 : i32, kind = #tpu.reduction_kind<arg_min>} : vector<256x1024xf32> -> vector<256xi32>
    %broadcast_in_dim3A_43 = vector.shape_cast %argmin3A_42 : vector<256xi32> to vector<256x1xi32>
    %swap3A_44 = arith.constant 0 : index
    %swap3A_45 = arith.constant 0 : index
    %swap3A_46 = arith.constant 2 : index
    %swap3A_47 = vector.load %arg5[%swap3A_44, %swap3A_45, %swap3A_46] : memref<1x256x8xi32, #tpu.memory_space<vmem>>, vector<1x256x1xi32>
    %swap3A_48 = vector.shape_cast %swap3A_47 : vector<1x256x1xi32> to vector<256x1xi32>
    %swap3A_49 = vector.shape_cast %broadcast_in_dim3A_43 : vector<256x1xi32> to vector<1x256x1xi32>
    tpu.vector_store %arg5[%swap3A_44, %swap3A_45, %swap3A_46], %swap3A_49 {strides = array<i32>} : memref<1x256x8xi32, #tpu.memory_space<vmem>>, vector<1x256x1xi32>,
    %eq3A_50 = vector.broadcast %broadcast_in_dim3A_43 : vector<256x1xi32> to vector<256x1024xi32>
    %eq3A_51 = arith.cmpi eq, %iota3A, %eq3A_50 : vector<256x1024xi32>
    %jit3A_52 = arith.constant 0x7F800000 : f32
    %broadcast_in_dim3A_53 = vector.broadcast %jit3A_52 : f32 to vector<256x1024xf32>
    %select_n3A_54 = arith.select %eq3A_51, %broadcast_in_dim3A_53, %select_n3A_41 : vector<256x1024xi1>, vector<256x1024xf32>
    %argmin3A_55 = tpu.reduce_index %select_n3A_54 {axis = 1 : i32, kind = #tpu.reduction_kind<arg_min>} : vector<256x1024xf32> -> vector<256xi32>
    %broadcast_in_dim3A_56 = vector.shape_cast %argmin3A_55 : vector<256xi32> to vector<256x1xi32>
    %swap3A_57 = arith.constant 0 : index
    %swap3A_58 = arith.constant 0 : index
    %swap3A_59 = arith.constant 3 : index
    %swap3A_60 = vector.load %arg5[%swap3A_57, %swap3A_58, %swap3A_59] : memref<1x256x8xi32, #tpu.memory_space<vmem>>, vector<1x256x1xi32>
    %swap3A_61 = vector.shape_cast %swap3A_60 : vector<1x256x1xi32> to vector<256x1xi32>
    %swap3A_62 = vector.shape_cast %broadcast_in_dim3A_56 : vector<256x1xi32> to vector<1x256x1xi32>
    tpu.vector_store %arg5[%swap3A_57, %swap3A_58, %swap3A_59], %swap3A_62 {strides = array<i32>} : memref<1x256x8xi32, #tpu.memory_space<vmem>>, vector<1x256x1xi32>,
    %eq3A_63 = vector.broadcast %broadcast_in_dim3A_56 : vector<256x1xi32> to vector<256x1024xi32>
    %eq3A_64 = arith.cmpi eq, %iota3A, %eq3A_63 : vector<256x1024xi32>
    %jit3A_65 = arith.constant 0x7F800000 : f32
    %broadcast_in_dim3A_66 = vector.broadcast %jit3A_65 : f32 to vector<256x1024xf32>
    %select_n3A_67 = arith.select %eq3A_64, %broadcast_in_dim3A_66, %select_n3A_54 : vector<256x1024xi1>, vector<256x1024xf32>
    %argmin3A_68 = tpu.reduce_index %select_n3A_67 {axis = 1 : i32, kind = #tpu.reduction_kind<arg_min>} : vector<256x1024xf32> -> vector<256xi32>
    %broadcast_in_dim3A_69 = vector.shape_cast %argmin3A_68 : vector<256xi32> to vector<256x1xi32>
    %swap3A_70 = arith.constant 0 : index
    %swap3A_71 = arith.constant 0 : index
    %swap3A_72 = arith.constant 4 : index
    %swap3A_73 = vector.load %arg5[%swap3A_70, %swap3A_71, %swap3A_72] : memref<1x256x8xi32, #tpu.memory_space<vmem>>, vector<1x256x1xi32>
    %swap3A_74 = vector.shape_cast %swap3A_73 : vector<1x256x1xi32> to vector<256x1xi32>
    %swap3A_75 = vector.shape_cast %broadcast_in_dim3A_69 : vector<256x1xi32> to vector<1x256x1xi32>
    tpu.vector_store %arg5[%swap3A_70, %swap3A_71, %swap3A_72], %swap3A_75 {strides = array<i32>} : memref<1x256x8xi32, #tpu.memory_space<vmem>>, vector<1x256x1xi32>,
    %eq3A_76 = vector.broadcast %broadcast_in_dim3A_69 : vector<256x1xi32> to vector<256x1024xi32>
    %eq3A_77 = arith.cmpi eq, %iota3A, %eq3A_76 : vector<256x1024xi32>
    %jit3A_78 = arith.constant 0x7F800000 : f32
    %broadcast_in_dim3A_79 = vector.broadcast %jit3A_78 : f32 to vector<256x1024xf32>
    %select_n3A_80 = arith.select %eq3A_77, %broadcast_in_dim3A_79, %select_n3A_67 : vector<256x1024xi1>, vector<256x1024xf32>
    %argmin3A_81 = tpu.reduce_index %select_n3A_80 {axis = 1 : i32, kind = #tpu.reduction_kind<arg_min>} : vector<256x1024xf32> -> vector<256xi32>
    %broadcast_in_dim3A_82 = vector.shape_cast %argmin3A_81 : vector<256xi32> to vector<256x1xi32>
    %swap3A_83 = arith.constant 0 : index
    %swap3A_84 = arith.constant 0 : index
    %swap3A_85 = arith.constant 5 : index
    %swap3A_86 = vector.load %arg5[%swap3A_83, %swap3A_84, %swap3A_85] : memref<1x256x8xi32, #tpu.memory_space<vmem>>, vector<1x256x1xi32>
    %swap3A_87 = vector.shape_cast %swap3A_86 : vector<1x256x1xi32> to vector<256x1xi32>
    %swap3A_88 = vector.shape_cast %broadcast_in_dim3A_82 : vector<256x1xi32> to vector<1x256x1xi32>
    tpu.vector_store %arg5[%swap3A_83, %swap3A_84, %swap3A_85], %swap3A_88 {strides = array<i32>} : memref<1x256x8xi32, #tpu.memory_space<vmem>>, vector<1x256x1xi32>,
    %eq3A_89 = vector.broadcast %broadcast_in_dim3A_82 : vector<256x1xi32> to vector<256x1024xi32>
    %eq3A_90 = arith.cmpi eq, %iota3A, %eq3A_89 : vector<256x1024xi32>
    %jit3A_91 = arith.constant 0x7F800000 : f32
    %broadcast_in_dim3A_92 = vector.broadcast %jit3A_91 : f32 to vector<256x1024xf32>
    %select_n3A_93 = arith.select %eq3A_90, %broadcast_in_dim3A_92, %select_n3A_80 : vector<256x1024xi1>, vector<256x1024xf32>
    %argmin3A_94 = tpu.reduce_index %select_n3A_93 {axis = 1 : i32, kind = #tpu.reduction_kind<arg_min>} : vector<256x1024xf32> -> vector<256xi32>
    %broadcast_in_dim3A_95 = vector.shape_cast %argmin3A_94 : vector<256xi32> to vector<256x1xi32>
    %swap3A_96 = arith.constant 0 : index
    %swap3A_97 = arith.constant 0 : index
    %swap3A_98 = arith.constant 6 : index
    %swap3A_99 = vector.load %arg5[%swap3A_96, %swap3A_97, %swap3A_98] : memref<1x256x8xi32, #tpu.memory_space<vmem>>, vector<1x256x1xi32>
    %swap3A_100 = vector.shape_cast %swap3A_99 : vector<1x256x1xi32> to vector<256x1xi32>
    %swap3A_101 = vector.shape_cast %broadcast_in_dim3A_95 : vector<256x1xi32> to vector<1x256x1xi32>
    tpu.vector_store %arg5[%swap3A_96, %swap3A_97, %swap3A_98], %swap3A_101 {strides = array<i32>} : memref<1x256x8xi32, #tpu.memory_space<vmem>>, vector<1x256x1xi32>,
    %eq3A_102 = vector.broadcast %broadcast_in_dim3A_95 : vector<256x1xi32> to vector<256x1024xi32>
    %eq3A_103 = arith.cmpi eq, %iota3A, %eq3A_102 : vector<256x1024xi32>
    %jit3A_104 = arith.constant 0x7F800000 : f32
    %broadcast_in_dim3A_105 = vector.broadcast %jit3A_104 : f32 to vector<256x1024xf32>
    %select_n3A_106 = arith.select %eq3A_103, %broadcast_in_dim3A_105, %select_n3A_93 : vector<256x1024xi1>, vector<256x1024xf32>
    %argmin3A_107 = tpu.reduce_index %select_n3A_106 {axis = 1 : i32, kind = #tpu.reduction_kind<arg_min>} : vector<256x1024xf32> -> vector<256xi32>
    %broadcast_in_dim3A_108 = vector.shape_cast %argmin3A_107 : vector<256xi32> to vector<256x1xi32>
    %swap3A_109 = arith.constant 0 : index
    %swap3A_110 = arith.constant 0 : index
    %swap3A_111 = arith.constant 7 : index
    %swap3A_112 = vector.load %arg5[%swap3A_109, %swap3A_110, %swap3A_111] : memref<1x256x8xi32, #tpu.memory_space<vmem>>, vector<1x256x1xi32>
    %swap3A_113 = vector.shape_cast %swap3A_112 : vector<1x256x1xi32> to vector<256x1xi32>
    %swap3A_114 = vector.shape_cast %broadcast_in_dim3A_108 : vector<256x1xi32> to vector<1x256x1xi32>
    tpu.vector_store %arg5[%swap3A_109, %swap3A_110, %swap3A_111], %swap3A_114 {strides = array<i32>} : memref<1x256x8xi32, #tpu.memory_space<vmem>>, vector<1x256x1xi32>,
    return
  }
  func.func @transform_0(%arg0: i32, %arg1: i32) -> (i32, i32, i32) {
    %c0_i32 = arith.constant 0 : i32
    %c0_i32_0 = arith.constant 0 : i32
    return %arg0, %arg1, %c0_i32 : i32, i32, i32
  }
  func.func @transform_1(%arg0: i32, %arg1: i32) -> (i32, i32, i32) {
    %c0_i32 = arith.constant 0 : i32
    %c0_i32_0 = arith.constant 0 : i32
    %c0_i32_1 = arith.constant 0 : i32
    return %arg0, %c0_i32, %c0_i32_0 : i32, i32, i32
  }
  func.func @transform_2(%arg0: i32, %arg1: i32) -> (i32, i32, i32) {
    %c0_i32 = arith.constant 0 : i32
    %c0_i32_0 = arith.constant 0 : i32
    %c0_i32_1 = arith.constant 0 : i32
    return %arg0, %c0_i32, %c0_i32_0 : i32, i32, i32
  }
  func.func @transform_3(%arg0: i32, %arg1: i32) -> (i32, i32, i32) {
    %c0_i32 = arith.constant 0 : i32
    %c0_i32_0 = arith.constant 0 : i32
    return %arg0, %arg1, %c0_i32 : i32, i32, i32
  }
}

module attributes {stable_mosaic.version = 14 : i64} {
  func.func @_res_body(%arg0: i32, %arg1: memref<1x1024x8x128xf32, #tpu.memory_space<vmem>>, %arg2: memref<1x1024x8xi32, #tpu.memory_space<vmem>>, %arg3: memref<1x1024x8xi32, #tpu.memory_space<vmem>>, %arg4: memref<4x64x64xf32, #tpu.memory_space<vmem>>, %arg5: memref<4x64xf32, #tpu.memory_space<vmem>>, %arg6: memref<4x64x64xf32, #tpu.memory_space<vmem>>, %arg7: memref<4x64xf32, #tpu.memory_space<vmem>>, %arg8: memref<1x1024x64xf32, #tpu.memory_space<vmem>>) attributes {dimension_semantics = [#tpu.dimension_semantics<arbitrary>], iteration_bounds = array<i64: 8>, scalar_prefetch = 0 : i64, scratch_operands = 0 : i64, tpu.core_type = #tpu.core_type<tc>, window_params = [{transform_indices = @transform_0, window_bounds = array<i64: 1, 1024, 8, 128>}, {transform_indices = @transform_1, window_bounds = array<i64: 1, 1024, 8>}, {transform_indices = @transform_2, window_bounds = array<i64: 1, 1024, 8>}, {pipeline_mode = #tpu.pipeline_mode<synchronous>, transform_indices = @transform_3, window_bounds = array<i64: 4, 64, 64>}, {pipeline_mode = #tpu.pipeline_mode<synchronous>, transform_indices = @transform_4, window_bounds = array<i64: 4, 64>}, {pipeline_mode = #tpu.pipeline_mode<synchronous>, transform_indices = @transform_5, window_bounds = array<i64: 4, 64, 64>}, {pipeline_mode = #tpu.pipeline_mode<synchronous>, transform_indices = @transform_6, window_bounds = array<i64: 4, 64>}, {transform_indices = @transform_7, window_bounds = array<i64: 1, 1024, 64>}]} {
    %get3A = arith.constant 0 : index
    %get3A_0 = arith.constant 0 : index
    %get3A_1 = arith.constant 0 : index
    %get3A_2 = arith.constant 0 : index
    %get3A_3 = vector.load %arg1[%get3A, %get3A_0, %get3A_1, %get3A_2] : memref<1x1024x8x128xf32, #tpu.memory_space<vmem>>, vector<1x1024x1x128xf32>
    %get3A_4 = vector.shape_cast %get3A_3 : vector<1x1024x1x128xf32> to vector<1024x128xf32>
    %get3A_5 = arith.constant 0 : index
    %get3A_6 = arith.constant 0 : index
    %get3A_7 = arith.constant 0 : index
    %get3A_8 = vector.load %arg2[%get3A_5, %get3A_6, %get3A_7] : memref<1x1024x8xi32, #tpu.memory_space<vmem>>, vector<1x1024x1xi32>
    %get3A_9 = vector.shape_cast %get3A_8 : vector<1x1024x1xi32> to vector<1024x1xi32>
    %gt3A = arith.constant 0 : i32
    %gt3A_10 = vector.broadcast %gt3A : i32 to vector<1024x1xi32>
    %gt3A_11 = arith.cmpi sgt, %get3A_9, %gt3A_10 : vector<1024x1xi32>
    %slice3A = vector.extract_strided_slice %get3A_4 {offsets = [0, 64], sizes = [1024, 64], strides = [1, 1]} : vector<1024x128xf32> to vector<1024x64xf32>
    %slice3A_12 = vector.extract_strided_slice %get3A_4 {offsets = [0, 0], sizes = [1024, 64], strides = [1, 1]} : vector<1024x128xf32> to vector<1024x64xf32>
    %broadcast_in_dim3A = vector.shape_cast %gt3A_11 : vector<1024x1xi1> to vector<1024x1xi1>
    %broadcast_in_dim3A_13 = vector.broadcast %broadcast_in_dim3A : vector<1024x1xi1> to vector<1024x64xi1>
    %select_n3A = arith.select %broadcast_in_dim3A_13, %slice3A, %slice3A_12 : vector<1024x64xi1>, vector<1024x64xf32>
    %get3A_14 = arith.constant 0 : index
    %get3A_15 = arith.constant 0 : index
    %get3A_16 = arith.constant 1 : index
    %get3A_17 = arith.constant 0 : index
    %get3A_18 = vector.load %arg1[%get3A_14, %get3A_15, %get3A_16, %get3A_17] : memref<1x1024x8x128xf32, #tpu.memory_space<vmem>>, vector<1x1024x1x128xf32>
    %get3A_19 = vector.shape_cast %get3A_18 : vector<1x1024x1x128xf32> to vector<1024x128xf32>
    %get3A_20 = arith.constant 0 : index
    %get3A_21 = arith.constant 0 : index
    %get3A_22 = arith.constant 1 : index
    %get3A_23 = vector.load %arg2[%get3A_20, %get3A_21, %get3A_22] : memref<1x1024x8xi32, #tpu.memory_space<vmem>>, vector<1x1024x1xi32>
    %get3A_24 = vector.shape_cast %get3A_23 : vector<1x1024x1xi32> to vector<1024x1xi32>
    %gt3A_25 = arith.constant 0 : i32
    %gt3A_26 = vector.broadcast %gt3A_25 : i32 to vector<1024x1xi32>
    %gt3A_27 = arith.cmpi sgt, %get3A_24, %gt3A_26 : vector<1024x1xi32>
    %slice3A_28 = vector.extract_strided_slice %get3A_19 {offsets = [0, 64], sizes = [1024, 64], strides = [1, 1]} : vector<1024x128xf32> to vector<1024x64xf32>
    %slice3A_29 = vector.extract_strided_slice %get3A_19 {offsets = [0, 0], sizes = [1024, 64], strides = [1, 1]} : vector<1024x128xf32> to vector<1024x64xf32>
    %broadcast_in_dim3A_30 = vector.shape_cast %gt3A_27 : vector<1024x1xi1> to vector<1024x1xi1>
    %broadcast_in_dim3A_31 = vector.broadcast %broadcast_in_dim3A_30 : vector<1024x1xi1> to vector<1024x64xi1>
    %select_n3A_32 = arith.select %broadcast_in_dim3A_31, %slice3A_28, %slice3A_29 : vector<1024x64xi1>, vector<1024x64xf32>
    %max3A = arith.maximumf %select_n3A, %select_n3A_32 : vector<1024x64xf32>
    %get3A_33 = arith.constant 0 : index
    %get3A_34 = arith.constant 0 : index
    %get3A_35 = arith.constant 2 : index
    %get3A_36 = arith.constant 0 : index
    %get3A_37 = vector.load %arg1[%get3A_33, %get3A_34, %get3A_35, %get3A_36] : memref<1x1024x8x128xf32, #tpu.memory_space<vmem>>, vector<1x1024x1x128xf32>
    %get3A_38 = vector.shape_cast %get3A_37 : vector<1x1024x1x128xf32> to vector<1024x128xf32>
    %get3A_39 = arith.constant 0 : index
    %get3A_40 = arith.constant 0 : index
    %get3A_41 = arith.constant 2 : index
    %get3A_42 = vector.load %arg2[%get3A_39, %get3A_40, %get3A_41] : memref<1x1024x8xi32, #tpu.memory_space<vmem>>, vector<1x1024x1xi32>
    %get3A_43 = vector.shape_cast %get3A_42 : vector<1x1024x1xi32> to vector<1024x1xi32>
    %gt3A_44 = arith.constant 0 : i32
    %gt3A_45 = vector.broadcast %gt3A_44 : i32 to vector<1024x1xi32>
    %gt3A_46 = arith.cmpi sgt, %get3A_43, %gt3A_45 : vector<1024x1xi32>
    %slice3A_47 = vector.extract_strided_slice %get3A_38 {offsets = [0, 64], sizes = [1024, 64], strides = [1, 1]} : vector<1024x128xf32> to vector<1024x64xf32>
    %slice3A_48 = vector.extract_strided_slice %get3A_38 {offsets = [0, 0], sizes = [1024, 64], strides = [1, 1]} : vector<1024x128xf32> to vector<1024x64xf32>
    %broadcast_in_dim3A_49 = vector.shape_cast %gt3A_46 : vector<1024x1xi1> to vector<1024x1xi1>
    %broadcast_in_dim3A_50 = vector.broadcast %broadcast_in_dim3A_49 : vector<1024x1xi1> to vector<1024x64xi1>
    %select_n3A_51 = arith.select %broadcast_in_dim3A_50, %slice3A_47, %slice3A_48 : vector<1024x64xi1>, vector<1024x64xf32>
    %max3A_52 = arith.maximumf %max3A, %select_n3A_51 : vector<1024x64xf32>
    %get3A_53 = arith.constant 0 : index
    %get3A_54 = arith.constant 0 : index
    %get3A_55 = arith.constant 3 : index
    %get3A_56 = arith.constant 0 : index
    %get3A_57 = vector.load %arg1[%get3A_53, %get3A_54, %get3A_55, %get3A_56] : memref<1x1024x8x128xf32, #tpu.memory_space<vmem>>, vector<1x1024x1x128xf32>
    %get3A_58 = vector.shape_cast %get3A_57 : vector<1x1024x1x128xf32> to vector<1024x128xf32>
    %get3A_59 = arith.constant 0 : index
    %get3A_60 = arith.constant 0 : index
    %get3A_61 = arith.constant 3 : index
    %get3A_62 = vector.load %arg2[%get3A_59, %get3A_60, %get3A_61] : memref<1x1024x8xi32, #tpu.memory_space<vmem>>, vector<1x1024x1xi32>
    %get3A_63 = vector.shape_cast %get3A_62 : vector<1x1024x1xi32> to vector<1024x1xi32>
    %gt3A_64 = arith.constant 0 : i32
    %gt3A_65 = vector.broadcast %gt3A_64 : i32 to vector<1024x1xi32>
    %gt3A_66 = arith.cmpi sgt, %get3A_63, %gt3A_65 : vector<1024x1xi32>
    %slice3A_67 = vector.extract_strided_slice %get3A_58 {offsets = [0, 64], sizes = [1024, 64], strides = [1, 1]} : vector<1024x128xf32> to vector<1024x64xf32>
    %slice3A_68 = vector.extract_strided_slice %get3A_58 {offsets = [0, 0], sizes = [1024, 64], strides = [1, 1]} : vector<1024x128xf32> to vector<1024x64xf32>
    %broadcast_in_dim3A_69 = vector.shape_cast %gt3A_66 : vector<1024x1xi1> to vector<1024x1xi1>
    %broadcast_in_dim3A_70 = vector.broadcast %broadcast_in_dim3A_69 : vector<1024x1xi1> to vector<1024x64xi1>
    %select_n3A_71 = arith.select %broadcast_in_dim3A_70, %slice3A_67, %slice3A_68 : vector<1024x64xi1>, vector<1024x64xf32>
    %max3A_72 = arith.maximumf %max3A_52, %select_n3A_71 : vector<1024x64xf32>
    %get3A_73 = arith.constant 0 : index
    %get3A_74 = arith.constant 0 : index
    %get3A_75 = arith.constant 4 : index
    %get3A_76 = arith.constant 0 : index
    %get3A_77 = vector.load %arg1[%get3A_73, %get3A_74, %get3A_75, %get3A_76] : memref<1x1024x8x128xf32, #tpu.memory_space<vmem>>, vector<1x1024x1x128xf32>
    %get3A_78 = vector.shape_cast %get3A_77 : vector<1x1024x1x128xf32> to vector<1024x128xf32>
    %get3A_79 = arith.constant 0 : index
    %get3A_80 = arith.constant 0 : index
    %get3A_81 = arith.constant 4 : index
    %get3A_82 = vector.load %arg2[%get3A_79, %get3A_80, %get3A_81] : memref<1x1024x8xi32, #tpu.memory_space<vmem>>, vector<1x1024x1xi32>
    %get3A_83 = vector.shape_cast %get3A_82 : vector<1x1024x1xi32> to vector<1024x1xi32>
    %gt3A_84 = arith.constant 0 : i32
    %gt3A_85 = vector.broadcast %gt3A_84 : i32 to vector<1024x1xi32>
    %gt3A_86 = arith.cmpi sgt, %get3A_83, %gt3A_85 : vector<1024x1xi32>
    %slice3A_87 = vector.extract_strided_slice %get3A_78 {offsets = [0, 64], sizes = [1024, 64], strides = [1, 1]} : vector<1024x128xf32> to vector<1024x64xf32>
    %slice3A_88 = vector.extract_strided_slice %get3A_78 {offsets = [0, 0], sizes = [1024, 64], strides = [1, 1]} : vector<1024x128xf32> to vector<1024x64xf32>
    %broadcast_in_dim3A_89 = vector.shape_cast %gt3A_86 : vector<1024x1xi1> to vector<1024x1xi1>
    %broadcast_in_dim3A_90 = vector.broadcast %broadcast_in_dim3A_89 : vector<1024x1xi1> to vector<1024x64xi1>
    %select_n3A_91 = arith.select %broadcast_in_dim3A_90, %slice3A_87, %slice3A_88 : vector<1024x64xi1>, vector<1024x64xf32>
    %max3A_92 = arith.maximumf %max3A_72, %select_n3A_91 : vector<1024x64xf32>
    %get3A_93 = arith.constant 0 : index
    %get3A_94 = arith.constant 0 : index
    %get3A_95 = arith.constant 5 : index
    %get3A_96 = arith.constant 0 : index
    %get3A_97 = vector.load %arg1[%get3A_93, %get3A_94, %get3A_95, %get3A_96] : memref<1x1024x8x128xf32, #tpu.memory_space<vmem>>, vector<1x1024x1x128xf32>
    %get3A_98 = vector.shape_cast %get3A_97 : vector<1x1024x1x128xf32> to vector<1024x128xf32>
    %get3A_99 = arith.constant 0 : index
    %get3A_100 = arith.constant 0 : index
    %get3A_101 = arith.constant 5 : index
    %get3A_102 = vector.load %arg2[%get3A_99, %get3A_100, %get3A_101] : memref<1x1024x8xi32, #tpu.memory_space<vmem>>, vector<1x1024x1xi32>
    %get3A_103 = vector.shape_cast %get3A_102 : vector<1x1024x1xi32> to vector<1024x1xi32>
    %gt3A_104 = arith.constant 0 : i32
    %gt3A_105 = vector.broadcast %gt3A_104 : i32 to vector<1024x1xi32>
    %gt3A_106 = arith.cmpi sgt, %get3A_103, %gt3A_105 : vector<1024x1xi32>
    %slice3A_107 = vector.extract_strided_slice %get3A_98 {offsets = [0, 64], sizes = [1024, 64], strides = [1, 1]} : vector<1024x128xf32> to vector<1024x64xf32>
    %slice3A_108 = vector.extract_strided_slice %get3A_98 {offsets = [0, 0], sizes = [1024, 64], strides = [1, 1]} : vector<1024x128xf32> to vector<1024x64xf32>
    %broadcast_in_dim3A_109 = vector.shape_cast %gt3A_106 : vector<1024x1xi1> to vector<1024x1xi1>
    %broadcast_in_dim3A_110 = vector.broadcast %broadcast_in_dim3A_109 : vector<1024x1xi1> to vector<1024x64xi1>
    %select_n3A_111 = arith.select %broadcast_in_dim3A_110, %slice3A_107, %slice3A_108 : vector<1024x64xi1>, vector<1024x64xf32>
    %max3A_112 = arith.maximumf %max3A_92, %select_n3A_111 : vector<1024x64xf32>
    %get3A_113 = arith.constant 0 : index
    %get3A_114 = arith.constant 0 : index
    %get3A_115 = arith.constant 6 : index
    %get3A_116 = arith.constant 0 : index
    %get3A_117 = vector.load %arg1[%get3A_113, %get3A_114, %get3A_115, %get3A_116] : memref<1x1024x8x128xf32, #tpu.memory_space<vmem>>, vector<1x1024x1x128xf32>
    %get3A_118 = vector.shape_cast %get3A_117 : vector<1x1024x1x128xf32> to vector<1024x128xf32>
    %get3A_119 = arith.constant 0 : index
    %get3A_120 = arith.constant 0 : index
    %get3A_121 = arith.constant 6 : index
    %get3A_122 = vector.load %arg2[%get3A_119, %get3A_120, %get3A_121] : memref<1x1024x8xi32, #tpu.memory_space<vmem>>, vector<1x1024x1xi32>
    %get3A_123 = vector.shape_cast %get3A_122 : vector<1x1024x1xi32> to vector<1024x1xi32>
    %gt3A_124 = arith.constant 0 : i32
    %gt3A_125 = vector.broadcast %gt3A_124 : i32 to vector<1024x1xi32>
    %gt3A_126 = arith.cmpi sgt, %get3A_123, %gt3A_125 : vector<1024x1xi32>
    %slice3A_127 = vector.extract_strided_slice %get3A_118 {offsets = [0, 64], sizes = [1024, 64], strides = [1, 1]} : vector<1024x128xf32> to vector<1024x64xf32>
    %slice3A_128 = vector.extract_strided_slice %get3A_118 {offsets = [0, 0], sizes = [1024, 64], strides = [1, 1]} : vector<1024x128xf32> to vector<1024x64xf32>
    %broadcast_in_dim3A_129 = vector.shape_cast %gt3A_126 : vector<1024x1xi1> to vector<1024x1xi1>
    %broadcast_in_dim3A_130 = vector.broadcast %broadcast_in_dim3A_129 : vector<1024x1xi1> to vector<1024x64xi1>
    %select_n3A_131 = arith.select %broadcast_in_dim3A_130, %slice3A_127, %slice3A_128 : vector<1024x64xi1>, vector<1024x64xf32>
    %max3A_132 = arith.maximumf %max3A_112, %select_n3A_131 : vector<1024x64xf32>
    %get3A_133 = arith.constant 0 : index
    %get3A_134 = arith.constant 0 : index
    %get3A_135 = arith.constant 7 : index
    %get3A_136 = arith.constant 0 : index
    %get3A_137 = vector.load %arg1[%get3A_133, %get3A_134, %get3A_135, %get3A_136] : memref<1x1024x8x128xf32, #tpu.memory_space<vmem>>, vector<1x1024x1x128xf32>
    %get3A_138 = vector.shape_cast %get3A_137 : vector<1x1024x1x128xf32> to vector<1024x128xf32>
    %get3A_139 = arith.constant 0 : index
    %get3A_140 = arith.constant 0 : index
    %get3A_141 = arith.constant 7 : index
    %get3A_142 = vector.load %arg2[%get3A_139, %get3A_140, %get3A_141] : memref<1x1024x8xi32, #tpu.memory_space<vmem>>, vector<1x1024x1xi32>
    %get3A_143 = vector.shape_cast %get3A_142 : vector<1x1024x1xi32> to vector<1024x1xi32>
    %gt3A_144 = arith.constant 0 : i32
    %gt3A_145 = vector.broadcast %gt3A_144 : i32 to vector<1024x1xi32>
    %gt3A_146 = arith.cmpi sgt, %get3A_143, %gt3A_145 : vector<1024x1xi32>
    %slice3A_147 = vector.extract_strided_slice %get3A_138 {offsets = [0, 64], sizes = [1024, 64], strides = [1, 1]} : vector<1024x128xf32> to vector<1024x64xf32>
    %slice3A_148 = vector.extract_strided_slice %get3A_138 {offsets = [0, 0], sizes = [1024, 64], strides = [1, 1]} : vector<1024x128xf32> to vector<1024x64xf32>
    %broadcast_in_dim3A_149 = vector.shape_cast %gt3A_146 : vector<1024x1xi1> to vector<1024x1xi1>
    %broadcast_in_dim3A_150 = vector.broadcast %broadcast_in_dim3A_149 : vector<1024x1xi1> to vector<1024x64xi1>
    %select_n3A_151 = arith.select %broadcast_in_dim3A_150, %slice3A_147, %slice3A_148 : vector<1024x64xi1>, vector<1024x64xf32>
    %max3A_152 = arith.maximumf %max3A_132, %select_n3A_151 : vector<1024x64xf32>
    %iota3A = tpu.iota {dimensions = array<i32: 1>} : vector<1024x1024xi32>
    %broadcast_in_dim3A_153 = arith.constant 0.000000e+00 : f32
    %broadcast_in_dim3A_154 = vector.broadcast %broadcast_in_dim3A_153 : f32 to vector<1024x1024xf32>
    %get3A_155 = arith.constant 0 : index
    %get3A_156 = arith.constant 0 : index
    %get3A_157 = arith.constant 0 : index
    %get3A_158 = vector.load %arg3[%get3A_155, %get3A_156, %get3A_157] : memref<1x1024x8xi32, #tpu.memory_space<vmem>>, vector<1x1024x1xi32>
    %get3A_159 = vector.shape_cast %get3A_158 : vector<1x1024x1xi32> to vector<1024x1xi32>
    %eq3A = vector.broadcast %get3A_159 : vector<1024x1xi32> to vector<1024x1024xi32>
    %eq3A_160 = arith.cmpi eq, %iota3A, %eq3A : vector<1024x1024xi32>
    %convert_element_type3A = arith.extui %eq3A_160 : vector<1024x1024xi1> to vector<1024x1024xi32>
    %convert_element_type3A_161 = arith.sitofp %convert_element_type3A : vector<1024x1024xi32> to vector<1024x1024xf32>
    %add3A = arith.addf %broadcast_in_dim3A_154, %convert_element_type3A_161 : vector<1024x1024xf32>
    %get3A_162 = arith.constant 0 : index
    %get3A_163 = arith.constant 0 : index
    %get3A_164 = arith.constant 1 : index
    %get3A_165 = vector.load %arg3[%get3A_162, %get3A_163, %get3A_164] : memref<1x1024x8xi32, #tpu.memory_space<vmem>>, vector<1x1024x1xi32>
    %get3A_166 = vector.shape_cast %get3A_165 : vector<1x1024x1xi32> to vector<1024x1xi32>
    %eq3A_167 = vector.broadcast %get3A_166 : vector<1024x1xi32> to vector<1024x1024xi32>
    %eq3A_168 = arith.cmpi eq, %iota3A, %eq3A_167 : vector<1024x1024xi32>
    %convert_element_type3A_169 = arith.extui %eq3A_168 : vector<1024x1024xi1> to vector<1024x1024xi32>
    %convert_element_type3A_170 = arith.sitofp %convert_element_type3A_169 : vector<1024x1024xi32> to vector<1024x1024xf32>
    %add3A_171 = arith.addf %add3A, %convert_element_type3A_170 : vector<1024x1024xf32>
    %get3A_172 = arith.constant 0 : index
    %get3A_173 = arith.constant 0 : index
    %get3A_174 = arith.constant 2 : index
    %get3A_175 = vector.load %arg3[%get3A_172, %get3A_173, %get3A_174] : memref<1x1024x8xi32, #tpu.memory_space<vmem>>, vector<1x1024x1xi32>
    %get3A_176 = vector.shape_cast %get3A_175 : vector<1x1024x1xi32> to vector<1024x1xi32>
    %eq3A_177 = vector.broadcast %get3A_176 : vector<1024x1xi32> to vector<1024x1024xi32>
    %eq3A_178 = arith.cmpi eq, %iota3A, %eq3A_177 : vector<1024x1024xi32>
    %convert_element_type3A_179 = arith.extui %eq3A_178 : vector<1024x1024xi1> to vector<1024x1024xi32>
    %convert_element_type3A_180 = arith.sitofp %convert_element_type3A_179 : vector<1024x1024xi32> to vector<1024x1024xf32>
    %add3A_181 = arith.addf %add3A_171, %convert_element_type3A_180 : vector<1024x1024xf32>
    %get3A_182 = arith.constant 0 : index
    %get3A_183 = arith.constant 0 : index
    %get3A_184 = arith.constant 3 : index
    %get3A_185 = vector.load %arg3[%get3A_182, %get3A_183, %get3A_184] : memref<1x1024x8xi32, #tpu.memory_space<vmem>>, vector<1x1024x1xi32>
    %get3A_186 = vector.shape_cast %get3A_185 : vector<1x1024x1xi32> to vector<1024x1xi32>
    %eq3A_187 = vector.broadcast %get3A_186 : vector<1024x1xi32> to vector<1024x1024xi32>
    %eq3A_188 = arith.cmpi eq, %iota3A, %eq3A_187 : vector<1024x1024xi32>
    %convert_element_type3A_189 = arith.extui %eq3A_188 : vector<1024x1024xi1> to vector<1024x1024xi32>
    %convert_element_type3A_190 = arith.sitofp %convert_element_type3A_189 : vector<1024x1024xi32> to vector<1024x1024xf32>
    %add3A_191 = arith.addf %add3A_181, %convert_element_type3A_190 : vector<1024x1024xf32>
    %get3A_192 = arith.constant 0 : index
    %get3A_193 = arith.constant 0 : index
    %get3A_194 = arith.constant 4 : index
    %get3A_195 = vector.load %arg3[%get3A_192, %get3A_193, %get3A_194] : memref<1x1024x8xi32, #tpu.memory_space<vmem>>, vector<1x1024x1xi32>
    %get3A_196 = vector.shape_cast %get3A_195 : vector<1x1024x1xi32> to vector<1024x1xi32>
    %eq3A_197 = vector.broadcast %get3A_196 : vector<1024x1xi32> to vector<1024x1024xi32>
    %eq3A_198 = arith.cmpi eq, %iota3A, %eq3A_197 : vector<1024x1024xi32>
    %convert_element_type3A_199 = arith.extui %eq3A_198 : vector<1024x1024xi1> to vector<1024x1024xi32>
    %convert_element_type3A_200 = arith.sitofp %convert_element_type3A_199 : vector<1024x1024xi32> to vector<1024x1024xf32>
    %add3A_201 = arith.addf %add3A_191, %convert_element_type3A_200 : vector<1024x1024xf32>
    %get3A_202 = arith.constant 0 : index
    %get3A_203 = arith.constant 0 : index
    %get3A_204 = arith.constant 5 : index
    %get3A_205 = vector.load %arg3[%get3A_202, %get3A_203, %get3A_204] : memref<1x1024x8xi32, #tpu.memory_space<vmem>>, vector<1x1024x1xi32>
    %get3A_206 = vector.shape_cast %get3A_205 : vector<1x1024x1xi32> to vector<1024x1xi32>
    %eq3A_207 = vector.broadcast %get3A_206 : vector<1024x1xi32> to vector<1024x1024xi32>
    %eq3A_208 = arith.cmpi eq, %iota3A, %eq3A_207 : vector<1024x1024xi32>
    %convert_element_type3A_209 = arith.extui %eq3A_208 : vector<1024x1024xi1> to vector<1024x1024xi32>
    %convert_element_type3A_210 = arith.sitofp %convert_element_type3A_209 : vector<1024x1024xi32> to vector<1024x1024xf32>
    %add3A_211 = arith.addf %add3A_201, %convert_element_type3A_210 : vector<1024x1024xf32>
    %get3A_212 = arith.constant 0 : index
    %get3A_213 = arith.constant 0 : index
    %get3A_214 = arith.constant 6 : index
    %get3A_215 = vector.load %arg3[%get3A_212, %get3A_213, %get3A_214] : memref<1x1024x8xi32, #tpu.memory_space<vmem>>, vector<1x1024x1xi32>
    %get3A_216 = vector.shape_cast %get3A_215 : vector<1x1024x1xi32> to vector<1024x1xi32>
    %eq3A_217 = vector.broadcast %get3A_216 : vector<1024x1xi32> to vector<1024x1024xi32>
    %eq3A_218 = arith.cmpi eq, %iota3A, %eq3A_217 : vector<1024x1024xi32>
    %convert_element_type3A_219 = arith.extui %eq3A_218 : vector<1024x1024xi1> to vector<1024x1024xi32>
    %convert_element_type3A_220 = arith.sitofp %convert_element_type3A_219 : vector<1024x1024xi32> to vector<1024x1024xf32>
    %add3A_221 = arith.addf %add3A_211, %convert_element_type3A_220 : vector<1024x1024xf32>
    %get3A_222 = arith.constant 0 : index
    %get3A_223 = arith.constant 0 : index
    %get3A_224 = arith.constant 7 : index
    %get3A_225 = vector.load %arg3[%get3A_222, %get3A_223, %get3A_224] : memref<1x1024x8xi32, #tpu.memory_space<vmem>>, vector<1x1024x1xi32>
    %get3A_226 = vector.shape_cast %get3A_225 : vector<1x1024x1xi32> to vector<1024x1xi32>
    %eq3A_227 = vector.broadcast %get3A_226 : vector<1024x1xi32> to vector<1024x1024xi32>
    %eq3A_228 = arith.cmpi eq, %iota3A, %eq3A_227 : vector<1024x1024xi32>
    %convert_element_type3A_229 = arith.extui %eq3A_228 : vector<1024x1024xi1> to vector<1024x1024xi32>
    %convert_element_type3A_230 = arith.sitofp %convert_element_type3A_229 : vector<1024x1024xi32> to vector<1024x1024xf32>
    %add3A_231 = arith.addf %add3A_221, %convert_element_type3A_230 : vector<1024x1024xf32>
    %ge3A = arith.constant 0.000000e+00 : f32
    %ge3A_232 = vector.broadcast %ge3A : f32 to vector<1024x64xf32>
    %ge3A_233 = arith.cmpf oge, %max3A_152, %ge3A_232 : vector<1024x64xf32>
    %mul3A = arith.constant 2.000000e-01 : f32
    %mul3A_234 = vector.broadcast %mul3A : f32 to vector<1024x64xf32>
    %mul3A_235 = arith.mulf %mul3A_234, %max3A_152 : vector<1024x64xf32>
    %select_n3A_236 = arith.select %ge3A_233, %max3A_152, %mul3A_235 : vector<1024x64xi1>, vector<1024x64xf32>
    %convert_element_type3A_237 = arith.truncf %select_n3A_236 : vector<1024x64xf32> to vector<1024x64xbf16>
    %convert_element_type3A_238 = arith.extf %convert_element_type3A_237 : vector<1024x64xbf16> to vector<1024x64xf32>
    %get3A_239 = arith.constant 0 : index
    %get3A_240 = arith.constant 0 : index
    %get3A_241 = arith.constant 0 : index
    %get3A_242 = vector.load %arg4[%get3A_239, %get3A_240, %get3A_241] : memref<4x64x64xf32, #tpu.memory_space<vmem>>, vector<1x64x64xf32>
    %get3A_243 = vector.shape_cast %get3A_242 : vector<1x64x64xf32> to vector<64x64xf32>
    %convert_element_type3A_244 = arith.truncf %get3A_243 : vector<64x64xf32> to vector<64x64xbf16>
    %convert_element_type3A_245 = arith.extf %convert_element_type3A_244 : vector<64x64xbf16> to vector<64x64xf32>
    %dot_general3A = arith.constant dense<0.000000e+00> : vector<1024x64xf32>
    %dot_general3A_246 = tpu.matmul %convert_element_type3A_238, %convert_element_type3A_245, %dot_general3A {dimension_numbers = #tpu.dot_dimension_numbers<[1], [0], [0], [1], [0, 0, 1, 1], [], []>, precision = #tpu.contract_precision<fp32>, transpose_lhs_hint = false} : vector<1024x64xf32>, vector<64x64xf32>, vector<1024x64xf32> -> vector<1024x64xf32>
    %dot_general3A_247 = arith.constant dense<0.000000e+00> : vector<1024x64xf32>
    %dot_general3A_248 = tpu.matmul %add3A_231, %convert_element_type3A_238, %dot_general3A_247 {dimension_numbers = #tpu.dot_dimension_numbers<[1], [0], [0], [1], [0, 0, 1, 1], [], []>, precision = #tpu.contract_precision<fp32>, transpose_lhs_hint = false} : vector<1024x1024xf32>, vector<1024x64xf32>, vector<1024x64xf32> -> vector<1024x64xf32>
    %get3A_249 = arith.constant 0 : index
    %get3A_250 = arith.constant 0 : index
    %get3A_251 = arith.constant 0 : index
    %get3A_252 = vector.load %arg6[%get3A_249, %get3A_250, %get3A_251] : memref<4x64x64xf32, #tpu.memory_space<vmem>>, vector<1x64x64xf32>
    %get3A_253 = vector.shape_cast %get3A_252 : vector<1x64x64xf32> to vector<64x64xf32>
    %convert_element_type3A_254 = arith.truncf %get3A_253 : vector<64x64xf32> to vector<64x64xbf16>
    %convert_element_type3A_255 = arith.extf %convert_element_type3A_254 : vector<64x64xbf16> to vector<64x64xf32>
    %dot_general3A_256 = arith.constant dense<0.000000e+00> : vector<1024x64xf32>
    %dot_general3A_257 = tpu.matmul %dot_general3A_248, %convert_element_type3A_255, %dot_general3A_256 {dimension_numbers = #tpu.dot_dimension_numbers<[1], [0], [0], [1], [0, 0, 1, 1], [], []>, precision = #tpu.contract_precision<fp32>, transpose_lhs_hint = false} : vector<1024x64xf32>, vector<64x64xf32>, vector<1024x64xf32> -> vector<1024x64xf32>
    %get3A_258 = arith.constant 0 : index
    %get3A_259 = arith.constant 0 : index
    %get3A_260 = vector.load %arg5[%get3A_258, %get3A_259] : memref<4x64xf32, #tpu.memory_space<vmem>>, vector<1x64xf32>
    %add3A_261 = vector.broadcast %get3A_260 : vector<1x64xf32> to vector<1024x64xf32>
    %add3A_262 = arith.addf %dot_general3A_246, %add3A_261 : vector<1024x64xf32>
    %add3A_263 = arith.addf %add3A_262, %dot_general3A_257 : vector<1024x64xf32>
    %get3A_264 = arith.constant 0 : index
    %get3A_265 = arith.constant 0 : index
    %get3A_266 = vector.load %arg7[%get3A_264, %get3A_265] : memref<4x64xf32, #tpu.memory_space<vmem>>, vector<1x64xf32>
    %mul3A_267 = arith.constant 8.000000e+00 : f32
    %mul3A_268 = vector.broadcast %mul3A_267 : f32 to vector<1x64xf32>
    %mul3A_269 = arith.mulf %mul3A_268, %get3A_266 : vector<1x64xf32>
    %add3A_270 = vector.broadcast %mul3A_269 : vector<1x64xf32> to vector<1024x64xf32>
    %add3A_271 = arith.addf %add3A_263, %add3A_270 : vector<1024x64xf32>
    %div3A = arith.constant 9.000000e+00 : f32
    %div3A_272 = vector.broadcast %div3A : f32 to vector<1024x64xf32>
    %div3A_273 = arith.divf %add3A_271, %div3A_272 : vector<1024x64xf32>
    %add3A_274 = arith.addf %max3A_152, %div3A_273 : vector<1024x64xf32>
    %ge3A_275 = arith.constant 0.000000e+00 : f32
    %ge3A_276 = vector.broadcast %ge3A_275 : f32 to vector<1024x64xf32>
    %ge3A_277 = arith.cmpf oge, %add3A_274, %ge3A_276 : vector<1024x64xf32>
    %mul3A_278 = arith.constant 2.000000e-01 : f32
    %mul3A_279 = vector.broadcast %mul3A_278 : f32 to vector<1024x64xf32>
    %mul3A_280 = arith.mulf %mul3A_279, %add3A_274 : vector<1024x64xf32>
    %select_n3A_281 = arith.select %ge3A_277, %add3A_274, %mul3A_280 : vector<1024x64xi1>, vector<1024x64xf32>
    %convert_element_type3A_282 = arith.truncf %select_n3A_281 : vector<1024x64xf32> to vector<1024x64xbf16>
    %convert_element_type3A_283 = arith.extf %convert_element_type3A_282 : vector<1024x64xbf16> to vector<1024x64xf32>
    %get3A_284 = arith.constant 1 : index
    %get3A_285 = arith.constant 0 : index
    %get3A_286 = arith.constant 0 : index
    %get3A_287 = vector.load %arg4[%get3A_284, %get3A_285, %get3A_286] : memref<4x64x64xf32, #tpu.memory_space<vmem>>, vector<1x64x64xf32>
    %get3A_288 = vector.shape_cast %get3A_287 : vector<1x64x64xf32> to vector<64x64xf32>
    %convert_element_type3A_289 = arith.truncf %get3A_288 : vector<64x64xf32> to vector<64x64xbf16>
    %convert_element_type3A_290 = arith.extf %convert_element_type3A_289 : vector<64x64xbf16> to vector<64x64xf32>
    %dot_general3A_291 = arith.constant dense<0.000000e+00> : vector<1024x64xf32>
    %dot_general3A_292 = tpu.matmul %convert_element_type3A_283, %convert_element_type3A_290, %dot_general3A_291 {dimension_numbers = #tpu.dot_dimension_numbers<[1], [0], [0], [1], [0, 0, 1, 1], [], []>, precision = #tpu.contract_precision<fp32>, transpose_lhs_hint = false} : vector<1024x64xf32>, vector<64x64xf32>, vector<1024x64xf32> -> vector<1024x64xf32>
    %dot_general3A_293 = arith.constant dense<0.000000e+00> : vector<1024x64xf32>
    %dot_general3A_294 = tpu.matmul %add3A_231, %convert_element_type3A_283, %dot_general3A_293 {dimension_numbers = #tpu.dot_dimension_numbers<[1], [0], [0], [1], [0, 0, 1, 1], [], []>, precision = #tpu.contract_precision<fp32>, transpose_lhs_hint = false} : vector<1024x1024xf32>, vector<1024x64xf32>, vector<1024x64xf32> -> vector<1024x64xf32>
    %get3A_295 = arith.constant 1 : index
    %get3A_296 = arith.constant 0 : index
    %get3A_297 = arith.constant 0 : index
    %get3A_298 = vector.load %arg6[%get3A_295, %get3A_296, %get3A_297] : memref<4x64x64xf32, #tpu.memory_space<vmem>>, vector<1x64x64xf32>
    %get3A_299 = vector.shape_cast %get3A_298 : vector<1x64x64xf32> to vector<64x64xf32>
    %convert_element_type3A_300 = arith.truncf %get3A_299 : vector<64x64xf32> to vector<64x64xbf16>
    %convert_element_type3A_301 = arith.extf %convert_element_type3A_300 : vector<64x64xbf16> to vector<64x64xf32>
    %dot_general3A_302 = arith.constant dense<0.000000e+00> : vector<1024x64xf32>
    %dot_general3A_303 = tpu.matmul %dot_general3A_294, %convert_element_type3A_301, %dot_general3A_302 {dimension_numbers = #tpu.dot_dimension_numbers<[1], [0], [0], [1], [0, 0, 1, 1], [], []>, precision = #tpu.contract_precision<fp32>, transpose_lhs_hint = false} : vector<1024x64xf32>, vector<64x64xf32>, vector<1024x64xf32> -> vector<1024x64xf32>
    %get3A_304 = arith.constant 1 : index
    %get3A_305 = arith.constant 0 : index
    %get3A_306 = vector.load %arg5[%get3A_304, %get3A_305] : memref<4x64xf32, #tpu.memory_space<vmem>>, vector<1x64xf32>
    %add3A_307 = vector.broadcast %get3A_306 : vector<1x64xf32> to vector<1024x64xf32>
    %add3A_308 = arith.addf %dot_general3A_292, %add3A_307 : vector<1024x64xf32>
    %add3A_309 = arith.addf %add3A_308, %dot_general3A_303 : vector<1024x64xf32>
    %get3A_310 = arith.constant 1 : index
    %get3A_311 = arith.constant 0 : index
    %get3A_312 = vector.load %arg7[%get3A_310, %get3A_311] : memref<4x64xf32, #tpu.memory_space<vmem>>, vector<1x64xf32>
    %mul3A_313 = arith.constant 8.000000e+00 : f32
    %mul3A_314 = vector.broadcast %mul3A_313 : f32 to vector<1x64xf32>
    %mul3A_315 = arith.mulf %mul3A_314, %get3A_312 : vector<1x64xf32>
    %add3A_316 = vector.broadcast %mul3A_315 : vector<1x64xf32> to vector<1024x64xf32>
    %add3A_317 = arith.addf %add3A_309, %add3A_316 : vector<1024x64xf32>
    %div3A_318 = arith.constant 9.000000e+00 : f32
    %div3A_319 = vector.broadcast %div3A_318 : f32 to vector<1024x64xf32>
    %div3A_320 = arith.divf %add3A_317, %div3A_319 : vector<1024x64xf32>
    %add3A_321 = arith.addf %add3A_274, %div3A_320 : vector<1024x64xf32>
    %ge3A_322 = arith.constant 0.000000e+00 : f32
    %ge3A_323 = vector.broadcast %ge3A_322 : f32 to vector<1024x64xf32>
    %ge3A_324 = arith.cmpf oge, %add3A_321, %ge3A_323 : vector<1024x64xf32>
    %mul3A_325 = arith.constant 2.000000e-01 : f32
    %mul3A_326 = vector.broadcast %mul3A_325 : f32 to vector<1024x64xf32>
    %mul3A_327 = arith.mulf %mul3A_326, %add3A_321 : vector<1024x64xf32>
    %select_n3A_328 = arith.select %ge3A_324, %add3A_321, %mul3A_327 : vector<1024x64xi1>, vector<1024x64xf32>
    %convert_element_type3A_329 = arith.truncf %select_n3A_328 : vector<1024x64xf32> to vector<1024x64xbf16>
    %convert_element_type3A_330 = arith.extf %convert_element_type3A_329 : vector<1024x64xbf16> to vector<1024x64xf32>
    %get3A_331 = arith.constant 2 : index
    %get3A_332 = arith.constant 0 : index
    %get3A_333 = arith.constant 0 : index
    %get3A_334 = vector.load %arg4[%get3A_331, %get3A_332, %get3A_333] : memref<4x64x64xf32, #tpu.memory_space<vmem>>, vector<1x64x64xf32>
    %get3A_335 = vector.shape_cast %get3A_334 : vector<1x64x64xf32> to vector<64x64xf32>
    %convert_element_type3A_336 = arith.truncf %get3A_335 : vector<64x64xf32> to vector<64x64xbf16>
    %convert_element_type3A_337 = arith.extf %convert_element_type3A_336 : vector<64x64xbf16> to vector<64x64xf32>
    %dot_general3A_338 = arith.constant dense<0.000000e+00> : vector<1024x64xf32>
    %dot_general3A_339 = tpu.matmul %convert_element_type3A_330, %convert_element_type3A_337, %dot_general3A_338 {dimension_numbers = #tpu.dot_dimension_numbers<[1], [0], [0], [1], [0, 0, 1, 1], [], []>, precision = #tpu.contract_precision<fp32>, transpose_lhs_hint = false} : vector<1024x64xf32>, vector<64x64xf32>, vector<1024x64xf32> -> vector<1024x64xf32>
    %dot_general3A_340 = arith.constant dense<0.000000e+00> : vector<1024x64xf32>
    %dot_general3A_341 = tpu.matmul %add3A_231, %convert_element_type3A_330, %dot_general3A_340 {dimension_numbers = #tpu.dot_dimension_numbers<[1], [0], [0], [1], [0, 0, 1, 1], [], []>, precision = #tpu.contract_precision<fp32>, transpose_lhs_hint = false} : vector<1024x1024xf32>, vector<1024x64xf32>, vector<1024x64xf32> -> vector<1024x64xf32>
    %get3A_342 = arith.constant 2 : index
    %get3A_343 = arith.constant 0 : index
    %get3A_344 = arith.constant 0 : index
    %get3A_345 = vector.load %arg6[%get3A_342, %get3A_343, %get3A_344] : memref<4x64x64xf32, #tpu.memory_space<vmem>>, vector<1x64x64xf32>
    %get3A_346 = vector.shape_cast %get3A_345 : vector<1x64x64xf32> to vector<64x64xf32>
    %convert_element_type3A_347 = arith.truncf %get3A_346 : vector<64x64xf32> to vector<64x64xbf16>
    %convert_element_type3A_348 = arith.extf %convert_element_type3A_347 : vector<64x64xbf16> to vector<64x64xf32>
    %dot_general3A_349 = arith.constant dense<0.000000e+00> : vector<1024x64xf32>
    %dot_general3A_350 = tpu.matmul %dot_general3A_341, %convert_element_type3A_348, %dot_general3A_349 {dimension_numbers = #tpu.dot_dimension_numbers<[1], [0], [0], [1], [0, 0, 1, 1], [], []>, precision = #tpu.contract_precision<fp32>, transpose_lhs_hint = false} : vector<1024x64xf32>, vector<64x64xf32>, vector<1024x64xf32> -> vector<1024x64xf32>
    %get3A_351 = arith.constant 2 : index
    %get3A_352 = arith.constant 0 : index
    %get3A_353 = vector.load %arg5[%get3A_351, %get3A_352] : memref<4x64xf32, #tpu.memory_space<vmem>>, vector<1x64xf32>
    %add3A_354 = vector.broadcast %get3A_353 : vector<1x64xf32> to vector<1024x64xf32>
    %add3A_355 = arith.addf %dot_general3A_339, %add3A_354 : vector<1024x64xf32>
    %add3A_356 = arith.addf %add3A_355, %dot_general3A_350 : vector<1024x64xf32>
    %get3A_357 = arith.constant 2 : index
    %get3A_358 = arith.constant 0 : index
    %get3A_359 = vector.load %arg7[%get3A_357, %get3A_358] : memref<4x64xf32, #tpu.memory_space<vmem>>, vector<1x64xf32>
    %mul3A_360 = arith.constant 8.000000e+00 : f32
    %mul3A_361 = vector.broadcast %mul3A_360 : f32 to vector<1x64xf32>
    %mul3A_362 = arith.mulf %mul3A_361, %get3A_359 : vector<1x64xf32>
    %add3A_363 = vector.broadcast %mul3A_362 : vector<1x64xf32> to vector<1024x64xf32>
    %add3A_364 = arith.addf %add3A_356, %add3A_363 : vector<1024x64xf32>
    %div3A_365 = arith.constant 9.000000e+00 : f32
    %div3A_366 = vector.broadcast %div3A_365 : f32 to vector<1024x64xf32>
    %div3A_367 = arith.divf %add3A_364, %div3A_366 : vector<1024x64xf32>
    %add3A_368 = arith.addf %add3A_321, %div3A_367 : vector<1024x64xf32>
    %ge3A_369 = arith.constant 0.000000e+00 : f32
    %ge3A_370 = vector.broadcast %ge3A_369 : f32 to vector<1024x64xf32>
    %ge3A_371 = arith.cmpf oge, %add3A_368, %ge3A_370 : vector<1024x64xf32>
    %mul3A_372 = arith.constant 2.000000e-01 : f32
    %mul3A_373 = vector.broadcast %mul3A_372 : f32 to vector<1024x64xf32>
    %mul3A_374 = arith.mulf %mul3A_373, %add3A_368 : vector<1024x64xf32>
    %select_n3A_375 = arith.select %ge3A_371, %add3A_368, %mul3A_374 : vector<1024x64xi1>, vector<1024x64xf32>
    %convert_element_type3A_376 = arith.truncf %select_n3A_375 : vector<1024x64xf32> to vector<1024x64xbf16>
    %convert_element_type3A_377 = arith.extf %convert_element_type3A_376 : vector<1024x64xbf16> to vector<1024x64xf32>
    %get3A_378 = arith.constant 3 : index
    %get3A_379 = arith.constant 0 : index
    %get3A_380 = arith.constant 0 : index
    %get3A_381 = vector.load %arg4[%get3A_378, %get3A_379, %get3A_380] : memref<4x64x64xf32, #tpu.memory_space<vmem>>, vector<1x64x64xf32>
    %get3A_382 = vector.shape_cast %get3A_381 : vector<1x64x64xf32> to vector<64x64xf32>
    %convert_element_type3A_383 = arith.truncf %get3A_382 : vector<64x64xf32> to vector<64x64xbf16>
    %convert_element_type3A_384 = arith.extf %convert_element_type3A_383 : vector<64x64xbf16> to vector<64x64xf32>
    %dot_general3A_385 = arith.constant dense<0.000000e+00> : vector<1024x64xf32>
    %dot_general3A_386 = tpu.matmul %convert_element_type3A_377, %convert_element_type3A_384, %dot_general3A_385 {dimension_numbers = #tpu.dot_dimension_numbers<[1], [0], [0], [1], [0, 0, 1, 1], [], []>, precision = #tpu.contract_precision<fp32>, transpose_lhs_hint = false} : vector<1024x64xf32>, vector<64x64xf32>, vector<1024x64xf32> -> vector<1024x64xf32>
    %dot_general3A_387 = arith.constant dense<0.000000e+00> : vector<1024x64xf32>
    %dot_general3A_388 = tpu.matmul %add3A_231, %convert_element_type3A_377, %dot_general3A_387 {dimension_numbers = #tpu.dot_dimension_numbers<[1], [0], [0], [1], [0, 0, 1, 1], [], []>, precision = #tpu.contract_precision<fp32>, transpose_lhs_hint = false} : vector<1024x1024xf32>, vector<1024x64xf32>, vector<1024x64xf32> -> vector<1024x64xf32>
    %get3A_389 = arith.constant 3 : index
    %get3A_390 = arith.constant 0 : index
    %get3A_391 = arith.constant 0 : index
    %get3A_392 = vector.load %arg6[%get3A_389, %get3A_390, %get3A_391] : memref<4x64x64xf32, #tpu.memory_space<vmem>>, vector<1x64x64xf32>
    %get3A_393 = vector.shape_cast %get3A_392 : vector<1x64x64xf32> to vector<64x64xf32>
    %convert_element_type3A_394 = arith.truncf %get3A_393 : vector<64x64xf32> to vector<64x64xbf16>
    %convert_element_type3A_395 = arith.extf %convert_element_type3A_394 : vector<64x64xbf16> to vector<64x64xf32>
    %dot_general3A_396 = arith.constant dense<0.000000e+00> : vector<1024x64xf32>
    %dot_general3A_397 = tpu.matmul %dot_general3A_388, %convert_element_type3A_395, %dot_general3A_396 {dimension_numbers = #tpu.dot_dimension_numbers<[1], [0], [0], [1], [0, 0, 1, 1], [], []>, precision = #tpu.contract_precision<fp32>, transpose_lhs_hint = false} : vector<1024x64xf32>, vector<64x64xf32>, vector<1024x64xf32> -> vector<1024x64xf32>
    %get3A_398 = arith.constant 3 : index
    %get3A_399 = arith.constant 0 : index
    %get3A_400 = vector.load %arg5[%get3A_398, %get3A_399] : memref<4x64xf32, #tpu.memory_space<vmem>>, vector<1x64xf32>
    %add3A_401 = vector.broadcast %get3A_400 : vector<1x64xf32> to vector<1024x64xf32>
    %add3A_402 = arith.addf %dot_general3A_386, %add3A_401 : vector<1024x64xf32>
    %add3A_403 = arith.addf %add3A_402, %dot_general3A_397 : vector<1024x64xf32>
    %get3A_404 = arith.constant 3 : index
    %get3A_405 = arith.constant 0 : index
    %get3A_406 = vector.load %arg7[%get3A_404, %get3A_405] : memref<4x64xf32, #tpu.memory_space<vmem>>, vector<1x64xf32>
    %mul3A_407 = arith.constant 8.000000e+00 : f32
    %mul3A_408 = vector.broadcast %mul3A_407 : f32 to vector<1x64xf32>
    %mul3A_409 = arith.mulf %mul3A_408, %get3A_406 : vector<1x64xf32>
    %add3A_410 = vector.broadcast %mul3A_409 : vector<1x64xf32> to vector<1024x64xf32>
    %add3A_411 = arith.addf %add3A_403, %add3A_410 : vector<1024x64xf32>
    %div3A_412 = arith.constant 9.000000e+00 : f32
    %div3A_413 = vector.broadcast %div3A_412 : f32 to vector<1024x64xf32>
    %div3A_414 = arith.divf %add3A_411, %div3A_413 : vector<1024x64xf32>
    %add3A_415 = arith.addf %add3A_368, %div3A_414 : vector<1024x64xf32>
    %swap3A = arith.constant 0 : index
    %swap3A_416 = arith.constant 0 : index
    %swap3A_417 = arith.constant 0 : index
    %swap3A_418 = vector.load %arg8[%swap3A, %swap3A_416, %swap3A_417] : memref<1x1024x64xf32, #tpu.memory_space<vmem>>, vector<1x1024x64xf32>
    %swap3A_419 = vector.shape_cast %swap3A_418 : vector<1x1024x64xf32> to vector<1024x64xf32>
    %swap3A_420 = vector.shape_cast %add3A_415 : vector<1024x64xf32> to vector<1x1024x64xf32>
    tpu.vector_store %arg8[%swap3A, %swap3A_416, %swap3A_417], %swap3A_420 {strides = array<i32>} : memref<1x1024x64xf32, #tpu.memory_space<vmem>>, vector<1x1024x64xf32>,
    return
  }
  func.func @transform_0(%arg0: i32) -> (i32, i32, i32, i32) {
    %c0_i32 = arith.constant 0 : i32
    %c0_i32_0 = arith.constant 0 : i32
    %c0_i32_1 = arith.constant 0 : i32
    %c0_i32_2 = arith.constant 0 : i32
    return %arg0, %c0_i32, %c0_i32_0, %c0_i32_1 : i32, i32, i32, i32
  }
  func.func @transform_1(%arg0: i32) -> (i32, i32, i32) {
    %c0_i32 = arith.constant 0 : i32
    %c0_i32_0 = arith.constant 0 : i32
    %c0_i32_1 = arith.constant 0 : i32
    return %arg0, %c0_i32, %c0_i32_0 : i32, i32, i32
  }
  func.func @transform_2(%arg0: i32) -> (i32, i32, i32) {
    %c0_i32 = arith.constant 0 : i32
    %c0_i32_0 = arith.constant 0 : i32
    %c0_i32_1 = arith.constant 0 : i32
    return %arg0, %c0_i32, %c0_i32_0 : i32, i32, i32
  }
  func.func @transform_3(%arg0: i32) -> (i32, i32, i32) {
    %c0_i32 = arith.constant 0 : i32
    %c0_i32_0 = arith.constant 0 : i32
    %c0_i32_1 = arith.constant 0 : i32
    %c0_i32_2 = arith.constant 0 : i32
    return %c0_i32, %c0_i32_0, %c0_i32_1 : i32, i32, i32
  }
  func.func @transform_4(%arg0: i32) -> (i32, i32) {
    %c0_i32 = arith.constant 0 : i32
    %c0_i32_0 = arith.constant 0 : i32
    %c0_i32_1 = arith.constant 0 : i32
    return %c0_i32, %c0_i32_0 : i32, i32
  }
  func.func @transform_5(%arg0: i32) -> (i32, i32, i32) {
    %c0_i32 = arith.constant 0 : i32
    %c0_i32_0 = arith.constant 0 : i32
    %c0_i32_1 = arith.constant 0 : i32
    %c0_i32_2 = arith.constant 0 : i32
    return %c0_i32, %c0_i32_0, %c0_i32_1 : i32, i32, i32
  }
  func.func @transform_6(%arg0: i32) -> (i32, i32) {
    %c0_i32 = arith.constant 0 : i32
    %c0_i32_0 = arith.constant 0 : i32
    %c0_i32_1 = arith.constant 0 : i32
    return %c0_i32, %c0_i32_0 : i32, i32
  }
  func.func @transform_7(%arg0: i32) -> (i32, i32, i32) {
    %c0_i32 = arith.constant 0 : i32
    %c0_i32_0 = arith.constant 0 : i32
    %c0_i32_1 = arith.constant 0 : i32
    return %arg0, %c0_i32, %c0_i32_0 : i32, i32, i32
  }
}

module attributes {stable_mosaic.version = 14 : i64} {
  func.func @_fps_body(%arg0: memref<8x256xf32, #tpu.memory_space<vmem>>, %arg1: memref<8x256xf32, #tpu.memory_space<vmem>>, %arg2: memref<8x256xf32, #tpu.memory_space<vmem>>, %arg3: memref<64x8xf32, #tpu.memory_space<vmem>>, %arg4: memref<64x8xf32, #tpu.memory_space<vmem>>, %arg5: memref<64x8xf32, #tpu.memory_space<vmem>>) attributes {dimension_semantics = [], scalar_prefetch = 0 : i64, scratch_operands = 0 : i64, tpu.core_type = #tpu.core_type<tc>} {
    %get3A = arith.constant 0 : index
    %get3A_0 = arith.constant 0 : index
    %get3A_1 = vector.load %arg0[%get3A, %get3A_0] : memref<8x256xf32, #tpu.memory_space<vmem>>, vector<8x256xf32>
    %get3A_2 = arith.constant 0 : index
    %get3A_3 = arith.constant 0 : index
    %get3A_4 = vector.load %arg1[%get3A_2, %get3A_3] : memref<8x256xf32, #tpu.memory_space<vmem>>, vector<8x256xf32>
    %get3A_5 = arith.constant 0 : index
    %get3A_6 = arith.constant 0 : index
    %get3A_7 = vector.load %arg2[%get3A_5, %get3A_6] : memref<8x256xf32, #tpu.memory_space<vmem>>, vector<8x256xf32>
    %iota3A = tpu.iota {dimensions = array<i32: 1>} : vector<8x256xi32>
    %broadcast_in_dim3A = arith.constant 1.000000e+10 : f32
    %broadcast_in_dim3A_8 = vector.broadcast %broadcast_in_dim3A : f32 to vector<8x256xf32>
    %broadcast_in_dim3A_9 = arith.constant 0 : i32
    %broadcast_in_dim3A_10 = vector.broadcast %broadcast_in_dim3A_9 : i32 to vector<8xi32>
    %scan3A = arith.constant 0 : i32
    %scan3A_11 = arith.constant 64 : i32
    %scan3A_12 = arith.addi %scan3A, %scan3A_11 : i32
    %scan3A_13 = arith.constant 1 : i32
    %scan3A_14:2 = scf.for %scan3A_16 = %scan3A to %scan3A_12 step %scan3A_13 iter_args(%scan3A_17 = %broadcast_in_dim3A_8, %scan3A_18 = %broadcast_in_dim3A_10) -> (vector<8x256xf32>, vector<8xi32>)  : i32 {
      %broadcast_in_dim3A_19 = vector.shape_cast %scan3A_18 : vector<8xi32> to vector<8x1xi32>
      %eq3A = vector.broadcast %broadcast_in_dim3A_19 : vector<8x1xi32> to vector<8x256xi32>
      %eq3A_20 = arith.cmpi eq, %iota3A, %eq3A : vector<8x256xi32>
      %jit3A = arith.constant 0.000000e+00 : f32
      %broadcast_in_dim3A_21 = vector.broadcast %jit3A : f32 to vector<8x256xf32>
      %select_n3A = arith.select %eq3A_20, %get3A_1, %broadcast_in_dim3A_21 : vector<8x256xi1>, vector<8x256xf32>
      %reduce_sum3A = arith.constant dense<0.000000e+00> : vector<8xf32>
      %reduce_sum3A_22 = vector.multi_reduction <add>, %select_n3A, %reduce_sum3A [1] : vector<8x256xf32> to vector<8xf32>
      %broadcast_in_dim3A_23 = vector.shape_cast %reduce_sum3A_22 : vector<8xf32> to vector<8x1xf32>
      %jit3A_24 = arith.constant 0.000000e+00 : f32
      %broadcast_in_dim3A_25 = vector.broadcast %jit3A_24 : f32 to vector<8x256xf32>
      %select_n3A_26 = arith.select %eq3A_20, %get3A_4, %broadcast_in_dim3A_25 : vector<8x256xi1>, vector<8x256xf32>
      %reduce_sum3A_27 = arith.constant dense<0.000000e+00> : vector<8xf32>
      %reduce_sum3A_28 = vector.multi_reduction <add>, %select_n3A_26, %reduce_sum3A_27 [1] : vector<8x256xf32> to vector<8xf32>
      %broadcast_in_dim3A_29 = vector.shape_cast %reduce_sum3A_28 : vector<8xf32> to vector<8x1xf32>
      %jit3A_30 = arith.constant 0.000000e+00 : f32
      %broadcast_in_dim3A_31 = vector.broadcast %jit3A_30 : f32 to vector<8x256xf32>
      %select_n3A_32 = arith.select %eq3A_20, %get3A_7, %broadcast_in_dim3A_31 : vector<8x256xi1>, vector<8x256xf32>
      %reduce_sum3A_33 = arith.constant dense<0.000000e+00> : vector<8xf32>
      %reduce_sum3A_34 = vector.multi_reduction <add>, %select_n3A_32, %reduce_sum3A_33 [1] : vector<8x256xf32> to vector<8xf32>
      %broadcast_in_dim3A_35 = vector.shape_cast %reduce_sum3A_34 : vector<8xf32> to vector<8x1xf32>
      %squeeze3A = vector.shape_cast %broadcast_in_dim3A_23 : vector<8x1xf32> to vector<8xf32>
      %broadcast_in_dim3A_36 = vector.shape_cast %squeeze3A : vector<8xf32> to vector<1x8xf32>
      %swap3A = arith.index_cast %scan3A_16 : i32 to index
      %swap3A_37 = arith.constant 0 : index
      %swap3A_38 = vector.load %arg3[%swap3A, %swap3A_37] : memref<64x8xf32, #tpu.memory_space<vmem>>, vector<1x8xf32>
      tpu.vector_store %arg3[%swap3A, %swap3A_37], %broadcast_in_dim3A_36 {strides = array<i32>} : memref<64x8xf32, #tpu.memory_space<vmem>>, vector<1x8xf32>,
      %squeeze3A_39 = vector.shape_cast %broadcast_in_dim3A_29 : vector<8x1xf32> to vector<8xf32>
      %broadcast_in_dim3A_40 = vector.shape_cast %squeeze3A_39 : vector<8xf32> to vector<1x8xf32>
      %swap3A_41 = arith.index_cast %scan3A_16 : i32 to index
      %swap3A_42 = arith.constant 0 : index
      %swap3A_43 = vector.load %arg4[%swap3A_41, %swap3A_42] : memref<64x8xf32, #tpu.memory_space<vmem>>, vector<1x8xf32>
      tpu.vector_store %arg4[%swap3A_41, %swap3A_42], %broadcast_in_dim3A_40 {strides = array<i32>} : memref<64x8xf32, #tpu.memory_space<vmem>>, vector<1x8xf32>,
      %squeeze3A_44 = vector.shape_cast %broadcast_in_dim3A_35 : vector<8x1xf32> to vector<8xf32>
      %broadcast_in_dim3A_45 = vector.shape_cast %squeeze3A_44 : vector<8xf32> to vector<1x8xf32>
      %swap3A_46 = arith.index_cast %scan3A_16 : i32 to index
      %swap3A_47 = arith.constant 0 : index
      %swap3A_48 = vector.load %arg5[%swap3A_46, %swap3A_47] : memref<64x8xf32, #tpu.memory_space<vmem>>, vector<1x8xf32>
      tpu.vector_store %arg5[%swap3A_46, %swap3A_47], %broadcast_in_dim3A_45 {strides = array<i32>} : memref<64x8xf32, #tpu.memory_space<vmem>>, vector<1x8xf32>,
      %sub3A = vector.broadcast %broadcast_in_dim3A_23 : vector<8x1xf32> to vector<8x256xf32>
      %sub3A_49 = arith.subf %get3A_1, %sub3A : vector<8x256xf32>
      %sub3A_50 = vector.broadcast %broadcast_in_dim3A_29 : vector<8x1xf32> to vector<8x256xf32>
      %sub3A_51 = arith.subf %get3A_4, %sub3A_50 : vector<8x256xf32>
      %sub3A_52 = vector.broadcast %broadcast_in_dim3A_35 : vector<8x1xf32> to vector<8x256xf32>
      %sub3A_53 = arith.subf %get3A_7, %sub3A_52 : vector<8x256xf32>
      %mul3A = arith.mulf %sub3A_49, %sub3A_49 : vector<8x256xf32>
      %mul3A_54 = arith.mulf %sub3A_51, %sub3A_51 : vector<8x256xf32>
      %add3A = arith.addf %mul3A, %mul3A_54 : vector<8x256xf32>
      %mul3A_55 = arith.mulf %sub3A_53, %sub3A_53 : vector<8x256xf32>
      %add3A_56 = arith.addf %add3A, %mul3A_55 : vector<8x256xf32>
      %min3A = arith.minimumf %scan3A_17, %add3A_56 : vector<8x256xf32>
      %argmax3A = tpu.reduce_index %min3A {axis = 1 : i32, kind = #tpu.reduction_kind<arg_max>} : vector<8x256xf32> -> vector<8xi32>
      scf.yield %min3A, %argmax3A : vector<8x256xf32>, vector<8xi32>
    }
    %scan3A_15 = arith.constant 64 : i32
    return
  }
}

module attributes {stable_mosaic.version = 14 : i64} {
  func.func @_knn_body(%arg0: i32, %arg1: i32, %arg2: memref<1x256x3xf32, #tpu.memory_space<vmem>>, %arg3: memref<1x3x256xf32, #tpu.memory_space<vmem>>, %arg4: memref<1x1x256xf32, #tpu.memory_space<vmem>>, %arg5: memref<1x256x8xi32, #tpu.memory_space<vmem>>) attributes {dimension_semantics = [#tpu.dimension_semantics<arbitrary>, #tpu.dimension_semantics<arbitrary>], iteration_bounds = array<i64: 8, 1>, scalar_prefetch = 0 : i64, scratch_operands = 0 : i64, tpu.core_type = #tpu.core_type<tc>, window_params = [{transform_indices = @transform_0, window_bounds = array<i64: 1, 256, 3>}, {transform_indices = @transform_1, window_bounds = array<i64: 1, 3, 256>}, {transform_indices = @transform_2, window_bounds = array<i64: 1, 1, 256>}, {transform_indices = @transform_3, window_bounds = array<i64: 1, 256, 8>}]} {
    %get3A = arith.constant 0 : index
    %get3A_0 = arith.constant 0 : index
    %get3A_1 = arith.constant 0 : index
    %get3A_2 = vector.load %arg2[%get3A, %get3A_0, %get3A_1] : memref<1x256x3xf32, #tpu.memory_space<vmem>>, vector<1x256x3xf32>
    %get3A_3 = vector.shape_cast %get3A_2 : vector<1x256x3xf32> to vector<256x3xf32>
    %mul3A = arith.mulf %get3A_3, %get3A_3 : vector<256x3xf32>
    %reduce_sum3A = arith.constant dense<0.000000e+00> : vector<256xf32>
    %reduce_sum3A_4 = vector.multi_reduction <add>, %mul3A, %reduce_sum3A [1] : vector<256x3xf32> to vector<256xf32>
    %broadcast_in_dim3A = vector.shape_cast %reduce_sum3A_4 : vector<256xf32> to vector<256x1xf32>
    %get3A_5 = arith.constant 0 : index
    %get3A_6 = arith.constant 0 : index
    %get3A_7 = arith.constant 0 : index
    %get3A_8 = vector.load %arg3[%get3A_5, %get3A_6, %get3A_7] : memref<1x3x256xf32, #tpu.memory_space<vmem>>, vector<1x3x256xf32>
    %get3A_9 = vector.shape_cast %get3A_8 : vector<1x3x256xf32> to vector<3x256xf32>
    %dot_general3A = arith.constant dense<0.000000e+00> : vector<256x256xf32>
    %dot_general3A_10 = tpu.matmul %get3A_3, %get3A_9, %dot_general3A {dimension_numbers = #tpu.dot_dimension_numbers<[1], [0], [0], [1], [0, 0, 1, 1], [], []>, transpose_lhs_hint = false} : vector<256x3xf32>, vector<3x256xf32>, vector<256x256xf32> -> vector<256x256xf32>
    %get3A_11 = arith.constant 0 : index
    %get3A_12 = arith.constant 0 : index
    %get3A_13 = arith.constant 0 : index
    %get3A_14 = vector.load %arg4[%get3A_11, %get3A_12, %get3A_13] : memref<1x1x256xf32, #tpu.memory_space<vmem>>, vector<1x1x256xf32>
    %get3A_15 = vector.shape_cast %get3A_14 : vector<1x1x256xf32> to vector<1x256xf32>
    %add3A = vector.broadcast %broadcast_in_dim3A : vector<256x1xf32> to vector<256x256xf32>
    %add3A_16 = vector.broadcast %get3A_15 : vector<1x256xf32> to vector<256x256xf32>
    %add3A_17 = arith.addf %add3A, %add3A_16 : vector<256x256xf32>
    %mul3A_18 = arith.constant 2.000000e+00 : f32
    %mul3A_19 = vector.broadcast %mul3A_18 : f32 to vector<256x256xf32>
    %mul3A_20 = arith.mulf %mul3A_19, %dot_general3A_10 : vector<256x256xf32>
    %sub3A = arith.subf %add3A_17, %mul3A_20 : vector<256x256xf32>
    %iota3A = tpu.iota {dimensions = array<i32: 1>} : vector<256x256xi32>
    %mul3A_21 = arith.constant 256 : i32
    %mul3A_22 = arith.muli %arg1, %mul3A_21 : i32
    %iota3A_23 = tpu.iota {dimensions = array<i32: 0>} : vector<256x256xi32>
    %add3A_24 = vector.broadcast %mul3A_22 : i32 to vector<256x256xi32>
    %add3A_25 = arith.addi %iota3A_23, %add3A_24 : vector<256x256xi32>
    %eq3A = arith.cmpi eq, %iota3A, %add3A_25 : vector<256x256xi32>
    %jit3A = arith.constant 0x7F800000 : f32
    %broadcast_in_dim3A_26 = vector.broadcast %jit3A : f32 to vector<256x256xf32>
    %select_n3A = arith.select %eq3A, %broadcast_in_dim3A_26, %sub3A : vector<256x256xi1>, vector<256x256xf32>
    %argmin3A = tpu.reduce_index %select_n3A {axis = 1 : i32, kind = #tpu.reduction_kind<arg_min>} : vector<256x256xf32> -> vector<256xi32>
    %broadcast_in_dim3A_27 = vector.shape_cast %argmin3A : vector<256xi32> to vector<256x1xi32>
    %swap3A = arith.constant 0 : index
    %swap3A_28 = arith.constant 0 : index
    %swap3A_29 = arith.constant 0 : index
    %swap3A_30 = vector.load %arg5[%swap3A, %swap3A_28, %swap3A_29] : memref<1x256x8xi32, #tpu.memory_space<vmem>>, vector<1x256x1xi32>
    %swap3A_31 = vector.shape_cast %swap3A_30 : vector<1x256x1xi32> to vector<256x1xi32>
    %swap3A_32 = vector.shape_cast %broadcast_in_dim3A_27 : vector<256x1xi32> to vector<1x256x1xi32>
    tpu.vector_store %arg5[%swap3A, %swap3A_28, %swap3A_29], %swap3A_32 {strides = array<i32>} : memref<1x256x8xi32, #tpu.memory_space<vmem>>, vector<1x256x1xi32>,
    %eq3A_33 = vector.broadcast %broadcast_in_dim3A_27 : vector<256x1xi32> to vector<256x256xi32>
    %eq3A_34 = arith.cmpi eq, %iota3A, %eq3A_33 : vector<256x256xi32>
    %jit3A_35 = arith.constant 0x7F800000 : f32
    %broadcast_in_dim3A_36 = vector.broadcast %jit3A_35 : f32 to vector<256x256xf32>
    %select_n3A_37 = arith.select %eq3A_34, %broadcast_in_dim3A_36, %select_n3A : vector<256x256xi1>, vector<256x256xf32>
    %argmin3A_38 = tpu.reduce_index %select_n3A_37 {axis = 1 : i32, kind = #tpu.reduction_kind<arg_min>} : vector<256x256xf32> -> vector<256xi32>
    %broadcast_in_dim3A_39 = vector.shape_cast %argmin3A_38 : vector<256xi32> to vector<256x1xi32>
    %swap3A_40 = arith.constant 0 : index
    %swap3A_41 = arith.constant 0 : index
    %swap3A_42 = arith.constant 1 : index
    %swap3A_43 = vector.load %arg5[%swap3A_40, %swap3A_41, %swap3A_42] : memref<1x256x8xi32, #tpu.memory_space<vmem>>, vector<1x256x1xi32>
    %swap3A_44 = vector.shape_cast %swap3A_43 : vector<1x256x1xi32> to vector<256x1xi32>
    %swap3A_45 = vector.shape_cast %broadcast_in_dim3A_39 : vector<256x1xi32> to vector<1x256x1xi32>
    tpu.vector_store %arg5[%swap3A_40, %swap3A_41, %swap3A_42], %swap3A_45 {strides = array<i32>} : memref<1x256x8xi32, #tpu.memory_space<vmem>>, vector<1x256x1xi32>,
    %eq3A_46 = vector.broadcast %broadcast_in_dim3A_39 : vector<256x1xi32> to vector<256x256xi32>
    %eq3A_47 = arith.cmpi eq, %iota3A, %eq3A_46 : vector<256x256xi32>
    %jit3A_48 = arith.constant 0x7F800000 : f32
    %broadcast_in_dim3A_49 = vector.broadcast %jit3A_48 : f32 to vector<256x256xf32>
    %select_n3A_50 = arith.select %eq3A_47, %broadcast_in_dim3A_49, %select_n3A_37 : vector<256x256xi1>, vector<256x256xf32>
    %argmin3A_51 = tpu.reduce_index %select_n3A_50 {axis = 1 : i32, kind = #tpu.reduction_kind<arg_min>} : vector<256x256xf32> -> vector<256xi32>
    %broadcast_in_dim3A_52 = vector.shape_cast %argmin3A_51 : vector<256xi32> to vector<256x1xi32>
    %swap3A_53 = arith.constant 0 : index
    %swap3A_54 = arith.constant 0 : index
    %swap3A_55 = arith.constant 2 : index
    %swap3A_56 = vector.load %arg5[%swap3A_53, %swap3A_54, %swap3A_55] : memref<1x256x8xi32, #tpu.memory_space<vmem>>, vector<1x256x1xi32>
    %swap3A_57 = vector.shape_cast %swap3A_56 : vector<1x256x1xi32> to vector<256x1xi32>
    %swap3A_58 = vector.shape_cast %broadcast_in_dim3A_52 : vector<256x1xi32> to vector<1x256x1xi32>
    tpu.vector_store %arg5[%swap3A_53, %swap3A_54, %swap3A_55], %swap3A_58 {strides = array<i32>} : memref<1x256x8xi32, #tpu.memory_space<vmem>>, vector<1x256x1xi32>,
    %eq3A_59 = vector.broadcast %broadcast_in_dim3A_52 : vector<256x1xi32> to vector<256x256xi32>
    %eq3A_60 = arith.cmpi eq, %iota3A, %eq3A_59 : vector<256x256xi32>
    %jit3A_61 = arith.constant 0x7F800000 : f32
    %broadcast_in_dim3A_62 = vector.broadcast %jit3A_61 : f32 to vector<256x256xf32>
    %select_n3A_63 = arith.select %eq3A_60, %broadcast_in_dim3A_62, %select_n3A_50 : vector<256x256xi1>, vector<256x256xf32>
    %argmin3A_64 = tpu.reduce_index %select_n3A_63 {axis = 1 : i32, kind = #tpu.reduction_kind<arg_min>} : vector<256x256xf32> -> vector<256xi32>
    %broadcast_in_dim3A_65 = vector.shape_cast %argmin3A_64 : vector<256xi32> to vector<256x1xi32>
    %swap3A_66 = arith.constant 0 : index
    %swap3A_67 = arith.constant 0 : index
    %swap3A_68 = arith.constant 3 : index
    %swap3A_69 = vector.load %arg5[%swap3A_66, %swap3A_67, %swap3A_68] : memref<1x256x8xi32, #tpu.memory_space<vmem>>, vector<1x256x1xi32>
    %swap3A_70 = vector.shape_cast %swap3A_69 : vector<1x256x1xi32> to vector<256x1xi32>
    %swap3A_71 = vector.shape_cast %broadcast_in_dim3A_65 : vector<256x1xi32> to vector<1x256x1xi32>
    tpu.vector_store %arg5[%swap3A_66, %swap3A_67, %swap3A_68], %swap3A_71 {strides = array<i32>} : memref<1x256x8xi32, #tpu.memory_space<vmem>>, vector<1x256x1xi32>,
    %eq3A_72 = vector.broadcast %broadcast_in_dim3A_65 : vector<256x1xi32> to vector<256x256xi32>
    %eq3A_73 = arith.cmpi eq, %iota3A, %eq3A_72 : vector<256x256xi32>
    %jit3A_74 = arith.constant 0x7F800000 : f32
    %broadcast_in_dim3A_75 = vector.broadcast %jit3A_74 : f32 to vector<256x256xf32>
    %select_n3A_76 = arith.select %eq3A_73, %broadcast_in_dim3A_75, %select_n3A_63 : vector<256x256xi1>, vector<256x256xf32>
    %argmin3A_77 = tpu.reduce_index %select_n3A_76 {axis = 1 : i32, kind = #tpu.reduction_kind<arg_min>} : vector<256x256xf32> -> vector<256xi32>
    %broadcast_in_dim3A_78 = vector.shape_cast %argmin3A_77 : vector<256xi32> to vector<256x1xi32>
    %swap3A_79 = arith.constant 0 : index
    %swap3A_80 = arith.constant 0 : index
    %swap3A_81 = arith.constant 4 : index
    %swap3A_82 = vector.load %arg5[%swap3A_79, %swap3A_80, %swap3A_81] : memref<1x256x8xi32, #tpu.memory_space<vmem>>, vector<1x256x1xi32>
    %swap3A_83 = vector.shape_cast %swap3A_82 : vector<1x256x1xi32> to vector<256x1xi32>
    %swap3A_84 = vector.shape_cast %broadcast_in_dim3A_78 : vector<256x1xi32> to vector<1x256x1xi32>
    tpu.vector_store %arg5[%swap3A_79, %swap3A_80, %swap3A_81], %swap3A_84 {strides = array<i32>} : memref<1x256x8xi32, #tpu.memory_space<vmem>>, vector<1x256x1xi32>,
    %eq3A_85 = vector.broadcast %broadcast_in_dim3A_78 : vector<256x1xi32> to vector<256x256xi32>
    %eq3A_86 = arith.cmpi eq, %iota3A, %eq3A_85 : vector<256x256xi32>
    %jit3A_87 = arith.constant 0x7F800000 : f32
    %broadcast_in_dim3A_88 = vector.broadcast %jit3A_87 : f32 to vector<256x256xf32>
    %select_n3A_89 = arith.select %eq3A_86, %broadcast_in_dim3A_88, %select_n3A_76 : vector<256x256xi1>, vector<256x256xf32>
    %argmin3A_90 = tpu.reduce_index %select_n3A_89 {axis = 1 : i32, kind = #tpu.reduction_kind<arg_min>} : vector<256x256xf32> -> vector<256xi32>
    %broadcast_in_dim3A_91 = vector.shape_cast %argmin3A_90 : vector<256xi32> to vector<256x1xi32>
    %swap3A_92 = arith.constant 0 : index
    %swap3A_93 = arith.constant 0 : index
    %swap3A_94 = arith.constant 5 : index
    %swap3A_95 = vector.load %arg5[%swap3A_92, %swap3A_93, %swap3A_94] : memref<1x256x8xi32, #tpu.memory_space<vmem>>, vector<1x256x1xi32>
    %swap3A_96 = vector.shape_cast %swap3A_95 : vector<1x256x1xi32> to vector<256x1xi32>
    %swap3A_97 = vector.shape_cast %broadcast_in_dim3A_91 : vector<256x1xi32> to vector<1x256x1xi32>
    tpu.vector_store %arg5[%swap3A_92, %swap3A_93, %swap3A_94], %swap3A_97 {strides = array<i32>} : memref<1x256x8xi32, #tpu.memory_space<vmem>>, vector<1x256x1xi32>,
    %eq3A_98 = vector.broadcast %broadcast_in_dim3A_91 : vector<256x1xi32> to vector<256x256xi32>
    %eq3A_99 = arith.cmpi eq, %iota3A, %eq3A_98 : vector<256x256xi32>
    %jit3A_100 = arith.constant 0x7F800000 : f32
    %broadcast_in_dim3A_101 = vector.broadcast %jit3A_100 : f32 to vector<256x256xf32>
    %select_n3A_102 = arith.select %eq3A_99, %broadcast_in_dim3A_101, %select_n3A_89 : vector<256x256xi1>, vector<256x256xf32>
    %argmin3A_103 = tpu.reduce_index %select_n3A_102 {axis = 1 : i32, kind = #tpu.reduction_kind<arg_min>} : vector<256x256xf32> -> vector<256xi32>
    %broadcast_in_dim3A_104 = vector.shape_cast %argmin3A_103 : vector<256xi32> to vector<256x1xi32>
    %swap3A_105 = arith.constant 0 : index
    %swap3A_106 = arith.constant 0 : index
    %swap3A_107 = arith.constant 6 : index
    %swap3A_108 = vector.load %arg5[%swap3A_105, %swap3A_106, %swap3A_107] : memref<1x256x8xi32, #tpu.memory_space<vmem>>, vector<1x256x1xi32>
    %swap3A_109 = vector.shape_cast %swap3A_108 : vector<1x256x1xi32> to vector<256x1xi32>
    %swap3A_110 = vector.shape_cast %broadcast_in_dim3A_104 : vector<256x1xi32> to vector<1x256x1xi32>
    tpu.vector_store %arg5[%swap3A_105, %swap3A_106, %swap3A_107], %swap3A_110 {strides = array<i32>} : memref<1x256x8xi32, #tpu.memory_space<vmem>>, vector<1x256x1xi32>,
    %eq3A_111 = vector.broadcast %broadcast_in_dim3A_104 : vector<256x1xi32> to vector<256x256xi32>
    %eq3A_112 = arith.cmpi eq, %iota3A, %eq3A_111 : vector<256x256xi32>
    %jit3A_113 = arith.constant 0x7F800000 : f32
    %broadcast_in_dim3A_114 = vector.broadcast %jit3A_113 : f32 to vector<256x256xf32>
    %select_n3A_115 = arith.select %eq3A_112, %broadcast_in_dim3A_114, %select_n3A_102 : vector<256x256xi1>, vector<256x256xf32>
    %argmin3A_116 = tpu.reduce_index %select_n3A_115 {axis = 1 : i32, kind = #tpu.reduction_kind<arg_min>} : vector<256x256xf32> -> vector<256xi32>
    %broadcast_in_dim3A_117 = vector.shape_cast %argmin3A_116 : vector<256xi32> to vector<256x1xi32>
    %swap3A_118 = arith.constant 0 : index
    %swap3A_119 = arith.constant 0 : index
    %swap3A_120 = arith.constant 7 : index
    %swap3A_121 = vector.load %arg5[%swap3A_118, %swap3A_119, %swap3A_120] : memref<1x256x8xi32, #tpu.memory_space<vmem>>, vector<1x256x1xi32>
    %swap3A_122 = vector.shape_cast %swap3A_121 : vector<1x256x1xi32> to vector<256x1xi32>
    %swap3A_123 = vector.shape_cast %broadcast_in_dim3A_117 : vector<256x1xi32> to vector<1x256x1xi32>
    tpu.vector_store %arg5[%swap3A_118, %swap3A_119, %swap3A_120], %swap3A_123 {strides = array<i32>} : memref<1x256x8xi32, #tpu.memory_space<vmem>>, vector<1x256x1xi32>,
    return
  }
  func.func @transform_0(%arg0: i32, %arg1: i32) -> (i32, i32, i32) {
    %c0_i32 = arith.constant 0 : i32
    %c0_i32_0 = arith.constant 0 : i32
    return %arg0, %arg1, %c0_i32 : i32, i32, i32
  }
  func.func @transform_1(%arg0: i32, %arg1: i32) -> (i32, i32, i32) {
    %c0_i32 = arith.constant 0 : i32
    %c0_i32_0 = arith.constant 0 : i32
    %c0_i32_1 = arith.constant 0 : i32
    return %arg0, %c0_i32, %c0_i32_0 : i32, i32, i32
  }
  func.func @transform_2(%arg0: i32, %arg1: i32) -> (i32, i32, i32) {
    %c0_i32 = arith.constant 0 : i32
    %c0_i32_0 = arith.constant 0 : i32
    %c0_i32_1 = arith.constant 0 : i32
    return %arg0, %c0_i32, %c0_i32_0 : i32, i32, i32
  }
  func.func @transform_3(%arg0: i32, %arg1: i32) -> (i32, i32, i32) {
    %c0_i32 = arith.constant 0 : i32
    %c0_i32_0 = arith.constant 0 : i32
    return %arg0, %arg1, %c0_i32 : i32, i32, i32
  }
}

module attributes {stable_mosaic.version = 14 : i64} {
  func.func @_knn_body(%arg0: i32, %arg1: i32, %arg2: memref<1x64x3xf32, #tpu.memory_space<vmem>>, %arg3: memref<1x3x256xf32, #tpu.memory_space<vmem>>, %arg4: memref<1x1x256xf32, #tpu.memory_space<vmem>>, %arg5: memref<1x64x8xi32, #tpu.memory_space<vmem>>) attributes {dimension_semantics = [#tpu.dimension_semantics<arbitrary>, #tpu.dimension_semantics<arbitrary>], iteration_bounds = array<i64: 8, 1>, scalar_prefetch = 0 : i64, scratch_operands = 0 : i64, tpu.core_type = #tpu.core_type<tc>, window_params = [{transform_indices = @transform_0, window_bounds = array<i64: 1, 64, 3>}, {transform_indices = @transform_1, window_bounds = array<i64: 1, 3, 256>}, {transform_indices = @transform_2, window_bounds = array<i64: 1, 1, 256>}, {transform_indices = @transform_3, window_bounds = array<i64: 1, 64, 8>}]} {
    %get3A = arith.constant 0 : index
    %get3A_0 = arith.constant 0 : index
    %get3A_1 = arith.constant 0 : index
    %get3A_2 = vector.load %arg2[%get3A, %get3A_0, %get3A_1] : memref<1x64x3xf32, #tpu.memory_space<vmem>>, vector<1x64x3xf32>
    %get3A_3 = vector.shape_cast %get3A_2 : vector<1x64x3xf32> to vector<64x3xf32>
    %mul3A = arith.mulf %get3A_3, %get3A_3 : vector<64x3xf32>
    %reduce_sum3A = arith.constant dense<0.000000e+00> : vector<64xf32>
    %reduce_sum3A_4 = vector.multi_reduction <add>, %mul3A, %reduce_sum3A [1] : vector<64x3xf32> to vector<64xf32>
    %broadcast_in_dim3A = vector.shape_cast %reduce_sum3A_4 : vector<64xf32> to vector<64x1xf32>
    %get3A_5 = arith.constant 0 : index
    %get3A_6 = arith.constant 0 : index
    %get3A_7 = arith.constant 0 : index
    %get3A_8 = vector.load %arg3[%get3A_5, %get3A_6, %get3A_7] : memref<1x3x256xf32, #tpu.memory_space<vmem>>, vector<1x3x256xf32>
    %get3A_9 = vector.shape_cast %get3A_8 : vector<1x3x256xf32> to vector<3x256xf32>
    %dot_general3A = arith.constant dense<0.000000e+00> : vector<64x256xf32>
    %dot_general3A_10 = tpu.matmul %get3A_3, %get3A_9, %dot_general3A {dimension_numbers = #tpu.dot_dimension_numbers<[1], [0], [0], [1], [0, 0, 1, 1], [], []>, transpose_lhs_hint = false} : vector<64x3xf32>, vector<3x256xf32>, vector<64x256xf32> -> vector<64x256xf32>
    %get3A_11 = arith.constant 0 : index
    %get3A_12 = arith.constant 0 : index
    %get3A_13 = arith.constant 0 : index
    %get3A_14 = vector.load %arg4[%get3A_11, %get3A_12, %get3A_13] : memref<1x1x256xf32, #tpu.memory_space<vmem>>, vector<1x1x256xf32>
    %get3A_15 = vector.shape_cast %get3A_14 : vector<1x1x256xf32> to vector<1x256xf32>
    %add3A = vector.broadcast %broadcast_in_dim3A : vector<64x1xf32> to vector<64x256xf32>
    %add3A_16 = vector.broadcast %get3A_15 : vector<1x256xf32> to vector<64x256xf32>
    %add3A_17 = arith.addf %add3A, %add3A_16 : vector<64x256xf32>
    %mul3A_18 = arith.constant 2.000000e+00 : f32
    %mul3A_19 = vector.broadcast %mul3A_18 : f32 to vector<64x256xf32>
    %mul3A_20 = arith.mulf %mul3A_19, %dot_general3A_10 : vector<64x256xf32>
    %sub3A = arith.subf %add3A_17, %mul3A_20 : vector<64x256xf32>
    %iota3A = tpu.iota {dimensions = array<i32: 1>} : vector<64x256xi32>
    %argmin3A = tpu.reduce_index %sub3A {axis = 1 : i32, kind = #tpu.reduction_kind<arg_min>} : vector<64x256xf32> -> vector<64xi32>
    %broadcast_in_dim3A_21 = vector.shape_cast %argmin3A : vector<64xi32> to vector<64x1xi32>
    %swap3A = arith.constant 0 : index
    %swap3A_22 = arith.constant 0 : index
    %swap3A_23 = arith.constant 0 : index
    %swap3A_24 = vector.load %arg5[%swap3A, %swap3A_22, %swap3A_23] : memref<1x64x8xi32, #tpu.memory_space<vmem>>, vector<1x64x1xi32>
    %swap3A_25 = vector.shape_cast %swap3A_24 : vector<1x64x1xi32> to vector<64x1xi32>
    %swap3A_26 = vector.shape_cast %broadcast_in_dim3A_21 : vector<64x1xi32> to vector<1x64x1xi32>
    tpu.vector_store %arg5[%swap3A, %swap3A_22, %swap3A_23], %swap3A_26 {strides = array<i32>} : memref<1x64x8xi32, #tpu.memory_space<vmem>>, vector<1x64x1xi32>,
    %eq3A = vector.broadcast %broadcast_in_dim3A_21 : vector<64x1xi32> to vector<64x256xi32>
    %eq3A_27 = arith.cmpi eq, %iota3A, %eq3A : vector<64x256xi32>
    %jit3A = arith.constant 0x7F800000 : f32
    %broadcast_in_dim3A_28 = vector.broadcast %jit3A : f32 to vector<64x256xf32>
    %select_n3A = arith.select %eq3A_27, %broadcast_in_dim3A_28, %sub3A : vector<64x256xi1>, vector<64x256xf32>
    %argmin3A_29 = tpu.reduce_index %select_n3A {axis = 1 : i32, kind = #tpu.reduction_kind<arg_min>} : vector<64x256xf32> -> vector<64xi32>
    %broadcast_in_dim3A_30 = vector.shape_cast %argmin3A_29 : vector<64xi32> to vector<64x1xi32>
    %swap3A_31 = arith.constant 0 : index
    %swap3A_32 = arith.constant 0 : index
    %swap3A_33 = arith.constant 1 : index
    %swap3A_34 = vector.load %arg5[%swap3A_31, %swap3A_32, %swap3A_33] : memref<1x64x8xi32, #tpu.memory_space<vmem>>, vector<1x64x1xi32>
    %swap3A_35 = vector.shape_cast %swap3A_34 : vector<1x64x1xi32> to vector<64x1xi32>
    %swap3A_36 = vector.shape_cast %broadcast_in_dim3A_30 : vector<64x1xi32> to vector<1x64x1xi32>
    tpu.vector_store %arg5[%swap3A_31, %swap3A_32, %swap3A_33], %swap3A_36 {strides = array<i32>} : memref<1x64x8xi32, #tpu.memory_space<vmem>>, vector<1x64x1xi32>,
    %eq3A_37 = vector.broadcast %broadcast_in_dim3A_30 : vector<64x1xi32> to vector<64x256xi32>
    %eq3A_38 = arith.cmpi eq, %iota3A, %eq3A_37 : vector<64x256xi32>
    %jit3A_39 = arith.constant 0x7F800000 : f32
    %broadcast_in_dim3A_40 = vector.broadcast %jit3A_39 : f32 to vector<64x256xf32>
    %select_n3A_41 = arith.select %eq3A_38, %broadcast_in_dim3A_40, %select_n3A : vector<64x256xi1>, vector<64x256xf32>
    %argmin3A_42 = tpu.reduce_index %select_n3A_41 {axis = 1 : i32, kind = #tpu.reduction_kind<arg_min>} : vector<64x256xf32> -> vector<64xi32>
    %broadcast_in_dim3A_43 = vector.shape_cast %argmin3A_42 : vector<64xi32> to vector<64x1xi32>
    %swap3A_44 = arith.constant 0 : index
    %swap3A_45 = arith.constant 0 : index
    %swap3A_46 = arith.constant 2 : index
    %swap3A_47 = vector.load %arg5[%swap3A_44, %swap3A_45, %swap3A_46] : memref<1x64x8xi32, #tpu.memory_space<vmem>>, vector<1x64x1xi32>
    %swap3A_48 = vector.shape_cast %swap3A_47 : vector<1x64x1xi32> to vector<64x1xi32>
    %swap3A_49 = vector.shape_cast %broadcast_in_dim3A_43 : vector<64x1xi32> to vector<1x64x1xi32>
    tpu.vector_store %arg5[%swap3A_44, %swap3A_45, %swap3A_46], %swap3A_49 {strides = array<i32>} : memref<1x64x8xi32, #tpu.memory_space<vmem>>, vector<1x64x1xi32>,
    %eq3A_50 = vector.broadcast %broadcast_in_dim3A_43 : vector<64x1xi32> to vector<64x256xi32>
    %eq3A_51 = arith.cmpi eq, %iota3A, %eq3A_50 : vector<64x256xi32>
    %jit3A_52 = arith.constant 0x7F800000 : f32
    %broadcast_in_dim3A_53 = vector.broadcast %jit3A_52 : f32 to vector<64x256xf32>
    %select_n3A_54 = arith.select %eq3A_51, %broadcast_in_dim3A_53, %select_n3A_41 : vector<64x256xi1>, vector<64x256xf32>
    %argmin3A_55 = tpu.reduce_index %select_n3A_54 {axis = 1 : i32, kind = #tpu.reduction_kind<arg_min>} : vector<64x256xf32> -> vector<64xi32>
    %broadcast_in_dim3A_56 = vector.shape_cast %argmin3A_55 : vector<64xi32> to vector<64x1xi32>
    %swap3A_57 = arith.constant 0 : index
    %swap3A_58 = arith.constant 0 : index
    %swap3A_59 = arith.constant 3 : index
    %swap3A_60 = vector.load %arg5[%swap3A_57, %swap3A_58, %swap3A_59] : memref<1x64x8xi32, #tpu.memory_space<vmem>>, vector<1x64x1xi32>
    %swap3A_61 = vector.shape_cast %swap3A_60 : vector<1x64x1xi32> to vector<64x1xi32>
    %swap3A_62 = vector.shape_cast %broadcast_in_dim3A_56 : vector<64x1xi32> to vector<1x64x1xi32>
    tpu.vector_store %arg5[%swap3A_57, %swap3A_58, %swap3A_59], %swap3A_62 {strides = array<i32>} : memref<1x64x8xi32, #tpu.memory_space<vmem>>, vector<1x64x1xi32>,
    %eq3A_63 = vector.broadcast %broadcast_in_dim3A_56 : vector<64x1xi32> to vector<64x256xi32>
    %eq3A_64 = arith.cmpi eq, %iota3A, %eq3A_63 : vector<64x256xi32>
    %jit3A_65 = arith.constant 0x7F800000 : f32
    %broadcast_in_dim3A_66 = vector.broadcast %jit3A_65 : f32 to vector<64x256xf32>
    %select_n3A_67 = arith.select %eq3A_64, %broadcast_in_dim3A_66, %select_n3A_54 : vector<64x256xi1>, vector<64x256xf32>
    %argmin3A_68 = tpu.reduce_index %select_n3A_67 {axis = 1 : i32, kind = #tpu.reduction_kind<arg_min>} : vector<64x256xf32> -> vector<64xi32>
    %broadcast_in_dim3A_69 = vector.shape_cast %argmin3A_68 : vector<64xi32> to vector<64x1xi32>
    %swap3A_70 = arith.constant 0 : index
    %swap3A_71 = arith.constant 0 : index
    %swap3A_72 = arith.constant 4 : index
    %swap3A_73 = vector.load %arg5[%swap3A_70, %swap3A_71, %swap3A_72] : memref<1x64x8xi32, #tpu.memory_space<vmem>>, vector<1x64x1xi32>
    %swap3A_74 = vector.shape_cast %swap3A_73 : vector<1x64x1xi32> to vector<64x1xi32>
    %swap3A_75 = vector.shape_cast %broadcast_in_dim3A_69 : vector<64x1xi32> to vector<1x64x1xi32>
    tpu.vector_store %arg5[%swap3A_70, %swap3A_71, %swap3A_72], %swap3A_75 {strides = array<i32>} : memref<1x64x8xi32, #tpu.memory_space<vmem>>, vector<1x64x1xi32>,
    %eq3A_76 = vector.broadcast %broadcast_in_dim3A_69 : vector<64x1xi32> to vector<64x256xi32>
    %eq3A_77 = arith.cmpi eq, %iota3A, %eq3A_76 : vector<64x256xi32>
    %jit3A_78 = arith.constant 0x7F800000 : f32
    %broadcast_in_dim3A_79 = vector.broadcast %jit3A_78 : f32 to vector<64x256xf32>
    %select_n3A_80 = arith.select %eq3A_77, %broadcast_in_dim3A_79, %select_n3A_67 : vector<64x256xi1>, vector<64x256xf32>
    %argmin3A_81 = tpu.reduce_index %select_n3A_80 {axis = 1 : i32, kind = #tpu.reduction_kind<arg_min>} : vector<64x256xf32> -> vector<64xi32>
    %broadcast_in_dim3A_82 = vector.shape_cast %argmin3A_81 : vector<64xi32> to vector<64x1xi32>
    %swap3A_83 = arith.constant 0 : index
    %swap3A_84 = arith.constant 0 : index
    %swap3A_85 = arith.constant 5 : index
    %swap3A_86 = vector.load %arg5[%swap3A_83, %swap3A_84, %swap3A_85] : memref<1x64x8xi32, #tpu.memory_space<vmem>>, vector<1x64x1xi32>
    %swap3A_87 = vector.shape_cast %swap3A_86 : vector<1x64x1xi32> to vector<64x1xi32>
    %swap3A_88 = vector.shape_cast %broadcast_in_dim3A_82 : vector<64x1xi32> to vector<1x64x1xi32>
    tpu.vector_store %arg5[%swap3A_83, %swap3A_84, %swap3A_85], %swap3A_88 {strides = array<i32>} : memref<1x64x8xi32, #tpu.memory_space<vmem>>, vector<1x64x1xi32>,
    %eq3A_89 = vector.broadcast %broadcast_in_dim3A_82 : vector<64x1xi32> to vector<64x256xi32>
    %eq3A_90 = arith.cmpi eq, %iota3A, %eq3A_89 : vector<64x256xi32>
    %jit3A_91 = arith.constant 0x7F800000 : f32
    %broadcast_in_dim3A_92 = vector.broadcast %jit3A_91 : f32 to vector<64x256xf32>
    %select_n3A_93 = arith.select %eq3A_90, %broadcast_in_dim3A_92, %select_n3A_80 : vector<64x256xi1>, vector<64x256xf32>
    %argmin3A_94 = tpu.reduce_index %select_n3A_93 {axis = 1 : i32, kind = #tpu.reduction_kind<arg_min>} : vector<64x256xf32> -> vector<64xi32>
    %broadcast_in_dim3A_95 = vector.shape_cast %argmin3A_94 : vector<64xi32> to vector<64x1xi32>
    %swap3A_96 = arith.constant 0 : index
    %swap3A_97 = arith.constant 0 : index
    %swap3A_98 = arith.constant 6 : index
    %swap3A_99 = vector.load %arg5[%swap3A_96, %swap3A_97, %swap3A_98] : memref<1x64x8xi32, #tpu.memory_space<vmem>>, vector<1x64x1xi32>
    %swap3A_100 = vector.shape_cast %swap3A_99 : vector<1x64x1xi32> to vector<64x1xi32>
    %swap3A_101 = vector.shape_cast %broadcast_in_dim3A_95 : vector<64x1xi32> to vector<1x64x1xi32>
    tpu.vector_store %arg5[%swap3A_96, %swap3A_97, %swap3A_98], %swap3A_101 {strides = array<i32>} : memref<1x64x8xi32, #tpu.memory_space<vmem>>, vector<1x64x1xi32>,
    %eq3A_102 = vector.broadcast %broadcast_in_dim3A_95 : vector<64x1xi32> to vector<64x256xi32>
    %eq3A_103 = arith.cmpi eq, %iota3A, %eq3A_102 : vector<64x256xi32>
    %jit3A_104 = arith.constant 0x7F800000 : f32
    %broadcast_in_dim3A_105 = vector.broadcast %jit3A_104 : f32 to vector<64x256xf32>
    %select_n3A_106 = arith.select %eq3A_103, %broadcast_in_dim3A_105, %select_n3A_93 : vector<64x256xi1>, vector<64x256xf32>
    %argmin3A_107 = tpu.reduce_index %select_n3A_106 {axis = 1 : i32, kind = #tpu.reduction_kind<arg_min>} : vector<64x256xf32> -> vector<64xi32>
    %broadcast_in_dim3A_108 = vector.shape_cast %argmin3A_107 : vector<64xi32> to vector<64x1xi32>
    %swap3A_109 = arith.constant 0 : index
    %swap3A_110 = arith.constant 0 : index
    %swap3A_111 = arith.constant 7 : index
    %swap3A_112 = vector.load %arg5[%swap3A_109, %swap3A_110, %swap3A_111] : memref<1x64x8xi32, #tpu.memory_space<vmem>>, vector<1x64x1xi32>
    %swap3A_113 = vector.shape_cast %swap3A_112 : vector<1x64x1xi32> to vector<64x1xi32>
    %swap3A_114 = vector.shape_cast %broadcast_in_dim3A_108 : vector<64x1xi32> to vector<1x64x1xi32>
    tpu.vector_store %arg5[%swap3A_109, %swap3A_110, %swap3A_111], %swap3A_114 {strides = array<i32>} : memref<1x64x8xi32, #tpu.memory_space<vmem>>, vector<1x64x1xi32>,
    return
  }
  func.func @transform_0(%arg0: i32, %arg1: i32) -> (i32, i32, i32) {
    %c0_i32 = arith.constant 0 : i32
    %c0_i32_0 = arith.constant 0 : i32
    return %arg0, %arg1, %c0_i32 : i32, i32, i32
  }
  func.func @transform_1(%arg0: i32, %arg1: i32) -> (i32, i32, i32) {
    %c0_i32 = arith.constant 0 : i32
    %c0_i32_0 = arith.constant 0 : i32
    %c0_i32_1 = arith.constant 0 : i32
    return %arg0, %c0_i32, %c0_i32_0 : i32, i32, i32
  }
  func.func @transform_2(%arg0: i32, %arg1: i32) -> (i32, i32, i32) {
    %c0_i32 = arith.constant 0 : i32
    %c0_i32_0 = arith.constant 0 : i32
    %c0_i32_1 = arith.constant 0 : i32
    return %arg0, %c0_i32, %c0_i32_0 : i32, i32, i32
  }
  func.func @transform_3(%arg0: i32, %arg1: i32) -> (i32, i32, i32) {
    %c0_i32 = arith.constant 0 : i32
    %c0_i32_0 = arith.constant 0 : i32
    return %arg0, %arg1, %c0_i32 : i32, i32, i32
  }
}

module attributes {stable_mosaic.version = 14 : i64} {
  func.func @_res_body(%arg0: i32, %arg1: memref<1x256x8x128xf32, #tpu.memory_space<vmem>>, %arg2: memref<1x256x8xi32, #tpu.memory_space<vmem>>, %arg3: memref<1x256x8xi32, #tpu.memory_space<vmem>>, %arg4: memref<4x64x64xf32, #tpu.memory_space<vmem>>, %arg5: memref<4x64xf32, #tpu.memory_space<vmem>>, %arg6: memref<4x64x64xf32, #tpu.memory_space<vmem>>, %arg7: memref<4x64xf32, #tpu.memory_space<vmem>>, %arg8: memref<1x256x64xf32, #tpu.memory_space<vmem>>) attributes {dimension_semantics = [#tpu.dimension_semantics<arbitrary>], iteration_bounds = array<i64: 8>, scalar_prefetch = 0 : i64, scratch_operands = 0 : i64, tpu.core_type = #tpu.core_type<tc>, window_params = [{transform_indices = @transform_0, window_bounds = array<i64: 1, 256, 8, 128>}, {transform_indices = @transform_1, window_bounds = array<i64: 1, 256, 8>}, {transform_indices = @transform_2, window_bounds = array<i64: 1, 256, 8>}, {pipeline_mode = #tpu.pipeline_mode<synchronous>, transform_indices = @transform_3, window_bounds = array<i64: 4, 64, 64>}, {pipeline_mode = #tpu.pipeline_mode<synchronous>, transform_indices = @transform_4, window_bounds = array<i64: 4, 64>}, {pipeline_mode = #tpu.pipeline_mode<synchronous>, transform_indices = @transform_5, window_bounds = array<i64: 4, 64, 64>}, {pipeline_mode = #tpu.pipeline_mode<synchronous>, transform_indices = @transform_6, window_bounds = array<i64: 4, 64>}, {transform_indices = @transform_7, window_bounds = array<i64: 1, 256, 64>}]} {
    %get3A = arith.constant 0 : index
    %get3A_0 = arith.constant 0 : index
    %get3A_1 = arith.constant 0 : index
    %get3A_2 = arith.constant 0 : index
    %get3A_3 = vector.load %arg1[%get3A, %get3A_0, %get3A_1, %get3A_2] : memref<1x256x8x128xf32, #tpu.memory_space<vmem>>, vector<1x256x1x128xf32>
    %get3A_4 = vector.shape_cast %get3A_3 : vector<1x256x1x128xf32> to vector<256x128xf32>
    %get3A_5 = arith.constant 0 : index
    %get3A_6 = arith.constant 0 : index
    %get3A_7 = arith.constant 0 : index
    %get3A_8 = vector.load %arg2[%get3A_5, %get3A_6, %get3A_7] : memref<1x256x8xi32, #tpu.memory_space<vmem>>, vector<1x256x1xi32>
    %get3A_9 = vector.shape_cast %get3A_8 : vector<1x256x1xi32> to vector<256x1xi32>
    %gt3A = arith.constant 0 : i32
    %gt3A_10 = vector.broadcast %gt3A : i32 to vector<256x1xi32>
    %gt3A_11 = arith.cmpi sgt, %get3A_9, %gt3A_10 : vector<256x1xi32>
    %slice3A = vector.extract_strided_slice %get3A_4 {offsets = [0, 64], sizes = [256, 64], strides = [1, 1]} : vector<256x128xf32> to vector<256x64xf32>
    %slice3A_12 = vector.extract_strided_slice %get3A_4 {offsets = [0, 0], sizes = [256, 64], strides = [1, 1]} : vector<256x128xf32> to vector<256x64xf32>
    %broadcast_in_dim3A = vector.shape_cast %gt3A_11 : vector<256x1xi1> to vector<256x1xi1>
    %broadcast_in_dim3A_13 = vector.broadcast %broadcast_in_dim3A : vector<256x1xi1> to vector<256x64xi1>
    %select_n3A = arith.select %broadcast_in_dim3A_13, %slice3A, %slice3A_12 : vector<256x64xi1>, vector<256x64xf32>
    %get3A_14 = arith.constant 0 : index
    %get3A_15 = arith.constant 0 : index
    %get3A_16 = arith.constant 1 : index
    %get3A_17 = arith.constant 0 : index
    %get3A_18 = vector.load %arg1[%get3A_14, %get3A_15, %get3A_16, %get3A_17] : memref<1x256x8x128xf32, #tpu.memory_space<vmem>>, vector<1x256x1x128xf32>
    %get3A_19 = vector.shape_cast %get3A_18 : vector<1x256x1x128xf32> to vector<256x128xf32>
    %get3A_20 = arith.constant 0 : index
    %get3A_21 = arith.constant 0 : index
    %get3A_22 = arith.constant 1 : index
    %get3A_23 = vector.load %arg2[%get3A_20, %get3A_21, %get3A_22] : memref<1x256x8xi32, #tpu.memory_space<vmem>>, vector<1x256x1xi32>
    %get3A_24 = vector.shape_cast %get3A_23 : vector<1x256x1xi32> to vector<256x1xi32>
    %gt3A_25 = arith.constant 0 : i32
    %gt3A_26 = vector.broadcast %gt3A_25 : i32 to vector<256x1xi32>
    %gt3A_27 = arith.cmpi sgt, %get3A_24, %gt3A_26 : vector<256x1xi32>
    %slice3A_28 = vector.extract_strided_slice %get3A_19 {offsets = [0, 64], sizes = [256, 64], strides = [1, 1]} : vector<256x128xf32> to vector<256x64xf32>
    %slice3A_29 = vector.extract_strided_slice %get3A_19 {offsets = [0, 0], sizes = [256, 64], strides = [1, 1]} : vector<256x128xf32> to vector<256x64xf32>
    %broadcast_in_dim3A_30 = vector.shape_cast %gt3A_27 : vector<256x1xi1> to vector<256x1xi1>
    %broadcast_in_dim3A_31 = vector.broadcast %broadcast_in_dim3A_30 : vector<256x1xi1> to vector<256x64xi1>
    %select_n3A_32 = arith.select %broadcast_in_dim3A_31, %slice3A_28, %slice3A_29 : vector<256x64xi1>, vector<256x64xf32>
    %max3A = arith.maximumf %select_n3A, %select_n3A_32 : vector<256x64xf32>
    %get3A_33 = arith.constant 0 : index
    %get3A_34 = arith.constant 0 : index
    %get3A_35 = arith.constant 2 : index
    %get3A_36 = arith.constant 0 : index
    %get3A_37 = vector.load %arg1[%get3A_33, %get3A_34, %get3A_35, %get3A_36] : memref<1x256x8x128xf32, #tpu.memory_space<vmem>>, vector<1x256x1x128xf32>
    %get3A_38 = vector.shape_cast %get3A_37 : vector<1x256x1x128xf32> to vector<256x128xf32>
    %get3A_39 = arith.constant 0 : index
    %get3A_40 = arith.constant 0 : index
    %get3A_41 = arith.constant 2 : index
    %get3A_42 = vector.load %arg2[%get3A_39, %get3A_40, %get3A_41] : memref<1x256x8xi32, #tpu.memory_space<vmem>>, vector<1x256x1xi32>
    %get3A_43 = vector.shape_cast %get3A_42 : vector<1x256x1xi32> to vector<256x1xi32>
    %gt3A_44 = arith.constant 0 : i32
    %gt3A_45 = vector.broadcast %gt3A_44 : i32 to vector<256x1xi32>
    %gt3A_46 = arith.cmpi sgt, %get3A_43, %gt3A_45 : vector<256x1xi32>
    %slice3A_47 = vector.extract_strided_slice %get3A_38 {offsets = [0, 64], sizes = [256, 64], strides = [1, 1]} : vector<256x128xf32> to vector<256x64xf32>
    %slice3A_48 = vector.extract_strided_slice %get3A_38 {offsets = [0, 0], sizes = [256, 64], strides = [1, 1]} : vector<256x128xf32> to vector<256x64xf32>
    %broadcast_in_dim3A_49 = vector.shape_cast %gt3A_46 : vector<256x1xi1> to vector<256x1xi1>
    %broadcast_in_dim3A_50 = vector.broadcast %broadcast_in_dim3A_49 : vector<256x1xi1> to vector<256x64xi1>
    %select_n3A_51 = arith.select %broadcast_in_dim3A_50, %slice3A_47, %slice3A_48 : vector<256x64xi1>, vector<256x64xf32>
    %max3A_52 = arith.maximumf %max3A, %select_n3A_51 : vector<256x64xf32>
    %get3A_53 = arith.constant 0 : index
    %get3A_54 = arith.constant 0 : index
    %get3A_55 = arith.constant 3 : index
    %get3A_56 = arith.constant 0 : index
    %get3A_57 = vector.load %arg1[%get3A_53, %get3A_54, %get3A_55, %get3A_56] : memref<1x256x8x128xf32, #tpu.memory_space<vmem>>, vector<1x256x1x128xf32>
    %get3A_58 = vector.shape_cast %get3A_57 : vector<1x256x1x128xf32> to vector<256x128xf32>
    %get3A_59 = arith.constant 0 : index
    %get3A_60 = arith.constant 0 : index
    %get3A_61 = arith.constant 3 : index
    %get3A_62 = vector.load %arg2[%get3A_59, %get3A_60, %get3A_61] : memref<1x256x8xi32, #tpu.memory_space<vmem>>, vector<1x256x1xi32>
    %get3A_63 = vector.shape_cast %get3A_62 : vector<1x256x1xi32> to vector<256x1xi32>
    %gt3A_64 = arith.constant 0 : i32
    %gt3A_65 = vector.broadcast %gt3A_64 : i32 to vector<256x1xi32>
    %gt3A_66 = arith.cmpi sgt, %get3A_63, %gt3A_65 : vector<256x1xi32>
    %slice3A_67 = vector.extract_strided_slice %get3A_58 {offsets = [0, 64], sizes = [256, 64], strides = [1, 1]} : vector<256x128xf32> to vector<256x64xf32>
    %slice3A_68 = vector.extract_strided_slice %get3A_58 {offsets = [0, 0], sizes = [256, 64], strides = [1, 1]} : vector<256x128xf32> to vector<256x64xf32>
    %broadcast_in_dim3A_69 = vector.shape_cast %gt3A_66 : vector<256x1xi1> to vector<256x1xi1>
    %broadcast_in_dim3A_70 = vector.broadcast %broadcast_in_dim3A_69 : vector<256x1xi1> to vector<256x64xi1>
    %select_n3A_71 = arith.select %broadcast_in_dim3A_70, %slice3A_67, %slice3A_68 : vector<256x64xi1>, vector<256x64xf32>
    %max3A_72 = arith.maximumf %max3A_52, %select_n3A_71 : vector<256x64xf32>
    %get3A_73 = arith.constant 0 : index
    %get3A_74 = arith.constant 0 : index
    %get3A_75 = arith.constant 4 : index
    %get3A_76 = arith.constant 0 : index
    %get3A_77 = vector.load %arg1[%get3A_73, %get3A_74, %get3A_75, %get3A_76] : memref<1x256x8x128xf32, #tpu.memory_space<vmem>>, vector<1x256x1x128xf32>
    %get3A_78 = vector.shape_cast %get3A_77 : vector<1x256x1x128xf32> to vector<256x128xf32>
    %get3A_79 = arith.constant 0 : index
    %get3A_80 = arith.constant 0 : index
    %get3A_81 = arith.constant 4 : index
    %get3A_82 = vector.load %arg2[%get3A_79, %get3A_80, %get3A_81] : memref<1x256x8xi32, #tpu.memory_space<vmem>>, vector<1x256x1xi32>
    %get3A_83 = vector.shape_cast %get3A_82 : vector<1x256x1xi32> to vector<256x1xi32>
    %gt3A_84 = arith.constant 0 : i32
    %gt3A_85 = vector.broadcast %gt3A_84 : i32 to vector<256x1xi32>
    %gt3A_86 = arith.cmpi sgt, %get3A_83, %gt3A_85 : vector<256x1xi32>
    %slice3A_87 = vector.extract_strided_slice %get3A_78 {offsets = [0, 64], sizes = [256, 64], strides = [1, 1]} : vector<256x128xf32> to vector<256x64xf32>
    %slice3A_88 = vector.extract_strided_slice %get3A_78 {offsets = [0, 0], sizes = [256, 64], strides = [1, 1]} : vector<256x128xf32> to vector<256x64xf32>
    %broadcast_in_dim3A_89 = vector.shape_cast %gt3A_86 : vector<256x1xi1> to vector<256x1xi1>
    %broadcast_in_dim3A_90 = vector.broadcast %broadcast_in_dim3A_89 : vector<256x1xi1> to vector<256x64xi1>
    %select_n3A_91 = arith.select %broadcast_in_dim3A_90, %slice3A_87, %slice3A_88 : vector<256x64xi1>, vector<256x64xf32>
    %max3A_92 = arith.maximumf %max3A_72, %select_n3A_91 : vector<256x64xf32>
    %get3A_93 = arith.constant 0 : index
    %get3A_94 = arith.constant 0 : index
    %get3A_95 = arith.constant 5 : index
    %get3A_96 = arith.constant 0 : index
    %get3A_97 = vector.load %arg1[%get3A_93, %get3A_94, %get3A_95, %get3A_96] : memref<1x256x8x128xf32, #tpu.memory_space<vmem>>, vector<1x256x1x128xf32>
    %get3A_98 = vector.shape_cast %get3A_97 : vector<1x256x1x128xf32> to vector<256x128xf32>
    %get3A_99 = arith.constant 0 : index
    %get3A_100 = arith.constant 0 : index
    %get3A_101 = arith.constant 5 : index
    %get3A_102 = vector.load %arg2[%get3A_99, %get3A_100, %get3A_101] : memref<1x256x8xi32, #tpu.memory_space<vmem>>, vector<1x256x1xi32>
    %get3A_103 = vector.shape_cast %get3A_102 : vector<1x256x1xi32> to vector<256x1xi32>
    %gt3A_104 = arith.constant 0 : i32
    %gt3A_105 = vector.broadcast %gt3A_104 : i32 to vector<256x1xi32>
    %gt3A_106 = arith.cmpi sgt, %get3A_103, %gt3A_105 : vector<256x1xi32>
    %slice3A_107 = vector.extract_strided_slice %get3A_98 {offsets = [0, 64], sizes = [256, 64], strides = [1, 1]} : vector<256x128xf32> to vector<256x64xf32>
    %slice3A_108 = vector.extract_strided_slice %get3A_98 {offsets = [0, 0], sizes = [256, 64], strides = [1, 1]} : vector<256x128xf32> to vector<256x64xf32>
    %broadcast_in_dim3A_109 = vector.shape_cast %gt3A_106 : vector<256x1xi1> to vector<256x1xi1>
    %broadcast_in_dim3A_110 = vector.broadcast %broadcast_in_dim3A_109 : vector<256x1xi1> to vector<256x64xi1>
    %select_n3A_111 = arith.select %broadcast_in_dim3A_110, %slice3A_107, %slice3A_108 : vector<256x64xi1>, vector<256x64xf32>
    %max3A_112 = arith.maximumf %max3A_92, %select_n3A_111 : vector<256x64xf32>
    %get3A_113 = arith.constant 0 : index
    %get3A_114 = arith.constant 0 : index
    %get3A_115 = arith.constant 6 : index
    %get3A_116 = arith.constant 0 : index
    %get3A_117 = vector.load %arg1[%get3A_113, %get3A_114, %get3A_115, %get3A_116] : memref<1x256x8x128xf32, #tpu.memory_space<vmem>>, vector<1x256x1x128xf32>
    %get3A_118 = vector.shape_cast %get3A_117 : vector<1x256x1x128xf32> to vector<256x128xf32>
    %get3A_119 = arith.constant 0 : index
    %get3A_120 = arith.constant 0 : index
    %get3A_121 = arith.constant 6 : index
    %get3A_122 = vector.load %arg2[%get3A_119, %get3A_120, %get3A_121] : memref<1x256x8xi32, #tpu.memory_space<vmem>>, vector<1x256x1xi32>
    %get3A_123 = vector.shape_cast %get3A_122 : vector<1x256x1xi32> to vector<256x1xi32>
    %gt3A_124 = arith.constant 0 : i32
    %gt3A_125 = vector.broadcast %gt3A_124 : i32 to vector<256x1xi32>
    %gt3A_126 = arith.cmpi sgt, %get3A_123, %gt3A_125 : vector<256x1xi32>
    %slice3A_127 = vector.extract_strided_slice %get3A_118 {offsets = [0, 64], sizes = [256, 64], strides = [1, 1]} : vector<256x128xf32> to vector<256x64xf32>
    %slice3A_128 = vector.extract_strided_slice %get3A_118 {offsets = [0, 0], sizes = [256, 64], strides = [1, 1]} : vector<256x128xf32> to vector<256x64xf32>
    %broadcast_in_dim3A_129 = vector.shape_cast %gt3A_126 : vector<256x1xi1> to vector<256x1xi1>
    %broadcast_in_dim3A_130 = vector.broadcast %broadcast_in_dim3A_129 : vector<256x1xi1> to vector<256x64xi1>
    %select_n3A_131 = arith.select %broadcast_in_dim3A_130, %slice3A_127, %slice3A_128 : vector<256x64xi1>, vector<256x64xf32>
    %max3A_132 = arith.maximumf %max3A_112, %select_n3A_131 : vector<256x64xf32>
    %get3A_133 = arith.constant 0 : index
    %get3A_134 = arith.constant 0 : index
    %get3A_135 = arith.constant 7 : index
    %get3A_136 = arith.constant 0 : index
    %get3A_137 = vector.load %arg1[%get3A_133, %get3A_134, %get3A_135, %get3A_136] : memref<1x256x8x128xf32, #tpu.memory_space<vmem>>, vector<1x256x1x128xf32>
    %get3A_138 = vector.shape_cast %get3A_137 : vector<1x256x1x128xf32> to vector<256x128xf32>
    %get3A_139 = arith.constant 0 : index
    %get3A_140 = arith.constant 0 : index
    %get3A_141 = arith.constant 7 : index
    %get3A_142 = vector.load %arg2[%get3A_139, %get3A_140, %get3A_141] : memref<1x256x8xi32, #tpu.memory_space<vmem>>, vector<1x256x1xi32>
    %get3A_143 = vector.shape_cast %get3A_142 : vector<1x256x1xi32> to vector<256x1xi32>
    %gt3A_144 = arith.constant 0 : i32
    %gt3A_145 = vector.broadcast %gt3A_144 : i32 to vector<256x1xi32>
    %gt3A_146 = arith.cmpi sgt, %get3A_143, %gt3A_145 : vector<256x1xi32>
    %slice3A_147 = vector.extract_strided_slice %get3A_138 {offsets = [0, 64], sizes = [256, 64], strides = [1, 1]} : vector<256x128xf32> to vector<256x64xf32>
    %slice3A_148 = vector.extract_strided_slice %get3A_138 {offsets = [0, 0], sizes = [256, 64], strides = [1, 1]} : vector<256x128xf32> to vector<256x64xf32>
    %broadcast_in_dim3A_149 = vector.shape_cast %gt3A_146 : vector<256x1xi1> to vector<256x1xi1>
    %broadcast_in_dim3A_150 = vector.broadcast %broadcast_in_dim3A_149 : vector<256x1xi1> to vector<256x64xi1>
    %select_n3A_151 = arith.select %broadcast_in_dim3A_150, %slice3A_147, %slice3A_148 : vector<256x64xi1>, vector<256x64xf32>
    %max3A_152 = arith.maximumf %max3A_132, %select_n3A_151 : vector<256x64xf32>
    %iota3A = tpu.iota {dimensions = array<i32: 1>} : vector<256x256xi32>
    %broadcast_in_dim3A_153 = arith.constant 0.000000e+00 : f32
    %broadcast_in_dim3A_154 = vector.broadcast %broadcast_in_dim3A_153 : f32 to vector<256x256xf32>
    %get3A_155 = arith.constant 0 : index
    %get3A_156 = arith.constant 0 : index
    %get3A_157 = arith.constant 0 : index
    %get3A_158 = vector.load %arg3[%get3A_155, %get3A_156, %get3A_157] : memref<1x256x8xi32, #tpu.memory_space<vmem>>, vector<1x256x1xi32>
    %get3A_159 = vector.shape_cast %get3A_158 : vector<1x256x1xi32> to vector<256x1xi32>
    %eq3A = vector.broadcast %get3A_159 : vector<256x1xi32> to vector<256x256xi32>
    %eq3A_160 = arith.cmpi eq, %iota3A, %eq3A : vector<256x256xi32>
    %convert_element_type3A = arith.extui %eq3A_160 : vector<256x256xi1> to vector<256x256xi32>
    %convert_element_type3A_161 = arith.sitofp %convert_element_type3A : vector<256x256xi32> to vector<256x256xf32>
    %add3A = arith.addf %broadcast_in_dim3A_154, %convert_element_type3A_161 : vector<256x256xf32>
    %get3A_162 = arith.constant 0 : index
    %get3A_163 = arith.constant 0 : index
    %get3A_164 = arith.constant 1 : index
    %get3A_165 = vector.load %arg3[%get3A_162, %get3A_163, %get3A_164] : memref<1x256x8xi32, #tpu.memory_space<vmem>>, vector<1x256x1xi32>
    %get3A_166 = vector.shape_cast %get3A_165 : vector<1x256x1xi32> to vector<256x1xi32>
    %eq3A_167 = vector.broadcast %get3A_166 : vector<256x1xi32> to vector<256x256xi32>
    %eq3A_168 = arith.cmpi eq, %iota3A, %eq3A_167 : vector<256x256xi32>
    %convert_element_type3A_169 = arith.extui %eq3A_168 : vector<256x256xi1> to vector<256x256xi32>
    %convert_element_type3A_170 = arith.sitofp %convert_element_type3A_169 : vector<256x256xi32> to vector<256x256xf32>
    %add3A_171 = arith.addf %add3A, %convert_element_type3A_170 : vector<256x256xf32>
    %get3A_172 = arith.constant 0 : index
    %get3A_173 = arith.constant 0 : index
    %get3A_174 = arith.constant 2 : index
    %get3A_175 = vector.load %arg3[%get3A_172, %get3A_173, %get3A_174] : memref<1x256x8xi32, #tpu.memory_space<vmem>>, vector<1x256x1xi32>
    %get3A_176 = vector.shape_cast %get3A_175 : vector<1x256x1xi32> to vector<256x1xi32>
    %eq3A_177 = vector.broadcast %get3A_176 : vector<256x1xi32> to vector<256x256xi32>
    %eq3A_178 = arith.cmpi eq, %iota3A, %eq3A_177 : vector<256x256xi32>
    %convert_element_type3A_179 = arith.extui %eq3A_178 : vector<256x256xi1> to vector<256x256xi32>
    %convert_element_type3A_180 = arith.sitofp %convert_element_type3A_179 : vector<256x256xi32> to vector<256x256xf32>
    %add3A_181 = arith.addf %add3A_171, %convert_element_type3A_180 : vector<256x256xf32>
    %get3A_182 = arith.constant 0 : index
    %get3A_183 = arith.constant 0 : index
    %get3A_184 = arith.constant 3 : index
    %get3A_185 = vector.load %arg3[%get3A_182, %get3A_183, %get3A_184] : memref<1x256x8xi32, #tpu.memory_space<vmem>>, vector<1x256x1xi32>
    %get3A_186 = vector.shape_cast %get3A_185 : vector<1x256x1xi32> to vector<256x1xi32>
    %eq3A_187 = vector.broadcast %get3A_186 : vector<256x1xi32> to vector<256x256xi32>
    %eq3A_188 = arith.cmpi eq, %iota3A, %eq3A_187 : vector<256x256xi32>
    %convert_element_type3A_189 = arith.extui %eq3A_188 : vector<256x256xi1> to vector<256x256xi32>
    %convert_element_type3A_190 = arith.sitofp %convert_element_type3A_189 : vector<256x256xi32> to vector<256x256xf32>
    %add3A_191 = arith.addf %add3A_181, %convert_element_type3A_190 : vector<256x256xf32>
    %get3A_192 = arith.constant 0 : index
    %get3A_193 = arith.constant 0 : index
    %get3A_194 = arith.constant 4 : index
    %get3A_195 = vector.load %arg3[%get3A_192, %get3A_193, %get3A_194] : memref<1x256x8xi32, #tpu.memory_space<vmem>>, vector<1x256x1xi32>
    %get3A_196 = vector.shape_cast %get3A_195 : vector<1x256x1xi32> to vector<256x1xi32>
    %eq3A_197 = vector.broadcast %get3A_196 : vector<256x1xi32> to vector<256x256xi32>
    %eq3A_198 = arith.cmpi eq, %iota3A, %eq3A_197 : vector<256x256xi32>
    %convert_element_type3A_199 = arith.extui %eq3A_198 : vector<256x256xi1> to vector<256x256xi32>
    %convert_element_type3A_200 = arith.sitofp %convert_element_type3A_199 : vector<256x256xi32> to vector<256x256xf32>
    %add3A_201 = arith.addf %add3A_191, %convert_element_type3A_200 : vector<256x256xf32>
    %get3A_202 = arith.constant 0 : index
    %get3A_203 = arith.constant 0 : index
    %get3A_204 = arith.constant 5 : index
    %get3A_205 = vector.load %arg3[%get3A_202, %get3A_203, %get3A_204] : memref<1x256x8xi32, #tpu.memory_space<vmem>>, vector<1x256x1xi32>
    %get3A_206 = vector.shape_cast %get3A_205 : vector<1x256x1xi32> to vector<256x1xi32>
    %eq3A_207 = vector.broadcast %get3A_206 : vector<256x1xi32> to vector<256x256xi32>
    %eq3A_208 = arith.cmpi eq, %iota3A, %eq3A_207 : vector<256x256xi32>
    %convert_element_type3A_209 = arith.extui %eq3A_208 : vector<256x256xi1> to vector<256x256xi32>
    %convert_element_type3A_210 = arith.sitofp %convert_element_type3A_209 : vector<256x256xi32> to vector<256x256xf32>
    %add3A_211 = arith.addf %add3A_201, %convert_element_type3A_210 : vector<256x256xf32>
    %get3A_212 = arith.constant 0 : index
    %get3A_213 = arith.constant 0 : index
    %get3A_214 = arith.constant 6 : index
    %get3A_215 = vector.load %arg3[%get3A_212, %get3A_213, %get3A_214] : memref<1x256x8xi32, #tpu.memory_space<vmem>>, vector<1x256x1xi32>
    %get3A_216 = vector.shape_cast %get3A_215 : vector<1x256x1xi32> to vector<256x1xi32>
    %eq3A_217 = vector.broadcast %get3A_216 : vector<256x1xi32> to vector<256x256xi32>
    %eq3A_218 = arith.cmpi eq, %iota3A, %eq3A_217 : vector<256x256xi32>
    %convert_element_type3A_219 = arith.extui %eq3A_218 : vector<256x256xi1> to vector<256x256xi32>
    %convert_element_type3A_220 = arith.sitofp %convert_element_type3A_219 : vector<256x256xi32> to vector<256x256xf32>
    %add3A_221 = arith.addf %add3A_211, %convert_element_type3A_220 : vector<256x256xf32>
    %get3A_222 = arith.constant 0 : index
    %get3A_223 = arith.constant 0 : index
    %get3A_224 = arith.constant 7 : index
    %get3A_225 = vector.load %arg3[%get3A_222, %get3A_223, %get3A_224] : memref<1x256x8xi32, #tpu.memory_space<vmem>>, vector<1x256x1xi32>
    %get3A_226 = vector.shape_cast %get3A_225 : vector<1x256x1xi32> to vector<256x1xi32>
    %eq3A_227 = vector.broadcast %get3A_226 : vector<256x1xi32> to vector<256x256xi32>
    %eq3A_228 = arith.cmpi eq, %iota3A, %eq3A_227 : vector<256x256xi32>
    %convert_element_type3A_229 = arith.extui %eq3A_228 : vector<256x256xi1> to vector<256x256xi32>
    %convert_element_type3A_230 = arith.sitofp %convert_element_type3A_229 : vector<256x256xi32> to vector<256x256xf32>
    %add3A_231 = arith.addf %add3A_221, %convert_element_type3A_230 : vector<256x256xf32>
    %ge3A = arith.constant 0.000000e+00 : f32
    %ge3A_232 = vector.broadcast %ge3A : f32 to vector<256x64xf32>
    %ge3A_233 = arith.cmpf oge, %max3A_152, %ge3A_232 : vector<256x64xf32>
    %mul3A = arith.constant 2.000000e-01 : f32
    %mul3A_234 = vector.broadcast %mul3A : f32 to vector<256x64xf32>
    %mul3A_235 = arith.mulf %mul3A_234, %max3A_152 : vector<256x64xf32>
    %select_n3A_236 = arith.select %ge3A_233, %max3A_152, %mul3A_235 : vector<256x64xi1>, vector<256x64xf32>
    %convert_element_type3A_237 = arith.truncf %select_n3A_236 : vector<256x64xf32> to vector<256x64xbf16>
    %convert_element_type3A_238 = arith.extf %convert_element_type3A_237 : vector<256x64xbf16> to vector<256x64xf32>
    %get3A_239 = arith.constant 0 : index
    %get3A_240 = arith.constant 0 : index
    %get3A_241 = arith.constant 0 : index
    %get3A_242 = vector.load %arg4[%get3A_239, %get3A_240, %get3A_241] : memref<4x64x64xf32, #tpu.memory_space<vmem>>, vector<1x64x64xf32>
    %get3A_243 = vector.shape_cast %get3A_242 : vector<1x64x64xf32> to vector<64x64xf32>
    %convert_element_type3A_244 = arith.truncf %get3A_243 : vector<64x64xf32> to vector<64x64xbf16>
    %convert_element_type3A_245 = arith.extf %convert_element_type3A_244 : vector<64x64xbf16> to vector<64x64xf32>
    %dot_general3A = arith.constant dense<0.000000e+00> : vector<256x64xf32>
    %dot_general3A_246 = tpu.matmul %convert_element_type3A_238, %convert_element_type3A_245, %dot_general3A {dimension_numbers = #tpu.dot_dimension_numbers<[1], [0], [0], [1], [0, 0, 1, 1], [], []>, precision = #tpu.contract_precision<fp32>, transpose_lhs_hint = false} : vector<256x64xf32>, vector<64x64xf32>, vector<256x64xf32> -> vector<256x64xf32>
    %dot_general3A_247 = arith.constant dense<0.000000e+00> : vector<256x64xf32>
    %dot_general3A_248 = tpu.matmul %add3A_231, %convert_element_type3A_238, %dot_general3A_247 {dimension_numbers = #tpu.dot_dimension_numbers<[1], [0], [0], [1], [0, 0, 1, 1], [], []>, precision = #tpu.contract_precision<fp32>, transpose_lhs_hint = false} : vector<256x256xf32>, vector<256x64xf32>, vector<256x64xf32> -> vector<256x64xf32>
    %get3A_249 = arith.constant 0 : index
    %get3A_250 = arith.constant 0 : index
    %get3A_251 = arith.constant 0 : index
    %get3A_252 = vector.load %arg6[%get3A_249, %get3A_250, %get3A_251] : memref<4x64x64xf32, #tpu.memory_space<vmem>>, vector<1x64x64xf32>
    %get3A_253 = vector.shape_cast %get3A_252 : vector<1x64x64xf32> to vector<64x64xf32>
    %convert_element_type3A_254 = arith.truncf %get3A_253 : vector<64x64xf32> to vector<64x64xbf16>
    %convert_element_type3A_255 = arith.extf %convert_element_type3A_254 : vector<64x64xbf16> to vector<64x64xf32>
    %dot_general3A_256 = arith.constant dense<0.000000e+00> : vector<256x64xf32>
    %dot_general3A_257 = tpu.matmul %dot_general3A_248, %convert_element_type3A_255, %dot_general3A_256 {dimension_numbers = #tpu.dot_dimension_numbers<[1], [0], [0], [1], [0, 0, 1, 1], [], []>, precision = #tpu.contract_precision<fp32>, transpose_lhs_hint = false} : vector<256x64xf32>, vector<64x64xf32>, vector<256x64xf32> -> vector<256x64xf32>
    %get3A_258 = arith.constant 0 : index
    %get3A_259 = arith.constant 0 : index
    %get3A_260 = vector.load %arg5[%get3A_258, %get3A_259] : memref<4x64xf32, #tpu.memory_space<vmem>>, vector<1x64xf32>
    %add3A_261 = vector.broadcast %get3A_260 : vector<1x64xf32> to vector<256x64xf32>
    %add3A_262 = arith.addf %dot_general3A_246, %add3A_261 : vector<256x64xf32>
    %add3A_263 = arith.addf %add3A_262, %dot_general3A_257 : vector<256x64xf32>
    %get3A_264 = arith.constant 0 : index
    %get3A_265 = arith.constant 0 : index
    %get3A_266 = vector.load %arg7[%get3A_264, %get3A_265] : memref<4x64xf32, #tpu.memory_space<vmem>>, vector<1x64xf32>
    %mul3A_267 = arith.constant 8.000000e+00 : f32
    %mul3A_268 = vector.broadcast %mul3A_267 : f32 to vector<1x64xf32>
    %mul3A_269 = arith.mulf %mul3A_268, %get3A_266 : vector<1x64xf32>
    %add3A_270 = vector.broadcast %mul3A_269 : vector<1x64xf32> to vector<256x64xf32>
    %add3A_271 = arith.addf %add3A_263, %add3A_270 : vector<256x64xf32>
    %div3A = arith.constant 9.000000e+00 : f32
    %div3A_272 = vector.broadcast %div3A : f32 to vector<256x64xf32>
    %div3A_273 = arith.divf %add3A_271, %div3A_272 : vector<256x64xf32>
    %add3A_274 = arith.addf %max3A_152, %div3A_273 : vector<256x64xf32>
    %ge3A_275 = arith.constant 0.000000e+00 : f32
    %ge3A_276 = vector.broadcast %ge3A_275 : f32 to vector<256x64xf32>
    %ge3A_277 = arith.cmpf oge, %add3A_274, %ge3A_276 : vector<256x64xf32>
    %mul3A_278 = arith.constant 2.000000e-01 : f32
    %mul3A_279 = vector.broadcast %mul3A_278 : f32 to vector<256x64xf32>
    %mul3A_280 = arith.mulf %mul3A_279, %add3A_274 : vector<256x64xf32>
    %select_n3A_281 = arith.select %ge3A_277, %add3A_274, %mul3A_280 : vector<256x64xi1>, vector<256x64xf32>
    %convert_element_type3A_282 = arith.truncf %select_n3A_281 : vector<256x64xf32> to vector<256x64xbf16>
    %convert_element_type3A_283 = arith.extf %convert_element_type3A_282 : vector<256x64xbf16> to vector<256x64xf32>
    %get3A_284 = arith.constant 1 : index
    %get3A_285 = arith.constant 0 : index
    %get3A_286 = arith.constant 0 : index
    %get3A_287 = vector.load %arg4[%get3A_284, %get3A_285, %get3A_286] : memref<4x64x64xf32, #tpu.memory_space<vmem>>, vector<1x64x64xf32>
    %get3A_288 = vector.shape_cast %get3A_287 : vector<1x64x64xf32> to vector<64x64xf32>
    %convert_element_type3A_289 = arith.truncf %get3A_288 : vector<64x64xf32> to vector<64x64xbf16>
    %convert_element_type3A_290 = arith.extf %convert_element_type3A_289 : vector<64x64xbf16> to vector<64x64xf32>
    %dot_general3A_291 = arith.constant dense<0.000000e+00> : vector<256x64xf32>
    %dot_general3A_292 = tpu.matmul %convert_element_type3A_283, %convert_element_type3A_290, %dot_general3A_291 {dimension_numbers = #tpu.dot_dimension_numbers<[1], [0], [0], [1], [0, 0, 1, 1], [], []>, precision = #tpu.contract_precision<fp32>, transpose_lhs_hint = false} : vector<256x64xf32>, vector<64x64xf32>, vector<256x64xf32> -> vector<256x64xf32>
    %dot_general3A_293 = arith.constant dense<0.000000e+00> : vector<256x64xf32>
    %dot_general3A_294 = tpu.matmul %add3A_231, %convert_element_type3A_283, %dot_general3A_293 {dimension_numbers = #tpu.dot_dimension_numbers<[1], [0], [0], [1], [0, 0, 1, 1], [], []>, precision = #tpu.contract_precision<fp32>, transpose_lhs_hint = false} : vector<256x256xf32>, vector<256x64xf32>, vector<256x64xf32> -> vector<256x64xf32>
    %get3A_295 = arith.constant 1 : index
    %get3A_296 = arith.constant 0 : index
    %get3A_297 = arith.constant 0 : index
    %get3A_298 = vector.load %arg6[%get3A_295, %get3A_296, %get3A_297] : memref<4x64x64xf32, #tpu.memory_space<vmem>>, vector<1x64x64xf32>
    %get3A_299 = vector.shape_cast %get3A_298 : vector<1x64x64xf32> to vector<64x64xf32>
    %convert_element_type3A_300 = arith.truncf %get3A_299 : vector<64x64xf32> to vector<64x64xbf16>
    %convert_element_type3A_301 = arith.extf %convert_element_type3A_300 : vector<64x64xbf16> to vector<64x64xf32>
    %dot_general3A_302 = arith.constant dense<0.000000e+00> : vector<256x64xf32>
    %dot_general3A_303 = tpu.matmul %dot_general3A_294, %convert_element_type3A_301, %dot_general3A_302 {dimension_numbers = #tpu.dot_dimension_numbers<[1], [0], [0], [1], [0, 0, 1, 1], [], []>, precision = #tpu.contract_precision<fp32>, transpose_lhs_hint = false} : vector<256x64xf32>, vector<64x64xf32>, vector<256x64xf32> -> vector<256x64xf32>
    %get3A_304 = arith.constant 1 : index
    %get3A_305 = arith.constant 0 : index
    %get3A_306 = vector.load %arg5[%get3A_304, %get3A_305] : memref<4x64xf32, #tpu.memory_space<vmem>>, vector<1x64xf32>
    %add3A_307 = vector.broadcast %get3A_306 : vector<1x64xf32> to vector<256x64xf32>
    %add3A_308 = arith.addf %dot_general3A_292, %add3A_307 : vector<256x64xf32>
    %add3A_309 = arith.addf %add3A_308, %dot_general3A_303 : vector<256x64xf32>
    %get3A_310 = arith.constant 1 : index
    %get3A_311 = arith.constant 0 : index
    %get3A_312 = vector.load %arg7[%get3A_310, %get3A_311] : memref<4x64xf32, #tpu.memory_space<vmem>>, vector<1x64xf32>
    %mul3A_313 = arith.constant 8.000000e+00 : f32
    %mul3A_314 = vector.broadcast %mul3A_313 : f32 to vector<1x64xf32>
    %mul3A_315 = arith.mulf %mul3A_314, %get3A_312 : vector<1x64xf32>
    %add3A_316 = vector.broadcast %mul3A_315 : vector<1x64xf32> to vector<256x64xf32>
    %add3A_317 = arith.addf %add3A_309, %add3A_316 : vector<256x64xf32>
    %div3A_318 = arith.constant 9.000000e+00 : f32
    %div3A_319 = vector.broadcast %div3A_318 : f32 to vector<256x64xf32>
    %div3A_320 = arith.divf %add3A_317, %div3A_319 : vector<256x64xf32>
    %add3A_321 = arith.addf %add3A_274, %div3A_320 : vector<256x64xf32>
    %ge3A_322 = arith.constant 0.000000e+00 : f32
    %ge3A_323 = vector.broadcast %ge3A_322 : f32 to vector<256x64xf32>
    %ge3A_324 = arith.cmpf oge, %add3A_321, %ge3A_323 : vector<256x64xf32>
    %mul3A_325 = arith.constant 2.000000e-01 : f32
    %mul3A_326 = vector.broadcast %mul3A_325 : f32 to vector<256x64xf32>
    %mul3A_327 = arith.mulf %mul3A_326, %add3A_321 : vector<256x64xf32>
    %select_n3A_328 = arith.select %ge3A_324, %add3A_321, %mul3A_327 : vector<256x64xi1>, vector<256x64xf32>
    %convert_element_type3A_329 = arith.truncf %select_n3A_328 : vector<256x64xf32> to vector<256x64xbf16>
    %convert_element_type3A_330 = arith.extf %convert_element_type3A_329 : vector<256x64xbf16> to vector<256x64xf32>
    %get3A_331 = arith.constant 2 : index
    %get3A_332 = arith.constant 0 : index
    %get3A_333 = arith.constant 0 : index
    %get3A_334 = vector.load %arg4[%get3A_331, %get3A_332, %get3A_333] : memref<4x64x64xf32, #tpu.memory_space<vmem>>, vector<1x64x64xf32>
    %get3A_335 = vector.shape_cast %get3A_334 : vector<1x64x64xf32> to vector<64x64xf32>
    %convert_element_type3A_336 = arith.truncf %get3A_335 : vector<64x64xf32> to vector<64x64xbf16>
    %convert_element_type3A_337 = arith.extf %convert_element_type3A_336 : vector<64x64xbf16> to vector<64x64xf32>
    %dot_general3A_338 = arith.constant dense<0.000000e+00> : vector<256x64xf32>
    %dot_general3A_339 = tpu.matmul %convert_element_type3A_330, %convert_element_type3A_337, %dot_general3A_338 {dimension_numbers = #tpu.dot_dimension_numbers<[1], [0], [0], [1], [0, 0, 1, 1], [], []>, precision = #tpu.contract_precision<fp32>, transpose_lhs_hint = false} : vector<256x64xf32>, vector<64x64xf32>, vector<256x64xf32> -> vector<256x64xf32>
    %dot_general3A_340 = arith.constant dense<0.000000e+00> : vector<256x64xf32>
    %dot_general3A_341 = tpu.matmul %add3A_231, %convert_element_type3A_330, %dot_general3A_340 {dimension_numbers = #tpu.dot_dimension_numbers<[1], [0], [0], [1], [0, 0, 1, 1], [], []>, precision = #tpu.contract_precision<fp32>, transpose_lhs_hint = false} : vector<256x256xf32>, vector<256x64xf32>, vector<256x64xf32> -> vector<256x64xf32>
    %get3A_342 = arith.constant 2 : index
    %get3A_343 = arith.constant 0 : index
    %get3A_344 = arith.constant 0 : index
    %get3A_345 = vector.load %arg6[%get3A_342, %get3A_343, %get3A_344] : memref<4x64x64xf32, #tpu.memory_space<vmem>>, vector<1x64x64xf32>
    %get3A_346 = vector.shape_cast %get3A_345 : vector<1x64x64xf32> to vector<64x64xf32>
    %convert_element_type3A_347 = arith.truncf %get3A_346 : vector<64x64xf32> to vector<64x64xbf16>
    %convert_element_type3A_348 = arith.extf %convert_element_type3A_347 : vector<64x64xbf16> to vector<64x64xf32>
    %dot_general3A_349 = arith.constant dense<0.000000e+00> : vector<256x64xf32>
    %dot_general3A_350 = tpu.matmul %dot_general3A_341, %convert_element_type3A_348, %dot_general3A_349 {dimension_numbers = #tpu.dot_dimension_numbers<[1], [0], [0], [1], [0, 0, 1, 1], [], []>, precision = #tpu.contract_precision<fp32>, transpose_lhs_hint = false} : vector<256x64xf32>, vector<64x64xf32>, vector<256x64xf32> -> vector<256x64xf32>
    %get3A_351 = arith.constant 2 : index
    %get3A_352 = arith.constant 0 : index
    %get3A_353 = vector.load %arg5[%get3A_351, %get3A_352] : memref<4x64xf32, #tpu.memory_space<vmem>>, vector<1x64xf32>
    %add3A_354 = vector.broadcast %get3A_353 : vector<1x64xf32> to vector<256x64xf32>
    %add3A_355 = arith.addf %dot_general3A_339, %add3A_354 : vector<256x64xf32>
    %add3A_356 = arith.addf %add3A_355, %dot_general3A_350 : vector<256x64xf32>
    %get3A_357 = arith.constant 2 : index
    %get3A_358 = arith.constant 0 : index
    %get3A_359 = vector.load %arg7[%get3A_357, %get3A_358] : memref<4x64xf32, #tpu.memory_space<vmem>>, vector<1x64xf32>
    %mul3A_360 = arith.constant 8.000000e+00 : f32
    %mul3A_361 = vector.broadcast %mul3A_360 : f32 to vector<1x64xf32>
    %mul3A_362 = arith.mulf %mul3A_361, %get3A_359 : vector<1x64xf32>
    %add3A_363 = vector.broadcast %mul3A_362 : vector<1x64xf32> to vector<256x64xf32>
    %add3A_364 = arith.addf %add3A_356, %add3A_363 : vector<256x64xf32>
    %div3A_365 = arith.constant 9.000000e+00 : f32
    %div3A_366 = vector.broadcast %div3A_365 : f32 to vector<256x64xf32>
    %div3A_367 = arith.divf %add3A_364, %div3A_366 : vector<256x64xf32>
    %add3A_368 = arith.addf %add3A_321, %div3A_367 : vector<256x64xf32>
    %ge3A_369 = arith.constant 0.000000e+00 : f32
    %ge3A_370 = vector.broadcast %ge3A_369 : f32 to vector<256x64xf32>
    %ge3A_371 = arith.cmpf oge, %add3A_368, %ge3A_370 : vector<256x64xf32>
    %mul3A_372 = arith.constant 2.000000e-01 : f32
    %mul3A_373 = vector.broadcast %mul3A_372 : f32 to vector<256x64xf32>
    %mul3A_374 = arith.mulf %mul3A_373, %add3A_368 : vector<256x64xf32>
    %select_n3A_375 = arith.select %ge3A_371, %add3A_368, %mul3A_374 : vector<256x64xi1>, vector<256x64xf32>
    %convert_element_type3A_376 = arith.truncf %select_n3A_375 : vector<256x64xf32> to vector<256x64xbf16>
    %convert_element_type3A_377 = arith.extf %convert_element_type3A_376 : vector<256x64xbf16> to vector<256x64xf32>
    %get3A_378 = arith.constant 3 : index
    %get3A_379 = arith.constant 0 : index
    %get3A_380 = arith.constant 0 : index
    %get3A_381 = vector.load %arg4[%get3A_378, %get3A_379, %get3A_380] : memref<4x64x64xf32, #tpu.memory_space<vmem>>, vector<1x64x64xf32>
    %get3A_382 = vector.shape_cast %get3A_381 : vector<1x64x64xf32> to vector<64x64xf32>
    %convert_element_type3A_383 = arith.truncf %get3A_382 : vector<64x64xf32> to vector<64x64xbf16>
    %convert_element_type3A_384 = arith.extf %convert_element_type3A_383 : vector<64x64xbf16> to vector<64x64xf32>
    %dot_general3A_385 = arith.constant dense<0.000000e+00> : vector<256x64xf32>
    %dot_general3A_386 = tpu.matmul %convert_element_type3A_377, %convert_element_type3A_384, %dot_general3A_385 {dimension_numbers = #tpu.dot_dimension_numbers<[1], [0], [0], [1], [0, 0, 1, 1], [], []>, precision = #tpu.contract_precision<fp32>, transpose_lhs_hint = false} : vector<256x64xf32>, vector<64x64xf32>, vector<256x64xf32> -> vector<256x64xf32>
    %dot_general3A_387 = arith.constant dense<0.000000e+00> : vector<256x64xf32>
    %dot_general3A_388 = tpu.matmul %add3A_231, %convert_element_type3A_377, %dot_general3A_387 {dimension_numbers = #tpu.dot_dimension_numbers<[1], [0], [0], [1], [0, 0, 1, 1], [], []>, precision = #tpu.contract_precision<fp32>, transpose_lhs_hint = false} : vector<256x256xf32>, vector<256x64xf32>, vector<256x64xf32> -> vector<256x64xf32>
    %get3A_389 = arith.constant 3 : index
    %get3A_390 = arith.constant 0 : index
    %get3A_391 = arith.constant 0 : index
    %get3A_392 = vector.load %arg6[%get3A_389, %get3A_390, %get3A_391] : memref<4x64x64xf32, #tpu.memory_space<vmem>>, vector<1x64x64xf32>
    %get3A_393 = vector.shape_cast %get3A_392 : vector<1x64x64xf32> to vector<64x64xf32>
    %convert_element_type3A_394 = arith.truncf %get3A_393 : vector<64x64xf32> to vector<64x64xbf16>
    %convert_element_type3A_395 = arith.extf %convert_element_type3A_394 : vector<64x64xbf16> to vector<64x64xf32>
    %dot_general3A_396 = arith.constant dense<0.000000e+00> : vector<256x64xf32>
    %dot_general3A_397 = tpu.matmul %dot_general3A_388, %convert_element_type3A_395, %dot_general3A_396 {dimension_numbers = #tpu.dot_dimension_numbers<[1], [0], [0], [1], [0, 0, 1, 1], [], []>, precision = #tpu.contract_precision<fp32>, transpose_lhs_hint = false} : vector<256x64xf32>, vector<64x64xf32>, vector<256x64xf32> -> vector<256x64xf32>
    %get3A_398 = arith.constant 3 : index
    %get3A_399 = arith.constant 0 : index
    %get3A_400 = vector.load %arg5[%get3A_398, %get3A_399] : memref<4x64xf32, #tpu.memory_space<vmem>>, vector<1x64xf32>
    %add3A_401 = vector.broadcast %get3A_400 : vector<1x64xf32> to vector<256x64xf32>
    %add3A_402 = arith.addf %dot_general3A_386, %add3A_401 : vector<256x64xf32>
    %add3A_403 = arith.addf %add3A_402, %dot_general3A_397 : vector<256x64xf32>
    %get3A_404 = arith.constant 3 : index
    %get3A_405 = arith.constant 0 : index
    %get3A_406 = vector.load %arg7[%get3A_404, %get3A_405] : memref<4x64xf32, #tpu.memory_space<vmem>>, vector<1x64xf32>
    %mul3A_407 = arith.constant 8.000000e+00 : f32
    %mul3A_408 = vector.broadcast %mul3A_407 : f32 to vector<1x64xf32>
    %mul3A_409 = arith.mulf %mul3A_408, %get3A_406 : vector<1x64xf32>
    %add3A_410 = vector.broadcast %mul3A_409 : vector<1x64xf32> to vector<256x64xf32>
    %add3A_411 = arith.addf %add3A_403, %add3A_410 : vector<256x64xf32>
    %div3A_412 = arith.constant 9.000000e+00 : f32
    %div3A_413 = vector.broadcast %div3A_412 : f32 to vector<256x64xf32>
    %div3A_414 = arith.divf %add3A_411, %div3A_413 : vector<256x64xf32>
    %add3A_415 = arith.addf %add3A_368, %div3A_414 : vector<256x64xf32>
    %swap3A = arith.constant 0 : index
    %swap3A_416 = arith.constant 0 : index
    %swap3A_417 = arith.constant 0 : index
    %swap3A_418 = vector.load %arg8[%swap3A, %swap3A_416, %swap3A_417] : memref<1x256x64xf32, #tpu.memory_space<vmem>>, vector<1x256x64xf32>
    %swap3A_419 = vector.shape_cast %swap3A_418 : vector<1x256x64xf32> to vector<256x64xf32>
    %swap3A_420 = vector.shape_cast %add3A_415 : vector<256x64xf32> to vector<1x256x64xf32>
    tpu.vector_store %arg8[%swap3A, %swap3A_416, %swap3A_417], %swap3A_420 {strides = array<i32>} : memref<1x256x64xf32, #tpu.memory_space<vmem>>, vector<1x256x64xf32>,
    return
  }
  func.func @transform_0(%arg0: i32) -> (i32, i32, i32, i32) {
    %c0_i32 = arith.constant 0 : i32
    %c0_i32_0 = arith.constant 0 : i32
    %c0_i32_1 = arith.constant 0 : i32
    %c0_i32_2 = arith.constant 0 : i32
    return %arg0, %c0_i32, %c0_i32_0, %c0_i32_1 : i32, i32, i32, i32
  }
  func.func @transform_1(%arg0: i32) -> (i32, i32, i32) {
    %c0_i32 = arith.constant 0 : i32
    %c0_i32_0 = arith.constant 0 : i32
    %c0_i32_1 = arith.constant 0 : i32
    return %arg0, %c0_i32, %c0_i32_0 : i32, i32, i32
  }
  func.func @transform_2(%arg0: i32) -> (i32, i32, i32) {
    %c0_i32 = arith.constant 0 : i32
    %c0_i32_0 = arith.constant 0 : i32
    %c0_i32_1 = arith.constant 0 : i32
    return %arg0, %c0_i32, %c0_i32_0 : i32, i32, i32
  }
  func.func @transform_3(%arg0: i32) -> (i32, i32, i32) {
    %c0_i32 = arith.constant 0 : i32
    %c0_i32_0 = arith.constant 0 : i32
    %c0_i32_1 = arith.constant 0 : i32
    %c0_i32_2 = arith.constant 0 : i32
    return %c0_i32, %c0_i32_0, %c0_i32_1 : i32, i32, i32
  }
  func.func @transform_4(%arg0: i32) -> (i32, i32) {
    %c0_i32 = arith.constant 0 : i32
    %c0_i32_0 = arith.constant 0 : i32
    %c0_i32_1 = arith.constant 0 : i32
    return %c0_i32, %c0_i32_0 : i32, i32
  }
  func.func @transform_5(%arg0: i32) -> (i32, i32, i32) {
    %c0_i32 = arith.constant 0 : i32
    %c0_i32_0 = arith.constant 0 : i32
    %c0_i32_1 = arith.constant 0 : i32
    %c0_i32_2 = arith.constant 0 : i32
    return %c0_i32, %c0_i32_0, %c0_i32_1 : i32, i32, i32
  }
  func.func @transform_6(%arg0: i32) -> (i32, i32) {
    %c0_i32 = arith.constant 0 : i32
    %c0_i32_0 = arith.constant 0 : i32
    %c0_i32_1 = arith.constant 0 : i32
    return %c0_i32, %c0_i32_0 : i32, i32
  }
  func.func @transform_7(%arg0: i32) -> (i32, i32, i32) {
    %c0_i32 = arith.constant 0 : i32
    %c0_i32_0 = arith.constant 0 : i32
    %c0_i32_1 = arith.constant 0 : i32
    return %arg0, %c0_i32, %c0_i32_0 : i32, i32, i32
  }
}

module attributes {stable_mosaic.version = 14 : i64} {
  func.func @_knn_body(%arg0: i32, %arg1: i32, %arg2: memref<1x64x3xf32, #tpu.memory_space<vmem>>, %arg3: memref<1x3x64xf32, #tpu.memory_space<vmem>>, %arg4: memref<1x1x64xf32, #tpu.memory_space<vmem>>, %arg5: memref<1x64x8xi32, #tpu.memory_space<vmem>>) attributes {dimension_semantics = [#tpu.dimension_semantics<arbitrary>, #tpu.dimension_semantics<arbitrary>], iteration_bounds = array<i64: 8, 1>, scalar_prefetch = 0 : i64, scratch_operands = 0 : i64, tpu.core_type = #tpu.core_type<tc>, window_params = [{transform_indices = @transform_0, window_bounds = array<i64: 1, 64, 3>}, {transform_indices = @transform_1, window_bounds = array<i64: 1, 3, 64>}, {transform_indices = @transform_2, window_bounds = array<i64: 1, 1, 64>}, {transform_indices = @transform_3, window_bounds = array<i64: 1, 64, 8>}]} {
    %get3A = arith.constant 0 : index
    %get3A_0 = arith.constant 0 : index
    %get3A_1 = arith.constant 0 : index
    %get3A_2 = vector.load %arg2[%get3A, %get3A_0, %get3A_1] : memref<1x64x3xf32, #tpu.memory_space<vmem>>, vector<1x64x3xf32>
    %get3A_3 = vector.shape_cast %get3A_2 : vector<1x64x3xf32> to vector<64x3xf32>
    %mul3A = arith.mulf %get3A_3, %get3A_3 : vector<64x3xf32>
    %reduce_sum3A = arith.constant dense<0.000000e+00> : vector<64xf32>
    %reduce_sum3A_4 = vector.multi_reduction <add>, %mul3A, %reduce_sum3A [1] : vector<64x3xf32> to vector<64xf32>
    %broadcast_in_dim3A = vector.shape_cast %reduce_sum3A_4 : vector<64xf32> to vector<64x1xf32>
    %get3A_5 = arith.constant 0 : index
    %get3A_6 = arith.constant 0 : index
    %get3A_7 = arith.constant 0 : index
    %get3A_8 = vector.load %arg3[%get3A_5, %get3A_6, %get3A_7] : memref<1x3x64xf32, #tpu.memory_space<vmem>>, vector<1x3x64xf32>
    %get3A_9 = vector.shape_cast %get3A_8 : vector<1x3x64xf32> to vector<3x64xf32>
    %dot_general3A = arith.constant dense<0.000000e+00> : vector<64x64xf32>
    %dot_general3A_10 = tpu.matmul %get3A_3, %get3A_9, %dot_general3A {dimension_numbers = #tpu.dot_dimension_numbers<[1], [0], [0], [1], [0, 0, 1, 1], [], []>, transpose_lhs_hint = false} : vector<64x3xf32>, vector<3x64xf32>, vector<64x64xf32> -> vector<64x64xf32>
    %get3A_11 = arith.constant 0 : index
    %get3A_12 = arith.constant 0 : index
    %get3A_13 = arith.constant 0 : index
    %get3A_14 = vector.load %arg4[%get3A_11, %get3A_12, %get3A_13] : memref<1x1x64xf32, #tpu.memory_space<vmem>>, vector<1x1x64xf32>
    %get3A_15 = vector.shape_cast %get3A_14 : vector<1x1x64xf32> to vector<1x64xf32>
    %add3A = vector.broadcast %broadcast_in_dim3A : vector<64x1xf32> to vector<64x64xf32>
    %add3A_16 = vector.broadcast %get3A_15 : vector<1x64xf32> to vector<64x64xf32>
    %add3A_17 = arith.addf %add3A, %add3A_16 : vector<64x64xf32>
    %mul3A_18 = arith.constant 2.000000e+00 : f32
    %mul3A_19 = vector.broadcast %mul3A_18 : f32 to vector<64x64xf32>
    %mul3A_20 = arith.mulf %mul3A_19, %dot_general3A_10 : vector<64x64xf32>
    %sub3A = arith.subf %add3A_17, %mul3A_20 : vector<64x64xf32>
    %iota3A = tpu.iota {dimensions = array<i32: 1>} : vector<64x64xi32>
    %mul3A_21 = arith.constant 64 : i32
    %mul3A_22 = arith.muli %arg1, %mul3A_21 : i32
    %iota3A_23 = tpu.iota {dimensions = array<i32: 0>} : vector<64x64xi32>
    %add3A_24 = vector.broadcast %mul3A_22 : i32 to vector<64x64xi32>
    %add3A_25 = arith.addi %iota3A_23, %add3A_24 : vector<64x64xi32>
    %eq3A = arith.cmpi eq, %iota3A, %add3A_25 : vector<64x64xi32>
    %jit3A = arith.constant 0x7F800000 : f32
    %broadcast_in_dim3A_26 = vector.broadcast %jit3A : f32 to vector<64x64xf32>
    %select_n3A = arith.select %eq3A, %broadcast_in_dim3A_26, %sub3A : vector<64x64xi1>, vector<64x64xf32>
    %argmin3A = tpu.reduce_index %select_n3A {axis = 1 : i32, kind = #tpu.reduction_kind<arg_min>} : vector<64x64xf32> -> vector<64xi32>
    %broadcast_in_dim3A_27 = vector.shape_cast %argmin3A : vector<64xi32> to vector<64x1xi32>
    %swap3A = arith.constant 0 : index
    %swap3A_28 = arith.constant 0 : index
    %swap3A_29 = arith.constant 0 : index
    %swap3A_30 = vector.load %arg5[%swap3A, %swap3A_28, %swap3A_29] : memref<1x64x8xi32, #tpu.memory_space<vmem>>, vector<1x64x1xi32>
    %swap3A_31 = vector.shape_cast %swap3A_30 : vector<1x64x1xi32> to vector<64x1xi32>
    %swap3A_32 = vector.shape_cast %broadcast_in_dim3A_27 : vector<64x1xi32> to vector<1x64x1xi32>
    tpu.vector_store %arg5[%swap3A, %swap3A_28, %swap3A_29], %swap3A_32 {strides = array<i32>} : memref<1x64x8xi32, #tpu.memory_space<vmem>>, vector<1x64x1xi32>,
    %eq3A_33 = vector.broadcast %broadcast_in_dim3A_27 : vector<64x1xi32> to vector<64x64xi32>
    %eq3A_34 = arith.cmpi eq, %iota3A, %eq3A_33 : vector<64x64xi32>
    %jit3A_35 = arith.constant 0x7F800000 : f32
    %broadcast_in_dim3A_36 = vector.broadcast %jit3A_35 : f32 to vector<64x64xf32>
    %select_n3A_37 = arith.select %eq3A_34, %broadcast_in_dim3A_36, %select_n3A : vector<64x64xi1>, vector<64x64xf32>
    %argmin3A_38 = tpu.reduce_index %select_n3A_37 {axis = 1 : i32, kind = #tpu.reduction_kind<arg_min>} : vector<64x64xf32> -> vector<64xi32>
    %broadcast_in_dim3A_39 = vector.shape_cast %argmin3A_38 : vector<64xi32> to vector<64x1xi32>
    %swap3A_40 = arith.constant 0 : index
    %swap3A_41 = arith.constant 0 : index
    %swap3A_42 = arith.constant 1 : index
    %swap3A_43 = vector.load %arg5[%swap3A_40, %swap3A_41, %swap3A_42] : memref<1x64x8xi32, #tpu.memory_space<vmem>>, vector<1x64x1xi32>
    %swap3A_44 = vector.shape_cast %swap3A_43 : vector<1x64x1xi32> to vector<64x1xi32>
    %swap3A_45 = vector.shape_cast %broadcast_in_dim3A_39 : vector<64x1xi32> to vector<1x64x1xi32>
    tpu.vector_store %arg5[%swap3A_40, %swap3A_41, %swap3A_42], %swap3A_45 {strides = array<i32>} : memref<1x64x8xi32, #tpu.memory_space<vmem>>, vector<1x64x1xi32>,
    %eq3A_46 = vector.broadcast %broadcast_in_dim3A_39 : vector<64x1xi32> to vector<64x64xi32>
    %eq3A_47 = arith.cmpi eq, %iota3A, %eq3A_46 : vector<64x64xi32>
    %jit3A_48 = arith.constant 0x7F800000 : f32
    %broadcast_in_dim3A_49 = vector.broadcast %jit3A_48 : f32 to vector<64x64xf32>
    %select_n3A_50 = arith.select %eq3A_47, %broadcast_in_dim3A_49, %select_n3A_37 : vector<64x64xi1>, vector<64x64xf32>
    %argmin3A_51 = tpu.reduce_index %select_n3A_50 {axis = 1 : i32, kind = #tpu.reduction_kind<arg_min>} : vector<64x64xf32> -> vector<64xi32>
    %broadcast_in_dim3A_52 = vector.shape_cast %argmin3A_51 : vector<64xi32> to vector<64x1xi32>
    %swap3A_53 = arith.constant 0 : index
    %swap3A_54 = arith.constant 0 : index
    %swap3A_55 = arith.constant 2 : index
    %swap3A_56 = vector.load %arg5[%swap3A_53, %swap3A_54, %swap3A_55] : memref<1x64x8xi32, #tpu.memory_space<vmem>>, vector<1x64x1xi32>
    %swap3A_57 = vector.shape_cast %swap3A_56 : vector<1x64x1xi32> to vector<64x1xi32>
    %swap3A_58 = vector.shape_cast %broadcast_in_dim3A_52 : vector<64x1xi32> to vector<1x64x1xi32>
    tpu.vector_store %arg5[%swap3A_53, %swap3A_54, %swap3A_55], %swap3A_58 {strides = array<i32>} : memref<1x64x8xi32, #tpu.memory_space<vmem>>, vector<1x64x1xi32>,
    %eq3A_59 = vector.broadcast %broadcast_in_dim3A_52 : vector<64x1xi32> to vector<64x64xi32>
    %eq3A_60 = arith.cmpi eq, %iota3A, %eq3A_59 : vector<64x64xi32>
    %jit3A_61 = arith.constant 0x7F800000 : f32
    %broadcast_in_dim3A_62 = vector.broadcast %jit3A_61 : f32 to vector<64x64xf32>
    %select_n3A_63 = arith.select %eq3A_60, %broadcast_in_dim3A_62, %select_n3A_50 : vector<64x64xi1>, vector<64x64xf32>
    %argmin3A_64 = tpu.reduce_index %select_n3A_63 {axis = 1 : i32, kind = #tpu.reduction_kind<arg_min>} : vector<64x64xf32> -> vector<64xi32>
    %broadcast_in_dim3A_65 = vector.shape_cast %argmin3A_64 : vector<64xi32> to vector<64x1xi32>
    %swap3A_66 = arith.constant 0 : index
    %swap3A_67 = arith.constant 0 : index
    %swap3A_68 = arith.constant 3 : index
    %swap3A_69 = vector.load %arg5[%swap3A_66, %swap3A_67, %swap3A_68] : memref<1x64x8xi32, #tpu.memory_space<vmem>>, vector<1x64x1xi32>
    %swap3A_70 = vector.shape_cast %swap3A_69 : vector<1x64x1xi32> to vector<64x1xi32>
    %swap3A_71 = vector.shape_cast %broadcast_in_dim3A_65 : vector<64x1xi32> to vector<1x64x1xi32>
    tpu.vector_store %arg5[%swap3A_66, %swap3A_67, %swap3A_68], %swap3A_71 {strides = array<i32>} : memref<1x64x8xi32, #tpu.memory_space<vmem>>, vector<1x64x1xi32>,
    %eq3A_72 = vector.broadcast %broadcast_in_dim3A_65 : vector<64x1xi32> to vector<64x64xi32>
    %eq3A_73 = arith.cmpi eq, %iota3A, %eq3A_72 : vector<64x64xi32>
    %jit3A_74 = arith.constant 0x7F800000 : f32
    %broadcast_in_dim3A_75 = vector.broadcast %jit3A_74 : f32 to vector<64x64xf32>
    %select_n3A_76 = arith.select %eq3A_73, %broadcast_in_dim3A_75, %select_n3A_63 : vector<64x64xi1>, vector<64x64xf32>
    %argmin3A_77 = tpu.reduce_index %select_n3A_76 {axis = 1 : i32, kind = #tpu.reduction_kind<arg_min>} : vector<64x64xf32> -> vector<64xi32>
    %broadcast_in_dim3A_78 = vector.shape_cast %argmin3A_77 : vector<64xi32> to vector<64x1xi32>
    %swap3A_79 = arith.constant 0 : index
    %swap3A_80 = arith.constant 0 : index
    %swap3A_81 = arith.constant 4 : index
    %swap3A_82 = vector.load %arg5[%swap3A_79, %swap3A_80, %swap3A_81] : memref<1x64x8xi32, #tpu.memory_space<vmem>>, vector<1x64x1xi32>
    %swap3A_83 = vector.shape_cast %swap3A_82 : vector<1x64x1xi32> to vector<64x1xi32>
    %swap3A_84 = vector.shape_cast %broadcast_in_dim3A_78 : vector<64x1xi32> to vector<1x64x1xi32>
    tpu.vector_store %arg5[%swap3A_79, %swap3A_80, %swap3A_81], %swap3A_84 {strides = array<i32>} : memref<1x64x8xi32, #tpu.memory_space<vmem>>, vector<1x64x1xi32>,
    %eq3A_85 = vector.broadcast %broadcast_in_dim3A_78 : vector<64x1xi32> to vector<64x64xi32>
    %eq3A_86 = arith.cmpi eq, %iota3A, %eq3A_85 : vector<64x64xi32>
    %jit3A_87 = arith.constant 0x7F800000 : f32
    %broadcast_in_dim3A_88 = vector.broadcast %jit3A_87 : f32 to vector<64x64xf32>
    %select_n3A_89 = arith.select %eq3A_86, %broadcast_in_dim3A_88, %select_n3A_76 : vector<64x64xi1>, vector<64x64xf32>
    %argmin3A_90 = tpu.reduce_index %select_n3A_89 {axis = 1 : i32, kind = #tpu.reduction_kind<arg_min>} : vector<64x64xf32> -> vector<64xi32>
    %broadcast_in_dim3A_91 = vector.shape_cast %argmin3A_90 : vector<64xi32> to vector<64x1xi32>
    %swap3A_92 = arith.constant 0 : index
    %swap3A_93 = arith.constant 0 : index
    %swap3A_94 = arith.constant 5 : index
    %swap3A_95 = vector.load %arg5[%swap3A_92, %swap3A_93, %swap3A_94] : memref<1x64x8xi32, #tpu.memory_space<vmem>>, vector<1x64x1xi32>
    %swap3A_96 = vector.shape_cast %swap3A_95 : vector<1x64x1xi32> to vector<64x1xi32>
    %swap3A_97 = vector.shape_cast %broadcast_in_dim3A_91 : vector<64x1xi32> to vector<1x64x1xi32>
    tpu.vector_store %arg5[%swap3A_92, %swap3A_93, %swap3A_94], %swap3A_97 {strides = array<i32>} : memref<1x64x8xi32, #tpu.memory_space<vmem>>, vector<1x64x1xi32>,
    %eq3A_98 = vector.broadcast %broadcast_in_dim3A_91 : vector<64x1xi32> to vector<64x64xi32>
    %eq3A_99 = arith.cmpi eq, %iota3A, %eq3A_98 : vector<64x64xi32>
    %jit3A_100 = arith.constant 0x7F800000 : f32
    %broadcast_in_dim3A_101 = vector.broadcast %jit3A_100 : f32 to vector<64x64xf32>
    %select_n3A_102 = arith.select %eq3A_99, %broadcast_in_dim3A_101, %select_n3A_89 : vector<64x64xi1>, vector<64x64xf32>
    %argmin3A_103 = tpu.reduce_index %select_n3A_102 {axis = 1 : i32, kind = #tpu.reduction_kind<arg_min>} : vector<64x64xf32> -> vector<64xi32>
    %broadcast_in_dim3A_104 = vector.shape_cast %argmin3A_103 : vector<64xi32> to vector<64x1xi32>
    %swap3A_105 = arith.constant 0 : index
    %swap3A_106 = arith.constant 0 : index
    %swap3A_107 = arith.constant 6 : index
    %swap3A_108 = vector.load %arg5[%swap3A_105, %swap3A_106, %swap3A_107] : memref<1x64x8xi32, #tpu.memory_space<vmem>>, vector<1x64x1xi32>
    %swap3A_109 = vector.shape_cast %swap3A_108 : vector<1x64x1xi32> to vector<64x1xi32>
    %swap3A_110 = vector.shape_cast %broadcast_in_dim3A_104 : vector<64x1xi32> to vector<1x64x1xi32>
    tpu.vector_store %arg5[%swap3A_105, %swap3A_106, %swap3A_107], %swap3A_110 {strides = array<i32>} : memref<1x64x8xi32, #tpu.memory_space<vmem>>, vector<1x64x1xi32>,
    %eq3A_111 = vector.broadcast %broadcast_in_dim3A_104 : vector<64x1xi32> to vector<64x64xi32>
    %eq3A_112 = arith.cmpi eq, %iota3A, %eq3A_111 : vector<64x64xi32>
    %jit3A_113 = arith.constant 0x7F800000 : f32
    %broadcast_in_dim3A_114 = vector.broadcast %jit3A_113 : f32 to vector<64x64xf32>
    %select_n3A_115 = arith.select %eq3A_112, %broadcast_in_dim3A_114, %select_n3A_102 : vector<64x64xi1>, vector<64x64xf32>
    %argmin3A_116 = tpu.reduce_index %select_n3A_115 {axis = 1 : i32, kind = #tpu.reduction_kind<arg_min>} : vector<64x64xf32> -> vector<64xi32>
    %broadcast_in_dim3A_117 = vector.shape_cast %argmin3A_116 : vector<64xi32> to vector<64x1xi32>
    %swap3A_118 = arith.constant 0 : index
    %swap3A_119 = arith.constant 0 : index
    %swap3A_120 = arith.constant 7 : index
    %swap3A_121 = vector.load %arg5[%swap3A_118, %swap3A_119, %swap3A_120] : memref<1x64x8xi32, #tpu.memory_space<vmem>>, vector<1x64x1xi32>
    %swap3A_122 = vector.shape_cast %swap3A_121 : vector<1x64x1xi32> to vector<64x1xi32>
    %swap3A_123 = vector.shape_cast %broadcast_in_dim3A_117 : vector<64x1xi32> to vector<1x64x1xi32>
    tpu.vector_store %arg5[%swap3A_118, %swap3A_119, %swap3A_120], %swap3A_123 {strides = array<i32>} : memref<1x64x8xi32, #tpu.memory_space<vmem>>, vector<1x64x1xi32>,
    return
  }
  func.func @transform_0(%arg0: i32, %arg1: i32) -> (i32, i32, i32) {
    %c0_i32 = arith.constant 0 : i32
    %c0_i32_0 = arith.constant 0 : i32
    return %arg0, %arg1, %c0_i32 : i32, i32, i32
  }
  func.func @transform_1(%arg0: i32, %arg1: i32) -> (i32, i32, i32) {
    %c0_i32 = arith.constant 0 : i32
    %c0_i32_0 = arith.constant 0 : i32
    %c0_i32_1 = arith.constant 0 : i32
    return %arg0, %c0_i32, %c0_i32_0 : i32, i32, i32
  }
  func.func @transform_2(%arg0: i32, %arg1: i32) -> (i32, i32, i32) {
    %c0_i32 = arith.constant 0 : i32
    %c0_i32_0 = arith.constant 0 : i32
    %c0_i32_1 = arith.constant 0 : i32
    return %arg0, %c0_i32, %c0_i32_0 : i32, i32, i32
  }
  func.func @transform_3(%arg0: i32, %arg1: i32) -> (i32, i32, i32) {
    %c0_i32 = arith.constant 0 : i32
    %c0_i32_0 = arith.constant 0 : i32
    return %arg0, %arg1, %c0_i32 : i32, i32, i32
  }
}

module attributes {stable_mosaic.version = 14 : i64} {
  func.func @_res_body(%arg0: i32, %arg1: memref<1x64x8x128xf32, #tpu.memory_space<vmem>>, %arg2: memref<1x64x8xi32, #tpu.memory_space<vmem>>, %arg3: memref<1x64x8xi32, #tpu.memory_space<vmem>>, %arg4: memref<4x64x64xf32, #tpu.memory_space<vmem>>, %arg5: memref<4x64xf32, #tpu.memory_space<vmem>>, %arg6: memref<4x64x64xf32, #tpu.memory_space<vmem>>, %arg7: memref<4x64xf32, #tpu.memory_space<vmem>>, %arg8: memref<1x64x64xf32, #tpu.memory_space<vmem>>) attributes {dimension_semantics = [#tpu.dimension_semantics<arbitrary>], iteration_bounds = array<i64: 8>, scalar_prefetch = 0 : i64, scratch_operands = 0 : i64, tpu.core_type = #tpu.core_type<tc>, window_params = [{transform_indices = @transform_0, window_bounds = array<i64: 1, 64, 8, 128>}, {transform_indices = @transform_1, window_bounds = array<i64: 1, 64, 8>}, {transform_indices = @transform_2, window_bounds = array<i64: 1, 64, 8>}, {pipeline_mode = #tpu.pipeline_mode<synchronous>, transform_indices = @transform_3, window_bounds = array<i64: 4, 64, 64>}, {pipeline_mode = #tpu.pipeline_mode<synchronous>, transform_indices = @transform_4, window_bounds = array<i64: 4, 64>}, {pipeline_mode = #tpu.pipeline_mode<synchronous>, transform_indices = @transform_5, window_bounds = array<i64: 4, 64, 64>}, {pipeline_mode = #tpu.pipeline_mode<synchronous>, transform_indices = @transform_6, window_bounds = array<i64: 4, 64>}, {transform_indices = @transform_7, window_bounds = array<i64: 1, 64, 64>}]} {
    %get3A = arith.constant 0 : index
    %get3A_0 = arith.constant 0 : index
    %get3A_1 = arith.constant 0 : index
    %get3A_2 = arith.constant 0 : index
    %get3A_3 = vector.load %arg1[%get3A, %get3A_0, %get3A_1, %get3A_2] : memref<1x64x8x128xf32, #tpu.memory_space<vmem>>, vector<1x64x1x128xf32>
    %get3A_4 = vector.shape_cast %get3A_3 : vector<1x64x1x128xf32> to vector<64x128xf32>
    %get3A_5 = arith.constant 0 : index
    %get3A_6 = arith.constant 0 : index
    %get3A_7 = arith.constant 0 : index
    %get3A_8 = vector.load %arg2[%get3A_5, %get3A_6, %get3A_7] : memref<1x64x8xi32, #tpu.memory_space<vmem>>, vector<1x64x1xi32>
    %get3A_9 = vector.shape_cast %get3A_8 : vector<1x64x1xi32> to vector<64x1xi32>
    %gt3A = arith.constant 0 : i32
    %gt3A_10 = vector.broadcast %gt3A : i32 to vector<64x1xi32>
    %gt3A_11 = arith.cmpi sgt, %get3A_9, %gt3A_10 : vector<64x1xi32>
    %slice3A = vector.extract_strided_slice %get3A_4 {offsets = [0, 64], sizes = [64, 64], strides = [1, 1]} : vector<64x128xf32> to vector<64x64xf32>
    %slice3A_12 = vector.extract_strided_slice %get3A_4 {offsets = [0, 0], sizes = [64, 64], strides = [1, 1]} : vector<64x128xf32> to vector<64x64xf32>
    %broadcast_in_dim3A = vector.shape_cast %gt3A_11 : vector<64x1xi1> to vector<64x1xi1>
    %broadcast_in_dim3A_13 = vector.broadcast %broadcast_in_dim3A : vector<64x1xi1> to vector<64x64xi1>
    %select_n3A = arith.select %broadcast_in_dim3A_13, %slice3A, %slice3A_12 : vector<64x64xi1>, vector<64x64xf32>
    %get3A_14 = arith.constant 0 : index
    %get3A_15 = arith.constant 0 : index
    %get3A_16 = arith.constant 1 : index
    %get3A_17 = arith.constant 0 : index
    %get3A_18 = vector.load %arg1[%get3A_14, %get3A_15, %get3A_16, %get3A_17] : memref<1x64x8x128xf32, #tpu.memory_space<vmem>>, vector<1x64x1x128xf32>
    %get3A_19 = vector.shape_cast %get3A_18 : vector<1x64x1x128xf32> to vector<64x128xf32>
    %get3A_20 = arith.constant 0 : index
    %get3A_21 = arith.constant 0 : index
    %get3A_22 = arith.constant 1 : index
    %get3A_23 = vector.load %arg2[%get3A_20, %get3A_21, %get3A_22] : memref<1x64x8xi32, #tpu.memory_space<vmem>>, vector<1x64x1xi32>
    %get3A_24 = vector.shape_cast %get3A_23 : vector<1x64x1xi32> to vector<64x1xi32>
    %gt3A_25 = arith.constant 0 : i32
    %gt3A_26 = vector.broadcast %gt3A_25 : i32 to vector<64x1xi32>
    %gt3A_27 = arith.cmpi sgt, %get3A_24, %gt3A_26 : vector<64x1xi32>
    %slice3A_28 = vector.extract_strided_slice %get3A_19 {offsets = [0, 64], sizes = [64, 64], strides = [1, 1]} : vector<64x128xf32> to vector<64x64xf32>
    %slice3A_29 = vector.extract_strided_slice %get3A_19 {offsets = [0, 0], sizes = [64, 64], strides = [1, 1]} : vector<64x128xf32> to vector<64x64xf32>
    %broadcast_in_dim3A_30 = vector.shape_cast %gt3A_27 : vector<64x1xi1> to vector<64x1xi1>
    %broadcast_in_dim3A_31 = vector.broadcast %broadcast_in_dim3A_30 : vector<64x1xi1> to vector<64x64xi1>
    %select_n3A_32 = arith.select %broadcast_in_dim3A_31, %slice3A_28, %slice3A_29 : vector<64x64xi1>, vector<64x64xf32>
    %max3A = arith.maximumf %select_n3A, %select_n3A_32 : vector<64x64xf32>
    %get3A_33 = arith.constant 0 : index
    %get3A_34 = arith.constant 0 : index
    %get3A_35 = arith.constant 2 : index
    %get3A_36 = arith.constant 0 : index
    %get3A_37 = vector.load %arg1[%get3A_33, %get3A_34, %get3A_35, %get3A_36] : memref<1x64x8x128xf32, #tpu.memory_space<vmem>>, vector<1x64x1x128xf32>
    %get3A_38 = vector.shape_cast %get3A_37 : vector<1x64x1x128xf32> to vector<64x128xf32>
    %get3A_39 = arith.constant 0 : index
    %get3A_40 = arith.constant 0 : index
    %get3A_41 = arith.constant 2 : index
    %get3A_42 = vector.load %arg2[%get3A_39, %get3A_40, %get3A_41] : memref<1x64x8xi32, #tpu.memory_space<vmem>>, vector<1x64x1xi32>
    %get3A_43 = vector.shape_cast %get3A_42 : vector<1x64x1xi32> to vector<64x1xi32>
    %gt3A_44 = arith.constant 0 : i32
    %gt3A_45 = vector.broadcast %gt3A_44 : i32 to vector<64x1xi32>
    %gt3A_46 = arith.cmpi sgt, %get3A_43, %gt3A_45 : vector<64x1xi32>
    %slice3A_47 = vector.extract_strided_slice %get3A_38 {offsets = [0, 64], sizes = [64, 64], strides = [1, 1]} : vector<64x128xf32> to vector<64x64xf32>
    %slice3A_48 = vector.extract_strided_slice %get3A_38 {offsets = [0, 0], sizes = [64, 64], strides = [1, 1]} : vector<64x128xf32> to vector<64x64xf32>
    %broadcast_in_dim3A_49 = vector.shape_cast %gt3A_46 : vector<64x1xi1> to vector<64x1xi1>
    %broadcast_in_dim3A_50 = vector.broadcast %broadcast_in_dim3A_49 : vector<64x1xi1> to vector<64x64xi1>
    %select_n3A_51 = arith.select %broadcast_in_dim3A_50, %slice3A_47, %slice3A_48 : vector<64x64xi1>, vector<64x64xf32>
    %max3A_52 = arith.maximumf %max3A, %select_n3A_51 : vector<64x64xf32>
    %get3A_53 = arith.constant 0 : index
    %get3A_54 = arith.constant 0 : index
    %get3A_55 = arith.constant 3 : index
    %get3A_56 = arith.constant 0 : index
    %get3A_57 = vector.load %arg1[%get3A_53, %get3A_54, %get3A_55, %get3A_56] : memref<1x64x8x128xf32, #tpu.memory_space<vmem>>, vector<1x64x1x128xf32>
    %get3A_58 = vector.shape_cast %get3A_57 : vector<1x64x1x128xf32> to vector<64x128xf32>
    %get3A_59 = arith.constant 0 : index
    %get3A_60 = arith.constant 0 : index
    %get3A_61 = arith.constant 3 : index
    %get3A_62 = vector.load %arg2[%get3A_59, %get3A_60, %get3A_61] : memref<1x64x8xi32, #tpu.memory_space<vmem>>, vector<1x64x1xi32>
    %get3A_63 = vector.shape_cast %get3A_62 : vector<1x64x1xi32> to vector<64x1xi32>
    %gt3A_64 = arith.constant 0 : i32
    %gt3A_65 = vector.broadcast %gt3A_64 : i32 to vector<64x1xi32>
    %gt3A_66 = arith.cmpi sgt, %get3A_63, %gt3A_65 : vector<64x1xi32>
    %slice3A_67 = vector.extract_strided_slice %get3A_58 {offsets = [0, 64], sizes = [64, 64], strides = [1, 1]} : vector<64x128xf32> to vector<64x64xf32>
    %slice3A_68 = vector.extract_strided_slice %get3A_58 {offsets = [0, 0], sizes = [64, 64], strides = [1, 1]} : vector<64x128xf32> to vector<64x64xf32>
    %broadcast_in_dim3A_69 = vector.shape_cast %gt3A_66 : vector<64x1xi1> to vector<64x1xi1>
    %broadcast_in_dim3A_70 = vector.broadcast %broadcast_in_dim3A_69 : vector<64x1xi1> to vector<64x64xi1>
    %select_n3A_71 = arith.select %broadcast_in_dim3A_70, %slice3A_67, %slice3A_68 : vector<64x64xi1>, vector<64x64xf32>
    %max3A_72 = arith.maximumf %max3A_52, %select_n3A_71 : vector<64x64xf32>
    %get3A_73 = arith.constant 0 : index
    %get3A_74 = arith.constant 0 : index
    %get3A_75 = arith.constant 4 : index
    %get3A_76 = arith.constant 0 : index
    %get3A_77 = vector.load %arg1[%get3A_73, %get3A_74, %get3A_75, %get3A_76] : memref<1x64x8x128xf32, #tpu.memory_space<vmem>>, vector<1x64x1x128xf32>
    %get3A_78 = vector.shape_cast %get3A_77 : vector<1x64x1x128xf32> to vector<64x128xf32>
    %get3A_79 = arith.constant 0 : index
    %get3A_80 = arith.constant 0 : index
    %get3A_81 = arith.constant 4 : index
    %get3A_82 = vector.load %arg2[%get3A_79, %get3A_80, %get3A_81] : memref<1x64x8xi32, #tpu.memory_space<vmem>>, vector<1x64x1xi32>
    %get3A_83 = vector.shape_cast %get3A_82 : vector<1x64x1xi32> to vector<64x1xi32>
    %gt3A_84 = arith.constant 0 : i32
    %gt3A_85 = vector.broadcast %gt3A_84 : i32 to vector<64x1xi32>
    %gt3A_86 = arith.cmpi sgt, %get3A_83, %gt3A_85 : vector<64x1xi32>
    %slice3A_87 = vector.extract_strided_slice %get3A_78 {offsets = [0, 64], sizes = [64, 64], strides = [1, 1]} : vector<64x128xf32> to vector<64x64xf32>
    %slice3A_88 = vector.extract_strided_slice %get3A_78 {offsets = [0, 0], sizes = [64, 64], strides = [1, 1]} : vector<64x128xf32> to vector<64x64xf32>
    %broadcast_in_dim3A_89 = vector.shape_cast %gt3A_86 : vector<64x1xi1> to vector<64x1xi1>
    %broadcast_in_dim3A_90 = vector.broadcast %broadcast_in_dim3A_89 : vector<64x1xi1> to vector<64x64xi1>
    %select_n3A_91 = arith.select %broadcast_in_dim3A_90, %slice3A_87, %slice3A_88 : vector<64x64xi1>, vector<64x64xf32>
    %max3A_92 = arith.maximumf %max3A_72, %select_n3A_91 : vector<64x64xf32>
    %get3A_93 = arith.constant 0 : index
    %get3A_94 = arith.constant 0 : index
    %get3A_95 = arith.constant 5 : index
    %get3A_96 = arith.constant 0 : index
    %get3A_97 = vector.load %arg1[%get3A_93, %get3A_94, %get3A_95, %get3A_96] : memref<1x64x8x128xf32, #tpu.memory_space<vmem>>, vector<1x64x1x128xf32>
    %get3A_98 = vector.shape_cast %get3A_97 : vector<1x64x1x128xf32> to vector<64x128xf32>
    %get3A_99 = arith.constant 0 : index
    %get3A_100 = arith.constant 0 : index
    %get3A_101 = arith.constant 5 : index
    %get3A_102 = vector.load %arg2[%get3A_99, %get3A_100, %get3A_101] : memref<1x64x8xi32, #tpu.memory_space<vmem>>, vector<1x64x1xi32>
    %get3A_103 = vector.shape_cast %get3A_102 : vector<1x64x1xi32> to vector<64x1xi32>
    %gt3A_104 = arith.constant 0 : i32
    %gt3A_105 = vector.broadcast %gt3A_104 : i32 to vector<64x1xi32>
    %gt3A_106 = arith.cmpi sgt, %get3A_103, %gt3A_105 : vector<64x1xi32>
    %slice3A_107 = vector.extract_strided_slice %get3A_98 {offsets = [0, 64], sizes = [64, 64], strides = [1, 1]} : vector<64x128xf32> to vector<64x64xf32>
    %slice3A_108 = vector.extract_strided_slice %get3A_98 {offsets = [0, 0], sizes = [64, 64], strides = [1, 1]} : vector<64x128xf32> to vector<64x64xf32>
    %broadcast_in_dim3A_109 = vector.shape_cast %gt3A_106 : vector<64x1xi1> to vector<64x1xi1>
    %broadcast_in_dim3A_110 = vector.broadcast %broadcast_in_dim3A_109 : vector<64x1xi1> to vector<64x64xi1>
    %select_n3A_111 = arith.select %broadcast_in_dim3A_110, %slice3A_107, %slice3A_108 : vector<64x64xi1>, vector<64x64xf32>
    %max3A_112 = arith.maximumf %max3A_92, %select_n3A_111 : vector<64x64xf32>
    %get3A_113 = arith.constant 0 : index
    %get3A_114 = arith.constant 0 : index
    %get3A_115 = arith.constant 6 : index
    %get3A_116 = arith.constant 0 : index
    %get3A_117 = vector.load %arg1[%get3A_113, %get3A_114, %get3A_115, %get3A_116] : memref<1x64x8x128xf32, #tpu.memory_space<vmem>>, vector<1x64x1x128xf32>
    %get3A_118 = vector.shape_cast %get3A_117 : vector<1x64x1x128xf32> to vector<64x128xf32>
    %get3A_119 = arith.constant 0 : index
    %get3A_120 = arith.constant 0 : index
    %get3A_121 = arith.constant 6 : index
    %get3A_122 = vector.load %arg2[%get3A_119, %get3A_120, %get3A_121] : memref<1x64x8xi32, #tpu.memory_space<vmem>>, vector<1x64x1xi32>
    %get3A_123 = vector.shape_cast %get3A_122 : vector<1x64x1xi32> to vector<64x1xi32>
    %gt3A_124 = arith.constant 0 : i32
    %gt3A_125 = vector.broadcast %gt3A_124 : i32 to vector<64x1xi32>
    %gt3A_126 = arith.cmpi sgt, %get3A_123, %gt3A_125 : vector<64x1xi32>
    %slice3A_127 = vector.extract_strided_slice %get3A_118 {offsets = [0, 64], sizes = [64, 64], strides = [1, 1]} : vector<64x128xf32> to vector<64x64xf32>
    %slice3A_128 = vector.extract_strided_slice %get3A_118 {offsets = [0, 0], sizes = [64, 64], strides = [1, 1]} : vector<64x128xf32> to vector<64x64xf32>
    %broadcast_in_dim3A_129 = vector.shape_cast %gt3A_126 : vector<64x1xi1> to vector<64x1xi1>
    %broadcast_in_dim3A_130 = vector.broadcast %broadcast_in_dim3A_129 : vector<64x1xi1> to vector<64x64xi1>
    %select_n3A_131 = arith.select %broadcast_in_dim3A_130, %slice3A_127, %slice3A_128 : vector<64x64xi1>, vector<64x64xf32>
    %max3A_132 = arith.maximumf %max3A_112, %select_n3A_131 : vector<64x64xf32>
    %get3A_133 = arith.constant 0 : index
    %get3A_134 = arith.constant 0 : index
    %get3A_135 = arith.constant 7 : index
    %get3A_136 = arith.constant 0 : index
    %get3A_137 = vector.load %arg1[%get3A_133, %get3A_134, %get3A_135, %get3A_136] : memref<1x64x8x128xf32, #tpu.memory_space<vmem>>, vector<1x64x1x128xf32>
    %get3A_138 = vector.shape_cast %get3A_137 : vector<1x64x1x128xf32> to vector<64x128xf32>
    %get3A_139 = arith.constant 0 : index
    %get3A_140 = arith.constant 0 : index
    %get3A_141 = arith.constant 7 : index
    %get3A_142 = vector.load %arg2[%get3A_139, %get3A_140, %get3A_141] : memref<1x64x8xi32, #tpu.memory_space<vmem>>, vector<1x64x1xi32>
    %get3A_143 = vector.shape_cast %get3A_142 : vector<1x64x1xi32> to vector<64x1xi32>
    %gt3A_144 = arith.constant 0 : i32
    %gt3A_145 = vector.broadcast %gt3A_144 : i32 to vector<64x1xi32>
    %gt3A_146 = arith.cmpi sgt, %get3A_143, %gt3A_145 : vector<64x1xi32>
    %slice3A_147 = vector.extract_strided_slice %get3A_138 {offsets = [0, 64], sizes = [64, 64], strides = [1, 1]} : vector<64x128xf32> to vector<64x64xf32>
    %slice3A_148 = vector.extract_strided_slice %get3A_138 {offsets = [0, 0], sizes = [64, 64], strides = [1, 1]} : vector<64x128xf32> to vector<64x64xf32>
    %broadcast_in_dim3A_149 = vector.shape_cast %gt3A_146 : vector<64x1xi1> to vector<64x1xi1>
    %broadcast_in_dim3A_150 = vector.broadcast %broadcast_in_dim3A_149 : vector<64x1xi1> to vector<64x64xi1>
    %select_n3A_151 = arith.select %broadcast_in_dim3A_150, %slice3A_147, %slice3A_148 : vector<64x64xi1>, vector<64x64xf32>
    %max3A_152 = arith.maximumf %max3A_132, %select_n3A_151 : vector<64x64xf32>
    %iota3A = tpu.iota {dimensions = array<i32: 1>} : vector<64x64xi32>
    %broadcast_in_dim3A_153 = arith.constant 0.000000e+00 : f32
    %broadcast_in_dim3A_154 = vector.broadcast %broadcast_in_dim3A_153 : f32 to vector<64x64xf32>
    %get3A_155 = arith.constant 0 : index
    %get3A_156 = arith.constant 0 : index
    %get3A_157 = arith.constant 0 : index
    %get3A_158 = vector.load %arg3[%get3A_155, %get3A_156, %get3A_157] : memref<1x64x8xi32, #tpu.memory_space<vmem>>, vector<1x64x1xi32>
    %get3A_159 = vector.shape_cast %get3A_158 : vector<1x64x1xi32> to vector<64x1xi32>
    %eq3A = vector.broadcast %get3A_159 : vector<64x1xi32> to vector<64x64xi32>
    %eq3A_160 = arith.cmpi eq, %iota3A, %eq3A : vector<64x64xi32>
    %convert_element_type3A = arith.extui %eq3A_160 : vector<64x64xi1> to vector<64x64xi32>
    %convert_element_type3A_161 = arith.sitofp %convert_element_type3A : vector<64x64xi32> to vector<64x64xf32>
    %add3A = arith.addf %broadcast_in_dim3A_154, %convert_element_type3A_161 : vector<64x64xf32>
    %get3A_162 = arith.constant 0 : index
    %get3A_163 = arith.constant 0 : index
    %get3A_164 = arith.constant 1 : index
    %get3A_165 = vector.load %arg3[%get3A_162, %get3A_163, %get3A_164] : memref<1x64x8xi32, #tpu.memory_space<vmem>>, vector<1x64x1xi32>
    %get3A_166 = vector.shape_cast %get3A_165 : vector<1x64x1xi32> to vector<64x1xi32>
    %eq3A_167 = vector.broadcast %get3A_166 : vector<64x1xi32> to vector<64x64xi32>
    %eq3A_168 = arith.cmpi eq, %iota3A, %eq3A_167 : vector<64x64xi32>
    %convert_element_type3A_169 = arith.extui %eq3A_168 : vector<64x64xi1> to vector<64x64xi32>
    %convert_element_type3A_170 = arith.sitofp %convert_element_type3A_169 : vector<64x64xi32> to vector<64x64xf32>
    %add3A_171 = arith.addf %add3A, %convert_element_type3A_170 : vector<64x64xf32>
    %get3A_172 = arith.constant 0 : index
    %get3A_173 = arith.constant 0 : index
    %get3A_174 = arith.constant 2 : index
    %get3A_175 = vector.load %arg3[%get3A_172, %get3A_173, %get3A_174] : memref<1x64x8xi32, #tpu.memory_space<vmem>>, vector<1x64x1xi32>
    %get3A_176 = vector.shape_cast %get3A_175 : vector<1x64x1xi32> to vector<64x1xi32>
    %eq3A_177 = vector.broadcast %get3A_176 : vector<64x1xi32> to vector<64x64xi32>
    %eq3A_178 = arith.cmpi eq, %iota3A, %eq3A_177 : vector<64x64xi32>
    %convert_element_type3A_179 = arith.extui %eq3A_178 : vector<64x64xi1> to vector<64x64xi32>
    %convert_element_type3A_180 = arith.sitofp %convert_element_type3A_179 : vector<64x64xi32> to vector<64x64xf32>
    %add3A_181 = arith.addf %add3A_171, %convert_element_type3A_180 : vector<64x64xf32>
    %get3A_182 = arith.constant 0 : index
    %get3A_183 = arith.constant 0 : index
    %get3A_184 = arith.constant 3 : index
    %get3A_185 = vector.load %arg3[%get3A_182, %get3A_183, %get3A_184] : memref<1x64x8xi32, #tpu.memory_space<vmem>>, vector<1x64x1xi32>
    %get3A_186 = vector.shape_cast %get3A_185 : vector<1x64x1xi32> to vector<64x1xi32>
    %eq3A_187 = vector.broadcast %get3A_186 : vector<64x1xi32> to vector<64x64xi32>
    %eq3A_188 = arith.cmpi eq, %iota3A, %eq3A_187 : vector<64x64xi32>
    %convert_element_type3A_189 = arith.extui %eq3A_188 : vector<64x64xi1> to vector<64x64xi32>
    %convert_element_type3A_190 = arith.sitofp %convert_element_type3A_189 : vector<64x64xi32> to vector<64x64xf32>
    %add3A_191 = arith.addf %add3A_181, %convert_element_type3A_190 : vector<64x64xf32>
    %get3A_192 = arith.constant 0 : index
    %get3A_193 = arith.constant 0 : index
    %get3A_194 = arith.constant 4 : index
    %get3A_195 = vector.load %arg3[%get3A_192, %get3A_193, %get3A_194] : memref<1x64x8xi32, #tpu.memory_space<vmem>>, vector<1x64x1xi32>
    %get3A_196 = vector.shape_cast %get3A_195 : vector<1x64x1xi32> to vector<64x1xi32>
    %eq3A_197 = vector.broadcast %get3A_196 : vector<64x1xi32> to vector<64x64xi32>
    %eq3A_198 = arith.cmpi eq, %iota3A, %eq3A_197 : vector<64x64xi32>
    %convert_element_type3A_199 = arith.extui %eq3A_198 : vector<64x64xi1> to vector<64x64xi32>
    %convert_element_type3A_200 = arith.sitofp %convert_element_type3A_199 : vector<64x64xi32> to vector<64x64xf32>
    %add3A_201 = arith.addf %add3A_191, %convert_element_type3A_200 : vector<64x64xf32>
    %get3A_202 = arith.constant 0 : index
    %get3A_203 = arith.constant 0 : index
    %get3A_204 = arith.constant 5 : index
    %get3A_205 = vector.load %arg3[%get3A_202, %get3A_203, %get3A_204] : memref<1x64x8xi32, #tpu.memory_space<vmem>>, vector<1x64x1xi32>
    %get3A_206 = vector.shape_cast %get3A_205 : vector<1x64x1xi32> to vector<64x1xi32>
    %eq3A_207 = vector.broadcast %get3A_206 : vector<64x1xi32> to vector<64x64xi32>
    %eq3A_208 = arith.cmpi eq, %iota3A, %eq3A_207 : vector<64x64xi32>
    %convert_element_type3A_209 = arith.extui %eq3A_208 : vector<64x64xi1> to vector<64x64xi32>
    %convert_element_type3A_210 = arith.sitofp %convert_element_type3A_209 : vector<64x64xi32> to vector<64x64xf32>
    %add3A_211 = arith.addf %add3A_201, %convert_element_type3A_210 : vector<64x64xf32>
    %get3A_212 = arith.constant 0 : index
    %get3A_213 = arith.constant 0 : index
    %get3A_214 = arith.constant 6 : index
    %get3A_215 = vector.load %arg3[%get3A_212, %get3A_213, %get3A_214] : memref<1x64x8xi32, #tpu.memory_space<vmem>>, vector<1x64x1xi32>
    %get3A_216 = vector.shape_cast %get3A_215 : vector<1x64x1xi32> to vector<64x1xi32>
    %eq3A_217 = vector.broadcast %get3A_216 : vector<64x1xi32> to vector<64x64xi32>
    %eq3A_218 = arith.cmpi eq, %iota3A, %eq3A_217 : vector<64x64xi32>
    %convert_element_type3A_219 = arith.extui %eq3A_218 : vector<64x64xi1> to vector<64x64xi32>
    %convert_element_type3A_220 = arith.sitofp %convert_element_type3A_219 : vector<64x64xi32> to vector<64x64xf32>
    %add3A_221 = arith.addf %add3A_211, %convert_element_type3A_220 : vector<64x64xf32>
    %get3A_222 = arith.constant 0 : index
    %get3A_223 = arith.constant 0 : index
    %get3A_224 = arith.constant 7 : index
    %get3A_225 = vector.load %arg3[%get3A_222, %get3A_223, %get3A_224] : memref<1x64x8xi32, #tpu.memory_space<vmem>>, vector<1x64x1xi32>
    %get3A_226 = vector.shape_cast %get3A_225 : vector<1x64x1xi32> to vector<64x1xi32>
    %eq3A_227 = vector.broadcast %get3A_226 : vector<64x1xi32> to vector<64x64xi32>
    %eq3A_228 = arith.cmpi eq, %iota3A, %eq3A_227 : vector<64x64xi32>
    %convert_element_type3A_229 = arith.extui %eq3A_228 : vector<64x64xi1> to vector<64x64xi32>
    %convert_element_type3A_230 = arith.sitofp %convert_element_type3A_229 : vector<64x64xi32> to vector<64x64xf32>
    %add3A_231 = arith.addf %add3A_221, %convert_element_type3A_230 : vector<64x64xf32>
    %ge3A = arith.constant 0.000000e+00 : f32
    %ge3A_232 = vector.broadcast %ge3A : f32 to vector<64x64xf32>
    %ge3A_233 = arith.cmpf oge, %max3A_152, %ge3A_232 : vector<64x64xf32>
    %mul3A = arith.constant 2.000000e-01 : f32
    %mul3A_234 = vector.broadcast %mul3A : f32 to vector<64x64xf32>
    %mul3A_235 = arith.mulf %mul3A_234, %max3A_152 : vector<64x64xf32>
    %select_n3A_236 = arith.select %ge3A_233, %max3A_152, %mul3A_235 : vector<64x64xi1>, vector<64x64xf32>
    %convert_element_type3A_237 = arith.truncf %select_n3A_236 : vector<64x64xf32> to vector<64x64xbf16>
    %convert_element_type3A_238 = arith.extf %convert_element_type3A_237 : vector<64x64xbf16> to vector<64x64xf32>
    %get3A_239 = arith.constant 0 : index
    %get3A_240 = arith.constant 0 : index
    %get3A_241 = arith.constant 0 : index
    %get3A_242 = vector.load %arg4[%get3A_239, %get3A_240, %get3A_241] : memref<4x64x64xf32, #tpu.memory_space<vmem>>, vector<1x64x64xf32>
    %get3A_243 = vector.shape_cast %get3A_242 : vector<1x64x64xf32> to vector<64x64xf32>
    %convert_element_type3A_244 = arith.truncf %get3A_243 : vector<64x64xf32> to vector<64x64xbf16>
    %convert_element_type3A_245 = arith.extf %convert_element_type3A_244 : vector<64x64xbf16> to vector<64x64xf32>
    %dot_general3A = arith.constant dense<0.000000e+00> : vector<64x64xf32>
    %dot_general3A_246 = tpu.matmul %convert_element_type3A_238, %convert_element_type3A_245, %dot_general3A {dimension_numbers = #tpu.dot_dimension_numbers<[1], [0], [0], [1], [0, 0, 1, 1], [], []>, precision = #tpu.contract_precision<fp32>, transpose_lhs_hint = false} : vector<64x64xf32>, vector<64x64xf32>, vector<64x64xf32> -> vector<64x64xf32>
    %dot_general3A_247 = arith.constant dense<0.000000e+00> : vector<64x64xf32>
    %dot_general3A_248 = tpu.matmul %add3A_231, %convert_element_type3A_238, %dot_general3A_247 {dimension_numbers = #tpu.dot_dimension_numbers<[1], [0], [0], [1], [0, 0, 1, 1], [], []>, precision = #tpu.contract_precision<fp32>, transpose_lhs_hint = false} : vector<64x64xf32>, vector<64x64xf32>, vector<64x64xf32> -> vector<64x64xf32>
    %get3A_249 = arith.constant 0 : index
    %get3A_250 = arith.constant 0 : index
    %get3A_251 = arith.constant 0 : index
    %get3A_252 = vector.load %arg6[%get3A_249, %get3A_250, %get3A_251] : memref<4x64x64xf32, #tpu.memory_space<vmem>>, vector<1x64x64xf32>
    %get3A_253 = vector.shape_cast %get3A_252 : vector<1x64x64xf32> to vector<64x64xf32>
    %convert_element_type3A_254 = arith.truncf %get3A_253 : vector<64x64xf32> to vector<64x64xbf16>
    %convert_element_type3A_255 = arith.extf %convert_element_type3A_254 : vector<64x64xbf16> to vector<64x64xf32>
    %dot_general3A_256 = arith.constant dense<0.000000e+00> : vector<64x64xf32>
    %dot_general3A_257 = tpu.matmul %dot_general3A_248, %convert_element_type3A_255, %dot_general3A_256 {dimension_numbers = #tpu.dot_dimension_numbers<[1], [0], [0], [1], [0, 0, 1, 1], [], []>, precision = #tpu.contract_precision<fp32>, transpose_lhs_hint = false} : vector<64x64xf32>, vector<64x64xf32>, vector<64x64xf32> -> vector<64x64xf32>
    %get3A_258 = arith.constant 0 : index
    %get3A_259 = arith.constant 0 : index
    %get3A_260 = vector.load %arg5[%get3A_258, %get3A_259] : memref<4x64xf32, #tpu.memory_space<vmem>>, vector<1x64xf32>
    %add3A_261 = vector.broadcast %get3A_260 : vector<1x64xf32> to vector<64x64xf32>
    %add3A_262 = arith.addf %dot_general3A_246, %add3A_261 : vector<64x64xf32>
    %add3A_263 = arith.addf %add3A_262, %dot_general3A_257 : vector<64x64xf32>
    %get3A_264 = arith.constant 0 : index
    %get3A_265 = arith.constant 0 : index
    %get3A_266 = vector.load %arg7[%get3A_264, %get3A_265] : memref<4x64xf32, #tpu.memory_space<vmem>>, vector<1x64xf32>
    %mul3A_267 = arith.constant 8.000000e+00 : f32
    %mul3A_268 = vector.broadcast %mul3A_267 : f32 to vector<1x64xf32>
    %mul3A_269 = arith.mulf %mul3A_268, %get3A_266 : vector<1x64xf32>
    %add3A_270 = vector.broadcast %mul3A_269 : vector<1x64xf32> to vector<64x64xf32>
    %add3A_271 = arith.addf %add3A_263, %add3A_270 : vector<64x64xf32>
    %div3A = arith.constant 9.000000e+00 : f32
    %div3A_272 = vector.broadcast %div3A : f32 to vector<64x64xf32>
    %div3A_273 = arith.divf %add3A_271, %div3A_272 : vector<64x64xf32>
    %add3A_274 = arith.addf %max3A_152, %div3A_273 : vector<64x64xf32>
    %ge3A_275 = arith.constant 0.000000e+00 : f32
    %ge3A_276 = vector.broadcast %ge3A_275 : f32 to vector<64x64xf32>
    %ge3A_277 = arith.cmpf oge, %add3A_274, %ge3A_276 : vector<64x64xf32>
    %mul3A_278 = arith.constant 2.000000e-01 : f32
    %mul3A_279 = vector.broadcast %mul3A_278 : f32 to vector<64x64xf32>
    %mul3A_280 = arith.mulf %mul3A_279, %add3A_274 : vector<64x64xf32>
    %select_n3A_281 = arith.select %ge3A_277, %add3A_274, %mul3A_280 : vector<64x64xi1>, vector<64x64xf32>
    %convert_element_type3A_282 = arith.truncf %select_n3A_281 : vector<64x64xf32> to vector<64x64xbf16>
    %convert_element_type3A_283 = arith.extf %convert_element_type3A_282 : vector<64x64xbf16> to vector<64x64xf32>
    %get3A_284 = arith.constant 1 : index
    %get3A_285 = arith.constant 0 : index
    %get3A_286 = arith.constant 0 : index
    %get3A_287 = vector.load %arg4[%get3A_284, %get3A_285, %get3A_286] : memref<4x64x64xf32, #tpu.memory_space<vmem>>, vector<1x64x64xf32>
    %get3A_288 = vector.shape_cast %get3A_287 : vector<1x64x64xf32> to vector<64x64xf32>
    %convert_element_type3A_289 = arith.truncf %get3A_288 : vector<64x64xf32> to vector<64x64xbf16>
    %convert_element_type3A_290 = arith.extf %convert_element_type3A_289 : vector<64x64xbf16> to vector<64x64xf32>
    %dot_general3A_291 = arith.constant dense<0.000000e+00> : vector<64x64xf32>
    %dot_general3A_292 = tpu.matmul %convert_element_type3A_283, %convert_element_type3A_290, %dot_general3A_291 {dimension_numbers = #tpu.dot_dimension_numbers<[1], [0], [0], [1], [0, 0, 1, 1], [], []>, precision = #tpu.contract_precision<fp32>, transpose_lhs_hint = false} : vector<64x64xf32>, vector<64x64xf32>, vector<64x64xf32> -> vector<64x64xf32>
    %dot_general3A_293 = arith.constant dense<0.000000e+00> : vector<64x64xf32>
    %dot_general3A_294 = tpu.matmul %add3A_231, %convert_element_type3A_283, %dot_general3A_293 {dimension_numbers = #tpu.dot_dimension_numbers<[1], [0], [0], [1], [0, 0, 1, 1], [], []>, precision = #tpu.contract_precision<fp32>, transpose_lhs_hint = false} : vector<64x64xf32>, vector<64x64xf32>, vector<64x64xf32> -> vector<64x64xf32>
    %get3A_295 = arith.constant 1 : index
    %get3A_296 = arith.constant 0 : index
    %get3A_297 = arith.constant 0 : index
    %get3A_298 = vector.load %arg6[%get3A_295, %get3A_296, %get3A_297] : memref<4x64x64xf32, #tpu.memory_space<vmem>>, vector<1x64x64xf32>
    %get3A_299 = vector.shape_cast %get3A_298 : vector<1x64x64xf32> to vector<64x64xf32>
    %convert_element_type3A_300 = arith.truncf %get3A_299 : vector<64x64xf32> to vector<64x64xbf16>
    %convert_element_type3A_301 = arith.extf %convert_element_type3A_300 : vector<64x64xbf16> to vector<64x64xf32>
    %dot_general3A_302 = arith.constant dense<0.000000e+00> : vector<64x64xf32>
    %dot_general3A_303 = tpu.matmul %dot_general3A_294, %convert_element_type3A_301, %dot_general3A_302 {dimension_numbers = #tpu.dot_dimension_numbers<[1], [0], [0], [1], [0, 0, 1, 1], [], []>, precision = #tpu.contract_precision<fp32>, transpose_lhs_hint = false} : vector<64x64xf32>, vector<64x64xf32>, vector<64x64xf32> -> vector<64x64xf32>
    %get3A_304 = arith.constant 1 : index
    %get3A_305 = arith.constant 0 : index
    %get3A_306 = vector.load %arg5[%get3A_304, %get3A_305] : memref<4x64xf32, #tpu.memory_space<vmem>>, vector<1x64xf32>
    %add3A_307 = vector.broadcast %get3A_306 : vector<1x64xf32> to vector<64x64xf32>
    %add3A_308 = arith.addf %dot_general3A_292, %add3A_307 : vector<64x64xf32>
    %add3A_309 = arith.addf %add3A_308, %dot_general3A_303 : vector<64x64xf32>
    %get3A_310 = arith.constant 1 : index
    %get3A_311 = arith.constant 0 : index
    %get3A_312 = vector.load %arg7[%get3A_310, %get3A_311] : memref<4x64xf32, #tpu.memory_space<vmem>>, vector<1x64xf32>
    %mul3A_313 = arith.constant 8.000000e+00 : f32
    %mul3A_314 = vector.broadcast %mul3A_313 : f32 to vector<1x64xf32>
    %mul3A_315 = arith.mulf %mul3A_314, %get3A_312 : vector<1x64xf32>
    %add3A_316 = vector.broadcast %mul3A_315 : vector<1x64xf32> to vector<64x64xf32>
    %add3A_317 = arith.addf %add3A_309, %add3A_316 : vector<64x64xf32>
    %div3A_318 = arith.constant 9.000000e+00 : f32
    %div3A_319 = vector.broadcast %div3A_318 : f32 to vector<64x64xf32>
    %div3A_320 = arith.divf %add3A_317, %div3A_319 : vector<64x64xf32>
    %add3A_321 = arith.addf %add3A_274, %div3A_320 : vector<64x64xf32>
    %ge3A_322 = arith.constant 0.000000e+00 : f32
    %ge3A_323 = vector.broadcast %ge3A_322 : f32 to vector<64x64xf32>
    %ge3A_324 = arith.cmpf oge, %add3A_321, %ge3A_323 : vector<64x64xf32>
    %mul3A_325 = arith.constant 2.000000e-01 : f32
    %mul3A_326 = vector.broadcast %mul3A_325 : f32 to vector<64x64xf32>
    %mul3A_327 = arith.mulf %mul3A_326, %add3A_321 : vector<64x64xf32>
    %select_n3A_328 = arith.select %ge3A_324, %add3A_321, %mul3A_327 : vector<64x64xi1>, vector<64x64xf32>
    %convert_element_type3A_329 = arith.truncf %select_n3A_328 : vector<64x64xf32> to vector<64x64xbf16>
    %convert_element_type3A_330 = arith.extf %convert_element_type3A_329 : vector<64x64xbf16> to vector<64x64xf32>
    %get3A_331 = arith.constant 2 : index
    %get3A_332 = arith.constant 0 : index
    %get3A_333 = arith.constant 0 : index
    %get3A_334 = vector.load %arg4[%get3A_331, %get3A_332, %get3A_333] : memref<4x64x64xf32, #tpu.memory_space<vmem>>, vector<1x64x64xf32>
    %get3A_335 = vector.shape_cast %get3A_334 : vector<1x64x64xf32> to vector<64x64xf32>
    %convert_element_type3A_336 = arith.truncf %get3A_335 : vector<64x64xf32> to vector<64x64xbf16>
    %convert_element_type3A_337 = arith.extf %convert_element_type3A_336 : vector<64x64xbf16> to vector<64x64xf32>
    %dot_general3A_338 = arith.constant dense<0.000000e+00> : vector<64x64xf32>
    %dot_general3A_339 = tpu.matmul %convert_element_type3A_330, %convert_element_type3A_337, %dot_general3A_338 {dimension_numbers = #tpu.dot_dimension_numbers<[1], [0], [0], [1], [0, 0, 1, 1], [], []>, precision = #tpu.contract_precision<fp32>, transpose_lhs_hint = false} : vector<64x64xf32>, vector<64x64xf32>, vector<64x64xf32> -> vector<64x64xf32>
    %dot_general3A_340 = arith.constant dense<0.000000e+00> : vector<64x64xf32>
    %dot_general3A_341 = tpu.matmul %add3A_231, %convert_element_type3A_330, %dot_general3A_340 {dimension_numbers = #tpu.dot_dimension_numbers<[1], [0], [0], [1], [0, 0, 1, 1], [], []>, precision = #tpu.contract_precision<fp32>, transpose_lhs_hint = false} : vector<64x64xf32>, vector<64x64xf32>, vector<64x64xf32> -> vector<64x64xf32>
    %get3A_342 = arith.constant 2 : index
    %get3A_343 = arith.constant 0 : index
    %get3A_344 = arith.constant 0 : index
    %get3A_345 = vector.load %arg6[%get3A_342, %get3A_343, %get3A_344] : memref<4x64x64xf32, #tpu.memory_space<vmem>>, vector<1x64x64xf32>
    %get3A_346 = vector.shape_cast %get3A_345 : vector<1x64x64xf32> to vector<64x64xf32>
    %convert_element_type3A_347 = arith.truncf %get3A_346 : vector<64x64xf32> to vector<64x64xbf16>
    %convert_element_type3A_348 = arith.extf %convert_element_type3A_347 : vector<64x64xbf16> to vector<64x64xf32>
    %dot_general3A_349 = arith.constant dense<0.000000e+00> : vector<64x64xf32>
    %dot_general3A_350 = tpu.matmul %dot_general3A_341, %convert_element_type3A_348, %dot_general3A_349 {dimension_numbers = #tpu.dot_dimension_numbers<[1], [0], [0], [1], [0, 0, 1, 1], [], []>, precision = #tpu.contract_precision<fp32>, transpose_lhs_hint = false} : vector<64x64xf32>, vector<64x64xf32>, vector<64x64xf32> -> vector<64x64xf32>
    %get3A_351 = arith.constant 2 : index
    %get3A_352 = arith.constant 0 : index
    %get3A_353 = vector.load %arg5[%get3A_351, %get3A_352] : memref<4x64xf32, #tpu.memory_space<vmem>>, vector<1x64xf32>
    %add3A_354 = vector.broadcast %get3A_353 : vector<1x64xf32> to vector<64x64xf32>
    %add3A_355 = arith.addf %dot_general3A_339, %add3A_354 : vector<64x64xf32>
    %add3A_356 = arith.addf %add3A_355, %dot_general3A_350 : vector<64x64xf32>
    %get3A_357 = arith.constant 2 : index
    %get3A_358 = arith.constant 0 : index
    %get3A_359 = vector.load %arg7[%get3A_357, %get3A_358] : memref<4x64xf32, #tpu.memory_space<vmem>>, vector<1x64xf32>
    %mul3A_360 = arith.constant 8.000000e+00 : f32
    %mul3A_361 = vector.broadcast %mul3A_360 : f32 to vector<1x64xf32>
    %mul3A_362 = arith.mulf %mul3A_361, %get3A_359 : vector<1x64xf32>
    %add3A_363 = vector.broadcast %mul3A_362 : vector<1x64xf32> to vector<64x64xf32>
    %add3A_364 = arith.addf %add3A_356, %add3A_363 : vector<64x64xf32>
    %div3A_365 = arith.constant 9.000000e+00 : f32
    %div3A_366 = vector.broadcast %div3A_365 : f32 to vector<64x64xf32>
    %div3A_367 = arith.divf %add3A_364, %div3A_366 : vector<64x64xf32>
    %add3A_368 = arith.addf %add3A_321, %div3A_367 : vector<64x64xf32>
    %ge3A_369 = arith.constant 0.000000e+00 : f32
    %ge3A_370 = vector.broadcast %ge3A_369 : f32 to vector<64x64xf32>
    %ge3A_371 = arith.cmpf oge, %add3A_368, %ge3A_370 : vector<64x64xf32>
    %mul3A_372 = arith.constant 2.000000e-01 : f32
    %mul3A_373 = vector.broadcast %mul3A_372 : f32 to vector<64x64xf32>
    %mul3A_374 = arith.mulf %mul3A_373, %add3A_368 : vector<64x64xf32>
    %select_n3A_375 = arith.select %ge3A_371, %add3A_368, %mul3A_374 : vector<64x64xi1>, vector<64x64xf32>
    %convert_element_type3A_376 = arith.truncf %select_n3A_375 : vector<64x64xf32> to vector<64x64xbf16>
    %convert_element_type3A_377 = arith.extf %convert_element_type3A_376 : vector<64x64xbf16> to vector<64x64xf32>
    %get3A_378 = arith.constant 3 : index
    %get3A_379 = arith.constant 0 : index
    %get3A_380 = arith.constant 0 : index
    %get3A_381 = vector.load %arg4[%get3A_378, %get3A_379, %get3A_380] : memref<4x64x64xf32, #tpu.memory_space<vmem>>, vector<1x64x64xf32>
    %get3A_382 = vector.shape_cast %get3A_381 : vector<1x64x64xf32> to vector<64x64xf32>
    %convert_element_type3A_383 = arith.truncf %get3A_382 : vector<64x64xf32> to vector<64x64xbf16>
    %convert_element_type3A_384 = arith.extf %convert_element_type3A_383 : vector<64x64xbf16> to vector<64x64xf32>
    %dot_general3A_385 = arith.constant dense<0.000000e+00> : vector<64x64xf32>
    %dot_general3A_386 = tpu.matmul %convert_element_type3A_377, %convert_element_type3A_384, %dot_general3A_385 {dimension_numbers = #tpu.dot_dimension_numbers<[1], [0], [0], [1], [0, 0, 1, 1], [], []>, precision = #tpu.contract_precision<fp32>, transpose_lhs_hint = false} : vector<64x64xf32>, vector<64x64xf32>, vector<64x64xf32> -> vector<64x64xf32>
    %dot_general3A_387 = arith.constant dense<0.000000e+00> : vector<64x64xf32>
    %dot_general3A_388 = tpu.matmul %add3A_231, %convert_element_type3A_377, %dot_general3A_387 {dimension_numbers = #tpu.dot_dimension_numbers<[1], [0], [0], [1], [0, 0, 1, 1], [], []>, precision = #tpu.contract_precision<fp32>, transpose_lhs_hint = false} : vector<64x64xf32>, vector<64x64xf32>, vector<64x64xf32> -> vector<64x64xf32>
    %get3A_389 = arith.constant 3 : index
    %get3A_390 = arith.constant 0 : index
    %get3A_391 = arith.constant 0 : index
    %get3A_392 = vector.load %arg6[%get3A_389, %get3A_390, %get3A_391] : memref<4x64x64xf32, #tpu.memory_space<vmem>>, vector<1x64x64xf32>
    %get3A_393 = vector.shape_cast %get3A_392 : vector<1x64x64xf32> to vector<64x64xf32>
    %convert_element_type3A_394 = arith.truncf %get3A_393 : vector<64x64xf32> to vector<64x64xbf16>
    %convert_element_type3A_395 = arith.extf %convert_element_type3A_394 : vector<64x64xbf16> to vector<64x64xf32>
    %dot_general3A_396 = arith.constant dense<0.000000e+00> : vector<64x64xf32>
    %dot_general3A_397 = tpu.matmul %dot_general3A_388, %convert_element_type3A_395, %dot_general3A_396 {dimension_numbers = #tpu.dot_dimension_numbers<[1], [0], [0], [1], [0, 0, 1, 1], [], []>, precision = #tpu.contract_precision<fp32>, transpose_lhs_hint = false} : vector<64x64xf32>, vector<64x64xf32>, vector<64x64xf32> -> vector<64x64xf32>
    %get3A_398 = arith.constant 3 : index
    %get3A_399 = arith.constant 0 : index
    %get3A_400 = vector.load %arg5[%get3A_398, %get3A_399] : memref<4x64xf32, #tpu.memory_space<vmem>>, vector<1x64xf32>
    %add3A_401 = vector.broadcast %get3A_400 : vector<1x64xf32> to vector<64x64xf32>
    %add3A_402 = arith.addf %dot_general3A_386, %add3A_401 : vector<64x64xf32>
    %add3A_403 = arith.addf %add3A_402, %dot_general3A_397 : vector<64x64xf32>
    %get3A_404 = arith.constant 3 : index
    %get3A_405 = arith.constant 0 : index
    %get3A_406 = vector.load %arg7[%get3A_404, %get3A_405] : memref<4x64xf32, #tpu.memory_space<vmem>>, vector<1x64xf32>
    %mul3A_407 = arith.constant 8.000000e+00 : f32
    %mul3A_408 = vector.broadcast %mul3A_407 : f32 to vector<1x64xf32>
    %mul3A_409 = arith.mulf %mul3A_408, %get3A_406 : vector<1x64xf32>
    %add3A_410 = vector.broadcast %mul3A_409 : vector<1x64xf32> to vector<64x64xf32>
    %add3A_411 = arith.addf %add3A_403, %add3A_410 : vector<64x64xf32>
    %div3A_412 = arith.constant 9.000000e+00 : f32
    %div3A_413 = vector.broadcast %div3A_412 : f32 to vector<64x64xf32>
    %div3A_414 = arith.divf %add3A_411, %div3A_413 : vector<64x64xf32>
    %add3A_415 = arith.addf %add3A_368, %div3A_414 : vector<64x64xf32>
    %swap3A = arith.constant 0 : index
    %swap3A_416 = arith.constant 0 : index
    %swap3A_417 = arith.constant 0 : index
    %swap3A_418 = vector.load %arg8[%swap3A, %swap3A_416, %swap3A_417] : memref<1x64x64xf32, #tpu.memory_space<vmem>>, vector<1x64x64xf32>
    %swap3A_419 = vector.shape_cast %swap3A_418 : vector<1x64x64xf32> to vector<64x64xf32>
    %swap3A_420 = vector.shape_cast %add3A_415 : vector<64x64xf32> to vector<1x64x64xf32>
    tpu.vector_store %arg8[%swap3A, %swap3A_416, %swap3A_417], %swap3A_420 {strides = array<i32>} : memref<1x64x64xf32, #tpu.memory_space<vmem>>, vector<1x64x64xf32>,
    return
  }
  func.func @transform_0(%arg0: i32) -> (i32, i32, i32, i32) {
    %c0_i32 = arith.constant 0 : i32
    %c0_i32_0 = arith.constant 0 : i32
    %c0_i32_1 = arith.constant 0 : i32
    %c0_i32_2 = arith.constant 0 : i32
    return %arg0, %c0_i32, %c0_i32_0, %c0_i32_1 : i32, i32, i32, i32
  }
  func.func @transform_1(%arg0: i32) -> (i32, i32, i32) {
    %c0_i32 = arith.constant 0 : i32
    %c0_i32_0 = arith.constant 0 : i32
    %c0_i32_1 = arith.constant 0 : i32
    return %arg0, %c0_i32, %c0_i32_0 : i32, i32, i32
  }
  func.func @transform_2(%arg0: i32) -> (i32, i32, i32) {
    %c0_i32 = arith.constant 0 : i32
    %c0_i32_0 = arith.constant 0 : i32
    %c0_i32_1 = arith.constant 0 : i32
    return %arg0, %c0_i32, %c0_i32_0 : i32, i32, i32
  }
  func.func @transform_3(%arg0: i32) -> (i32, i32, i32) {
    %c0_i32 = arith.constant 0 : i32
    %c0_i32_0 = arith.constant 0 : i32
    %c0_i32_1 = arith.constant 0 : i32
    %c0_i32_2 = arith.constant 0 : i32
    return %c0_i32, %c0_i32_0, %c0_i32_1 : i32, i32, i32
  }
  func.func @transform_4(%arg0: i32) -> (i32, i32) {
    %c0_i32 = arith.constant 0 : i32
    %c0_i32_0 = arith.constant 0 : i32
    %c0_i32_1 = arith.constant 0 : i32
    return %c0_i32, %c0_i32_0 : i32, i32
  }
  func.func @transform_5(%arg0: i32) -> (i32, i32, i32) {
    %c0_i32 = arith.constant 0 : i32
    %c0_i32_0 = arith.constant 0 : i32
    %c0_i32_1 = arith.constant 0 : i32
    %c0_i32_2 = arith.constant 0 : i32
    return %c0_i32, %c0_i32_0, %c0_i32_1 : i32, i32, i32
  }
  func.func @transform_6(%arg0: i32) -> (i32, i32) {
    %c0_i32 = arith.constant 0 : i32
    %c0_i32_0 = arith.constant 0 : i32
    %c0_i32_1 = arith.constant 0 : i32
    return %c0_i32, %c0_i32_0 : i32, i32
  }
  func.func @transform_7(%arg0: i32) -> (i32, i32, i32) {
    %c0_i32 = arith.constant 0 : i32
    %c0_i32_0 = arith.constant 0 : i32
    %c0_i32_1 = arith.constant 0 : i32
    return %arg0, %c0_i32, %c0_i32_0 : i32, i32, i32
  }
}

module attributes {stable_mosaic.version = 14 : i64} {
  func.func @_head_body(%arg0: memref<512x64xf32, #tpu.memory_space<vmem>>, %arg1: memref<64x1xf32, #tpu.memory_space<vmem>>, %arg2: memref<1x1xf32, #tpu.memory_space<vmem>>, %arg3: memref<512x1xf32, #tpu.memory_space<vmem>>) attributes {dimension_semantics = [], scalar_prefetch = 0 : i64, scratch_operands = 0 : i64, tpu.core_type = #tpu.core_type<tc>} {
    %get3A = arith.constant 0 : index
    %get3A_0 = arith.constant 0 : index
    %get3A_1 = vector.load %arg0[%get3A, %get3A_0] : memref<512x64xf32, #tpu.memory_space<vmem>>, vector<512x64xf32>
    %ge3A = arith.constant 0.000000e+00 : f32
    %ge3A_2 = vector.broadcast %ge3A : f32 to vector<512x64xf32>
    %ge3A_3 = arith.cmpf oge, %get3A_1, %ge3A_2 : vector<512x64xf32>
    %mul3A = arith.constant 2.000000e-01 : f32
    %mul3A_4 = vector.broadcast %mul3A : f32 to vector<512x64xf32>
    %mul3A_5 = arith.mulf %mul3A_4, %get3A_1 : vector<512x64xf32>
    %select_n3A = arith.select %ge3A_3, %get3A_1, %mul3A_5 : vector<512x64xi1>, vector<512x64xf32>
    %convert_element_type3A = arith.truncf %select_n3A : vector<512x64xf32> to vector<512x64xbf16>
    %convert_element_type3A_6 = arith.extf %convert_element_type3A : vector<512x64xbf16> to vector<512x64xf32>
    %get3A_7 = arith.constant 0 : index
    %get3A_8 = arith.constant 0 : index
    %get3A_9 = vector.load %arg1[%get3A_7, %get3A_8] : memref<64x1xf32, #tpu.memory_space<vmem>>, vector<64x1xf32>
    %convert_element_type3A_10 = arith.truncf %get3A_9 : vector<64x1xf32> to vector<64x1xbf16>
    %convert_element_type3A_11 = arith.extf %convert_element_type3A_10 : vector<64x1xbf16> to vector<64x1xf32>
    %dot_general3A = arith.constant dense<0.000000e+00> : vector<512x1xf32>
    %dot_general3A_12 = tpu.matmul %convert_element_type3A_6, %convert_element_type3A_11, %dot_general3A {dimension_numbers = #tpu.dot_dimension_numbers<[1], [0], [0], [1], [0, 0, 1, 1], [], []>, precision = #tpu.contract_precision<fp32>, transpose_lhs_hint = false} : vector<512x64xf32>, vector<64x1xf32>, vector<512x1xf32> -> vector<512x1xf32>
    %get3A_13 = arith.constant 0 : index
    %get3A_14 = arith.constant 0 : index
    %get3A_15 = vector.load %arg2[%get3A_13, %get3A_14] : memref<1x1xf32, #tpu.memory_space<vmem>>, vector<1x1xf32>
    %add3A = vector.broadcast %get3A_15 : vector<1x1xf32> to vector<512x1xf32>
    %add3A_16 = arith.addf %dot_general3A_12, %add3A : vector<512x1xf32>
    %swap3A = arith.constant 0 : index
    %swap3A_17 = arith.constant 0 : index
    %swap3A_18 = vector.load %arg3[%swap3A, %swap3A_17] : memref<512x1xf32, #tpu.memory_space<vmem>>, vector<512x1xf32>
    tpu.vector_store %arg3[%swap3A, %swap3A_17], %add3A_16 {strides = array<i32>} : memref<512x1xf32, #tpu.memory_space<vmem>>, vector<512x1xf32>,
    return
  }
}

</mosaic_0001>

<sc_bundles>
// kernel: kernel.20.cloned.1.call-start
scs
__scs_entry_jumppad:
0x0: {  	(pc) =	sbr.rel $0x88, $3  }
0x1: {  	(tag) =	ssettag $0x0;
	lr =	simm.s32 $0x1  }
0x2: {  	[smem:$0x3F96] =	sst lr;
	_ =	strace $0xD0000000  }
0x3: {  	_ = 	snop  }
0x4: {  	_ = 	snop  }
0x5: {  	_ = 	snop  }
0x6: {  	_ = 	snop  }
0x7: {  	_ = 	snop  }
__scs_overlays_trampoline_lowered:
0x8: {  	[smem:$0x3FA5] =	sst s0  }
0x9: {  	[smem:$0x3FA6] =	sst s1  }
0xa: {  	[smem:$0x3FA7] =	sst s2  }
0xb: {  	[smem:$0x3FA8] =	sst s3  }
0xc: {  	[smem:$0x3FA9] =	sst s4  }
0xd: {  	[smem:$0x3FAA] =	sst s5  }
0xe: {  	[smem:$0x3FAB] =	sst s6  }
0xf: {  	[smem:$0x3FAC] =	sst s7  }
0x10: {  	[smem:$0x3FAD] =	sst s8  }
0x11: {  	[smem:$0x3FAE] =	sst s9;
	s0 =	simm.s32 @!p0 $0x0  }
0x12: {  	s1 =	sld [smem:$0x3F94];
	s0 =	simm.s32 @p0 $0x1  }
0x13: {  	[smem:$0x3FAF] =	sst s0;
	s0 =	simm.s32 @!p1 $0x0  }
0x14: {  	s2 =	sld [smem:$0x3F93];
	s0 =	simm.s32 @p1 $0x1  }
0x15: {  	[smem:$0x3FB0] =	sst s0;
	s0 =	simm.s32 @!p2 $0x0  }
0x16: {  	s3 =	sld [smem:$0x3FDB];
	s0 =	simm.s32 @p2 $0x1  }
0x17: {  	s4 =	simm.s32 $0x1BF5;
	[smem:$0x3FB2] =	sst s0  }
0x18: {  	s0 =	sld [smem:$0x3F95];
	_ =	swait.ge [sflag:s4], $0x0  }
0x19: {  	s7 =	sld [smem:$0x3F96]  }
0x1a: {  	s8 =	sadd.s32 $0xFFFFE003, lr  }
0x1b: {  	s9 =	sadd.s32 $0xFFFFFEF7, lr;
	s5 =	simm.s32 $0xFFFFFFFF;
	p2 =	slt.u32 s8, $0xFFFFF086  }
0x1c: {  	p1 =	slt.u32 s9, $0xF7A;
	s5 =	simm.s32 @!p2 $0x0  }
0x1d: {  	s5 =	simm.s32 @p1 $0x1;
	p0 =	seq.s32 s7, s2  }
0x1e: {  	s7 =	smul.u32 @!p0 $0xF7A, s2;
	p2 =	seq.s32 @!p0 s5, $0x0  }
0x1f: {  	s9 =	smul.u32 $0xF7A, s1;
	s8 =	simm.s32 @!p0 $0x1BF5;
	p2 =	por !p2, p0  }
0x20: {  	[sflag:s8] =	ssyncset.s32 @!p0 $0xFFFFF086;
	s6 =	sadd.s32 @!p0 s3, s7;
	s7 =	simm.s32 @!p0 $0x108  }
0x21: {  	s3 =	sadd.s32 s3, s9;
	s6 =	sadd.s32 @!p0 $0x88, s6;
	s7 =	simm.s32 @p2 $0x1082  }
0x22: {  	[simem:s7], [sflag:s8] =	dma.local @!p0 [hbm:s6], $0xF7A  }
0x23: {  	s9 =	sor.u32 $0xD0000000, s2;
	s6 =	simm.s32 $0x108;
	_ =	swait.ge @!p0 [sflag:s8], $0x0  }
0x24: {  	s3 =	sadd.s32 $0x88, s3;
	s6 =	simm.s32 @!p1 $0x1082;
	[sflag:s4] =	ssyncset.s32 $0xFFFFF086  }
0x25: {  	[simem:s6], [sflag:s4] =	dma.local [hbm:s3], $0xF7A  }
0x26: {  	[smem:$0x3F96] =	sst s1;
	(tag) =	ssettag s2;
	_ =	strace s9  }
0x27: {  	s1 =	sld [smem:$0x3FA6]  }
0x28: {  	s2 =	sld [smem:$0x3FA7]  }
0x29: {  	s4 =	sld [smem:$0x3FA9]  }
0x2a: {  	p0 =	seq.s32 s5, $0x0;
	s5 =	sld [smem:$0x3FAA]  }
0x2b: {  	s6 =	sld [smem:$0x3FAB]  }
0x2c: {  	s7 =	sld [smem:$0x3FAC]  }
0x2d: {  	s3 =	simm.s32 $0x108;
	s8 =	sld [smem:$0x3FAD]  }
0x2e: {  	s3 =	simm.s32 @!p0 $0x1082;
	s9 =	sld [smem:$0x3FAE]  }
0x2f: {  	lr =	sadd.s32 s0, s3;
	s0 =	sld [smem:$0x3FA5]  }
0x30: {  	s3 =	sld [smem:$0x3FA8]  }
0x31: {  	[smem:$0x3FB1] =	sst s10  }
0x32: {  	s10 =	sld [smem:$0x3FAF];
	_ =	sdelay $0x3  }
0x33: {  	p0 =	seq.s32 s10, $0x1;
	s10 =	sld [smem:$0x3FB1];
	_ =	sdelay $0x3  }
0x34: {  	[smem:$0x3FB1] =	sst s10  }
0x35: {  	s10 =	sld [smem:$0x3FB0];
	_ =	sdelay $0x3  }
0x36: {  	p1 =	seq.s32 s10, $0x1;
	s10 =	sld [smem:$0x3FB1];
	_ =	sdelay $0x3  }
0x37: {  	[smem:$0x3FB1] =	sst s10  }
0x38: {  	s10 =	sld [smem:$0x3FB2]  }
0x39: {  	_ = 	snop;
	(pc) =	sbr.ind lr, $3  }
0x3a: {  	_ = 	snop  }
0x3b: {  	_ = 	snop  }
0x3c: {  	p2 =	seq.s32 s10, $0x1;
	s10 =	sld [smem:$0x3FB1]  }
0x3d: {  	_ =	shalt  }
0x3e: {  	_ =	shalt  }
0x3f: {  	_ =	shalt  }
0x40: {  	_ =	shalt  }
0x41: {  	_ =	shalt  }
0x42: {  	_ =	shalt  }
0x43: {  	_ =	shalt  }
0x44: {  	_ =	shalt  }
0x45: {  	_ =	shalt  }
0x46: {  	_ =	shalt  }
0x47: {  	_ =	shalt  }
0x48: {  	_ =	shalt  }
0x49: {  	_ =	shalt  }
0x4a: {  	_ =	shalt  }
0x4b: {  	_ =	shalt  }
0x4c: {  	_ =	shalt  }
0x4d: {  	_ =	shalt  }
0x4e: {  	_ =	shalt  }
0x4f: {  	_ =	shalt  }
0x50: {  	_ =	shalt  }
0x51: {  	_ =	shalt  }
0x52: {  	_ =	shalt  }
0x53: {  	_ =	shalt  }
0x54: {  	_ =	shalt  }
0x55: {  	_ =	shalt  }
0x56: {  	_ =	shalt  }
0x57: {  	_ =	shalt  }
0x58: {  	_ =	shalt  }
0x59: {  	_ =	shalt  }
0x5a: {  	_ =	shalt  }
0x5b: {  	_ =	shalt  }
0x5c: {  	_ =	shalt  }
0x5d: {  	_ =	shalt  }
0x5e: {  	_ =	shalt  }
0x5f: {  	_ =	shalt  }
0x60: {  	_ =	shalt  }
0x61: {  	_ =	shalt  }
0x62: {  	_ =	shalt  }
0x63: {  	_ =	shalt  }
0x64: {  	_ =	shalt  }
0x65: {  	_ =	shalt  }
0x66: {  	_ =	shalt  }
0x67: {  	_ =	shalt  }
0x68: {  	_ =	shalt  }
0x69: {  	_ =	shalt  }
0x6a: {  	_ =	shalt  }
0x6b: {  	_ =	shalt  }
0x6c: {  	_ =	shalt  }
0x6d: {  	_ =	shalt  }
0x6e: {  	_ =	shalt  }
0x6f: {  	_ =	shalt  }
0x70: {  	_ =	shalt  }
0x71: {  	_ =	shalt  }
0x72: {  	_ =	shalt  }
0x73: {  	_ =	shalt  }
0x74: {  	_ =	shalt  }
0x75: {  	_ =	shalt  }
0x76: {  	_ =	shalt  }
0x77: {  	_ =	shalt  }
0x78: {  	_ =	shalt  }
0x79: {  	_ =	shalt  }
0x7a: {  	_ =	shalt  }
0x7b: {  	_ =	shalt  }
0x7c: {  	_ =	shalt  }
0x7d: {  	_ =	shalt  }
0x7e: {  	_ =	shalt  }
0x7f: {  	_ =	shalt  }
0x80: {  	_ =	shalt  }
0x81: {  	_ =	shalt  }
0x82: {  	_ =	shalt  }
0x83: {  	_ =	shalt  }
0x84: {  	_ =	shalt  }
0x85: {  	_ =	shalt  }
0x86: {  	_ =	shalt  }
0x87: {  	_ =	shalt  }
.Lfunc_end0:
.L_simem_size_0:
called_computation_lowered:
.L_overlay_start_0:
0x88: {  	s2 =	sld [smem:$0x3FD9]  }
0x89: {  	s3 =	sld [smem:$0x3FFE];
	_ =	sdelay $0x1  }
0x8a: {  	s1 =	srdreg.scid  }
0x8b: {  	s0 =	sand.u32 $0x1, s1  }
0x8c: {  	s16 =	sshll.u32 s0, $0xA;
	s2 =	sadd.s32 s3, s2  }
0x8d: {  	s2 =	sadd.s32 s2, s16  }
0x8e: {  	[smem:$0x3FBD] =	sst s2  }
0x8f: {  	_ = 	snop  }
0x90: {  	(tm) =	ssettm $0x1  }
0x91: {  	s17 =	sld [smem:$0x3FFB];
	_ =	sdelay $0x3  }
0x92: {  	_ =	strace s17  }
0x93: {  	s2 =	sld [smem:$0x3FFC];
	_ =	sdelay $0x3  }
0x94: {  	_ =	strace s2  }
0x95: {  	s2 =	sld [smem:$0x3FFD];
	_ =	sdelay $0x3  }
0x96: {  	_ =	strace s2  }
0x97: {  	_ =	strace $0x8FFFFFFF  }
0x98: {  	s18 =	sld [smem:$0x3FDB];
	_ =	sdelay $0x1  }
0x99: {  	s19 =	simm.s32 $_scs_section_size  }
0x9a: {  	s4 =	simm.s32 $_size__tile_overlayer_lowered;
	s5 =	simm.s32 $_tile_overlayer_lowered  }
0x9b: {  	s22 =	simm.s32 $0x1BFF;
	s21 =	sshll.u32 s5, $0x1;
	s2 =	sadd.s32 s19, s18  }
0x9c: {  	s6 =	simm.s32 $0x0;
	s20 =	sshll.u32 s4, $0x1;
	s4 =	sadd.s32 s21, s2  }
0x9d: {  	[timem:s6], [sflag:s22] =	dma.local [hbm:s4], s20  }
0x9e: {  	_ =	swait.ge [sflag:s22], s20  }
0x9f: {  	s3 =	ssub.s32 $0x0, s20;
	[sflag:s22] =	ssyncset.done $0x0  }
0xa0: {  	[sflag:s22] =	ssyncadd.s32 s3;
	_ =	sdelay $0x1  }
0xa1: {  	s23 =	simm.s32 $0x1B8B  }
0xa2: {  	_ =	swait.ge [sflag:s23], $0x1  }
0xa3: {  	[sflag:s23] =	ssyncset.done $0x0  }
0xa4: {  	s25 =	simm.s32 $0x1B8E;
	s24 =	sld [smem:$0x3FFE];
	[sflag:s23] =	ssyncadd.s32 $0xFFFFFFFF  }
0xa5: {  	s26 =	simm.s32 $execute0_lowered;
	[smem:$0x3FD2] =	sst s25  }
0xa6: {  	s4 =	sshll.u32 s26, $0x1;
	_ =	strace $0x80000046;
	[dreg:$0x1] =	wrdreg $0xFFFFFFFF  }
0xa7: {  	s28 =	simm.s32 $_size_execute0_lowered;
	s2 =	sadd.s32 s2, s4;
	[dreg:$0x0] =	wrdreg $0x0  }
0xa8: {  	s4 =	sshll.u32 s28, $0x1;
	[dreg:$0x2] =	wrdreg s2  }
0xa9: {  	[dreg:$0x3] =	wrdreg s4  }
0xaa: {  	[dreg:$0x4] =	wrdreg $0xC0  }
0xab: {  	_ =	task [dreg:s6], $0x5FFFF  }
0xac: {  	[dreg:$0x1] =	wrdreg $0xFFFFFFFF  }
0xad: {  	[dreg:$0x0] =	wrdreg $0x60  }
0xae: {  	[dreg:$0x2] =	wrdreg s24  }
0xaf: {  	[dreg:$0x3] =	wrdreg $0x9  }
0xb0: {  	_ =	task.clear_ibuf [dreg:s6], $0x4FFFF;
	_ =	strace $0x90000046  }
0xb1: {  	s29 =	simm.s32 $0x9;
	_ =	strace $0x80000048  }
0xb2: {  	_ =	swait.ge [sflag:s29], $0x1  }
0xb3: {  	[sflag:s29] =	ssyncadd.s32 $0xFFFFFFFF  }
0xb4: {  	_ =	strace $0x90000048  }
0xb5: {  	_ =	sfence  }
0xb6: {  	s30 =	sld [smem:$0x0];
	_ =	sdelay $0x2  }
0xb7: {  	s31 =	sshll.u32 s1, $0xD;
	s1 =	sshrl.u32 s1, $0x2  }
0xb8: {  	s3 =	sand.u32 $0x4000, s31;
	s1 =	sadd.s32 s1, s30  }
0xb9: {  	s0 =	sor.u32 s3, s0;
	s1 =	sshll.u32 s1, $0x11  }
0xba: {  	s0 =	sor.u32 s1, s0  }
0xbb: {  	s0 =	sadd.s32 $0x8F2B, s0  }
0xbc: {  	[sflag:s0] =	ssyncadd.remote.s32 $0x1  }
0xbd: {  	_ =	sfence.sel $0xFFFF  }
0xbe: {  	[dreg:$0x0] =	wrdreg $0xFFFFFFFF;
	(pc) =	sbr.abs _section_cstart, $3  }
0xbf: {  	[dreg:$0x1] =	wrdreg $0xFFFFFFFF  }
0xc0: {  	_ =	task.clear_ibuf [dreg:s6], $0x2FFFF;
	_ =	strace $0x9FFFFFFF  }
0xc1: {  	(tm) =	ssettm $0x7FFFFFFF  }
tec
execute0_lowered:
.L_overlay_start_1:
0x0: {  	(tag) =	ssettag $0x1  }
0x1: {  	s4 =	rddreg [dreg:$0x0]  }
0x2: {  	s0 =	rddreg [dreg:$0x1];
	s2 =	simm.s32 $0x0;
	s3 =	srdreg.scid  }
0x3: {  	s1 =	stileid.u32;
	s10 =	simm.s32 $0x0;
	[smem:$0x7FF] =	sst s2  }
0x4: {  	s5 =	sand.u32 $0x1, s3;
	s6 =	sshll.u32 s1, $0xC;
	s3 =	sadd.s32 $0x4000, s4  }
0x5: {  	s8 =	sshll.u32 s1, $0x10;
	_ =	strace $0x80000047;
	s7 =	sshll.u32 s5, $0xB  }
0x6: {  	s31 =	ssub.s32 $0x2, s5;
	s8 =	sadd.s32 s8, s4;
	s5 =	sshll.u32 s5, $0xF  }
0x7: {  	s6 =	sor.u32 s7, s6;
	s9 =	sshrl.u32 s31, $0x1;
	s5 =	sadd.s32 s5, s8  }
0x8: {  	s8 =	simm.s32 $0x80;
	s6 =	sshrl.u32 s6, $0x3;
	s7 =	ssub.s32 s31, s9  }
0x9: {  	s5 =	sadd.s32 $0x46000, s5;
	s9 =	simm.s32 $0x1;
	s6 =	sadd.s32 s6, s4  }
0xa: {  	s4 =	smax.u32 s7, $0x1;
	s7 =	simm.s32 $0x2;
	s6 =	sadd.s32 $0x44000, s6  }
.LBB2_1:
0xb: {  	s11 =	sadd.s32 $0x0, s6  }
0xc: {  	[tilespmem:s2], [sflag:$0x2] =	stream.linear.gather [hbm4b:s11+s2], $0x80, $0x38;
	[tilespmem:$0x4080] =	vst v63  }
0xd: {  	_ =	swait.ge [sflag:s7], $0x80  }
0xe: {  	[sflag:s7] =	ssyncset.done $0x0  }
0xf: {  	[sflag:s7] =	ssyncadd.s32 $0xFFFFFF80  }
0x10: {  	[tilespmem:s8], [sflag:$0x1] =	stream.indirect.gather [hbm4b:s3+s8], $0x80, s2, s8, $0xb8;
	[tilespmem:$0x4080] =	vst v63  }
0x11: {  	_ =	swait.ge [sflag:s9], $0x4000  }
0x12: {  	[sflag:s9] =	ssyncset.done $0x0  }
0x13: {  	[sflag:s9] =	ssyncadd.s32 $0xFFFFC000  }
0x14: {  	[hbm4b:s5+s2] =	stream.linear.scatter [tilespmem:s8], [sflag:$0x2], $0x4000, $0x38;
	[tilespmem:$0x4080] =	vst v63  }
0x15: {  	s12 =	simm.s32 $0x10;
	_ =	swait.ge [sflag:s7], $0x4000  }
0x16: {  	s13 =	simm.s32 $0x20;
	s11 =	sadd.s32 $0x800, s5;
	[sflag:s7] =	ssyncset.done $0x0  }
.LBB2_2:
0x17: {  	s14 =	sadd.s32 s12, s6  }
0x18: {  	[sflag:s7] =	ssyncadd.s32 $0xFFFFC000;
	s12 =	smov.u32 s13;
	s15 =	sadd.s32 $0x10, s13  }
0x19: {  	[tilespmem:s2], [sflag:$0x2] =	stream.linear.gather [hbm4b:s14+s2], $0x80, $0x38;
	[tilespmem:$0x4080] =	vst v63  }
0x1a: {  	p0 =	sne.s32 s13, $0xF0;
	_ =	swait.ge [sflag:s7], $0x80  }
0x1b: {  	[sflag:s7] =	ssyncset.done $0x0  }
0x1c: {  	[sflag:s7] =	ssyncadd.s32 $0xFFFFFF80  }
0x1d: {  	[tilespmem:s8], [sflag:$0x1] =	stream.indirect.gather [hbm4b:s3+s8], $0x80, s2, s8, $0xb8;
	[tilespmem:$0x4080] =	vst v63  }
0x1e: {  	_ =	swait.ge [sflag:s9], $0x4000  }
.Ltmp0:
0x1f: {  	[sflag:s9] =	ssyncset.done $0x0;
	(pc) =	sbr.rel @p0 .LBB2_2-.Ltmp0, $4  }
0x20: {  	[sflag:s9] =	ssyncadd.s32 $0xFFFFC000  }
0x21: {  	[hbm4b:s11+s2] =	stream.linear.scatter [tilespmem:s8], [sflag:$0x2], $0x4000, $0x38;
	[tilespmem:$0x4080] =	vst v63  }
0x22: {  	_ =	swait.ge [sflag:s7], $0x4000  }
0x23: {  	s13 =	smov.u32 s15;
	s11 =	sadd.s32 $0x800, s11;
	[sflag:s7] =	ssyncset.done $0x0  }
0x24: {  	s12 =	sadd.s32 s12, s6;
	[sflag:s7] =	ssyncadd.s32 $0xFFFFC000  }
0x25: {  	[tilespmem:s2], [sflag:$0x2] =	stream.linear.gather [hbm4b:s12+s2], $0x80, $0x38;
	[tilespmem:$0x4080] =	vst v63  }
0x26: {  	_ =	swait.ge [sflag:s7], $0x80  }
0x27: {  	[sflag:s7] =	ssyncset.done $0x0  }
0x28: {  	[sflag:s7] =	ssyncadd.s32 $0xFFFFFF80  }
0x29: {  	[tilespmem:s8], [sflag:$0x1] =	stream.indirect.gather [hbm4b:s3+s8], $0x80, s2, s8, $0xb8;
	[tilespmem:$0x4080] =	vst v63  }
0x2a: {  	s10 =	sadd.s32 $0x1, s10;
	_ =	swait.ge [sflag:s9], $0x4000  }
0x2b: {  	p0 =	sne.s32 s10, s4;
	[sflag:s9] =	ssyncset.done $0x0  }
.Ltmp1:
0x2c: {  	[sflag:s9] =	ssyncadd.s32 $0xFFFFC000;
	(pc) =	sbr.rel @p0 .LBB2_1-.Ltmp1, $4  }
0x2d: {  	[hbm4b:s11+s2] =	stream.linear.scatter [tilespmem:s8], [sflag:$0x2], $0x4000, $0x38;
	[tilespmem:$0x4080] =	vst v63  }
0x2e: {  	_ =	swait.ge [sflag:s7], $0x4000  }
0x2f: {  	[sflag:s7] =	ssyncset.done $0x0  }
0x30: {  	[sflag:s7] =	ssyncadd.s32 $0xFFFFC000  }
0x31: {  	_ =	sfence.sel $0x180000  }
0x32: {  	[bflag:$0x0] =	sbarrier.arrive $0xFFFF  }
0x33: {  	p0 =	sne.s32 s1, $0x0;
	_ =	strace $0x90000047  }
0x34: {  	s0 =	sadd.s32 @!p0 $0x100000, s0;
	[bflag:$0x2] =	sbarrier.arrive $0xFFFF  }
0x35: {  	[sflag:s0] =	ssyncadd.tile.s32 @!p0 $0x1;
	_ =	shalt  }
.Lfunc_end2:
_tile_overlayer_lowered:
.L_overlay_start_2:
0x36: {  	(tag) =	ssettag $0x2  }
0x37: {  	s0 =	rddreg [dreg:$0x0];
	s2 =	stileid.u32  }
0x38: {  	s1 =	rddreg [dreg:$0x1];
	p0 =	sne.s32 s2, $0x0  }
0x39: {  	s3 =	rddreg [dreg:$0x2];
	[bflag:$0x3] =	sbarrier.arrive $0xFFFF;
	s2 =	simm.s32 @!p0 $0x1C02  }
0x3a: {  	[timem:s3], [sflag:s2] =	dma.local @!p0 [hbm:s0], s1  }
0x3b: {  	s0 =	simm.s32 @!p0 $0x2  }
0x3c: {  	_ =	swait.ge @!p0 [sflag:s0], s1  }
0x3d: {  	s1 =	ssub.s32 @!p0 $0x0, s1;
	[sflag:s0] =	ssyncset.done @!p0 $0x0  }
0x3e: {  	[sflag:s0] =	ssyncadd.s32 @!p0 s1  }
0x3f: {  	[bflag:$0x3] =	sbarrier.arrive $0xFFFF  }
0x40: {  	_ =	shalt  }

// kernel: kernel.23.cloned.1.call-start
scs
__scs_entry_jumppad:
0x0: {  	(pc) =	sbr.rel $0x88, $3  }
0x1: {  	(tag) =	ssettag $0x0;
	lr =	simm.s32 $0x1  }
0x2: {  	[smem:$0x3F96] =	sst lr;
	_ =	strace $0xD0000000  }
0x3: {  	_ = 	snop  }
0x4: {  	_ = 	snop  }
0x5: {  	_ = 	snop  }
0x6: {  	_ = 	snop  }
0x7: {  	_ = 	snop  }
__scs_overlays_trampoline_lowered:
0x8: {  	[smem:$0x3FA5] =	sst s0  }
0x9: {  	[smem:$0x3FA6] =	sst s1  }
0xa: {  	[smem:$0x3FA7] =	sst s2  }
0xb: {  	[smem:$0x3FA8] =	sst s3  }
0xc: {  	[smem:$0x3FA9] =	sst s4  }
0xd: {  	[smem:$0x3FAA] =	sst s5  }
0xe: {  	[smem:$0x3FAB] =	sst s6  }
0xf: {  	[smem:$0x3FAC] =	sst s7  }
0x10: {  	[smem:$0x3FAD] =	sst s8  }
0x11: {  	[smem:$0x3FAE] =	sst s9;
	s0 =	simm.s32 @!p0 $0x0  }
0x12: {  	s1 =	sld [smem:$0x3F94];
	s0 =	simm.s32 @p0 $0x1  }
0x13: {  	[smem:$0x3FAF] =	sst s0;
	s0 =	simm.s32 @!p1 $0x0  }
0x14: {  	s2 =	sld [smem:$0x3F93];
	s0 =	simm.s32 @p1 $0x1  }
0x15: {  	[smem:$0x3FB0] =	sst s0;
	s0 =	simm.s32 @!p2 $0x0  }
0x16: {  	s3 =	sld [smem:$0x3FDB];
	s0 =	simm.s32 @p2 $0x1  }
0x17: {  	s4 =	simm.s32 $0x1BF5;
	[smem:$0x3FB2] =	sst s0  }
0x18: {  	s0 =	sld [smem:$0x3F95];
	_ =	swait.ge [sflag:s4], $0x0  }
0x19: {  	s7 =	sld [smem:$0x3F96]  }
0x1a: {  	s8 =	sadd.s32 $0xFFFFE003, lr  }
0x1b: {  	s9 =	sadd.s32 $0xFFFFFEF7, lr;
	s5 =	simm.s32 $0xFFFFFFFF;
	p2 =	slt.u32 s8, $0xFFFFF086  }
0x1c: {  	p1 =	slt.u32 s9, $0xF7A;
	s5 =	simm.s32 @!p2 $0x0  }
0x1d: {  	s5 =	simm.s32 @p1 $0x1;
	p0 =	seq.s32 s7, s2  }
0x1e: {  	s7 =	smul.u32 @!p0 $0xF7A, s2;
	p2 =	seq.s32 @!p0 s5, $0x0  }
0x1f: {  	s9 =	smul.u32 $0xF7A, s1;
	s8 =	simm.s32 @!p0 $0x1BF5;
	p2 =	por !p2, p0  }
0x20: {  	[sflag:s8] =	ssyncset.s32 @!p0 $0xFFFFF086;
	s6 =	sadd.s32 @!p0 s3, s7;
	s7 =	simm.s32 @!p0 $0x108  }
0x21: {  	s3 =	sadd.s32 s3, s9;
	s6 =	sadd.s32 @!p0 $0x88, s6;
	s7 =	simm.s32 @p2 $0x1082  }
0x22: {  	[simem:s7], [sflag:s8] =	dma.local @!p0 [hbm:s6], $0xF7A  }
0x23: {  	s9 =	sor.u32 $0xD0000000, s2;
	s6 =	simm.s32 $0x108;
	_ =	swait.ge @!p0 [sflag:s8], $0x0  }
0x24: {  	s3 =	sadd.s32 $0x88, s3;
	s6 =	simm.s32 @!p1 $0x1082;
	[sflag:s4] =	ssyncset.s32 $0xFFFFF086  }
0x25: {  	[simem:s6], [sflag:s4] =	dma.local [hbm:s3], $0xF7A  }
0x26: {  	[smem:$0x3F96] =	sst s1;
	(tag) =	ssettag s2;
	_ =	strace s9  }
0x27: {  	s1 =	sld [smem:$0x3FA6]  }
0x28: {  	s2 =	sld [smem:$0x3FA7]  }
0x29: {  	s4 =	sld [smem:$0x3FA9]  }
0x2a: {  	p0 =	seq.s32 s5, $0x0;
	s5 =	sld [smem:$0x3FAA]  }
0x2b: {  	s6 =	sld [smem:$0x3FAB]  }
0x2c: {  	s7 =	sld [smem:$0x3FAC]  }
0x2d: {  	s3 =	simm.s32 $0x108;
	s8 =	sld [smem:$0x3FAD]  }
0x2e: {  	s3 =	simm.s32 @!p0 $0x1082;
	s9 =	sld [smem:$0x3FAE]  }
0x2f: {  	lr =	sadd.s32 s0, s3;
	s0 =	sld [smem:$0x3FA5]  }
0x30: {  	s3 =	sld [smem:$0x3FA8]  }
0x31: {  	[smem:$0x3FB1] =	sst s10  }
0x32: {  	s10 =	sld [smem:$0x3FAF];
	_ =	sdelay $0x3  }
0x33: {  	p0 =	seq.s32 s10, $0x1;
	s10 =	sld [smem:$0x3FB1];
	_ =	sdelay $0x3  }
0x34: {  	[smem:$0x3FB1] =	sst s10  }
0x35: {  	s10 =	sld [smem:$0x3FB0];
	_ =	sdelay $0x3  }
0x36: {  	p1 =	seq.s32 s10, $0x1;
	s10 =	sld [smem:$0x3FB1];
	_ =	sdelay $0x3  }
0x37: {  	[smem:$0x3FB1] =	sst s10  }
0x38: {  	s10 =	sld [smem:$0x3FB2]  }
0x39: {  	_ = 	snop;
	(pc) =	sbr.ind lr, $3  }
0x3a: {  	_ = 	snop  }
0x3b: {  	_ = 	snop  }
0x3c: {  	p2 =	seq.s32 s10, $0x1;
	s10 =	sld [smem:$0x3FB1]  }
0x3d: {  	_ =	shalt  }
0x3e: {  	_ =	shalt  }
0x3f: {  	_ =	shalt  }
0x40: {  	_ =	shalt  }
0x41: {  	_ =	shalt  }
0x42: {  	_ =	shalt  }
0x43: {  	_ =	shalt  }
0x44: {  	_ =	shalt  }
0x45: {  	_ =	shalt  }
0x46: {  	_ =	shalt  }
0x47: {  	_ =	shalt  }
0x48: {  	_ =	shalt  }
0x49: {  	_ =	shalt  }
0x4a: {  	_ =	shalt  }
0x4b: {  	_ =	shalt  }
0x4c: {  	_ =	shalt  }
0x4d: {  	_ =	shalt  }
0x4e: {  	_ =	shalt  }
0x4f: {  	_ =	shalt  }
0x50: {  	_ =	shalt  }
0x51: {  	_ =	shalt  }
0x52: {  	_ =	shalt  }
0x53: {  	_ =	shalt  }
0x54: {  	_ =	shalt  }
0x55: {  	_ =	shalt  }
0x56: {  	_ =	shalt  }
0x57: {  	_ =	shalt  }
0x58: {  	_ =	shalt  }
0x59: {  	_ =	shalt  }
0x5a: {  	_ =	shalt  }
0x5b: {  	_ =	shalt  }
0x5c: {  	_ =	shalt  }
0x5d: {  	_ =	shalt  }
0x5e: {  	_ =	shalt  }
0x5f: {  	_ =	shalt  }
0x60: {  	_ =	shalt  }
0x61: {  	_ =	shalt  }
0x62: {  	_ =	shalt  }
0x63: {  	_ =	shalt  }
0x64: {  	_ =	shalt  }
0x65: {  	_ =	shalt  }
0x66: {  	_ =	shalt  }
0x67: {  	_ =	shalt  }
0x68: {  	_ =	shalt  }
0x69: {  	_ =	shalt  }
0x6a: {  	_ =	shalt  }
0x6b: {  	_ =	shalt  }
0x6c: {  	_ =	shalt  }
0x6d: {  	_ =	shalt  }
0x6e: {  	_ =	shalt  }
0x6f: {  	_ =	shalt  }
0x70: {  	_ =	shalt  }
0x71: {  	_ =	shalt  }
0x72: {  	_ =	shalt  }
0x73: {  	_ =	shalt  }
0x74: {  	_ =	shalt  }
0x75: {  	_ =	shalt  }
0x76: {  	_ =	shalt  }
0x77: {  	_ =	shalt  }
0x78: {  	_ =	shalt  }
0x79: {  	_ =	shalt  }
0x7a: {  	_ =	shalt  }
0x7b: {  	_ =	shalt  }
0x7c: {  	_ =	shalt  }
0x7d: {  	_ =	shalt  }
0x7e: {  	_ =	shalt  }
0x7f: {  	_ =	shalt  }
0x80: {  	_ =	shalt  }
0x81: {  	_ =	shalt  }
0x82: {  	_ =	shalt  }
0x83: {  	_ =	shalt  }
0x84: {  	_ =	shalt  }
0x85: {  	_ =	shalt  }
0x86: {  	_ =	shalt  }
0x87: {  	_ =	shalt  }
.Lfunc_end0:
.L_simem_size_0:
called_computation.1_lowered:
.L_overlay_start_0:
0x88: {  	s2 =	sld [smem:$0x3FD9]  }
0x89: {  	s3 =	sld [smem:$0x3FFE];
	_ =	sdelay $0x1  }
0x8a: {  	s1 =	srdreg.scid  }
0x8b: {  	s0 =	sand.u32 $0x1, s1  }
0x8c: {  	s16 =	sshll.u32 s0, $0xA;
	s2 =	sadd.s32 s3, s2  }
0x8d: {  	s2 =	sadd.s32 s2, s16  }
0x8e: {  	[smem:$0x3FBD] =	sst s2  }
0x8f: {  	_ = 	snop  }
0x90: {  	(tm) =	ssettm $0x1  }
0x91: {  	s17 =	sld [smem:$0x3FFB];
	_ =	sdelay $0x3  }
0x92: {  	_ =	strace s17  }
0x93: {  	s2 =	sld [smem:$0x3FFC];
	_ =	sdelay $0x3  }
0x94: {  	_ =	strace s2  }
0x95: {  	s2 =	sld [smem:$0x3FFD];
	_ =	sdelay $0x3  }
0x96: {  	_ =	strace s2  }
0x97: {  	_ =	strace $0x8FFFFFFF  }
0x98: {  	s18 =	sld [smem:$0x3FDB];
	_ =	sdelay $0x1  }
0x99: {  	s19 =	simm.s32 $_scs_section_size  }
0x9a: {  	s4 =	simm.s32 $_size__tile_overlayer_lowered;
	s5 =	simm.s32 $_tile_overlayer_lowered  }
0x9b: {  	s22 =	simm.s32 $0x1BFF;
	s21 =	sshll.u32 s5, $0x1;
	s2 =	sadd.s32 s19, s18  }
0x9c: {  	s6 =	simm.s32 $0x0;
	s20 =	sshll.u32 s4, $0x1;
	s4 =	sadd.s32 s21, s2  }
0x9d: {  	[timem:s6], [sflag:s22] =	dma.local [hbm:s4], s20  }
0x9e: {  	_ =	swait.ge [sflag:s22], s20  }
0x9f: {  	s3 =	ssub.s32 $0x0, s20;
	[sflag:s22] =	ssyncset.done $0x0  }
0xa0: {  	[sflag:s22] =	ssyncadd.s32 s3;
	_ =	sdelay $0x1  }
0xa1: {  	s23 =	simm.s32 $0x1B8B  }
0xa2: {  	_ =	swait.ge [sflag:s23], $0x1  }
0xa3: {  	[sflag:s23] =	ssyncset.done $0x0  }
0xa4: {  	s25 =	simm.s32 $0x1B8E;
	s24 =	sld [smem:$0x3FFE];
	[sflag:s23] =	ssyncadd.s32 $0xFFFFFFFF  }
0xa5: {  	s26 =	simm.s32 $execute0_lowered;
	[smem:$0x3FD2] =	sst s25  }
0xa6: {  	s4 =	sshll.u32 s26, $0x1;
	_ =	strace $0x80000049;
	[dreg:$0x1] =	wrdreg $0xFFFFFFFF  }
0xa7: {  	s28 =	simm.s32 $_size_execute0_lowered;
	s2 =	sadd.s32 s2, s4;
	[dreg:$0x0] =	wrdreg $0x0  }
0xa8: {  	s4 =	sshll.u32 s28, $0x1;
	[dreg:$0x2] =	wrdreg s2  }
0xa9: {  	[dreg:$0x3] =	wrdreg s4  }
0xaa: {  	[dreg:$0x4] =	wrdreg $0xC0  }
0xab: {  	_ =	task [dreg:s6], $0x5FFFF  }
0xac: {  	[dreg:$0x1] =	wrdreg $0xFFFFFFFF  }
0xad: {  	[dreg:$0x0] =	wrdreg $0x60  }
0xae: {  	[dreg:$0x2] =	wrdreg s24  }
0xaf: {  	[dreg:$0x3] =	wrdreg $0x9  }
0xb0: {  	_ =	task.clear_ibuf [dreg:s6], $0x4FFFF;
	_ =	strace $0x90000049  }
0xb1: {  	s29 =	simm.s32 $0x9;
	_ =	strace $0x8000004B  }
0xb2: {  	_ =	swait.ge [sflag:s29], $0x1  }
0xb3: {  	[sflag:s29] =	ssyncadd.s32 $0xFFFFFFFF  }
0xb4: {  	_ =	strace $0x9000004B  }
0xb5: {  	_ =	sfence  }
0xb6: {  	s30 =	sld [smem:$0x0];
	_ =	sdelay $0x2  }
0xb7: {  	s31 =	sshll.u32 s1, $0xD;
	s1 =	sshrl.u32 s1, $0x2  }
0xb8: {  	s3 =	sand.u32 $0x4000, s31;
	s1 =	sadd.s32 s1, s30  }
0xb9: {  	s0 =	sor.u32 s3, s0;
	s1 =	sshll.u32 s1, $0x11  }
0xba: {  	s0 =	sor.u32 s1, s0  }
0xbb: {  	s0 =	sadd.s32 $0x8F2B, s0  }
0xbc: {  	[sflag:s0] =	ssyncadd.remote.s32 $0x1  }
0xbd: {  	_ =	sfence.sel $0xFFFF  }
0xbe: {  	[dreg:$0x0] =	wrdreg $0xFFFFFFFF;
	(pc) =	sbr.abs _section_cstart, $3  }
0xbf: {  	[dreg:$0x1] =	wrdreg $0xFFFFFFFF  }
0xc0: {  	_ =	task.clear_ibuf [dreg:s6], $0x2FFFF;
	_ =	strace $0x9FFFFFFF  }
0xc1: {  	(tm) =	ssettm $0x7FFFFFFF  }
tec
execute0_lowered:
.L_overlay_start_1:
0x0: {  	(tag) =	ssettag $0x1  }
0x1: {  	s1 =	srdreg.scid  }
0x2: {  	s0 =	stileid.u32;
	s14 =	sand.u32 $0x1, s1  }
0x3: {  	s8 =	rddreg [dreg:$0x0];
	s3 =	sshll.u32 s0, $0xA;
	s4 =	sshll.u32 s14, $0x9  }
0x4: {  	s2 =	simm.s32 $0x0;
	s1 =	rddreg [dreg:$0x1];
	s13 =	sor.u32 s4, s3  }
0x5: {  	[smem:$0x7FF] =	sst s2;
	s15 =	sadd.s32 $0x146000, s8;
	s3 =	sshrl.u32 s13, $0x3  }
0x6: {  	_ =	strace $0x8000004A;
	s4 =	sadd.s32 s15, s3;
	s3 =	simm.s32 $0x2  }
0x7: {  	[tilespmem:s2], [sflag:$0x2] =	stream.linear.gather [hbm4b:s4+s2], $0x80, $0x38;
	[tilespmem:$0x4080] =	vst v63  }
0x8: {  	_ =	swait.ge [sflag:s3], $0x80  }
0x9: {  	s6 =	simm.s32 $0x80;
	[sflag:s3] =	ssyncset.done $0x0  }
0xa: {  	s7 =	simm.s32 $0x1;
	s5 =	sadd.s32 $0x4000, s8;
	[sflag:s3] =	ssyncadd.s32 $0xFFFFFF80  }
0xb: {  	[tilespmem:s6], [sflag:$0x1] =	stream.indirect.gather [hbm4b:s5+s6], $0x80, s2, s6, $0xb8;
	[tilespmem:$0x4080] =	vst v63  }
0xc: {  	_ =	swait.ge [sflag:s7], $0x4000  }
0xd: {  	s16 =	sadd.s32 $0x14000, s8;
	s29 =	sshll.u32 s13, $0x4;
	[sflag:s7] =	ssyncset.done $0x0  }
0xe: {  	s8 =	sadd.s32 s16, s29;
	[sflag:s7] =	ssyncadd.s32 $0xFFFFC000  }
0xf: {  	[hbm4b:s8+s2] =	stream.linear.scatter [tilespmem:s6], [sflag:$0x2], $0x4000, $0x38;
	[tilespmem:$0x4080] =	vst v63  }
0x10: {  	s10 =	sor.u32 $0x80, s13;
	_ =	swait.ge [sflag:s3], $0x4000  }
0x11: {  	s9 =	sshrl.u32 s10, $0x3;
	[sflag:s3] =	ssyncset.done $0x0  }
0x12: {  	s9 =	sadd.s32 s15, s9;
	[sflag:s3] =	ssyncadd.s32 $0xFFFFC000  }
0x13: {  	[tilespmem:s2], [sflag:$0x2] =	stream.linear.gather [hbm4b:s9+s2], $0x80, $0x38;
	[tilespmem:$0x4080] =	vst v63  }
0x14: {  	_ =	swait.ge [sflag:s3], $0x80  }
0x15: {  	[sflag:s3] =	ssyncset.done $0x0  }
0x16: {  	[sflag:s3] =	ssyncadd.s32 $0xFFFFFF80  }
0x17: {  	[tilespmem:s6], [sflag:$0x1] =	stream.indirect.gather [hbm4b:s5+s6], $0x80, s2, s6, $0xb8;
	[tilespmem:$0x4080] =	vst v63  }
0x18: {  	_ =	swait.ge [sflag:s7], $0x4000  }
0x19: {  	s10 =	sshll.u32 s10, $0x4;
	[sflag:s7] =	ssyncset.done $0x0  }
0x1a: {  	s10 =	sadd.s32 s16, s10;
	[sflag:s7] =	ssyncadd.s32 $0xFFFFC000  }
0x1b: {  	[hbm4b:s10+s2] =	stream.linear.scatter [tilespmem:s6], [sflag:$0x2], $0x4000, $0x38;
	[tilespmem:$0x4080] =	vst v63  }
0x1c: {  	s12 =	sor.u32 $0x100, s13;
	_ =	swait.ge [sflag:s3], $0x4000  }
0x1d: {  	s11 =	sshrl.u32 s12, $0x3;
	[sflag:s3] =	ssyncset.done $0x0  }
0x1e: {  	s11 =	sadd.s32 s15, s11;
	[sflag:s3] =	ssyncadd.s32 $0xFFFFC000  }
0x1f: {  	[tilespmem:s2], [sflag:$0x2] =	stream.linear.gather [hbm4b:s11+s2], $0x80, $0x38;
	[tilespmem:$0x4080] =	vst v63  }
0x20: {  	_ =	swait.ge [sflag:s3], $0x80  }
0x21: {  	[sflag:s3] =	ssyncset.done $0x0  }
0x22: {  	[sflag:s3] =	ssyncadd.s32 $0xFFFFFF80  }
0x23: {  	[tilespmem:s6], [sflag:$0x1] =	stream.indirect.gather [hbm4b:s5+s6], $0x80, s2, s6, $0xb8;
	[tilespmem:$0x4080] =	vst v63  }
0x24: {  	_ =	swait.ge [sflag:s7], $0x4000  }
0x25: {  	s12 =	sshll.u32 s12, $0x4;
	[sflag:s7] =	ssyncset.done $0x0  }
0x26: {  	s12 =	sadd.s32 s16, s12;
	[sflag:s7] =	ssyncadd.s32 $0xFFFFC000  }
0x27: {  	[hbm4b:s12+s2] =	stream.linear.scatter [tilespmem:s6], [sflag:$0x2], $0x4000, $0x38;
	[tilespmem:$0x4080] =	vst v63  }
0x28: {  	s17 =	sor.u32 $0x180, s13;
	_ =	swait.ge [sflag:s3], $0x4000  }
0x29: {  	s13 =	sshrl.u32 s17, $0x3;
	[sflag:s3] =	ssyncset.done $0x0  }
0x2a: {  	s14 =	ssub.s32 $0x2, s14;
	s13 =	sadd.s32 s15, s13;
	[sflag:s3] =	ssyncadd.s32 $0xFFFFC000  }
0x2b: {  	[tilespmem:s2], [sflag:$0x2] =	stream.linear.gather [hbm4b:s13+s2], $0x80, $0x38;
	[tilespmem:$0x4080] =	vst v63  }
0x2c: {  	s30 =	sshrl.u32 s14, $0x1;
	_ =	swait.ge [sflag:s3], $0x80  }
0x2d: {  	s15 =	ssub.s32 s14, s30;
	[sflag:s3] =	ssyncset.done $0x0  }
0x2e: {  	s15 =	smax.u32 s15, $0x1;
	[sflag:s3] =	ssyncadd.s32 $0xFFFFFF80  }
0x2f: {  	[tilespmem:s6], [sflag:$0x1] =	stream.indirect.gather [hbm4b:s5+s6], $0x80, s2, s6, $0xb8;
	[tilespmem:$0x4080] =	vst v63  }
0x30: {  	p0 =	sne.s32 s15, $0x1;
	_ =	swait.ge [sflag:s7], $0x4000  }
.Ltmp0:
0x31: {  	s31 =	sshll.u32 s17, $0x4;
	[sflag:s7] =	ssyncset.done $0x0;
	(pc) =	sbr.rel @!p0 .LBB2_2-.Ltmp0, $4  }
0x32: {  	s14 =	sadd.s32 s16, s31;
	[sflag:s7] =	ssyncadd.s32 $0xFFFFC000  }
0x33: {  	[hbm4b:s14+s2] =	stream.linear.scatter [tilespmem:s6], [sflag:$0x2], $0x4000, $0x38;
	[tilespmem:$0x4080] =	vst v63  }
0x34: {  	_ =	swait.ge [sflag:s3], $0x4000  }
0x35: {  	s15 =	sadd.s32 $0xFFFFFFFF, s15;
	[sflag:s3] =	ssyncset.done $0x0  }
.LBB2_1:
0x36: {  	p0 =	sne.s32 s15, $0x1;
	s15 =	sadd.s32 $0xFFFFFFFF, s15;
	[sflag:s3] =	ssyncadd.s32 $0xFFFFC000  }
0x37: {  	[tilespmem:s2], [sflag:$0x2] =	stream.linear.gather [hbm4b:s4+s2], $0x80, $0x38;
	[tilespmem:$0x4080] =	vst v63  }
0x38: {  	_ =	swait.ge [sflag:s3], $0x80  }
0x39: {  	[sflag:s3] =	ssyncset.done $0x0  }
0x3a: {  	[sflag:s3] =	ssyncadd.s32 $0xFFFFFF80  }
0x3b: {  	[tilespmem:s6], [sflag:$0x1] =	stream.indirect.gather [hbm4b:s5+s6], $0x80, s2, s6, $0xb8;
	[tilespmem:$0x4080] =	vst v63  }
0x3c: {  	_ =	swait.ge [sflag:s7], $0x4000  }
0x3d: {  	[sflag:s7] =	ssyncset.done $0x0  }
0x3e: {  	[sflag:s7] =	ssyncadd.s32 $0xFFFFC000  }
0x3f: {  	[hbm4b:s8+s2] =	stream.linear.scatter [tilespmem:s6], [sflag:$0x2], $0x4000, $0x38;
	[tilespmem:$0x4080] =	vst v63  }
0x40: {  	_ =	swait.ge [sflag:s3], $0x4000  }
0x41: {  	[sflag:s3] =	ssyncset.done $0x0  }
0x42: {  	[sflag:s3] =	ssyncadd.s32 $0xFFFFC000  }
0x43: {  	[tilespmem:s2], [sflag:$0x2] =	stream.linear.gather [hbm4b:s9+s2], $0x80, $0x38;
	[tilespmem:$0x4080] =	vst v63  }
0x44: {  	_ =	swait.ge [sflag:s3], $0x80  }
0x45: {  	[sflag:s3] =	ssyncset.done $0x0  }
0x46: {  	[sflag:s3] =	ssyncadd.s32 $0xFFFFFF80  }
0x47: {  	[tilespmem:s6], [sflag:$0x1] =	stream.indirect.gather [hbm4b:s5+s6], $0x80, s2, s6, $0xb8;
	[tilespmem:$0x4080] =	vst v63  }
0x48: {  	_ =	swait.ge [sflag:s7], $0x4000  }
0x49: {  	[sflag:s7] =	ssyncset.done $0x0  }
0x4a: {  	[sflag:s7] =	ssyncadd.s32 $0xFFFFC000  }
0x4b: {  	[hbm4b:s10+s2] =	stream.linear.scatter [tilespmem:s6], [sflag:$0x2], $0x4000, $0x38;
	[tilespmem:$0x4080] =	vst v63  }
0x4c: {  	_ =	swait.ge [sflag:s3], $0x4000  }
0x4d: {  	[sflag:s3] =	ssyncset.done $0x0  }
0x4e: {  	[sflag:s3] =	ssyncadd.s32 $0xFFFFC000  }
0x4f: {  	[tilespmem:s2], [sflag:$0x2] =	stream.linear.gather [hbm4b:s11+s2], $0x80, $0x38;
	[tilespmem:$0x4080] =	vst v63  }
0x50: {  	_ =	swait.ge [sflag:s3], $0x80  }
0x51: {  	[sflag:s3] =	ssyncset.done $0x0  }
0x52: {  	[sflag:s3] =	ssyncadd.s32 $0xFFFFFF80  }
0x53: {  	[tilespmem:s6], [sflag:$0x1] =	stream.indirect.gather [hbm4b:s5+s6], $0x80, s2, s6, $0xb8;
	[tilespmem:$0x4080] =	vst v63  }
0x54: {  	_ =	swait.ge [sflag:s7], $0x4000  }
0x55: {  	[sflag:s7] =	ssyncset.done $0x0  }
0x56: {  	[sflag:s7] =	ssyncadd.s32 $0xFFFFC000  }
0x57: {  	[hbm4b:s12+s2] =	stream.linear.scatter [tilespmem:s6], [sflag:$0x2], $0x4000, $0x38;
	[tilespmem:$0x4080] =	vst v63  }
0x58: {  	_ =	swait.ge [sflag:s3], $0x4000  }
0x59: {  	[sflag:s3] =	ssyncset.done $0x0  }
0x5a: {  	[sflag:s3] =	ssyncadd.s32 $0xFFFFC000  }
0x5b: {  	[tilespmem:s2], [sflag:$0x2] =	stream.linear.gather [hbm4b:s13+s2], $0x80, $0x38;
	[tilespmem:$0x4080] =	vst v63  }
0x5c: {  	_ =	swait.ge [sflag:s3], $0x80  }
0x5d: {  	[sflag:s3] =	ssyncset.done $0x0  }
0x5e: {  	[sflag:s3] =	ssyncadd.s32 $0xFFFFFF80  }
0x5f: {  	[tilespmem:s6], [sflag:$0x1] =	stream.indirect.gather [hbm4b:s5+s6], $0x80, s2, s6, $0xb8;
	[tilespmem:$0x4080] =	vst v63  }
0x60: {  	_ =	swait.ge [sflag:s7], $0x4000  }
.Ltmp1:
0x61: {  	[sflag:s7] =	ssyncset.done $0x0;
	(pc) =	sbr.rel @p0 .LBB2_1-.Ltmp1, $4  }
0x62: {  	[sflag:s7] =	ssyncadd.s32 $0xFFFFC000  }
0x63: {  	[hbm4b:s14+s2] =	stream.linear.scatter [tilespmem:s6], [sflag:$0x2], $0x4000, $0x38;
	[tilespmem:$0x4080] =	vst v63  }
0x64: {  	_ =	swait.ge [sflag:s3], $0x4000  }
0x65: {  	[sflag:s3] =	ssyncset.done $0x0  }
.LBB2_2:
0x66: {  	[sflag:s3] =	ssyncadd.s32 $0xFFFFC000  }
0x67: {  	_ =	sfence.sel $0x180000  }
0x68: {  	[bflag:$0x0] =	sbarrier.arrive $0xFFFF  }
0x69: {  	p0 =	sne.s32 s0, $0x0;
	_ =	strace $0x9000004A  }
0x6a: {  	s0 =	sadd.s32 @!p0 $0x100000, s1;
	[bflag:$0x2] =	sbarrier.arrive $0xFFFF  }
0x6b: {  	[sflag:s0] =	ssyncadd.tile.s32 @!p0 $0x1;
	_ =	shalt  }
.Lfunc_end2:
_tile_overlayer_lowered:
.L_overlay_start_2:
0x6c: {  	(tag) =	ssettag $0x2  }
0x6d: {  	s0 =	rddreg [dreg:$0x0];
	s2 =	stileid.u32  }
0x6e: {  	s1 =	rddreg [dreg:$0x1];
	p0 =	sne.s32 s2, $0x0  }
0x6f: {  	s3 =	rddreg [dreg:$0x2];
	[bflag:$0x3] =	sbarrier.arrive $0xFFFF;
	s2 =	simm.s32 @!p0 $0x1C02  }
0x70: {  	[timem:s3], [sflag:s2] =	dma.local @!p0 [hbm:s0], s1  }
0x71: {  	s0 =	simm.s32 @!p0 $0x2  }
0x72: {  	_ =	swait.ge @!p0 [sflag:s0], s1  }
0x73: {  	s1 =	ssub.s32 @!p0 $0x0, s1;
	[sflag:s0] =	ssyncset.done @!p0 $0x0  }
0x74: {  	[sflag:s0] =	ssyncadd.s32 @!p0 s1  }
0x75: {  	[bflag:$0x3] =	sbarrier.arrive $0xFFFF  }
0x76: {  	_ =	shalt  }

// kernel: kernel.26.cloned.1.call-start
scs
__scs_entry_jumppad:
0x0: {  	(pc) =	sbr.rel $0x88, $3  }
0x1: {  	(tag) =	ssettag $0x0;
	lr =	simm.s32 $0x1  }
0x2: {  	[smem:$0x3F96] =	sst lr;
	_ =	strace $0xD0000000  }
0x3: {  	_ = 	snop  }
0x4: {  	_ = 	snop  }
0x5: {  	_ = 	snop  }
0x6: {  	_ = 	snop  }
0x7: {  	_ = 	snop  }
__scs_overlays_trampoline_lowered:
0x8: {  	[smem:$0x3FA5] =	sst s0  }
0x9: {  	[smem:$0x3FA6] =	sst s1  }
0xa: {  	[smem:$0x3FA7] =	sst s2  }
0xb: {  	[smem:$0x3FA8] =	sst s3  }
0xc: {  	[smem:$0x3FA9] =	sst s4  }
0xd: {  	[smem:$0x3FAA] =	sst s5  }
0xe: {  	[smem:$0x3FAB] =	sst s6  }
0xf: {  	[smem:$0x3FAC] =	sst s7  }
0x10: {  	[smem:$0x3FAD] =	sst s8  }
0x11: {  	[smem:$0x3FAE] =	sst s9;
	s0 =	simm.s32 @!p0 $0x0  }
0x12: {  	s1 =	sld [smem:$0x3F94];
	s0 =	simm.s32 @p0 $0x1  }
0x13: {  	[smem:$0x3FAF] =	sst s0;
	s0 =	simm.s32 @!p1 $0x0  }
0x14: {  	s2 =	sld [smem:$0x3F93];
	s0 =	simm.s32 @p1 $0x1  }
0x15: {  	[smem:$0x3FB0] =	sst s0;
	s0 =	simm.s32 @!p2 $0x0  }
0x16: {  	s3 =	sld [smem:$0x3FDB];
	s0 =	simm.s32 @p2 $0x1  }
0x17: {  	s4 =	simm.s32 $0x1BF5;
	[smem:$0x3FB2] =	sst s0  }
0x18: {  	s0 =	sld [smem:$0x3F95];
	_ =	swait.ge [sflag:s4], $0x0  }
0x19: {  	s7 =	sld [smem:$0x3F96]  }
0x1a: {  	s8 =	sadd.s32 $0xFFFFE003, lr  }
0x1b: {  	s9 =	sadd.s32 $0xFFFFFEF7, lr;
	s5 =	simm.s32 $0xFFFFFFFF;
	p2 =	slt.u32 s8, $0xFFFFF086  }
0x1c: {  	p1 =	slt.u32 s9, $0xF7A;
	s5 =	simm.s32 @!p2 $0x0  }
0x1d: {  	s5 =	simm.s32 @p1 $0x1;
	p0 =	seq.s32 s7, s2  }
0x1e: {  	s7 =	smul.u32 @!p0 $0xF7A, s2;
	p2 =	seq.s32 @!p0 s5, $0x0  }
0x1f: {  	s9 =	smul.u32 $0xF7A, s1;
	s8 =	simm.s32 @!p0 $0x1BF5;
	p2 =	por !p2, p0  }
0x20: {  	[sflag:s8] =	ssyncset.s32 @!p0 $0xFFFFF086;
	s6 =	sadd.s32 @!p0 s3, s7;
	s7 =	simm.s32 @!p0 $0x108  }
0x21: {  	s3 =	sadd.s32 s3, s9;
	s6 =	sadd.s32 @!p0 $0x88, s6;
	s7 =	simm.s32 @p2 $0x1082  }
0x22: {  	[simem:s7], [sflag:s8] =	dma.local @!p0 [hbm:s6], $0xF7A  }
0x23: {  	s9 =	sor.u32 $0xD0000000, s2;
	s6 =	simm.s32 $0x108;
	_ =	swait.ge @!p0 [sflag:s8], $0x0  }
0x24: {  	s3 =	sadd.s32 $0x88, s3;
	s6 =	simm.s32 @!p1 $0x1082;
	[sflag:s4] =	ssyncset.s32 $0xFFFFF086  }
0x25: {  	[simem:s6], [sflag:s4] =	dma.local [hbm:s3], $0xF7A  }
0x26: {  	[smem:$0x3F96] =	sst s1;
	(tag) =	ssettag s2;
	_ =	strace s9  }
0x27: {  	s1 =	sld [smem:$0x3FA6]  }
0x28: {  	s2 =	sld [smem:$0x3FA7]  }
0x29: {  	s4 =	sld [smem:$0x3FA9]  }
0x2a: {  	p0 =	seq.s32 s5, $0x0;
	s5 =	sld [smem:$0x3FAA]  }
0x2b: {  	s6 =	sld [smem:$0x3FAB]  }
0x2c: {  	s7 =	sld [smem:$0x3FAC]  }
0x2d: {  	s3 =	simm.s32 $0x108;
	s8 =	sld [smem:$0x3FAD]  }
0x2e: {  	s3 =	simm.s32 @!p0 $0x1082;
	s9 =	sld [smem:$0x3FAE]  }
0x2f: {  	lr =	sadd.s32 s0, s3;
	s0 =	sld [smem:$0x3FA5]  }
0x30: {  	s3 =	sld [smem:$0x3FA8]  }
0x31: {  	[smem:$0x3FB1] =	sst s10  }
0x32: {  	s10 =	sld [smem:$0x3FAF];
	_ =	sdelay $0x3  }
0x33: {  	p0 =	seq.s32 s10, $0x1;
	s10 =	sld [smem:$0x3FB1];
	_ =	sdelay $0x3  }
0x34: {  	[smem:$0x3FB1] =	sst s10  }
0x35: {  	s10 =	sld [smem:$0x3FB0];
	_ =	sdelay $0x3  }
0x36: {  	p1 =	seq.s32 s10, $0x1;
	s10 =	sld [smem:$0x3FB1];
	_ =	sdelay $0x3  }
0x37: {  	[smem:$0x3FB1] =	sst s10  }
0x38: {  	s10 =	sld [smem:$0x3FB2]  }
0x39: {  	_ = 	snop;
	(pc) =	sbr.ind lr, $3  }
0x3a: {  	_ = 	snop  }
0x3b: {  	_ = 	snop  }
0x3c: {  	p2 =	seq.s32 s10, $0x1;
	s10 =	sld [smem:$0x3FB1]  }
0x3d: {  	_ =	shalt  }
0x3e: {  	_ =	shalt  }
0x3f: {  	_ =	shalt  }
0x40: {  	_ =	shalt  }
0x41: {  	_ =	shalt  }
0x42: {  	_ =	shalt  }
0x43: {  	_ =	shalt  }
0x44: {  	_ =	shalt  }
0x45: {  	_ =	shalt  }
0x46: {  	_ =	shalt  }
0x47: {  	_ =	shalt  }
0x48: {  	_ =	shalt  }
0x49: {  	_ =	shalt  }
0x4a: {  	_ =	shalt  }
0x4b: {  	_ =	shalt  }
0x4c: {  	_ =	shalt  }
0x4d: {  	_ =	shalt  }
0x4e: {  	_ =	shalt  }
0x4f: {  	_ =	shalt  }
0x50: {  	_ =	shalt  }
0x51: {  	_ =	shalt  }
0x52: {  	_ =	shalt  }
0x53: {  	_ =	shalt  }
0x54: {  	_ =	shalt  }
0x55: {  	_ =	shalt  }
0x56: {  	_ =	shalt  }
0x57: {  	_ =	shalt  }
0x58: {  	_ =	shalt  }
0x59: {  	_ =	shalt  }
0x5a: {  	_ =	shalt  }
0x5b: {  	_ =	shalt  }
0x5c: {  	_ =	shalt  }
0x5d: {  	_ =	shalt  }
0x5e: {  	_ =	shalt  }
0x5f: {  	_ =	shalt  }
0x60: {  	_ =	shalt  }
0x61: {  	_ =	shalt  }
0x62: {  	_ =	shalt  }
0x63: {  	_ =	shalt  }
0x64: {  	_ =	shalt  }
0x65: {  	_ =	shalt  }
0x66: {  	_ =	shalt  }
0x67: {  	_ =	shalt  }
0x68: {  	_ =	shalt  }
0x69: {  	_ =	shalt  }
0x6a: {  	_ =	shalt  }
0x6b: {  	_ =	shalt  }
0x6c: {  	_ =	shalt  }
0x6d: {  	_ =	shalt  }
0x6e: {  	_ =	shalt  }
0x6f: {  	_ =	shalt  }
0x70: {  	_ =	shalt  }
0x71: {  	_ =	shalt  }
0x72: {  	_ =	shalt  }
0x73: {  	_ =	shalt  }
0x74: {  	_ =	shalt  }
0x75: {  	_ =	shalt  }
0x76: {  	_ =	shalt  }
0x77: {  	_ =	shalt  }
0x78: {  	_ =	shalt  }
0x79: {  	_ =	shalt  }
0x7a: {  	_ =	shalt  }
0x7b: {  	_ =	shalt  }
0x7c: {  	_ =	shalt  }
0x7d: {  	_ =	shalt  }
0x7e: {  	_ =	shalt  }
0x7f: {  	_ =	shalt  }
0x80: {  	_ =	shalt  }
0x81: {  	_ =	shalt  }
0x82: {  	_ =	shalt  }
0x83: {  	_ =	shalt  }
0x84: {  	_ =	shalt  }
0x85: {  	_ =	shalt  }
0x86: {  	_ =	shalt  }
0x87: {  	_ =	shalt  }
.Lfunc_end0:
.L_simem_size_0:
called_computation.2_lowered:
.L_overlay_start_0:
0x88: {  	s2 =	sld [smem:$0x3FD9]  }
0x89: {  	s3 =	sld [smem:$0x3FFE];
	_ =	sdelay $0x1  }
0x8a: {  	s1 =	srdreg.scid  }
0x8b: {  	s0 =	sand.u32 $0x1, s1  }
0x8c: {  	s16 =	sshll.u32 s0, $0xA;
	s2 =	sadd.s32 s3, s2  }
0x8d: {  	s2 =	sadd.s32 s2, s16  }
0x8e: {  	[smem:$0x3FBD] =	sst s2  }
0x8f: {  	_ = 	snop  }
0x90: {  	(tm) =	ssettm $0x1  }
0x91: {  	s17 =	sld [smem:$0x3FFB];
	_ =	sdelay $0x3  }
0x92: {  	_ =	strace s17  }
0x93: {  	s2 =	sld [smem:$0x3FFC];
	_ =	sdelay $0x3  }
0x94: {  	_ =	strace s2  }
0x95: {  	s2 =	sld [smem:$0x3FFD];
	_ =	sdelay $0x3  }
0x96: {  	_ =	strace s2  }
0x97: {  	_ =	strace $0x8FFFFFFF  }
0x98: {  	s18 =	sld [smem:$0x3FDB];
	_ =	sdelay $0x1  }
0x99: {  	s19 =	simm.s32 $_scs_section_size  }
0x9a: {  	s4 =	simm.s32 $_size__tile_overlayer_lowered;
	s5 =	simm.s32 $_tile_overlayer_lowered  }
0x9b: {  	s22 =	simm.s32 $0x1BFF;
	s21 =	sshll.u32 s5, $0x1;
	s2 =	sadd.s32 s19, s18  }
0x9c: {  	s6 =	simm.s32 $0x0;
	s20 =	sshll.u32 s4, $0x1;
	s4 =	sadd.s32 s21, s2  }
0x9d: {  	[timem:s6], [sflag:s22] =	dma.local [hbm:s4], s20  }
0x9e: {  	_ =	swait.ge [sflag:s22], s20  }
0x9f: {  	s3 =	ssub.s32 $0x0, s20;
	[sflag:s22] =	ssyncset.done $0x0  }
0xa0: {  	[sflag:s22] =	ssyncadd.s32 s3;
	_ =	sdelay $0x1  }
0xa1: {  	s23 =	simm.s32 $0x1B8B  }
0xa2: {  	_ =	swait.ge [sflag:s23], $0x1  }
0xa3: {  	[sflag:s23] =	ssyncset.done $0x0  }
0xa4: {  	s25 =	simm.s32 $0x1B8E;
	s24 =	sld [smem:$0x3FFE];
	[sflag:s23] =	ssyncadd.s32 $0xFFFFFFFF  }
0xa5: {  	s26 =	simm.s32 $execute0_lowered;
	[smem:$0x3FD2] =	sst s25  }
0xa6: {  	s4 =	sshll.u32 s26, $0x1;
	_ =	strace $0x8000004C;
	[dreg:$0x1] =	wrdreg $0xFFFFFFFF  }
0xa7: {  	s28 =	simm.s32 $_size_execute0_lowered;
	s2 =	sadd.s32 s2, s4;
	[dreg:$0x0] =	wrdreg $0x0  }
0xa8: {  	s4 =	sshll.u32 s28, $0x1;
	[dreg:$0x2] =	wrdreg s2  }
0xa9: {  	[dreg:$0x3] =	wrdreg s4  }
0xaa: {  	[dreg:$0x4] =	wrdreg $0xC0  }
0xab: {  	_ =	task [dreg:s6], $0x5FFFF  }
0xac: {  	[dreg:$0x1] =	wrdreg $0xFFFFFFFF  }
0xad: {  	[dreg:$0x0] =	wrdreg $0x60  }
0xae: {  	[dreg:$0x2] =	wrdreg s24  }
0xaf: {  	[dreg:$0x3] =	wrdreg $0x9  }
0xb0: {  	_ =	task.clear_ibuf [dreg:s6], $0x4FFFF;
	_ =	strace $0x9000004C  }
0xb1: {  	s29 =	simm.s32 $0x9;
	_ =	strace $0x8000004E  }
0xb2: {  	_ =	swait.ge [sflag:s29], $0x1  }
0xb3: {  	[sflag:s29] =	ssyncadd.s32 $0xFFFFFFFF  }
0xb4: {  	_ =	strace $0x9000004E  }
0xb5: {  	_ =	sfence  }
0xb6: {  	s30 =	sld [smem:$0x0];
	_ =	sdelay $0x2  }
0xb7: {  	s31 =	sshll.u32 s1, $0xD;
	s1 =	sshrl.u32 s1, $0x2  }
0xb8: {  	s3 =	sand.u32 $0x4000, s31;
	s1 =	sadd.s32 s1, s30  }
0xb9: {  	s0 =	sor.u32 s3, s0;
	s1 =	sshll.u32 s1, $0x11  }
0xba: {  	s0 =	sor.u32 s1, s0  }
0xbb: {  	s0 =	sadd.s32 $0x8F2B, s0  }
0xbc: {  	[sflag:s0] =	ssyncadd.remote.s32 $0x1  }
0xbd: {  	_ =	sfence.sel $0xFFFF  }
0xbe: {  	[dreg:$0x0] =	wrdreg $0xFFFFFFFF;
	(pc) =	sbr.abs _section_cstart, $3  }
0xbf: {  	[dreg:$0x1] =	wrdreg $0xFFFFFFFF  }
0xc0: {  	_ =	task.clear_ibuf [dreg:s6], $0x2FFFF;
	_ =	strace $0x9FFFFFFF  }
0xc1: {  	(tm) =	ssettm $0x7FFFFFFF  }
tec
execute0_lowered:
.L_overlay_start_1:
0x0: {  	(tag) =	ssettag $0x1  }
0x1: {  	s1 =	srdreg.scid  }
0x2: {  	s0 =	stileid.u32;
	s6 =	sand.u32 $0x1, s1  }
0x3: {  	s8 =	rddreg [dreg:$0x0];
	s30 =	sshll.u32 s0, $0x8;
	s2 =	sshll.u32 s6, $0x7  }
0x4: {  	s7 =	simm.s32 $0x1;
	s1 =	rddreg [dreg:$0x1];
	s9 =	sor.u32 s2, s30  }
0x5: {  	s5 =	sadd.s32 $0x4000, s8;
	s2 =	simm.s32 $0x0;
	s3 =	sshrl.u32 s9, $0x3  }
0x6: {  	s10 =	ssub.s32 $0x2, s6;
	[smem:$0x7FF] =	sst s2;
	s3 =	sadd.s32 s3, s8  }
0x7: {  	_ =	strace $0x8000004D;
	s4 =	sadd.s32 $0x54000, s3;
	s3 =	simm.s32 $0x2  }
0x8: {  	[tilespmem:s2], [sflag:$0x2] =	stream.linear.gather [hbm4b:s4+s2], $0x80, $0x38;
	[tilespmem:$0x4080] =	vst v63  }
0x9: {  	s6 =	simm.s32 $0x80;
	s11 =	sshrl.u32 s10, $0x1;
	_ =	swait.ge [sflag:s3], $0x80  }
0xa: {  	s9 =	sshll.u32 s9, $0x4;
	s31 =	ssub.s32 s10, s11;
	[sflag:s3] =	ssyncset.done $0x0  }
0xb: {  	s8 =	sadd.s32 s9, s8;
	s9 =	smax.u32 s31, $0x1;
	[sflag:s3] =	ssyncadd.s32 $0xFFFFFF80  }
0xc: {  	[tilespmem:s6], [sflag:$0x1] =	stream.indirect.gather [hbm4b:s5+s6], $0x80, s2, s6, $0xb8;
	[tilespmem:$0x4080] =	vst v63  }
0xd: {  	p0 =	sne.s32 s9, $0x1;
	_ =	swait.ge [sflag:s7], $0x4000  }
.Ltmp0:
0xe: {  	[sflag:s7] =	ssyncset.done $0x0;
	(pc) =	sbr.rel @!p0 .LBB2_2-.Ltmp0, $4  }
0xf: {  	s8 =	sadd.s32 $0x8000, s8;
	[sflag:s7] =	ssyncadd.s32 $0xFFFFC000  }
0x10: {  	[hbm4b:s8+s2] =	stream.linear.scatter [tilespmem:s6], [sflag:$0x2], $0x4000, $0x38;
	[tilespmem:$0x4080] =	vst v63  }
0x11: {  	_ =	swait.ge [sflag:s3], $0x4000  }
0x12: {  	s9 =	sadd.s32 $0xFFFFFFFF, s9;
	[sflag:s3] =	ssyncset.done $0x0  }
.LBB2_1:
0x13: {  	p0 =	sne.s32 s9, $0x1;
	s9 =	sadd.s32 $0xFFFFFFFF, s9;
	[sflag:s3] =	ssyncadd.s32 $0xFFFFC000  }
0x14: {  	[tilespmem:s2], [sflag:$0x2] =	stream.linear.gather [hbm4b:s4+s2], $0x80, $0x38;
	[tilespmem:$0x4080] =	vst v63  }
0x15: {  	_ =	swait.ge [sflag:s3], $0x80  }
0x16: {  	[sflag:s3] =	ssyncset.done $0x0  }
0x17: {  	[sflag:s3] =	ssyncadd.s32 $0xFFFFFF80  }
0x18: {  	[tilespmem:s6], [sflag:$0x1] =	stream.indirect.gather [hbm4b:s5+s6], $0x80, s2, s6, $0xb8;
	[tilespmem:$0x4080] =	vst v63  }
0x19: {  	_ =	swait.ge [sflag:s7], $0x4000  }
.Ltmp1:
0x1a: {  	[sflag:s7] =	ssyncset.done $0x0;
	(pc) =	sbr.rel @p0 .LBB2_1-.Ltmp1, $4  }
0x1b: {  	[sflag:s7] =	ssyncadd.s32 $0xFFFFC000  }
0x1c: {  	[hbm4b:s8+s2] =	stream.linear.scatter [tilespmem:s6], [sflag:$0x2], $0x4000, $0x38;
	[tilespmem:$0x4080] =	vst v63  }
0x1d: {  	_ =	swait.ge [sflag:s3], $0x4000  }
0x1e: {  	[sflag:s3] =	ssyncset.done $0x0  }
.LBB2_2:
0x1f: {  	[sflag:s3] =	ssyncadd.s32 $0xFFFFC000  }
0x20: {  	_ =	sfence.sel $0x180000  }
0x21: {  	[bflag:$0x0] =	sbarrier.arrive $0xFFFF  }
0x22: {  	p0 =	sne.s32 s0, $0x0;
	_ =	strace $0x9000004D  }
0x23: {  	s0 =	sadd.s32 @!p0 $0x100000, s1;
	[bflag:$0x2] =	sbarrier.arrive $0xFFFF  }
0x24: {  	[sflag:s0] =	ssyncadd.tile.s32 @!p0 $0x1;
	_ =	shalt  }
.Lfunc_end2:
_tile_overlayer_lowered:
.L_overlay_start_2:
0x25: {  	(tag) =	ssettag $0x2  }
0x26: {  	s0 =	rddreg [dreg:$0x0];
	s2 =	stileid.u32  }
0x27: {  	s1 =	rddreg [dreg:$0x1];
	p0 =	sne.s32 s2, $0x0  }
0x28: {  	s3 =	rddreg [dreg:$0x2];
	[bflag:$0x3] =	sbarrier.arrive $0xFFFF;
	s2 =	simm.s32 @!p0 $0x1C02  }
0x29: {  	[timem:s3], [sflag:s2] =	dma.local @!p0 [hbm:s0], s1  }
0x2a: {  	s0 =	simm.s32 @!p0 $0x2  }
0x2b: {  	_ =	swait.ge @!p0 [sflag:s0], s1  }
0x2c: {  	s1 =	ssub.s32 @!p0 $0x0, s1;
	[sflag:s0] =	ssyncset.done @!p0 $0x0  }
0x2d: {  	[sflag:s0] =	ssyncadd.s32 @!p0 s1  }
0x2e: {  	[bflag:$0x3] =	sbarrier.arrive $0xFFFF  }
0x2f: {  	_ =	shalt  }

</sc_bundles>
